<compile_context>
chip_gen: v7x
topology: tpu7x:2x2x1
jax: 0.10.2.dev20260603
libtpu: 0.0.44.dev20260713+nightly
codegen_flags: <defaults>
</compile_context>

<pallas_src>
import functools

import jax
import jax.numpy as jnp
import numpy as np
from jax import lax
from jax.experimental import pallas as pl
from jax.experimental.pallas import tpu as pltpu
from jax.experimental.pallas import tpu_sc as plsc

N_NODES = 100000
MAX_DEG = 32
BATCH = 512
NEG = 20
D = 128

NC, NS, L = 2, 16, 16
NW = NC * NS
R = 1056
P = 10752
PT = P // NW
CP = 8
NCH = PT // CP
ROWS = CP * 25

_mesh = plsc.VectorSubcoreMesh(core_axis_name="c", subcore_axis_name="s")



@functools.partial(
    pl.kernel,
    mesh=_mesh,
    out_type=(
        jax.ShapeDtypeStruct((P,), jnp.int32),
        jax.ShapeDtypeStruct((R, D), jnp.float32),
    ),
    scratch_types=[
        pltpu.VMEM((PT,), jnp.int32),
        pltpu.VMEM((PT,), jnp.int32),
        pltpu.VMEM((32,), jnp.int32),
        pltpu.VMEM((32, D), jnp.float32),
        pltpu.SemaphoreType.DMA,
        pltpu.SemaphoreType.DMA,
    ],
)
def _hop1_kernel(fidx1_hbm, roots_hbm, adjf_hbm, feat_hbm,
                 s1_hbm, h0_hbm, fx, s1buf, rv, fb, sem_a, sem_f):
    wid = lax.axis_index("s") * NC + lax.axis_index("c")
    base = wid * PT
    splits = ((0, 112), (112, 112), (224, 112))

    pltpu.sync_copy(fidx1_hbm.at[pl.ds(base, PT)], fx)
    for a0, an in splits:
        pltpu.async_copy(adjf_hbm.at[fx.at[pl.ds(a0, an)]],
                         s1buf.at[pl.ds(a0, an)], sem_a)

    def do_h0(rbase):
        pltpu.sync_copy(roots_hbm.at[pl.ds(rbase, 32)], rv)
        pltpu.async_copy(feat_hbm.at[rv], fb, sem_f).wait()
        pltpu.sync_copy(fb, h0_hbm.at[pl.ds(rbase, 32)])

    do_h0(wid * 32)

    @pl.when(wid == 0)
    def _():
        do_h0(1024)

    for a0, an in splits:
        pltpu.make_async_copy(adjf_hbm.at[fx.at[pl.ds(a0, an)]],
                              s1buf.at[pl.ds(a0, an)], sem_a).wait()
    pltpu.sync_copy(s1buf, s1_hbm.at[pl.ds(base, PT)])



@functools.partial(
    pl.kernel,
    mesh=_mesh,
    out_type=(
        jax.ShapeDtypeStruct((P, D), jnp.float32),
        jax.ShapeDtypeStruct((P, D), jnp.float32),
    ),
    scratch_types=[
        pltpu.VMEM((PT,), jnp.int32),
        pltpu.VMEM((PT * 25,), jnp.int32),
        pltpu.VMEM((PT * 25,), jnp.int32),
        pltpu.VMEM((ROWS, D), jnp.float32),
        pltpu.VMEM((ROWS, D), jnp.float32),
        pltpu.VMEM((CP, D), jnp.float32),
        pltpu.VMEM((CP, D), jnp.float32),
        pltpu.VMEM((CP, D), jnp.float32),
        pltpu.SemaphoreType.DMA,
        pltpu.SemaphoreType.DMA,
        pltpu.SemaphoreType.DMA,
        pltpu.SemaphoreType.DMA,
        pltpu.SemaphoreType.DMA,
    ],
)
def _hop2_kernel(s1_hbm, fidx2_hbm, adjf_hbm, feat_hbm,
                 m2_hbm, h1_hbm, s1v, fidx, s2i, fb0, fb1, hb0, hb1,
                 m2b, sem_a, semf0, semf1, semh0, semh1):
    wid = lax.axis_index("s") * NC + lax.axis_index("c")
    base = wid * PT

    pltpu.sync_copy(s1_hbm.at[pl.ds(base, PT)], s1v)
    pltpu.sync_copy(fidx2_hbm.at[pl.ds(wid * PT * 25, PT * 25)], fidx)

    NSTR = PT * 25 // 112

    def fire(c, carry):
        pltpu.async_copy(adjf_hbm.at[fidx.at[pl.ds(c * 112, 112)]],
                         s2i.at[pl.ds(c * 112, 112)], sem_a)
        return carry

    def drain(c, carry):
        pltpu.make_async_copy(adjf_hbm.at[fidx.at[pl.ds(0, 112)]],
                              s2i.at[pl.ds(0, 112)], sem_a).wait()
        return carry

    lax.fori_loop(0, NSTR, fire, 0)
    lax.fori_loop(0, NSTR, drain, 0)

    def start(c, fb, semf, hb, semh):
        pltpu.async_copy(feat_hbm.at[s2i.at[pl.ds(c * ROWS, 96)]],
                         fb.at[pl.ds(0, 96)], semf)
        pltpu.async_copy(feat_hbm.at[s2i.at[pl.ds(c * ROWS + 96, 104)]],
                         fb.at[pl.ds(96, 104)], semf)
        pltpu.async_copy(feat_hbm.at[s1v.at[pl.ds(c * CP, CP)]], hb, semh)

    def wait_for(fb, semf, hb, semh):
        pltpu.make_async_copy(feat_hbm.at[s2i.at[pl.ds(0, 96)]],
                              fb.at[pl.ds(0, 96)], semf).wait()
        pltpu.make_async_copy(feat_hbm.at[s2i.at[pl.ds(0, 104)]],
                              fb.at[pl.ds(96, 104)], semf).wait()
        pltpu.make_async_copy(feat_hbm.at[s1v.at[pl.ds(0, CP)]], hb, semh).wait()

    def process(c, fb, semf, hb, semh, nfb, nsemf, nhb, nsemh):
        wait_for(fb, semf, hb, semh)

        @pl.when(c + 1 < NCH)
        def _():
            start(c + 1, nfb, nsemf, nhb, nsemh)

        pltpu.sync_copy(hb, h1_hbm.at[pl.ds(base + c * CP, CP)])

        def red(pp, carry):
            for j in range(D // L):
                acc = fb[pp * 25, pl.ds(j * L, L)]
                for r in range(1, 25):
                    acc = acc + fb[pp * 25 + r, pl.ds(j * L, L)]
                m2b[pp, pl.ds(j * L, L)] = acc * (1.0 / 25.0)
            return carry

        lax.fori_loop(0, CP, red, 0)
        pltpu.sync_copy(m2b, m2_hbm.at[pl.ds(base + c * CP, CP)])

    start(0, fb0, semf0, hb0, semh0)

    def chunk_body(c, carry):
        @pl.when(c % 2 == 0)
        def _():
            process(c, fb0, semf0, hb0, semh0, fb1, semf1, hb1, semh1)

        @pl.when(c % 2 == 1)
        def _():
            process(c, fb1, semf1, hb1, semh1, fb0, semf0, hb0, semh0)

        return carry

    lax.fori_loop(0, NCH, chunk_body, 0)



def _c1_body(h0_ref, h1r_ref, h1_ref, m2_ref, ws0_ref, wn0_ref, a0_ref, a1_ref):
    ws0 = ws0_ref[...]
    wn0 = wn0_ref[...]
    m1 = h1r_ref[:, 0:D]
    for j in range(1, 10):
        m1 = m1 + h1r_ref[:, j * D:(j + 1) * D]
    m1 = m1 * 0.1
    dot = lambda a, b: jnp.dot(a, b, preferred_element_type=jnp.float32)
    a0_ref[:, 0:D] = jnp.maximum(dot(h0_ref[...], ws0), 0.0)
    a0_ref[:, D:2 * D] = jnp.maximum(dot(m1, wn0), 0.0)
    a1_ref[:, 0:D] = jnp.maximum(dot(h1_ref[...], ws0), 0.0)
    a1_ref[:, D:2 * D] = jnp.maximum(dot(m2_ref[...], wn0), 0.0)


def _c2_body(a0_ref, a1r_ref, ws1_ref, wn1_ref, loss_ref, aff_ref):
    ma1 = a1r_ref[:, 0:2 * D]
    for j in range(1, 10):
        ma1 = ma1 + a1r_ref[:, j * 2 * D:(j + 1) * 2 * D]
    ma1 = ma1 * 0.1
    dot = lambda a, b: jnp.dot(a, b, preferred_element_type=jnp.float32)
    u = dot(a0_ref[...], ws1_ref[...])
    v = dot(ma1, wn1_ref[...])
    nrm = jnp.sqrt(jnp.sum(u * u, axis=1, keepdims=True)
                   + jnp.sum(v * v, axis=1, keepdims=True))
    inv = 1.0 / jnp.maximum(nrm, 1e-12)
    ou = u * inv
    ov = v * inv
    o1u, o2u, onu = ou[0:512], ou[512:1024], ou[1024:1056]
    o1v, o2v, onv = ov[0:512], ov[512:1024], ov[1024:1056]
    aff = jnp.sum(o1u * o2u + o1v * o2v, axis=1, keepdims=True)
    neg = (lax.dot_general(o1u, onu, (((1,), (1,)), ((), ())),
                           preferred_element_type=jnp.float32)
           + lax.dot_general(o1v, onv, (((1,), (1,)), ((), ())),
                             preferred_element_type=jnp.float32))
    sp = lambda x: jnp.maximum(x, 0.0) + jnp.log1p(jnp.exp(-jnp.abs(x)))
    colid = lax.broadcasted_iota(jnp.int32, (512, 32), 1)
    neg_x = jnp.where(colid < NEG, sp(neg), 0.0)
    total = jnp.sum(sp(-aff)) + jnp.sum(neg_x)
    loss_ref[...] = (total * (1.0 / BATCH)).reshape(1, 1)
    aff_ref[...] = aff



def kernel(inputs1, inputs2, features, adj, W_self_0, W_neigh_0,
           W_self_1, W_neigh_1):
    skey = jax.random.key(1)
    k_neg, k1, k2, k3 = jax.random.split(skey, 4)
    neg_samples = jax.random.randint(k_neg, (NEG,), 0, N_NODES, dtype=jnp.int32)

    def colpair(key, n0):
        key, sub = jax.random.split(key)
        c1 = jax.random.randint(sub, (n0, 10), 0, MAX_DEG)
        key, sub = jax.random.split(key)
        c2 = jax.random.randint(sub, (n0 * 10, 25), 0, MAX_DEG)
        return c1.astype(jnp.int32), c2.astype(jnp.int32)

    c1_1, c2_1 = colpair(k1, BATCH)
    c1_2, c2_2 = colpair(k2, BATCH)
    c1_n, c2_n = colpair(k3, NEG)

    roots = jnp.concatenate([inputs1, inputs2, neg_samples,
                             jnp.zeros((12,), jnp.int32)])
    cols1 = jnp.concatenate([c1_1, c1_2, c1_n,
                             jnp.zeros((12, 10), jnp.int32)]).reshape(-1)
    cols2 = jnp.zeros((P, 25), jnp.int32)
    cols2 = cols2.at[0:5120].set(c2_1)
    cols2 = cols2.at[5120:10240].set(c2_2)
    cols2 = cols2.at[10240:10440].set(c2_n)
    cols2 = cols2.reshape(-1)

    adjf = adj.reshape(-1)
    fidx1 = jnp.concatenate([
        jnp.repeat(roots, 10) * MAX_DEG + cols1,
        jnp.zeros((P - 10 * R,), jnp.int32),
    ])

    s1, h0 = _hop1_kernel(fidx1, roots, adjf, features)

    fidx2 = jnp.repeat(s1, 25) * MAX_DEG + cols2

    m2, h1 = _hop2_kernel(s1, fidx2, adjf, features)

    h1r = h1[:10560].reshape(R, 10 * D)
    a0, a1 = pl.pallas_call(
        _c1_body,
        out_shape=(jax.ShapeDtypeStruct((R, 2 * D), jnp.float32),
                   jax.ShapeDtypeStruct((P, 2 * D), jnp.float32)),
    )(h0, h1r, h1, m2, W_self_0, W_neigh_0)

    a1r = a1[:10560].reshape(R, 10 * 2 * D)
    loss2d, affc = pl.pallas_call(
        _c2_body,
        out_shape=(jax.ShapeDtypeStruct((1, 1), jnp.float32),
                   jax.ShapeDtypeStruct((512, 1), jnp.float32)),
    )(a0, a1r, W_self_1, W_neigh_1)

    return loss2d[0, 0], affc[:, 0]

# --- scband reference (transcript-rebuilt; emitter-appended) ---
"""Pipeline reference for scband-sample-and-aggregate-84963043049898 (READ-ONLY COPY).

The authoritative reference and input builder live on the scoring server;
editing this copy changes nothing except your own understanding.
"""

import jax, jax.numpy as jnp
import numpy as np

N_NODES = 100000
D_FEAT = 128
MAX_DEG = 32
BATCH = 512
NEG = 20
LAYER_INFOS = [{"num_samples": 25, "output_dim": 128}, {"num_samples": 10, "output_dim": 128}]
DIMS = [D_FEAT, 128, 128]


def setup_inputs(seed: int = 0) -> dict:
    key = jax.random.key(seed)
    ks = jax.random.split(key, 8)
    inputs1 = jax.random.randint(ks[0], (BATCH,), 0, N_NODES, dtype=jnp.int32)
    inputs2 = jax.random.randint(ks[1], (BATCH,), 0, N_NODES, dtype=jnp.int32)
    adj = jax.random.randint(ks[2], (N_NODES, MAX_DEG), 0, N_NODES, dtype=jnp.int32)
    features = jax.random.normal(ks[3], (N_NODES, D_FEAT), dtype=jnp.float32)
    W_self_0 = jax.random.normal(ks[4], (DIMS[0], DIMS[1]), dtype=jnp.float32) / np.sqrt(DIMS[0])
    W_neigh_0 = jax.random.normal(ks[5], (DIMS[0], DIMS[1]), dtype=jnp.float32) / np.sqrt(DIMS[0])
    W_self_1 = jax.random.normal(ks[6], (2 * DIMS[1], DIMS[2]), dtype=jnp.float32) / np.sqrt(2 * DIMS[1])
    W_neigh_1 = jax.random.normal(ks[7], (2 * DIMS[1], DIMS[2]), dtype=jnp.float32) / np.sqrt(2 * DIMS[1])
    return {"inputs1": inputs1, "inputs2": inputs2, "features": features, "adj": adj,
            "W_self_0": W_self_0, "W_neigh_0": W_neigh_0, "W_self_1": W_self_1, "W_neigh_1": W_neigh_1}


def _sample(nodes, adj, key):
    # GraphSAGE uniform neighbor sampling from a fixed-degree adjacency table
    samples = [nodes]
    n_layers = len(LAYER_INFOS)
    for k in range(n_layers):
        t = n_layers - k - 1
        ns = LAYER_INFOS[t]["num_samples"]
        key, sub = jax.random.split(key)
        cur = samples[k]
        neigh = jnp.take(adj, cur, axis=0)  # gather [n, MAX_DEG]
        cols = jax.random.randint(sub, (cur.shape[0], ns), 0, MAX_DEG)
        samples.append(jnp.take_along_axis(neigh, cols, axis=1).reshape(-1))
    return samples


def _aggregate(samples, features, weights):
    n_layers = len(LAYER_INFOS)
    hidden = [jnp.take(features, s, axis=0) for s in samples]  # big gathers
    for layer in range(n_layers):
        W_self, W_neigh = weights[layer]
        act = (lambda x: x) if layer == n_layers - 1 else jax.nn.relu
        dim_mult = 2 if layer != 0 else 1
        d_in = dim_mult * DIMS[layer]
        next_hidden = []
        for hop in range(n_layers - layer):
            ns = LAYER_INFOS[n_layers - hop - 1]["num_samples"]
            h_self = hidden[hop].reshape(-1, d_in)
            h_neigh = hidden[hop + 1].reshape(h_self.shape[0], ns, d_in)
            neigh_mean = jnp.mean(h_neigh, axis=1)
            h = jnp.concatenate([h_self @ W_self, neigh_mean @ W_neigh], axis=1)
            next_hidden.append(act(h))
        hidden = next_hidden
    return hidden[0]


def _l2norm(x):
    return x / jnp.maximum(jnp.linalg.norm(x, axis=1, keepdims=True), 1e-12)


def reference(inputs1, inputs2, features, adj, W_self_0, W_neigh_0, W_self_1, W_neigh_1):
    skey = jax.random.key(1)
    k_neg, k1, k2, k3 = jax.random.split(skey, 4)
    neg_samples = jax.random.randint(k_neg, (NEG,), 0, N_NODES, dtype=jnp.int32)
    weights = [(W_self_0, W_neigh_0), (W_self_1, W_neigh_1)]
    s1 = _sample(inputs1, adj, k1)
    s2 = _sample(inputs2, adj, k2)
    sn = _sample(neg_samples, adj, k3)
    o1 = _l2norm(_aggregate(s1, features, weights))
    o2 = _l2norm(_aggregate(s2, features, weights))
    on = _l2norm(_aggregate(sn, features, weights))
    aff = jnp.sum(o1 * o2, axis=1)            # positive link scores [B]
    neg_aff = o1 @ on.T                        # negative link scores [B, NEG]
    true_xent = jax.nn.softplus(-aff)          # -log sigmoid(aff)
    neg_xent = jax.nn.softplus(neg_aff)        # -log(1 - sigmoid(neg_aff))
    loss = (jnp.sum(true_xent) + jnp.sum(neg_xent)) / BATCH
    return loss, aff

if __name__ == "__main__":
    import jax
    _d = setup_inputs()
    print(jax.jit(kernel)(*tuple(_d.values())))

</pallas_src>

<mosaic_0001>
#map = affine_map<(d0, d1) -> (0)>
#map1 = affine_map<(d0, d1) -> (0, 0)>
module attributes {stable_mosaic.version = 14 : i64} {
  func.func @_hop2_kernel(%arg0: i32, %arg1: i32, %arg2: memref<10752xi32, #tpu.memory_space<hbm>>, %arg3: memref<268800xi32, #tpu.memory_space<hbm>>, %arg4: memref<3200000xi32, #tpu.memory_space<hbm>>, %arg5: memref<100000x128xf32, #tpu.memory_space<hbm>>, %arg6: memref<10752x128xf32, #tpu.memory_space<hbm>>, %arg7: memref<10752x128xf32, #tpu.memory_space<hbm>>, %arg8: memref<336xi32, #tpu.memory_space<vmem>>, %arg9: memref<8400xi32, #tpu.memory_space<vmem>>, %arg10: memref<8400xi32, #tpu.memory_space<vmem>>, %arg11: memref<200x128xf32, #tpu.memory_space<vmem>>, %arg12: memref<200x128xf32, #tpu.memory_space<vmem>>, %arg13: memref<8x128xf32, #tpu.memory_space<vmem>>, %arg14: memref<8x128xf32, #tpu.memory_space<vmem>>, %arg15: memref<8x128xf32, #tpu.memory_space<vmem>>, %arg16: memref<!tpu.dma_semaphore, #tpu.memory_space<semaphore_mem>>, %arg17: memref<!tpu.dma_semaphore, #tpu.memory_space<semaphore_mem>>, %arg18: memref<!tpu.dma_semaphore, #tpu.memory_space<semaphore_mem>>, %arg19: memref<!tpu.dma_semaphore, #tpu.memory_space<semaphore_mem>>, %arg20: memref<!tpu.dma_semaphore, #tpu.memory_space<semaphore_mem>>) attributes {dimension_semantics = [#tpu.dimension_semantics<core_parallel>, #tpu.dimension_semantics<subcore_parallel>], iteration_bounds = array<i64: 2, 16>, scalar_prefetch = 0 : i64, scratch_operands = 13 : i64, tpu.core_type = #tpu.core_type<sc_vector_subcore>, window_params = [{transform_indices = #map}, {transform_indices = #map}, {transform_indices = #map}, {transform_indices = #map1}, {transform_indices = #map1}, {transform_indices = #map1}]} {
    %mul3A = arith.constant 2 : i32
    %mul3A_0 = arith.muli %arg1, %mul3A : i32
    %add3A = arith.addi %mul3A_0, %arg0 : i32
    %mul3A_1 = arith.constant 336 : i32
    %mul3A_2 = arith.muli %add3A, %mul3A_1 : i32
    "tpu.region"() ({
      %run_scoped3A = tpu.sem_alloc : memref<!tpu.dma_semaphore, #tpu.memory_space<semaphore_mem>>
      %dma_start3A_44 = tpu.memref_slice %arg2[%mul3A_2] : memref<10752xi32, #tpu.memory_space<hbm>> -> memref<336xi32, #tpu.memory_space<hbm>>
      %dma_start3A_45 = tpu.memref_slice %arg2[%mul3A_2] : memref<10752xi32, #tpu.memory_space<hbm>> -> memref<336xi32, #tpu.memory_space<hbm>>
      tpu.enqueue_dma source(%dma_start3A_45 : memref<336xi32, #tpu.memory_space<hbm>>) target(%arg8 : memref<336xi32, #tpu.memory_space<vmem>>) target_semaphore(%run_scoped3A : memref<!tpu.dma_semaphore, #tpu.memory_space<semaphore_mem>>)
      %dma_wait3A = tpu.memref_slice %arg2[%mul3A_2] : memref<10752xi32, #tpu.memory_space<hbm>> -> memref<336xi32, #tpu.memory_space<hbm>>
      %dma_wait3A_46 = tpu.memref_slice %arg2[%mul3A_2] : memref<10752xi32, #tpu.memory_space<hbm>> -> memref<336xi32, #tpu.memory_space<hbm>>
      tpu.wait_dma2 semaphore(%run_scoped3A : memref<!tpu.dma_semaphore, #tpu.memory_space<semaphore_mem>>) src(%dma_wait3A_46 : memref<336xi32, #tpu.memory_space<hbm>>) dst(%arg8 : memref<336xi32, #tpu.memory_space<vmem>>)
      tpu.yield
    }) : () -> ()
    %mul3A_3 = arith.constant 336 : i32
    %mul3A_4 = arith.muli %add3A, %mul3A_3 : i32
    %mul3A_5 = arith.constant 25 : i32
    %mul3A_6 = arith.muli %mul3A_4, %mul3A_5 : i32
    "tpu.region"() ({
      %run_scoped3A = tpu.sem_alloc : memref<!tpu.dma_semaphore, #tpu.memory_space<semaphore_mem>>
      %dma_start3A_44 = tpu.memref_slice %arg3[%mul3A_6] : memref<268800xi32, #tpu.memory_space<hbm>> -> memref<8400xi32, #tpu.memory_space<hbm>>
      %dma_start3A_45 = tpu.memref_slice %arg3[%mul3A_6] : memref<268800xi32, #tpu.memory_space<hbm>> -> memref<8400xi32, #tpu.memory_space<hbm>>
      tpu.enqueue_dma source(%dma_start3A_45 : memref<8400xi32, #tpu.memory_space<hbm>>) target(%arg9 : memref<8400xi32, #tpu.memory_space<vmem>>) target_semaphore(%run_scoped3A : memref<!tpu.dma_semaphore, #tpu.memory_space<semaphore_mem>>)
      %dma_wait3A = tpu.memref_slice %arg3[%mul3A_6] : memref<268800xi32, #tpu.memory_space<hbm>> -> memref<8400xi32, #tpu.memory_space<hbm>>
      %dma_wait3A_46 = tpu.memref_slice %arg3[%mul3A_6] : memref<268800xi32, #tpu.memory_space<hbm>> -> memref<8400xi32, #tpu.memory_space<hbm>>
      tpu.wait_dma2 semaphore(%run_scoped3A : memref<!tpu.dma_semaphore, #tpu.memory_space<semaphore_mem>>) src(%dma_wait3A_46 : memref<8400xi32, #tpu.memory_space<hbm>>) dst(%arg9 : memref<8400xi32, #tpu.memory_space<vmem>>)
      tpu.yield
    }) : () -> ()
    %scan3A = arith.constant 0 : i32
    %scan3A_7 = arith.constant 0 : i32
    %scan3A_8 = arith.constant 75 : i32
    %scan3A_9 = arith.addi %scan3A_7, %scan3A_8 : i32
    %scan3A_10 = arith.constant 1 : i32
    scf.for %scan3A_44 = %scan3A_7 to %scan3A_9 step %scan3A_10  : i32 {
      %mul3A_45 = arith.constant 112 : i32
      %mul3A_46 = arith.muli %scan3A_44, %mul3A_45 : i32
      %mul3A_47 = arith.constant 112 : i32
      %mul3A_48 = arith.muli %scan3A_44, %mul3A_47 : i32
      %dma_start3A_49 = tpu.memref_slice %arg10[%mul3A_48] : memref<8400xi32, #tpu.memory_space<vmem>> -> memref<112xi32, #tpu.memory_space<vmem>>
      %dma_start3A_50 = tpu.memref_slice %arg9[%mul3A_46] : memref<8400xi32, #tpu.memory_space<vmem>> -> memref<112xi32, #tpu.memory_space<vmem>>
      %dma_start3A_51 = arith.constant 0 : i32
      %dma_start3A_52 = tpu.memref_slice %arg4[%dma_start3A_51] : memref<3200000xi32, #tpu.memory_space<hbm>> -> memref<3200000xi32, #tpu.memory_space<hbm>>
      tpu.enqueue_indirect_dma source(%dma_start3A_52 : memref<3200000xi32, #tpu.memory_space<hbm>>) target(%dma_start3A_49 : memref<112xi32, #tpu.memory_space<vmem>>) offsets(%dma_start3A_50 : memref<112xi32, #tpu.memory_space<vmem>>) semaphore(%arg16 : memref<!tpu.dma_semaphore, #tpu.memory_space<semaphore_mem>>)
    }
    %scan3A_11 = arith.constant 75 : i32
    %scan3A_12 = arith.constant 0 : i32
    %scan3A_13 = arith.constant 0 : i32
    %scan3A_14 = arith.constant 75 : i32
    %scan3A_15 = arith.addi %scan3A_13, %scan3A_14 : i32
    %scan3A_16 = arith.constant 1 : i32
    scf.for %scan3A_44 = %scan3A_13 to %scan3A_15 step %scan3A_16  : i32 {
      %dma_wait3A = arith.constant 0 : i32
      %dma_wait3A_45 = tpu.memref_slice %arg10[%dma_wait3A] : memref<8400xi32, #tpu.memory_space<vmem>> -> memref<112xi32, #tpu.memory_space<vmem>>
      %dma_wait3A_46 = arith.constant 0 : i32
      %dma_wait3A_47 = tpu.memref_slice %arg9[%dma_wait3A_46] : memref<8400xi32, #tpu.memory_space<vmem>> -> memref<112xi32, #tpu.memory_space<vmem>>
      %dma_wait3A_48 = arith.constant 0 : i32
      %dma_wait3A_49 = tpu.memref_slice %arg4[%dma_wait3A_48] : memref<3200000xi32, #tpu.memory_space<hbm>> -> memref<3200000xi32, #tpu.memory_space<hbm>>
      tpu.wait_indirect_dma semaphore(%arg16 : memref<!tpu.dma_semaphore, #tpu.memory_space<semaphore_mem>>) src(%dma_wait3A_49 : memref<3200000xi32, #tpu.memory_space<hbm>>) dst(%dma_wait3A_45 : memref<112xi32, #tpu.memory_space<vmem>>)
    }
    %scan3A_17 = arith.constant 75 : i32
    %dma_start3A = arith.constant 0 : i32
    %dma_start3A_18 = arith.constant 0 : i32
    %dma_start3A_19 = tpu.memref_slice %arg11[%dma_start3A, %dma_start3A_18] : memref<200x128xf32, #tpu.memory_space<vmem>> -> memref<96x128xf32, #tpu.memory_space<vmem>>
    %dma_start3A_20 = arith.constant 0 : i32
    %dma_start3A_21 = tpu.memref_slice %arg10[%dma_start3A_20] : memref<8400xi32, #tpu.memory_space<vmem>> -> memref<96xi32, #tpu.memory_space<vmem>>
    %dma_start3A_22 = arith.constant 0 : i32
    %dma_start3A_23 = arith.constant 0 : i32
    %dma_start3A_24 = tpu.memref_slice %arg5[%dma_start3A_22, %dma_start3A_23] : memref<100000x128xf32, #tpu.memory_space<hbm>> -> memref<100000x128xf32, #tpu.memory_space<hbm>>
    tpu.enqueue_indirect_dma source(%dma_start3A_24 : memref<100000x128xf32, #tpu.memory_space<hbm>>) target(%dma_start3A_19 : memref<96x128xf32, #tpu.memory_space<vmem>>) offsets(%dma_start3A_21 : memref<96xi32, #tpu.memory_space<vmem>>) semaphore(%arg17 : memref<!tpu.dma_semaphore, #tpu.memory_space<semaphore_mem>>)
    %dma_start3A_25 = arith.constant 96 : i32
    %dma_start3A_26 = arith.constant 0 : i32
    %dma_start3A_27 = tpu.memref_slice %arg11[%dma_start3A_25, %dma_start3A_26] : memref<200x128xf32, #tpu.memory_space<vmem>> -> memref<104x128xf32, #tpu.memory_space<vmem>>
    %dma_start3A_28 = arith.constant 96 : i32
    %dma_start3A_29 = tpu.memref_slice %arg10[%dma_start3A_28] : memref<8400xi32, #tpu.memory_space<vmem>> -> memref<104xi32, #tpu.memory_space<vmem>>
    %dma_start3A_30 = arith.constant 0 : i32
    %dma_start3A_31 = arith.constant 0 : i32
    %dma_start3A_32 = tpu.memref_slice %arg5[%dma_start3A_30, %dma_start3A_31] : memref<100000x128xf32, #tpu.memory_space<hbm>> -> memref<100000x128xf32, #tpu.memory_space<hbm>>
    tpu.enqueue_indirect_dma source(%dma_start3A_32 : memref<100000x128xf32, #tpu.memory_space<hbm>>) target(%dma_start3A_27 : memref<104x128xf32, #tpu.memory_space<vmem>>) offsets(%dma_start3A_29 : memref<104xi32, #tpu.memory_space<vmem>>) semaphore(%arg17 : memref<!tpu.dma_semaphore, #tpu.memory_space<semaphore_mem>>)
    %dma_start3A_33 = arith.constant 0 : i32
    %dma_start3A_34 = tpu.memref_slice %arg8[%dma_start3A_33] : memref<336xi32, #tpu.memory_space<vmem>> -> memref<8xi32, #tpu.memory_space<vmem>>
    %dma_start3A_35 = arith.constant 0 : i32
    %dma_start3A_36 = arith.constant 0 : i32
    %dma_start3A_37 = tpu.memref_slice %arg5[%dma_start3A_35, %dma_start3A_36] : memref<100000x128xf32, #tpu.memory_space<hbm>> -> memref<100000x128xf32, #tpu.memory_space<hbm>>
    tpu.enqueue_indirect_dma source(%dma_start3A_37 : memref<100000x128xf32, #tpu.memory_space<hbm>>) target(%arg13 : memref<8x128xf32, #tpu.memory_space<vmem>>) offsets(%dma_start3A_34 : memref<8xi32, #tpu.memory_space<vmem>>) semaphore(%arg19 : memref<!tpu.dma_semaphore, #tpu.memory_space<semaphore_mem>>)
    %scan3A_38 = arith.constant 0 : i32
    %scan3A_39 = arith.constant 0 : i32
    %scan3A_40 = arith.constant 42 : i32
    %scan3A_41 = arith.addi %scan3A_39, %scan3A_40 : i32
    %scan3A_42 = arith.constant 1 : i32
    scf.for %scan3A_44 = %scan3A_39 to %scan3A_41 step %scan3A_42  : i32 {
      %jit3A = arith.constant 2 : i32
      %eq3A = arith.constant 0 : i32
      %eq3A_45 = arith.cmpi eq, %jit3A, %eq3A : i32
      %jit3A_46 = arith.constant 1 : i32
      %select_n3A = arith.select %eq3A_45, %jit3A_46, %jit3A : i32
      %rem3A = arith.remsi %scan3A_44, %select_n3A : i32
      %ne3A = arith.constant 0 : i32
      %ne3A_47 = arith.cmpi ne, %rem3A, %ne3A : i32
      %lt3A = arith.constant 0 : i32
      %lt3A_48 = arith.cmpi slt, %rem3A, %lt3A : i32
      %lt3A_49 = arith.constant 0 : i32
      %lt3A_50 = arith.cmpi slt, %select_n3A, %lt3A_49 : i32
      %ne3A_51 = arith.xori %lt3A_48, %lt3A_50 : i1
      %and3A = arith.andi %ne3A_51, %ne3A_47 : i1
      %add3A_52 = arith.addi %rem3A, %select_n3A : i32
      %select_n3A_53 = arith.select %and3A, %add3A_52, %rem3A : i32
      %eq3A_54 = arith.constant 0 : i32
      %eq3A_55 = arith.cmpi eq, %select_n3A_53, %eq3A_54 : i32
      %convert_element_type3A = arith.extui %eq3A_55 : i1 to i32
      %cond3A = arith.constant 0 : i32
      %cond3A_56 = arith.cmpi ne, %convert_element_type3A, %cond3A : i32
      scf.if %cond3A_56 {
        %dma_wait3A = arith.constant 0 : i32
        %dma_wait3A_78 = arith.constant 0 : i32
        %dma_wait3A_79 = tpu.memref_slice %arg11[%dma_wait3A, %dma_wait3A_78] : memref<200x128xf32, #tpu.memory_space<vmem>> -> memref<96x128xf32, #tpu.memory_space<vmem>>
        %dma_wait3A_80 = arith.constant 0 : i32
        %dma_wait3A_81 = tpu.memref_slice %arg10[%dma_wait3A_80] : memref<8400xi32, #tpu.memory_space<vmem>> -> memref<96xi32, #tpu.memory_space<vmem>>
        %dma_wait3A_82 = arith.constant 0 : i32
        %dma_wait3A_83 = arith.constant 0 : i32
        %dma_wait3A_84 = tpu.memref_slice %arg5[%dma_wait3A_82, %dma_wait3A_83] : memref<100000x128xf32, #tpu.memory_space<hbm>> -> memref<100000x128xf32, #tpu.memory_space<hbm>>
        tpu.wait_indirect_dma semaphore(%arg17 : memref<!tpu.dma_semaphore, #tpu.memory_space<semaphore_mem>>) src(%dma_wait3A_84 : memref<100000x128xf32, #tpu.memory_space<hbm>>) dst(%dma_wait3A_79 : memref<96x128xf32, #tpu.memory_space<vmem>>)
        %dma_wait3A_85 = arith.constant 96 : i32
        %dma_wait3A_86 = arith.constant 0 : i32
        %dma_wait3A_87 = tpu.memref_slice %arg11[%dma_wait3A_85, %dma_wait3A_86] : memref<200x128xf32, #tpu.memory_space<vmem>> -> memref<104x128xf32, #tpu.memory_space<vmem>>
        %dma_wait3A_88 = arith.constant 0 : i32
        %dma_wait3A_89 = tpu.memref_slice %arg10[%dma_wait3A_88] : memref<8400xi32, #tpu.memory_space<vmem>> -> memref<104xi32, #tpu.memory_space<vmem>>
        %dma_wait3A_90 = arith.constant 0 : i32
        %dma_wait3A_91 = arith.constant 0 : i32
        %dma_wait3A_92 = tpu.memref_slice %arg5[%dma_wait3A_90, %dma_wait3A_91] : memref<100000x128xf32, #tpu.memory_space<hbm>> -> memref<100000x128xf32, #tpu.memory_space<hbm>>
        tpu.wait_indirect_dma semaphore(%arg17 : memref<!tpu.dma_semaphore, #tpu.memory_space<semaphore_mem>>) src(%dma_wait3A_92 : memref<100000x128xf32, #tpu.memory_space<hbm>>) dst(%dma_wait3A_87 : memref<104x128xf32, #tpu.memory_space<vmem>>)
        %dma_wait3A_93 = arith.constant 0 : i32
        %dma_wait3A_94 = tpu.memref_slice %arg8[%dma_wait3A_93] : memref<336xi32, #tpu.memory_space<vmem>> -> memref<8xi32, #tpu.memory_space<vmem>>
        %dma_wait3A_95 = arith.constant 0 : i32
        %dma_wait3A_96 = arith.constant 0 : i32
        %dma_wait3A_97 = tpu.memref_slice %arg5[%dma_wait3A_95, %dma_wait3A_96] : memref<100000x128xf32, #tpu.memory_space<hbm>> -> memref<100000x128xf32, #tpu.memory_space<hbm>>
        tpu.wait_indirect_dma semaphore(%arg19 : memref<!tpu.dma_semaphore, #tpu.memory_space<semaphore_mem>>) src(%dma_wait3A_97 : memref<100000x128xf32, #tpu.memory_space<hbm>>) dst(%arg13 : memref<8x128xf32, #tpu.memory_space<vmem>>)
        %add3A_98 = arith.constant 1 : i32
        %add3A_99 = arith.addi %scan3A_44, %add3A_98 : i32
        %lt3A_100 = arith.constant 42 : i32
        %lt3A_101 = arith.cmpi slt, %add3A_99, %lt3A_100 : i32
        %convert_element_type3A_102 = arith.extui %lt3A_101 : i1 to i32
        %cond3A_103 = arith.constant 0 : i32
        %cond3A_104 = arith.cmpi ne, %convert_element_type3A_102, %cond3A_103 : i32
        scf.if %cond3A_104 {
          %add3A_117 = arith.constant 1 : i32
          %add3A_118 = arith.addi %scan3A_44, %add3A_117 : i32
          %mul3A_119 = arith.constant 200 : i32
          %mul3A_120 = arith.muli %add3A_118, %mul3A_119 : i32
          %dma_start3A_121 = arith.constant 0 : i32
          %dma_start3A_122 = arith.constant 0 : i32
          %dma_start3A_123 = tpu.memref_slice %arg12[%dma_start3A_121, %dma_start3A_122] : memref<200x128xf32, #tpu.memory_space<vmem>> -> memref<96x128xf32, #tpu.memory_space<vmem>>
          %dma_start3A_124 = tpu.memref_slice %arg10[%mul3A_120] : memref<8400xi32, #tpu.memory_space<vmem>> -> memref<96xi32, #tpu.memory_space<vmem>>
          %dma_start3A_125 = arith.constant 0 : i32
          %dma_start3A_126 = arith.constant 0 : i32
          %dma_start3A_127 = tpu.memref_slice %arg5[%dma_start3A_125, %dma_start3A_126] : memref<100000x128xf32, #tpu.memory_space<hbm>> -> memref<100000x128xf32, #tpu.memory_space<hbm>>
          tpu.enqueue_indirect_dma source(%dma_start3A_127 : memref<100000x128xf32, #tpu.memory_space<hbm>>) target(%dma_start3A_123 : memref<96x128xf32, #tpu.memory_space<vmem>>) offsets(%dma_start3A_124 : memref<96xi32, #tpu.memory_space<vmem>>) semaphore(%arg18 : memref<!tpu.dma_semaphore, #tpu.memory_space<semaphore_mem>>)
          %mul3A_128 = arith.constant 200 : i32
          %mul3A_129 = arith.muli %add3A_118, %mul3A_128 : i32
          %add3A_130 = arith.constant 96 : i32
          %add3A_131 = arith.addi %mul3A_129, %add3A_130 : i32
          %dma_start3A_132 = arith.constant 96 : i32
          %dma_start3A_133 = arith.constant 0 : i32
          %dma_start3A_134 = tpu.memref_slice %arg12[%dma_start3A_132, %dma_start3A_133] : memref<200x128xf32, #tpu.memory_space<vmem>> -> memref<104x128xf32, #tpu.memory_space<vmem>>
          %dma_start3A_135 = tpu.memref_slice %arg10[%add3A_131] : memref<8400xi32, #tpu.memory_space<vmem>> -> memref<104xi32, #tpu.memory_space<vmem>>
          %dma_start3A_136 = arith.constant 0 : i32
          %dma_start3A_137 = arith.constant 0 : i32
          %dma_start3A_138 = tpu.memref_slice %arg5[%dma_start3A_136, %dma_start3A_137] : memref<100000x128xf32, #tpu.memory_space<hbm>> -> memref<100000x128xf32, #tpu.memory_space<hbm>>
          tpu.enqueue_indirect_dma source(%dma_start3A_138 : memref<100000x128xf32, #tpu.memory_space<hbm>>) target(%dma_start3A_134 : memref<104x128xf32, #tpu.memory_space<vmem>>) offsets(%dma_start3A_135 : memref<104xi32, #tpu.memory_space<vmem>>) semaphore(%arg18 : memref<!tpu.dma_semaphore, #tpu.memory_space<semaphore_mem>>)
          %mul3A_139 = arith.constant 8 : i32
          %mul3A_140 = arith.muli %add3A_118, %mul3A_139 : i32
          %dma_start3A_141 = tpu.memref_slice %arg8[%mul3A_140] : memref<336xi32, #tpu.memory_space<vmem>> -> memref<8xi32, #tpu.memory_space<vmem>>
          %dma_start3A_142 = arith.constant 0 : i32
          %dma_start3A_143 = arith.constant 0 : i32
          %dma_start3A_144 = tpu.memref_slice %arg5[%dma_start3A_142, %dma_start3A_143] : memref<100000x128xf32, #tpu.memory_space<hbm>> -> memref<100000x128xf32, #tpu.memory_space<hbm>>
          tpu.enqueue_indirect_dma source(%dma_start3A_144 : memref<100000x128xf32, #tpu.memory_space<hbm>>) target(%arg14 : memref<8x128xf32, #tpu.memory_space<vmem>>) offsets(%dma_start3A_141 : memref<8xi32, #tpu.memory_space<vmem>>) semaphore(%arg20 : memref<!tpu.dma_semaphore, #tpu.memory_space<semaphore_mem>>)
        } else {
        }
        %mul3A_105 = arith.constant 8 : i32
        %mul3A_106 = arith.muli %scan3A_44, %mul3A_105 : i32
        %add3A_107 = arith.addi %mul3A_2, %mul3A_106 : i32
        "tpu.region"() ({
          %run_scoped3A = tpu.sem_alloc : memref<!tpu.dma_semaphore, #tpu.memory_space<semaphore_mem>>
          %dma_start3A_117 = arith.constant 0 : i32
          %dma_start3A_118 = tpu.memref_slice %arg7[%add3A_107, %dma_start3A_117] : memref<10752x128xf32, #tpu.memory_space<hbm>> -> memref<8x128xf32, #tpu.memory_space<hbm>>
          %dma_start3A_119 = arith.constant 0 : i32
          %dma_start3A_120 = tpu.memref_slice %arg7[%add3A_107, %dma_start3A_119] : memref<10752x128xf32, #tpu.memory_space<hbm>> -> memref<8x128xf32, #tpu.memory_space<hbm>>
          tpu.enqueue_dma source(%arg13 : memref<8x128xf32, #tpu.memory_space<vmem>>) target(%dma_start3A_120 : memref<8x128xf32, #tpu.memory_space<hbm>>) target_semaphore(%run_scoped3A : memref<!tpu.dma_semaphore, #tpu.memory_space<semaphore_mem>>)
          %dma_wait3A_121 = arith.constant 0 : i32
          %dma_wait3A_122 = tpu.memref_slice %arg7[%add3A_107, %dma_wait3A_121] : memref<10752x128xf32, #tpu.memory_space<hbm>> -> memref<8x128xf32, #tpu.memory_space<hbm>>
          %dma_wait3A_123 = arith.constant 0 : i32
          %dma_wait3A_124 = tpu.memref_slice %arg7[%add3A_107, %dma_wait3A_123] : memref<10752x128xf32, #tpu.memory_space<hbm>> -> memref<8x128xf32, #tpu.memory_space<hbm>>
          tpu.wait_dma2 semaphore(%run_scoped3A : memref<!tpu.dma_semaphore, #tpu.memory_space<semaphore_mem>>) src(%arg13 : memref<8x128xf32, #tpu.memory_space<vmem>>) dst(%dma_wait3A_124 : memref<8x128xf32, #tpu.memory_space<hbm>>)
          tpu.yield
        }) : () -> ()
        %scan3A_108 = arith.constant 0 : i32
        %scan3A_109 = arith.constant 0 : i32
        %scan3A_110 = arith.constant 8 : i32
        %scan3A_111 = arith.addi %scan3A_109, %scan3A_110 : i32
        %scan3A_112 = arith.constant 1 : i32
        scf.for %scan3A_117 = %scan3A_109 to %scan3A_111 step %scan3A_112  : i32 {
          %mul3A_118 = arith.constant 25 : i32
          %mul3A_119 = arith.muli %scan3A_117, %mul3A_118 : i32
          %get3A = arith.index_cast %mul3A_119 : i32 to index
          %get3A_120 = arith.constant 0 : index
          %get3A_121 = tpu.vector_load %arg11[%get3A, %get3A_120] {strides = array<i32>} : memref<200x128xf32, #tpu.memory_space<vmem>>, vector<1x16xf32>,
          %get3A_122 = vector.shape_cast %get3A_121 : vector<1x16xf32> to vector<16xf32>
          %mul3A_123 = arith.constant 25 : i32
          %mul3A_124 = arith.muli %scan3A_117, %mul3A_123 : i32
          %add3A_125 = arith.constant 1 : i32
          %add3A_126 = arith.addi %mul3A_124, %add3A_125 : i32
          %get3A_127 = arith.index_cast %add3A_126 : i32 to index
          %get3A_128 = arith.constant 0 : index
          %get3A_129 = tpu.vector_load %arg11[%get3A_127, %get3A_128] {strides = array<i32>} : memref<200x128xf32, #tpu.memory_space<vmem>>, vector<1x16xf32>,
          %get3A_130 = vector.shape_cast %get3A_129 : vector<1x16xf32> to vector<16xf32>
          %add3A_131 = arith.addf %get3A_122, %get3A_130 : vector<16xf32>
          %mul3A_132 = arith.constant 25 : i32
          %mul3A_133 = arith.muli %scan3A_117, %mul3A_132 : i32
          %add3A_134 = arith.constant 2 : i32
          %add3A_135 = arith.addi %mul3A_133, %add3A_134 : i32
          %get3A_136 = arith.index_cast %add3A_135 : i32 to index
          %get3A_137 = arith.constant 0 : index
          %get3A_138 = tpu.vector_load %arg11[%get3A_136, %get3A_137] {strides = array<i32>} : memref<200x128xf32, #tpu.memory_space<vmem>>, vector<1x16xf32>,
          %get3A_139 = vector.shape_cast %get3A_138 : vector<1x16xf32> to vector<16xf32>
          %add3A_140 = arith.addf %add3A_131, %get3A_139 : vector<16xf32>
          %mul3A_141 = arith.constant 25 : i32
          %mul3A_142 = arith.muli %scan3A_117, %mul3A_141 : i32
          %add3A_143 = arith.constant 3 : i32
          %add3A_144 = arith.addi %mul3A_142, %add3A_143 : i32
          %get3A_145 = arith.index_cast %add3A_144 : i32 to index
          %get3A_146 = arith.constant 0 : index
          %get3A_147 = tpu.vector_load %arg11[%get3A_145, %get3A_146] {strides = array<i32>} : memref<200x128xf32, #tpu.memory_space<vmem>>, vector<1x16xf32>,
          %get3A_148 = vector.shape_cast %get3A_147 : vector<1x16xf32> to vector<16xf32>
          %add3A_149 = arith.addf %add3A_140, %get3A_148 : vector<16xf32>
          %mul3A_150 = arith.constant 25 : i32
          %mul3A_151 = arith.muli %scan3A_117, %mul3A_150 : i32
          %add3A_152 = arith.constant 4 : i32
          %add3A_153 = arith.addi %mul3A_151, %add3A_152 : i32
          %get3A_154 = arith.index_cast %add3A_153 : i32 to index
          %get3A_155 = arith.constant 0 : index
          %get3A_156 = tpu.vector_load %arg11[%get3A_154, %get3A_155] {strides = array<i32>} : memref<200x128xf32, #tpu.memory_space<vmem>>, vector<1x16xf32>,
          %get3A_157 = vector.shape_cast %get3A_156 : vector<1x16xf32> to vector<16xf32>
          %add3A_158 = arith.addf %add3A_149, %get3A_157 : vector<16xf32>
          %mul3A_159 = arith.constant 25 : i32
          %mul3A_160 = arith.muli %scan3A_117, %mul3A_159 : i32
          %add3A_161 = arith.constant 5 : i32
          %add3A_162 = arith.addi %mul3A_160, %add3A_161 : i32
          %get3A_163 = arith.index_cast %add3A_162 : i32 to index
          %get3A_164 = arith.constant 0 : index
          %get3A_165 = tpu.vector_load %arg11[%get3A_163, %get3A_164] {strides = array<i32>} : memref<200x128xf32, #tpu.memory_space<vmem>>, vector<1x16xf32>,
          %get3A_166 = vector.shape_cast %get3A_165 : vector<1x16xf32> to vector<16xf32>
          %add3A_167 = arith.addf %add3A_158, %get3A_166 : vector<16xf32>
          %mul3A_168 = arith.constant 25 : i32
          %mul3A_169 = arith.muli %scan3A_117, %mul3A_168 : i32
          %add3A_170 = arith.constant 6 : i32
          %add3A_171 = arith.addi %mul3A_169, %add3A_170 : i32
          %get3A_172 = arith.index_cast %add3A_171 : i32 to index
          %get3A_173 = arith.constant 0 : index
          %get3A_174 = tpu.vector_load %arg11[%get3A_172, %get3A_173] {strides = array<i32>} : memref<200x128xf32, #tpu.memory_space<vmem>>, vector<1x16xf32>,
          %get3A_175 = vector.shape_cast %get3A_174 : vector<1x16xf32> to vector<16xf32>
          %add3A_176 = arith.addf %add3A_167, %get3A_175 : vector<16xf32>
          %mul3A_177 = arith.constant 25 : i32
          %mul3A_178 = arith.muli %scan3A_117, %mul3A_177 : i32
          %add3A_179 = arith.constant 7 : i32
          %add3A_180 = arith.addi %mul3A_178, %add3A_179 : i32
          %get3A_181 = arith.index_cast %add3A_180 : i32 to index
          %get3A_182 = arith.constant 0 : index
          %get3A_183 = tpu.vector_load %arg11[%get3A_181, %get3A_182] {strides = array<i32>} : memref<200x128xf32, #tpu.memory_space<vmem>>, vector<1x16xf32>,
          %get3A_184 = vector.shape_cast %get3A_183 : vector<1x16xf32> to vector<16xf32>
          %add3A_185 = arith.addf %add3A_176, %get3A_184 : vector<16xf32>
          %mul3A_186 = arith.constant 25 : i32
          %mul3A_187 = arith.muli %scan3A_117, %mul3A_186 : i32
          %add3A_188 = arith.constant 8 : i32
          %add3A_189 = arith.addi %mul3A_187, %add3A_188 : i32
          %get3A_190 = arith.index_cast %add3A_189 : i32 to index
          %get3A_191 = arith.constant 0 : index
          %get3A_192 = tpu.vector_load %arg11[%get3A_190, %get3A_191] {strides = array<i32>} : memref<200x128xf32, #tpu.memory_space<vmem>>, vector<1x16xf32>,
          %get3A_193 = vector.shape_cast %get3A_192 : vector<1x16xf32> to vector<16xf32>
          %add3A_194 = arith.addf %add3A_185, %get3A_193 : vector<16xf32>
          %mul3A_195 = arith.constant 25 : i32
          %mul3A_196 = arith.muli %scan3A_117, %mul3A_195 : i32
          %add3A_197 = arith.constant 9 : i32
          %add3A_198 = arith.addi %mul3A_196, %add3A_197 : i32
          %get3A_199 = arith.index_cast %add3A_198 : i32 to index
          %get3A_200 = arith.constant 0 : index
          %get3A_201 = tpu.vector_load %arg11[%get3A_199, %get3A_200] {strides = array<i32>} : memref<200x128xf32, #tpu.memory_space<vmem>>, vector<1x16xf32>,
          %get3A_202 = vector.shape_cast %get3A_201 : vector<1x16xf32> to vector<16xf32>
          %add3A_203 = arith.addf %add3A_194, %get3A_202 : vector<16xf32>
          %mul3A_204 = arith.constant 25 : i32
          %mul3A_205 = arith.muli %scan3A_117, %mul3A_204 : i32
          %add3A_206 = arith.constant 10 : i32
          %add3A_207 = arith.addi %mul3A_205, %add3A_206 : i32
          %get3A_208 = arith.index_cast %add3A_207 : i32 to index
          %get3A_209 = arith.constant 0 : index
          %get3A_210 = tpu.vector_load %arg11[%get3A_208, %get3A_209] {strides = array<i32>} : memref<200x128xf32, #tpu.memory_space<vmem>>, vector<1x16xf32>,
          %get3A_211 = vector.shape_cast %get3A_210 : vector<1x16xf32> to vector<16xf32>
          %add3A_212 = arith.addf %add3A_203, %get3A_211 : vector<16xf32>
          %mul3A_213 = arith.constant 25 : i32
          %mul3A_214 = arith.muli %scan3A_117, %mul3A_213 : i32
          %add3A_215 = arith.constant 11 : i32
          %add3A_216 = arith.addi %mul3A_214, %add3A_215 : i32
          %get3A_217 = arith.index_cast %add3A_216 : i32 to index
          %get3A_218 = arith.constant 0 : index
          %get3A_219 = tpu.vector_load %arg11[%get3A_217, %get3A_218] {strides = array<i32>} : memref<200x128xf32, #tpu.memory_space<vmem>>, vector<1x16xf32>,
          %get3A_220 = vector.shape_cast %get3A_219 : vector<1x16xf32> to vector<16xf32>
          %add3A_221 = arith.addf %add3A_212, %get3A_220 : vector<16xf32>
          %mul3A_222 = arith.constant 25 : i32
          %mul3A_223 = arith.muli %scan3A_117, %mul3A_222 : i32
          %add3A_224 = arith.constant 12 : i32
          %add3A_225 = arith.addi %mul3A_223, %add3A_224 : i32
          %get3A_226 = arith.index_cast %add3A_225 : i32 to index
          %get3A_227 = arith.constant 0 : index
          %get3A_228 = tpu.vector_load %arg11[%get3A_226, %get3A_227] {strides = array<i32>} : memref<200x128xf32, #tpu.memory_space<vmem>>, vector<1x16xf32>,
          %get3A_229 = vector.shape_cast %get3A_228 : vector<1x16xf32> to vector<16xf32>
          %add3A_230 = arith.addf %add3A_221, %get3A_229 : vector<16xf32>
          %mul3A_231 = arith.constant 25 : i32
          %mul3A_232 = arith.muli %scan3A_117, %mul3A_231 : i32
          %add3A_233 = arith.constant 13 : i32
          %add3A_234 = arith.addi %mul3A_232, %add3A_233 : i32
          %get3A_235 = arith.index_cast %add3A_234 : i32 to index
          %get3A_236 = arith.constant 0 : index
          %get3A_237 = tpu.vector_load %arg11[%get3A_235, %get3A_236] {strides = array<i32>} : memref<200x128xf32, #tpu.memory_space<vmem>>, vector<1x16xf32>,
          %get3A_238 = vector.shape_cast %get3A_237 : vector<1x16xf32> to vector<16xf32>
          %add3A_239 = arith.addf %add3A_230, %get3A_238 : vector<16xf32>
          %mul3A_240 = arith.constant 25 : i32
          %mul3A_241 = arith.muli %scan3A_117, %mul3A_240 : i32
          %add3A_242 = arith.constant 14 : i32
          %add3A_243 = arith.addi %mul3A_241, %add3A_242 : i32
          %get3A_244 = arith.index_cast %add3A_243 : i32 to index
          %get3A_245 = arith.constant 0 : index
          %get3A_246 = tpu.vector_load %arg11[%get3A_244, %get3A_245] {strides = array<i32>} : memref<200x128xf32, #tpu.memory_space<vmem>>, vector<1x16xf32>,
          %get3A_247 = vector.shape_cast %get3A_246 : vector<1x16xf32> to vector<16xf32>
          %add3A_248 = arith.addf %add3A_239, %get3A_247 : vector<16xf32>
          %mul3A_249 = arith.constant 25 : i32
          %mul3A_250 = arith.muli %scan3A_117, %mul3A_249 : i32
          %add3A_251 = arith.constant 15 : i32
          %add3A_252 = arith.addi %mul3A_250, %add3A_251 : i32
          %get3A_253 = arith.index_cast %add3A_252 : i32 to index
          %get3A_254 = arith.constant 0 : index
          %get3A_255 = tpu.vector_load %arg11[%get3A_253, %get3A_254] {strides = array<i32>} : memref<200x128xf32, #tpu.memory_space<vmem>>, vector<1x16xf32>,
          %get3A_256 = vector.shape_cast %get3A_255 : vector<1x16xf32> to vector<16xf32>
          %add3A_257 = arith.addf %add3A_248, %get3A_256 : vector<16xf32>
          %mul3A_258 = arith.constant 25 : i32
          %mul3A_259 = arith.muli %scan3A_117, %mul3A_258 : i32
          %add3A_260 = arith.constant 16 : i32
          %add3A_261 = arith.addi %mul3A_259, %add3A_260 : i32
          %get3A_262 = arith.index_cast %add3A_261 : i32 to index
          %get3A_263 = arith.constant 0 : index
          %get3A_264 = tpu.vector_load %arg11[%get3A_262, %get3A_263] {strides = array<i32>} : memref<200x128xf32, #tpu.memory_space<vmem>>, vector<1x16xf32>,
          %get3A_265 = vector.shape_cast %get3A_264 : vector<1x16xf32> to vector<16xf32>
          %add3A_266 = arith.addf %add3A_257, %get3A_265 : vector<16xf32>
          %mul3A_267 = arith.constant 25 : i32
          %mul3A_268 = arith.muli %scan3A_117, %mul3A_267 : i32
          %add3A_269 = arith.constant 17 : i32
          %add3A_270 = arith.addi %mul3A_268, %add3A_269 : i32
          %get3A_271 = arith.index_cast %add3A_270 : i32 to index
          %get3A_272 = arith.constant 0 : index
          %get3A_273 = tpu.vector_load %arg11[%get3A_271, %get3A_272] {strides = array<i32>} : memref<200x128xf32, #tpu.memory_space<vmem>>, vector<1x16xf32>,
          %get3A_274 = vector.shape_cast %get3A_273 : vector<1x16xf32> to vector<16xf32>
          %add3A_275 = arith.addf %add3A_266, %get3A_274 : vector<16xf32>
          %mul3A_276 = arith.constant 25 : i32
          %mul3A_277 = arith.muli %scan3A_117, %mul3A_276 : i32
          %add3A_278 = arith.constant 18 : i32
          %add3A_279 = arith.addi %mul3A_277, %add3A_278 : i32
          %get3A_280 = arith.index_cast %add3A_279 : i32 to index
          %get3A_281 = arith.constant 0 : index
          %get3A_282 = tpu.vector_load %arg11[%get3A_280, %get3A_281] {strides = array<i32>} : memref<200x128xf32, #tpu.memory_space<vmem>>, vector<1x16xf32>,
          %get3A_283 = vector.shape_cast %get3A_282 : vector<1x16xf32> to vector<16xf32>
          %add3A_284 = arith.addf %add3A_275, %get3A_283 : vector<16xf32>
          %mul3A_285 = arith.constant 25 : i32
          %mul3A_286 = arith.muli %scan3A_117, %mul3A_285 : i32
          %add3A_287 = arith.constant 19 : i32
          %add3A_288 = arith.addi %mul3A_286, %add3A_287 : i32
          %get3A_289 = arith.index_cast %add3A_288 : i32 to index
          %get3A_290 = arith.constant 0 : index
          %get3A_291 = tpu.vector_load %arg11[%get3A_289, %get3A_290] {strides = array<i32>} : memref<200x128xf32, #tpu.memory_space<vmem>>, vector<1x16xf32>,
          %get3A_292 = vector.shape_cast %get3A_291 : vector<1x16xf32> to vector<16xf32>
          %add3A_293 = arith.addf %add3A_284, %get3A_292 : vector<16xf32>
          %mul3A_294 = arith.constant 25 : i32
          %mul3A_295 = arith.muli %scan3A_117, %mul3A_294 : i32
          %add3A_296 = arith.constant 20 : i32
          %add3A_297 = arith.addi %mul3A_295, %add3A_296 : i32
          %get3A_298 = arith.index_cast %add3A_297 : i32 to index
          %get3A_299 = arith.constant 0 : index
          %get3A_300 = tpu.vector_load %arg11[%get3A_298, %get3A_299] {strides = array<i32>} : memref<200x128xf32, #tpu.memory_space<vmem>>, vector<1x16xf32>,
          %get3A_301 = vector.shape_cast %get3A_300 : vector<1x16xf32> to vector<16xf32>
          %add3A_302 = arith.addf %add3A_293, %get3A_301 : vector<16xf32>
          %mul3A_303 = arith.constant 25 : i32
          %mul3A_304 = arith.muli %scan3A_117, %mul3A_303 : i32
          %add3A_305 = arith.constant 21 : i32
          %add3A_306 = arith.addi %mul3A_304, %add3A_305 : i32
          %get3A_307 = arith.index_cast %add3A_306 : i32 to index
          %get3A_308 = arith.constant 0 : index
          %get3A_309 = tpu.vector_load %arg11[%get3A_307, %get3A_308] {strides = array<i32>} : memref<200x128xf32, #tpu.memory_space<vmem>>, vector<1x16xf32>,
          %get3A_310 = vector.shape_cast %get3A_309 : vector<1x16xf32> to vector<16xf32>
          %add3A_311 = arith.addf %add3A_302, %get3A_310 : vector<16xf32>
          %mul3A_312 = arith.constant 25 : i32
          %mul3A_313 = arith.muli %scan3A_117, %mul3A_312 : i32
          %add3A_314 = arith.constant 22 : i32
          %add3A_315 = arith.addi %mul3A_313, %add3A_314 : i32
          %get3A_316 = arith.index_cast %add3A_315 : i32 to index
          %get3A_317 = arith.constant 0 : index
          %get3A_318 = tpu.vector_load %arg11[%get3A_316, %get3A_317] {strides = array<i32>} : memref<200x128xf32, #tpu.memory_space<vmem>>, vector<1x16xf32>,
          %get3A_319 = vector.shape_cast %get3A_318 : vector<1x16xf32> to vector<16xf32>
          %add3A_320 = arith.addf %add3A_311, %get3A_319 : vector<16xf32>
          %mul3A_321 = arith.constant 25 : i32
          %mul3A_322 = arith.muli %scan3A_117, %mul3A_321 : i32
          %add3A_323 = arith.constant 23 : i32
          %add3A_324 = arith.addi %mul3A_322, %add3A_323 : i32
          %get3A_325 = arith.index_cast %add3A_324 : i32 to index
          %get3A_326 = arith.constant 0 : index
          %get3A_327 = tpu.vector_load %arg11[%get3A_325, %get3A_326] {strides = array<i32>} : memref<200x128xf32, #tpu.memory_space<vmem>>, vector<1x16xf32>,
          %get3A_328 = vector.shape_cast %get3A_327 : vector<1x16xf32> to vector<16xf32>
          %add3A_329 = arith.addf %add3A_320, %get3A_328 : vector<16xf32>
          %mul3A_330 = arith.constant 25 : i32
          %mul3A_331 = arith.muli %scan3A_117, %mul3A_330 : i32
          %add3A_332 = arith.constant 24 : i32
          %add3A_333 = arith.addi %mul3A_331, %add3A_332 : i32
          %get3A_334 = arith.index_cast %add3A_333 : i32 to index
          %get3A_335 = arith.constant 0 : index
          %get3A_336 = tpu.vector_load %arg11[%get3A_334, %get3A_335] {strides = array<i32>} : memref<200x128xf32, #tpu.memory_space<vmem>>, vector<1x16xf32>,
          %get3A_337 = vector.shape_cast %get3A_336 : vector<1x16xf32> to vector<16xf32>
          %add3A_338 = arith.addf %add3A_329, %get3A_337 : vector<16xf32>
          %mul3A_339 = arith.constant 4.000000e-02 : f32
          %mul3A_340 = vector.broadcast %mul3A_339 : f32 to vector<16xf32>
          %mul3A_341 = arith.mulf %add3A_338, %mul3A_340 : vector<16xf32>
          %swap3A = arith.index_cast %scan3A_117 : i32 to index
          %swap3A_342 = arith.constant 0 : index
          %swap3A_343 = tpu.vector_load %arg15[%swap3A, %swap3A_342] {strides = array<i32>} : memref<8x128xf32, #tpu.memory_space<vmem>>, vector<1x16xf32>,
          %swap3A_344 = vector.shape_cast %swap3A_343 : vector<1x16xf32> to vector<16xf32>
          %swap3A_345 = vector.shape_cast %mul3A_341 : vector<16xf32> to vector<1x16xf32>
          tpu.vector_store %arg15[%swap3A, %swap3A_342], %swap3A_345 {strides = array<i32>} : memref<8x128xf32, #tpu.memory_space<vmem>>, vector<1x16xf32>,
          %mul3A_346 = arith.constant 25 : i32
          %mul3A_347 = arith.muli %scan3A_117, %mul3A_346 : i32
          %get3A_348 = arith.index_cast %mul3A_347 : i32 to index
          %get3A_349 = arith.constant 16 : index
          %get3A_350 = tpu.vector_load %arg11[%get3A_348, %get3A_349] {strides = array<i32>} : memref<200x128xf32, #tpu.memory_space<vmem>>, vector<1x16xf32>,
          %get3A_351 = vector.shape_cast %get3A_350 : vector<1x16xf32> to vector<16xf32>
          %mul3A_352 = arith.constant 25 : i32
          %mul3A_353 = arith.muli %scan3A_117, %mul3A_352 : i32
          %add3A_354 = arith.constant 1 : i32
          %add3A_355 = arith.addi %mul3A_353, %add3A_354 : i32
          %get3A_356 = arith.index_cast %add3A_355 : i32 to index
          %get3A_357 = arith.constant 16 : index
          %get3A_358 = tpu.vector_load %arg11[%get3A_356, %get3A_357] {strides = array<i32>} : memref<200x128xf32, #tpu.memory_space<vmem>>, vector<1x16xf32>,
          %get3A_359 = vector.shape_cast %get3A_358 : vector<1x16xf32> to vector<16xf32>
          %add3A_360 = arith.addf %get3A_351, %get3A_359 : vector<16xf32>
          %mul3A_361 = arith.constant 25 : i32
          %mul3A_362 = arith.muli %scan3A_117, %mul3A_361 : i32
          %add3A_363 = arith.constant 2 : i32
          %add3A_364 = arith.addi %mul3A_362, %add3A_363 : i32
          %get3A_365 = arith.index_cast %add3A_364 : i32 to index
          %get3A_366 = arith.constant 16 : index
          %get3A_367 = tpu.vector_load %arg11[%get3A_365, %get3A_366] {strides = array<i32>} : memref<200x128xf32, #tpu.memory_space<vmem>>, vector<1x16xf32>,
          %get3A_368 = vector.shape_cast %get3A_367 : vector<1x16xf32> to vector<16xf32>
          %add3A_369 = arith.addf %add3A_360, %get3A_368 : vector<16xf32>
          %mul3A_370 = arith.constant 25 : i32
          %mul3A_371 = arith.muli %scan3A_117, %mul3A_370 : i32
          %add3A_372 = arith.constant 3 : i32
          %add3A_373 = arith.addi %mul3A_371, %add3A_372 : i32
          %get3A_374 = arith.index_cast %add3A_373 : i32 to index
          %get3A_375 = arith.constant 16 : index
          %get3A_376 = tpu.vector_load %arg11[%get3A_374, %get3A_375] {strides = array<i32>} : memref<200x128xf32, #tpu.memory_space<vmem>>, vector<1x16xf32>,
          %get3A_377 = vector.shape_cast %get3A_376 : vector<1x16xf32> to vector<16xf32>
          %add3A_378 = arith.addf %add3A_369, %get3A_377 : vector<16xf32>
          %mul3A_379 = arith.constant 25 : i32
          %mul3A_380 = arith.muli %scan3A_117, %mul3A_379 : i32
          %add3A_381 = arith.constant 4 : i32
          %add3A_382 = arith.addi %mul3A_380, %add3A_381 : i32
          %get3A_383 = arith.index_cast %add3A_382 : i32 to index
          %get3A_384 = arith.constant 16 : index
          %get3A_385 = tpu.vector_load %arg11[%get3A_383, %get3A_384] {strides = array<i32>} : memref<200x128xf32, #tpu.memory_space<vmem>>, vector<1x16xf32>,
          %get3A_386 = vector.shape_cast %get3A_385 : vector<1x16xf32> to vector<16xf32>
          %add3A_387 = arith.addf %add3A_378, %get3A_386 : vector<16xf32>
          %mul3A_388 = arith.constant 25 : i32
          %mul3A_389 = arith.muli %scan3A_117, %mul3A_388 : i32
          %add3A_390 = arith.constant 5 : i32
          %add3A_391 = arith.addi %mul3A_389, %add3A_390 : i32
          %get3A_392 = arith.index_cast %add3A_391 : i32 to index
          %get3A_393 = arith.constant 16 : index
          %get3A_394 = tpu.vector_load %arg11[%get3A_392, %get3A_393] {strides = array<i32>} : memref<200x128xf32, #tpu.memory_space<vmem>>, vector<1x16xf32>,
          %get3A_395 = vector.shape_cast %get3A_394 : vector<1x16xf32> to vector<16xf32>
          %add3A_396 = arith.addf %add3A_387, %get3A_395 : vector<16xf32>
          %mul3A_397 = arith.constant 25 : i32
          %mul3A_398 = arith.muli %scan3A_117, %mul3A_397 : i32
          %add3A_399 = arith.constant 6 : i32
          %add3A_400 = arith.addi %mul3A_398, %add3A_399 : i32
          %get3A_401 = arith.index_cast %add3A_400 : i32 to index
          %get3A_402 = arith.constant 16 : index
          %get3A_403 = tpu.vector_load %arg11[%get3A_401, %get3A_402] {strides = array<i32>} : memref<200x128xf32, #tpu.memory_space<vmem>>, vector<1x16xf32>,
          %get3A_404 = vector.shape_cast %get3A_403 : vector<1x16xf32> to vector<16xf32>
          %add3A_405 = arith.addf %add3A_396, %get3A_404 : vector<16xf32>
          %mul3A_406 = arith.constant 25 : i32
          %mul3A_407 = arith.muli %scan3A_117, %mul3A_406 : i32
          %add3A_408 = arith.constant 7 : i32
          %add3A_409 = arith.addi %mul3A_407, %add3A_408 : i32
          %get3A_410 = arith.index_cast %add3A_409 : i32 to index
          %get3A_411 = arith.constant 16 : index
          %get3A_412 = tpu.vector_load %arg11[%get3A_410, %get3A_411] {strides = array<i32>} : memref<200x128xf32, #tpu.memory_space<vmem>>, vector<1x16xf32>,
          %get3A_413 = vector.shape_cast %get3A_412 : vector<1x16xf32> to vector<16xf32>
          %add3A_414 = arith.addf %add3A_405, %get3A_413 : vector<16xf32>
          %mul3A_415 = arith.constant 25 : i32
          %mul3A_416 = arith.muli %scan3A_117, %mul3A_415 : i32
          %add3A_417 = arith.constant 8 : i32
          %add3A_418 = arith.addi %mul3A_416, %add3A_417 : i32
          %get3A_419 = arith.index_cast %add3A_418 : i32 to index
          %get3A_420 = arith.constant 16 : index
          %get3A_421 = tpu.vector_load %arg11[%get3A_419, %get3A_420] {strides = array<i32>} : memref<200x128xf32, #tpu.memory_space<vmem>>, vector<1x16xf32>,
          %get3A_422 = vector.shape_cast %get3A_421 : vector<1x16xf32> to vector<16xf32>
          %add3A_423 = arith.addf %add3A_414, %get3A_422 : vector<16xf32>
          %mul3A_424 = arith.constant 25 : i32
          %mul3A_425 = arith.muli %scan3A_117, %mul3A_424 : i32
          %add3A_426 = arith.constant 9 : i32
          %add3A_427 = arith.addi %mul3A_425, %add3A_426 : i32
          %get3A_428 = arith.index_cast %add3A_427 : i32 to index
          %get3A_429 = arith.constant 16 : index
          %get3A_430 = tpu.vector_load %arg11[%get3A_428, %get3A_429] {strides = array<i32>} : memref<200x128xf32, #tpu.memory_space<vmem>>, vector<1x16xf32>,
          %get3A_431 = vector.shape_cast %get3A_430 : vector<1x16xf32> to vector<16xf32>
          %add3A_432 = arith.addf %add3A_423, %get3A_431 : vector<16xf32>
          %mul3A_433 = arith.constant 25 : i32
          %mul3A_434 = arith.muli %scan3A_117, %mul3A_433 : i32
          %add3A_435 = arith.constant 10 : i32
          %add3A_436 = arith.addi %mul3A_434, %add3A_435 : i32
          %get3A_437 = arith.index_cast %add3A_436 : i32 to index
          %get3A_438 = arith.constant 16 : index
          %get3A_439 = tpu.vector_load %arg11[%get3A_437, %get3A_438] {strides = array<i32>} : memref<200x128xf32, #tpu.memory_space<vmem>>, vector<1x16xf32>,
          %get3A_440 = vector.shape_cast %get3A_439 : vector<1x16xf32> to vector<16xf32>
          %add3A_441 = arith.addf %add3A_432, %get3A_440 : vector<16xf32>
          %mul3A_442 = arith.constant 25 : i32
          %mul3A_443 = arith.muli %scan3A_117, %mul3A_442 : i32
          %add3A_444 = arith.constant 11 : i32
          %add3A_445 = arith.addi %mul3A_443, %add3A_444 : i32
          %get3A_446 = arith.index_cast %add3A_445 : i32 to index
          %get3A_447 = arith.constant 16 : index
          %get3A_448 = tpu.vector_load %arg11[%get3A_446, %get3A_447] {strides = array<i32>} : memref<200x128xf32, #tpu.memory_space<vmem>>, vector<1x16xf32>,
          %get3A_449 = vector.shape_cast %get3A_448 : vector<1x16xf32> to vector<16xf32>
          %add3A_450 = arith.addf %add3A_441, %get3A_449 : vector<16xf32>
          %mul3A_451 = arith.constant 25 : i32
          %mul3A_452 = arith.muli %scan3A_117, %mul3A_451 : i32
          %add3A_453 = arith.constant 12 : i32
          %add3A_454 = arith.addi %mul3A_452, %add3A_453 : i32
          %get3A_455 = arith.index_cast %add3A_454 : i32 to index
          %get3A_456 = arith.constant 16 : index
          %get3A_457 = tpu.vector_load %arg11[%get3A_455, %get3A_456] {strides = array<i32>} : memref<200x128xf32, #tpu.memory_space<vmem>>, vector<1x16xf32>,
          %get3A_458 = vector.shape_cast %get3A_457 : vector<1x16xf32> to vector<16xf32>
          %add3A_459 = arith.addf %add3A_450, %get3A_458 : vector<16xf32>
          %mul3A_460 = arith.constant 25 : i32
          %mul3A_461 = arith.muli %scan3A_117, %mul3A_460 : i32
          %add3A_462 = arith.constant 13 : i32
          %add3A_463 = arith.addi %mul3A_461, %add3A_462 : i32
          %get3A_464 = arith.index_cast %add3A_463 : i32 to index
          %get3A_465 = arith.constant 16 : index
          %get3A_466 = tpu.vector_load %arg11[%get3A_464, %get3A_465] {strides = array<i32>} : memref<200x128xf32, #tpu.memory_space<vmem>>, vector<1x16xf32>,
          %get3A_467 = vector.shape_cast %get3A_466 : vector<1x16xf32> to vector<16xf32>
          %add3A_468 = arith.addf %add3A_459, %get3A_467 : vector<16xf32>
          %mul3A_469 = arith.constant 25 : i32
          %mul3A_470 = arith.muli %scan3A_117, %mul3A_469 : i32
          %add3A_471 = arith.constant 14 : i32
          %add3A_472 = arith.addi %mul3A_470, %add3A_471 : i32
          %get3A_473 = arith.index_cast %add3A_472 : i32 to index
          %get3A_474 = arith.constant 16 : index
          %get3A_475 = tpu.vector_load %arg11[%get3A_473, %get3A_474] {strides = array<i32>} : memref<200x128xf32, #tpu.memory_space<vmem>>, vector<1x16xf32>,
          %get3A_476 = vector.shape_cast %get3A_475 : vector<1x16xf32> to vector<16xf32>
          %add3A_477 = arith.addf %add3A_468, %get3A_476 : vector<16xf32>
          %mul3A_478 = arith.constant 25 : i32
          %mul3A_479 = arith.muli %scan3A_117, %mul3A_478 : i32
          %add3A_480 = arith.constant 15 : i32
          %add3A_481 = arith.addi %mul3A_479, %add3A_480 : i32
          %get3A_482 = arith.index_cast %add3A_481 : i32 to index
          %get3A_483 = arith.constant 16 : index
          %get3A_484 = tpu.vector_load %arg11[%get3A_482, %get3A_483] {strides = array<i32>} : memref<200x128xf32, #tpu.memory_space<vmem>>, vector<1x16xf32>,
          %get3A_485 = vector.shape_cast %get3A_484 : vector<1x16xf32> to vector<16xf32>
          %add3A_486 = arith.addf %add3A_477, %get3A_485 : vector<16xf32>
          %mul3A_487 = arith.constant 25 : i32
          %mul3A_488 = arith.muli %scan3A_117, %mul3A_487 : i32
          %add3A_489 = arith.constant 16 : i32
          %add3A_490 = arith.addi %mul3A_488, %add3A_489 : i32
          %get3A_491 = arith.index_cast %add3A_490 : i32 to index
          %get3A_492 = arith.constant 16 : index
          %get3A_493 = tpu.vector_load %arg11[%get3A_491, %get3A_492] {strides = array<i32>} : memref<200x128xf32, #tpu.memory_space<vmem>>, vector<1x16xf32>,
          %get3A_494 = vector.shape_cast %get3A_493 : vector<1x16xf32> to vector<16xf32>
          %add3A_495 = arith.addf %add3A_486, %get3A_494 : vector<16xf32>
          %mul3A_496 = arith.constant 25 : i32
          %mul3A_497 = arith.muli %scan3A_117, %mul3A_496 : i32
          %add3A_498 = arith.constant 17 : i32
          %add3A_499 = arith.addi %mul3A_497, %add3A_498 : i32
          %get3A_500 = arith.index_cast %add3A_499 : i32 to index
          %get3A_501 = arith.constant 16 : index
          %get3A_502 = tpu.vector_load %arg11[%get3A_500, %get3A_501] {strides = array<i32>} : memref<200x128xf32, #tpu.memory_space<vmem>>, vector<1x16xf32>,
          %get3A_503 = vector.shape_cast %get3A_502 : vector<1x16xf32> to vector<16xf32>
          %add3A_504 = arith.addf %add3A_495, %get3A_503 : vector<16xf32>
          %mul3A_505 = arith.constant 25 : i32
          %mul3A_506 = arith.muli %scan3A_117, %mul3A_505 : i32
          %add3A_507 = arith.constant 18 : i32
          %add3A_508 = arith.addi %mul3A_506, %add3A_507 : i32
          %get3A_509 = arith.index_cast %add3A_508 : i32 to index
          %get3A_510 = arith.constant 16 : index
          %get3A_511 = tpu.vector_load %arg11[%get3A_509, %get3A_510] {strides = array<i32>} : memref<200x128xf32, #tpu.memory_space<vmem>>, vector<1x16xf32>,
          %get3A_512 = vector.shape_cast %get3A_511 : vector<1x16xf32> to vector<16xf32>
          %add3A_513 = arith.addf %add3A_504, %get3A_512 : vector<16xf32>
          %mul3A_514 = arith.constant 25 : i32
          %mul3A_515 = arith.muli %scan3A_117, %mul3A_514 : i32
          %add3A_516 = arith.constant 19 : i32
          %add3A_517 = arith.addi %mul3A_515, %add3A_516 : i32
          %get3A_518 = arith.index_cast %add3A_517 : i32 to index
          %get3A_519 = arith.constant 16 : index
          %get3A_520 = tpu.vector_load %arg11[%get3A_518, %get3A_519] {strides = array<i32>} : memref<200x128xf32, #tpu.memory_space<vmem>>, vector<1x16xf32>,
          %get3A_521 = vector.shape_cast %get3A_520 : vector<1x16xf32> to vector<16xf32>
          %add3A_522 = arith.addf %add3A_513, %get3A_521 : vector<16xf32>
          %mul3A_523 = arith.constant 25 : i32
          %mul3A_524 = arith.muli %scan3A_117, %mul3A_523 : i32
          %add3A_525 = arith.constant 20 : i32
          %add3A_526 = arith.addi %mul3A_524, %add3A_525 : i32
          %get3A_527 = arith.index_cast %add3A_526 : i32 to index
          %get3A_528 = arith.constant 16 : index
          %get3A_529 = tpu.vector_load %arg11[%get3A_527, %get3A_528] {strides = array<i32>} : memref<200x128xf32, #tpu.memory_space<vmem>>, vector<1x16xf32>,
          %get3A_530 = vector.shape_cast %get3A_529 : vector<1x16xf32> to vector<16xf32>
          %add3A_531 = arith.addf %add3A_522, %get3A_530 : vector<16xf32>
          %mul3A_532 = arith.constant 25 : i32
          %mul3A_533 = arith.muli %scan3A_117, %mul3A_532 : i32
          %add3A_534 = arith.constant 21 : i32
          %add3A_535 = arith.addi %mul3A_533, %add3A_534 : i32
          %get3A_536 = arith.index_cast %add3A_535 : i32 to index
          %get3A_537 = arith.constant 16 : index
          %get3A_538 = tpu.vector_load %arg11[%get3A_536, %get3A_537] {strides = array<i32>} : memref<200x128xf32, #tpu.memory_space<vmem>>, vector<1x16xf32>,
          %get3A_539 = vector.shape_cast %get3A_538 : vector<1x16xf32> to vector<16xf32>
          %add3A_540 = arith.addf %add3A_531, %get3A_539 : vector<16xf32>
          %mul3A_541 = arith.constant 25 : i32
          %mul3A_542 = arith.muli %scan3A_117, %mul3A_541 : i32
          %add3A_543 = arith.constant 22 : i32
          %add3A_544 = arith.addi %mul3A_542, %add3A_543 : i32
          %get3A_545 = arith.index_cast %add3A_544 : i32 to index
          %get3A_546 = arith.constant 16 : index
          %get3A_547 = tpu.vector_load %arg11[%get3A_545, %get3A_546] {strides = array<i32>} : memref<200x128xf32, #tpu.memory_space<vmem>>, vector<1x16xf32>,
          %get3A_548 = vector.shape_cast %get3A_547 : vector<1x16xf32> to vector<16xf32>
          %add3A_549 = arith.addf %add3A_540, %get3A_548 : vector<16xf32>
          %mul3A_550 = arith.constant 25 : i32
          %mul3A_551 = arith.muli %scan3A_117, %mul3A_550 : i32
          %add3A_552 = arith.constant 23 : i32
          %add3A_553 = arith.addi %mul3A_551, %add3A_552 : i32
          %get3A_554 = arith.index_cast %add3A_553 : i32 to index
          %get3A_555 = arith.constant 16 : index
          %get3A_556 = tpu.vector_load %arg11[%get3A_554, %get3A_555] {strides = array<i32>} : memref<200x128xf32, #tpu.memory_space<vmem>>, vector<1x16xf32>,
          %get3A_557 = vector.shape_cast %get3A_556 : vector<1x16xf32> to vector<16xf32>
          %add3A_558 = arith.addf %add3A_549, %get3A_557 : vector<16xf32>
          %mul3A_559 = arith.constant 25 : i32
          %mul3A_560 = arith.muli %scan3A_117, %mul3A_559 : i32
          %add3A_561 = arith.constant 24 : i32
          %add3A_562 = arith.addi %mul3A_560, %add3A_561 : i32
          %get3A_563 = arith.index_cast %add3A_562 : i32 to index
          %get3A_564 = arith.constant 16 : index
          %get3A_565 = tpu.vector_load %arg11[%get3A_563, %get3A_564] {strides = array<i32>} : memref<200x128xf32, #tpu.memory_space<vmem>>, vector<1x16xf32>,
          %get3A_566 = vector.shape_cast %get3A_565 : vector<1x16xf32> to vector<16xf32>
          %add3A_567 = arith.addf %add3A_558, %get3A_566 : vector<16xf32>
          %mul3A_568 = arith.constant 4.000000e-02 : f32
          %mul3A_569 = vector.broadcast %mul3A_568 : f32 to vector<16xf32>
          %mul3A_570 = arith.mulf %add3A_567, %mul3A_569 : vector<16xf32>
          %swap3A_571 = arith.index_cast %scan3A_117 : i32 to index
          %swap3A_572 = arith.constant 16 : index
          %swap3A_573 = tpu.vector_load %arg15[%swap3A_571, %swap3A_572] {strides = array<i32>} : memref<8x128xf32, #tpu.memory_space<vmem>>, vector<1x16xf32>,
          %swap3A_574 = vector.shape_cast %swap3A_573 : vector<1x16xf32> to vector<16xf32>
          %swap3A_575 = vector.shape_cast %mul3A_570 : vector<16xf32> to vector<1x16xf32>
          tpu.vector_store %arg15[%swap3A_571, %swap3A_572], %swap3A_575 {strides = array<i32>} : memref<8x128xf32, #tpu.memory_space<vmem>>, vector<1x16xf32>,
          %mul3A_576 = arith.constant 25 : i32
          %mul3A_577 = arith.muli %scan3A_117, %mul3A_576 : i32
          %get3A_578 = arith.index_cast %mul3A_577 : i32 to index
          %get3A_579 = arith.constant 32 : index
          %get3A_580 = tpu.vector_load %arg11[%get3A_578, %get3A_579] {strides = array<i32>} : memref<200x128xf32, #tpu.memory_space<vmem>>, vector<1x16xf32>,
          %get3A_581 = vector.shape_cast %get3A_580 : vector<1x16xf32> to vector<16xf32>
          %mul3A_582 = arith.constant 25 : i32
          %mul3A_583 = arith.muli %scan3A_117, %mul3A_582 : i32
          %add3A_584 = arith.constant 1 : i32
          %add3A_585 = arith.addi %mul3A_583, %add3A_584 : i32
          %get3A_586 = arith.index_cast %add3A_585 : i32 to index
          %get3A_587 = arith.constant 32 : index
          %get3A_588 = tpu.vector_load %arg11[%get3A_586, %get3A_587] {strides = array<i32>} : memref<200x128xf32, #tpu.memory_space<vmem>>, vector<1x16xf32>,
          %get3A_589 = vector.shape_cast %get3A_588 : vector<1x16xf32> to vector<16xf32>
          %add3A_590 = arith.addf %get3A_581, %get3A_589 : vector<16xf32>
          %mul3A_591 = arith.constant 25 : i32
          %mul3A_592 = arith.muli %scan3A_117, %mul3A_591 : i32
          %add3A_593 = arith.constant 2 : i32
          %add3A_594 = arith.addi %mul3A_592, %add3A_593 : i32
          %get3A_595 = arith.index_cast %add3A_594 : i32 to index
          %get3A_596 = arith.constant 32 : index
          %get3A_597 = tpu.vector_load %arg11[%get3A_595, %get3A_596] {strides = array<i32>} : memref<200x128xf32, #tpu.memory_space<vmem>>, vector<1x16xf32>,
          %get3A_598 = vector.shape_cast %get3A_597 : vector<1x16xf32> to vector<16xf32>
          %add3A_599 = arith.addf %add3A_590, %get3A_598 : vector<16xf32>
          %mul3A_600 = arith.constant 25 : i32
          %mul3A_601 = arith.muli %scan3A_117, %mul3A_600 : i32
          %add3A_602 = arith.constant 3 : i32
          %add3A_603 = arith.addi %mul3A_601, %add3A_602 : i32
          %get3A_604 = arith.index_cast %add3A_603 : i32 to index
          %get3A_605 = arith.constant 32 : index
          %get3A_606 = tpu.vector_load %arg11[%get3A_604, %get3A_605] {strides = array<i32>} : memref<200x128xf32, #tpu.memory_space<vmem>>, vector<1x16xf32>,
          %get3A_607 = vector.shape_cast %get3A_606 : vector<1x16xf32> to vector<16xf32>
          %add3A_608 = arith.addf %add3A_599, %get3A_607 : vector<16xf32>
          %mul3A_609 = arith.constant 25 : i32
          %mul3A_610 = arith.muli %scan3A_117, %mul3A_609 : i32
          %add3A_611 = arith.constant 4 : i32
          %add3A_612 = arith.addi %mul3A_610, %add3A_611 : i32
          %get3A_613 = arith.index_cast %add3A_612 : i32 to index
          %get3A_614 = arith.constant 32 : index
          %get3A_615 = tpu.vector_load %arg11[%get3A_613, %get3A_614] {strides = array<i32>} : memref<200x128xf32, #tpu.memory_space<vmem>>, vector<1x16xf32>,
          %get3A_616 = vector.shape_cast %get3A_615 : vector<1x16xf32> to vector<16xf32>
          %add3A_617 = arith.addf %add3A_608, %get3A_616 : vector<16xf32>
          %mul3A_618 = arith.constant 25 : i32
          %mul3A_619 = arith.muli %scan3A_117, %mul3A_618 : i32
          %add3A_620 = arith.constant 5 : i32
          %add3A_621 = arith.addi %mul3A_619, %add3A_620 : i32
          %get3A_622 = arith.index_cast %add3A_621 : i32 to index
          %get3A_623 = arith.constant 32 : index
          %get3A_624 = tpu.vector_load %arg11[%get3A_622, %get3A_623] {strides = array<i32>} : memref<200x128xf32, #tpu.memory_space<vmem>>, vector<1x16xf32>,
          %get3A_625 = vector.shape_cast %get3A_624 : vector<1x16xf32> to vector<16xf32>
          %add3A_626 = arith.addf %add3A_617, %get3A_625 : vector<16xf32>
          %mul3A_627 = arith.constant 25 : i32
          %mul3A_628 = arith.muli %scan3A_117, %mul3A_627 : i32
          %add3A_629 = arith.constant 6 : i32
          %add3A_630 = arith.addi %mul3A_628, %add3A_629 : i32
          %get3A_631 = arith.index_cast %add3A_630 : i32 to index
          %get3A_632 = arith.constant 32 : index
          %get3A_633 = tpu.vector_load %arg11[%get3A_631, %get3A_632] {strides = array<i32>} : memref<200x128xf32, #tpu.memory_space<vmem>>, vector<1x16xf32>,
          %get3A_634 = vector.shape_cast %get3A_633 : vector<1x16xf32> to vector<16xf32>
          %add3A_635 = arith.addf %add3A_626, %get3A_634 : vector<16xf32>
          %mul3A_636 = arith.constant 25 : i32
          %mul3A_637 = arith.muli %scan3A_117, %mul3A_636 : i32
          %add3A_638 = arith.constant 7 : i32
          %add3A_639 = arith.addi %mul3A_637, %add3A_638 : i32
          %get3A_640 = arith.index_cast %add3A_639 : i32 to index
          %get3A_641 = arith.constant 32 : index
          %get3A_642 = tpu.vector_load %arg11[%get3A_640, %get3A_641] {strides = array<i32>} : memref<200x128xf32, #tpu.memory_space<vmem>>, vector<1x16xf32>,
          %get3A_643 = vector.shape_cast %get3A_642 : vector<1x16xf32> to vector<16xf32>
          %add3A_644 = arith.addf %add3A_635, %get3A_643 : vector<16xf32>
          %mul3A_645 = arith.constant 25 : i32
          %mul3A_646 = arith.muli %scan3A_117, %mul3A_645 : i32
          %add3A_647 = arith.constant 8 : i32
          %add3A_648 = arith.addi %mul3A_646, %add3A_647 : i32
          %get3A_649 = arith.index_cast %add3A_648 : i32 to index
          %get3A_650 = arith.constant 32 : index
          %get3A_651 = tpu.vector_load %arg11[%get3A_649, %get3A_650] {strides = array<i32>} : memref<200x128xf32, #tpu.memory_space<vmem>>, vector<1x16xf32>,
          %get3A_652 = vector.shape_cast %get3A_651 : vector<1x16xf32> to vector<16xf32>
          %add3A_653 = arith.addf %add3A_644, %get3A_652 : vector<16xf32>
          %mul3A_654 = arith.constant 25 : i32
          %mul3A_655 = arith.muli %scan3A_117, %mul3A_654 : i32
          %add3A_656 = arith.constant 9 : i32
          %add3A_657 = arith.addi %mul3A_655, %add3A_656 : i32
          %get3A_658 = arith.index_cast %add3A_657 : i32 to index
          %get3A_659 = arith.constant 32 : index
          %get3A_660 = tpu.vector_load %arg11[%get3A_658, %get3A_659] {strides = array<i32>} : memref<200x128xf32, #tpu.memory_space<vmem>>, vector<1x16xf32>,
          %get3A_661 = vector.shape_cast %get3A_660 : vector<1x16xf32> to vector<16xf32>
          %add3A_662 = arith.addf %add3A_653, %get3A_661 : vector<16xf32>
          %mul3A_663 = arith.constant 25 : i32
          %mul3A_664 = arith.muli %scan3A_117, %mul3A_663 : i32
          %add3A_665 = arith.constant 10 : i32
          %add3A_666 = arith.addi %mul3A_664, %add3A_665 : i32
          %get3A_667 = arith.index_cast %add3A_666 : i32 to index
          %get3A_668 = arith.constant 32 : index
          %get3A_669 = tpu.vector_load %arg11[%get3A_667, %get3A_668] {strides = array<i32>} : memref<200x128xf32, #tpu.memory_space<vmem>>, vector<1x16xf32>,
          %get3A_670 = vector.shape_cast %get3A_669 : vector<1x16xf32> to vector<16xf32>
          %add3A_671 = arith.addf %add3A_662, %get3A_670 : vector<16xf32>
          %mul3A_672 = arith.constant 25 : i32
          %mul3A_673 = arith.muli %scan3A_117, %mul3A_672 : i32
          %add3A_674 = arith.constant 11 : i32
          %add3A_675 = arith.addi %mul3A_673, %add3A_674 : i32
          %get3A_676 = arith.index_cast %add3A_675 : i32 to index
          %get3A_677 = arith.constant 32 : index
          %get3A_678 = tpu.vector_load %arg11[%get3A_676, %get3A_677] {strides = array<i32>} : memref<200x128xf32, #tpu.memory_space<vmem>>, vector<1x16xf32>,
          %get3A_679 = vector.shape_cast %get3A_678 : vector<1x16xf32> to vector<16xf32>
          %add3A_680 = arith.addf %add3A_671, %get3A_679 : vector<16xf32>
          %mul3A_681 = arith.constant 25 : i32
          %mul3A_682 = arith.muli %scan3A_117, %mul3A_681 : i32
          %add3A_683 = arith.constant 12 : i32
          %add3A_684 = arith.addi %mul3A_682, %add3A_683 : i32
          %get3A_685 = arith.index_cast %add3A_684 : i32 to index
          %get3A_686 = arith.constant 32 : index
          %get3A_687 = tpu.vector_load %arg11[%get3A_685, %get3A_686] {strides = array<i32>} : memref<200x128xf32, #tpu.memory_space<vmem>>, vector<1x16xf32>,
          %get3A_688 = vector.shape_cast %get3A_687 : vector<1x16xf32> to vector<16xf32>
          %add3A_689 = arith.addf %add3A_680, %get3A_688 : vector<16xf32>
          %mul3A_690 = arith.constant 25 : i32
          %mul3A_691 = arith.muli %scan3A_117, %mul3A_690 : i32
          %add3A_692 = arith.constant 13 : i32
          %add3A_693 = arith.addi %mul3A_691, %add3A_692 : i32
          %get3A_694 = arith.index_cast %add3A_693 : i32 to index
          %get3A_695 = arith.constant 32 : index
          %get3A_696 = tpu.vector_load %arg11[%get3A_694, %get3A_695] {strides = array<i32>} : memref<200x128xf32, #tpu.memory_space<vmem>>, vector<1x16xf32>,
          %get3A_697 = vector.shape_cast %get3A_696 : vector<1x16xf32> to vector<16xf32>
          %add3A_698 = arith.addf %add3A_689, %get3A_697 : vector<16xf32>
          %mul3A_699 = arith.constant 25 : i32
          %mul3A_700 = arith.muli %scan3A_117, %mul3A_699 : i32
          %add3A_701 = arith.constant 14 : i32
          %add3A_702 = arith.addi %mul3A_700, %add3A_701 : i32
          %get3A_703 = arith.index_cast %add3A_702 : i32 to index
          %get3A_704 = arith.constant 32 : index
          %get3A_705 = tpu.vector_load %arg11[%get3A_703, %get3A_704] {strides = array<i32>} : memref<200x128xf32, #tpu.memory_space<vmem>>, vector<1x16xf32>,
          %get3A_706 = vector.shape_cast %get3A_705 : vector<1x16xf32> to vector<16xf32>
          %add3A_707 = arith.addf %add3A_698, %get3A_706 : vector<16xf32>
          %mul3A_708 = arith.constant 25 : i32
          %mul3A_709 = arith.muli %scan3A_117, %mul3A_708 : i32
          %add3A_710 = arith.constant 15 : i32
          %add3A_711 = arith.addi %mul3A_709, %add3A_710 : i32
          %get3A_712 = arith.index_cast %add3A_711 : i32 to index
          %get3A_713 = arith.constant 32 : index
          %get3A_714 = tpu.vector_load %arg11[%get3A_712, %get3A_713] {strides = array<i32>} : memref<200x128xf32, #tpu.memory_space<vmem>>, vector<1x16xf32>,
          %get3A_715 = vector.shape_cast %get3A_714 : vector<1x16xf32> to vector<16xf32>
          %add3A_716 = arith.addf %add3A_707, %get3A_715 : vector<16xf32>
          %mul3A_717 = arith.constant 25 : i32
          %mul3A_718 = arith.muli %scan3A_117, %mul3A_717 : i32
          %add3A_719 = arith.constant 16 : i32
          %add3A_720 = arith.addi %mul3A_718, %add3A_719 : i32
          %get3A_721 = arith.index_cast %add3A_720 : i32 to index
          %get3A_722 = arith.constant 32 : index
          %get3A_723 = tpu.vector_load %arg11[%get3A_721, %get3A_722] {strides = array<i32>} : memref<200x128xf32, #tpu.memory_space<vmem>>, vector<1x16xf32>,
          %get3A_724 = vector.shape_cast %get3A_723 : vector<1x16xf32> to vector<16xf32>
          %add3A_725 = arith.addf %add3A_716, %get3A_724 : vector<16xf32>
          %mul3A_726 = arith.constant 25 : i32
          %mul3A_727 = arith.muli %scan3A_117, %mul3A_726 : i32
          %add3A_728 = arith.constant 17 : i32
          %add3A_729 = arith.addi %mul3A_727, %add3A_728 : i32
          %get3A_730 = arith.index_cast %add3A_729 : i32 to index
          %get3A_731 = arith.constant 32 : index
          %get3A_732 = tpu.vector_load %arg11[%get3A_730, %get3A_731] {strides = array<i32>} : memref<200x128xf32, #tpu.memory_space<vmem>>, vector<1x16xf32>,
          %get3A_733 = vector.shape_cast %get3A_732 : vector<1x16xf32> to vector<16xf32>
          %add3A_734 = arith.addf %add3A_725, %get3A_733 : vector<16xf32>
          %mul3A_735 = arith.constant 25 : i32
          %mul3A_736 = arith.muli %scan3A_117, %mul3A_735 : i32
          %add3A_737 = arith.constant 18 : i32
          %add3A_738 = arith.addi %mul3A_736, %add3A_737 : i32
          %get3A_739 = arith.index_cast %add3A_738 : i32 to index
          %get3A_740 = arith.constant 32 : index
          %get3A_741 = tpu.vector_load %arg11[%get3A_739, %get3A_740] {strides = array<i32>} : memref<200x128xf32, #tpu.memory_space<vmem>>, vector<1x16xf32>,
          %get3A_742 = vector.shape_cast %get3A_741 : vector<1x16xf32> to vector<16xf32>
          %add3A_743 = arith.addf %add3A_734, %get3A_742 : vector<16xf32>
          %mul3A_744 = arith.constant 25 : i32
          %mul3A_745 = arith.muli %scan3A_117, %mul3A_744 : i32
          %add3A_746 = arith.constant 19 : i32
          %add3A_747 = arith.addi %mul3A_745, %add3A_746 : i32
          %get3A_748 = arith.index_cast %add3A_747 : i32 to index
          %get3A_749 = arith.constant 32 : index
          %get3A_750 = tpu.vector_load %arg11[%get3A_748, %get3A_749] {strides = array<i32>} : memref<200x128xf32, #tpu.memory_space<vmem>>, vector<1x16xf32>,
          %get3A_751 = vector.shape_cast %get3A_750 : vector<1x16xf32> to vector<16xf32>
          %add3A_752 = arith.addf %add3A_743, %get3A_751 : vector<16xf32>
          %mul3A_753 = arith.constant 25 : i32
          %mul3A_754 = arith.muli %scan3A_117, %mul3A_753 : i32
          %add3A_755 = arith.constant 20 : i32
          %add3A_756 = arith.addi %mul3A_754, %add3A_755 : i32
          %get3A_757 = arith.index_cast %add3A_756 : i32 to index
          %get3A_758 = arith.constant 32 : index
          %get3A_759 = tpu.vector_load %arg11[%get3A_757, %get3A_758] {strides = array<i32>} : memref<200x128xf32, #tpu.memory_space<vmem>>, vector<1x16xf32>,
          %get3A_760 = vector.shape_cast %get3A_759 : vector<1x16xf32> to vector<16xf32>
          %add3A_761 = arith.addf %add3A_752, %get3A_760 : vector<16xf32>
          %mul3A_762 = arith.constant 25 : i32
          %mul3A_763 = arith.muli %scan3A_117, %mul3A_762 : i32
          %add3A_764 = arith.constant 21 : i32
          %add3A_765 = arith.addi %mul3A_763, %add3A_764 : i32
          %get3A_766 = arith.index_cast %add3A_765 : i32 to index
          %get3A_767 = arith.constant 32 : index
          %get3A_768 = tpu.vector_load %arg11[%get3A_766, %get3A_767] {strides = array<i32>} : memref<200x128xf32, #tpu.memory_space<vmem>>, vector<1x16xf32>,
          %get3A_769 = vector.shape_cast %get3A_768 : vector<1x16xf32> to vector<16xf32>
          %add3A_770 = arith.addf %add3A_761, %get3A_769 : vector<16xf32>
          %mul3A_771 = arith.constant 25 : i32
          %mul3A_772 = arith.muli %scan3A_117, %mul3A_771 : i32
          %add3A_773 = arith.constant 22 : i32
          %add3A_774 = arith.addi %mul3A_772, %add3A_773 : i32
          %get3A_775 = arith.index_cast %add3A_774 : i32 to index
          %get3A_776 = arith.constant 32 : index
          %get3A_777 = tpu.vector_load %arg11[%get3A_775, %get3A_776] {strides = array<i32>} : memref<200x128xf32, #tpu.memory_space<vmem>>, vector<1x16xf32>,
          %get3A_778 = vector.shape_cast %get3A_777 : vector<1x16xf32> to vector<16xf32>
          %add3A_779 = arith.addf %add3A_770, %get3A_778 : vector<16xf32>
          %mul3A_780 = arith.constant 25 : i32
          %mul3A_781 = arith.muli %scan3A_117, %mul3A_780 : i32
          %add3A_782 = arith.constant 23 : i32
          %add3A_783 = arith.addi %mul3A_781, %add3A_782 : i32
          %get3A_784 = arith.index_cast %add3A_783 : i32 to index
          %get3A_785 = arith.constant 32 : index
          %get3A_786 = tpu.vector_load %arg11[%get3A_784, %get3A_785] {strides = array<i32>} : memref<200x128xf32, #tpu.memory_space<vmem>>, vector<1x16xf32>,
          %get3A_787 = vector.shape_cast %get3A_786 : vector<1x16xf32> to vector<16xf32>
          %add3A_788 = arith.addf %add3A_779, %get3A_787 : vector<16xf32>
          %mul3A_789 = arith.constant 25 : i32
          %mul3A_790 = arith.muli %scan3A_117, %mul3A_789 : i32
          %add3A_791 = arith.constant 24 : i32
          %add3A_792 = arith.addi %mul3A_790, %add3A_791 : i32
          %get3A_793 = arith.index_cast %add3A_792 : i32 to index
          %get3A_794 = arith.constant 32 : index
          %get3A_795 = tpu.vector_load %arg11[%get3A_793, %get3A_794] {strides = array<i32>} : memref<200x128xf32, #tpu.memory_space<vmem>>, vector<1x16xf32>,
          %get3A_796 = vector.shape_cast %get3A_795 : vector<1x16xf32> to vector<16xf32>
          %add3A_797 = arith.addf %add3A_788, %get3A_796 : vector<16xf32>
          %mul3A_798 = arith.constant 4.000000e-02 : f32
          %mul3A_799 = vector.broadcast %mul3A_798 : f32 to vector<16xf32>
          %mul3A_800 = arith.mulf %add3A_797, %mul3A_799 : vector<16xf32>
          %swap3A_801 = arith.index_cast %scan3A_117 : i32 to index
          %swap3A_802 = arith.constant 32 : index
          %swap3A_803 = tpu.vector_load %arg15[%swap3A_801, %swap3A_802] {strides = array<i32>} : memref<8x128xf32, #tpu.memory_space<vmem>>, vector<1x16xf32>,
          %swap3A_804 = vector.shape_cast %swap3A_803 : vector<1x16xf32> to vector<16xf32>
          %swap3A_805 = vector.shape_cast %mul3A_800 : vector<16xf32> to vector<1x16xf32>
          tpu.vector_store %arg15[%swap3A_801, %swap3A_802], %swap3A_805 {strides = array<i32>} : memref<8x128xf32, #tpu.memory_space<vmem>>, vector<1x16xf32>,
          %mul3A_806 = arith.constant 25 : i32
          %mul3A_807 = arith.muli %scan3A_117, %mul3A_806 : i32
          %get3A_808 = arith.index_cast %mul3A_807 : i32 to index
          %get3A_809 = arith.constant 48 : index
          %get3A_810 = tpu.vector_load %arg11[%get3A_808, %get3A_809] {strides = array<i32>} : memref<200x128xf32, #tpu.memory_space<vmem>>, vector<1x16xf32>,
          %get3A_811 = vector.shape_cast %get3A_810 : vector<1x16xf32> to vector<16xf32>
          %mul3A_812 = arith.constant 25 : i32
          %mul3A_813 = arith.muli %scan3A_117, %mul3A_812 : i32
          %add3A_814 = arith.constant 1 : i32
          %add3A_815 = arith.addi %mul3A_813, %add3A_814 : i32
          %get3A_816 = arith.index_cast %add3A_815 : i32 to index
          %get3A_817 = arith.constant 48 : index
          %get3A_818 = tpu.vector_load %arg11[%get3A_816, %get3A_817] {strides = array<i32>} : memref<200x128xf32, #tpu.memory_space<vmem>>, vector<1x16xf32>,
          %get3A_819 = vector.shape_cast %get3A_818 : vector<1x16xf32> to vector<16xf32>
          %add3A_820 = arith.addf %get3A_811, %get3A_819 : vector<16xf32>
          %mul3A_821 = arith.constant 25 : i32
          %mul3A_822 = arith.muli %scan3A_117, %mul3A_821 : i32
          %add3A_823 = arith.constant 2 : i32
          %add3A_824 = arith.addi %mul3A_822, %add3A_823 : i32
          %get3A_825 = arith.index_cast %add3A_824 : i32 to index
          %get3A_826 = arith.constant 48 : index
          %get3A_827 = tpu.vector_load %arg11[%get3A_825, %get3A_826] {strides = array<i32>} : memref<200x128xf32, #tpu.memory_space<vmem>>, vector<1x16xf32>,
          %get3A_828 = vector.shape_cast %get3A_827 : vector<1x16xf32> to vector<16xf32>
          %add3A_829 = arith.addf %add3A_820, %get3A_828 : vector<16xf32>
          %mul3A_830 = arith.constant 25 : i32
          %mul3A_831 = arith.muli %scan3A_117, %mul3A_830 : i32
          %add3A_832 = arith.constant 3 : i32
          %add3A_833 = arith.addi %mul3A_831, %add3A_832 : i32
          %get3A_834 = arith.index_cast %add3A_833 : i32 to index
          %get3A_835 = arith.constant 48 : index
          %get3A_836 = tpu.vector_load %arg11[%get3A_834, %get3A_835] {strides = array<i32>} : memref<200x128xf32, #tpu.memory_space<vmem>>, vector<1x16xf32>,
          %get3A_837 = vector.shape_cast %get3A_836 : vector<1x16xf32> to vector<16xf32>
          %add3A_838 = arith.addf %add3A_829, %get3A_837 : vector<16xf32>
          %mul3A_839 = arith.constant 25 : i32
          %mul3A_840 = arith.muli %scan3A_117, %mul3A_839 : i32
          %add3A_841 = arith.constant 4 : i32
          %add3A_842 = arith.addi %mul3A_840, %add3A_841 : i32
          %get3A_843 = arith.index_cast %add3A_842 : i32 to index
          %get3A_844 = arith.constant 48 : index
          %get3A_845 = tpu.vector_load %arg11[%get3A_843, %get3A_844] {strides = array<i32>} : memref<200x128xf32, #tpu.memory_space<vmem>>, vector<1x16xf32>,
          %get3A_846 = vector.shape_cast %get3A_845 : vector<1x16xf32> to vector<16xf32>
          %add3A_847 = arith.addf %add3A_838, %get3A_846 : vector<16xf32>
          %mul3A_848 = arith.constant 25 : i32
          %mul3A_849 = arith.muli %scan3A_117, %mul3A_848 : i32
          %add3A_850 = arith.constant 5 : i32
          %add3A_851 = arith.addi %mul3A_849, %add3A_850 : i32
          %get3A_852 = arith.index_cast %add3A_851 : i32 to index
          %get3A_853 = arith.constant 48 : index
          %get3A_854 = tpu.vector_load %arg11[%get3A_852, %get3A_853] {strides = array<i32>} : memref<200x128xf32, #tpu.memory_space<vmem>>, vector<1x16xf32>,
          %get3A_855 = vector.shape_cast %get3A_854 : vector<1x16xf32> to vector<16xf32>
          %add3A_856 = arith.addf %add3A_847, %get3A_855 : vector<16xf32>
          %mul3A_857 = arith.constant 25 : i32
          %mul3A_858 = arith.muli %scan3A_117, %mul3A_857 : i32
          %add3A_859 = arith.constant 6 : i32
          %add3A_860 = arith.addi %mul3A_858, %add3A_859 : i32
          %get3A_861 = arith.index_cast %add3A_860 : i32 to index
          %get3A_862 = arith.constant 48 : index
          %get3A_863 = tpu.vector_load %arg11[%get3A_861, %get3A_862] {strides = array<i32>} : memref<200x128xf32, #tpu.memory_space<vmem>>, vector<1x16xf32>,
          %get3A_864 = vector.shape_cast %get3A_863 : vector<1x16xf32> to vector<16xf32>
          %add3A_865 = arith.addf %add3A_856, %get3A_864 : vector<16xf32>
          %mul3A_866 = arith.constant 25 : i32
          %mul3A_867 = arith.muli %scan3A_117, %mul3A_866 : i32
          %add3A_868 = arith.constant 7 : i32
          %add3A_869 = arith.addi %mul3A_867, %add3A_868 : i32
          %get3A_870 = arith.index_cast %add3A_869 : i32 to index
          %get3A_871 = arith.constant 48 : index
          %get3A_872 = tpu.vector_load %arg11[%get3A_870, %get3A_871] {strides = array<i32>} : memref<200x128xf32, #tpu.memory_space<vmem>>, vector<1x16xf32>,
          %get3A_873 = vector.shape_cast %get3A_872 : vector<1x16xf32> to vector<16xf32>
          %add3A_874 = arith.addf %add3A_865, %get3A_873 : vector<16xf32>
          %mul3A_875 = arith.constant 25 : i32
          %mul3A_876 = arith.muli %scan3A_117, %mul3A_875 : i32
          %add3A_877 = arith.constant 8 : i32
          %add3A_878 = arith.addi %mul3A_876, %add3A_877 : i32
          %get3A_879 = arith.index_cast %add3A_878 : i32 to index
          %get3A_880 = arith.constant 48 : index
          %get3A_881 = tpu.vector_load %arg11[%get3A_879, %get3A_880] {strides = array<i32>} : memref<200x128xf32, #tpu.memory_space<vmem>>, vector<1x16xf32>,
          %get3A_882 = vector.shape_cast %get3A_881 : vector<1x16xf32> to vector<16xf32>
          %add3A_883 = arith.addf %add3A_874, %get3A_882 : vector<16xf32>
          %mul3A_884 = arith.constant 25 : i32
          %mul3A_885 = arith.muli %scan3A_117, %mul3A_884 : i32
          %add3A_886 = arith.constant 9 : i32
          %add3A_887 = arith.addi %mul3A_885, %add3A_886 : i32
          %get3A_888 = arith.index_cast %add3A_887 : i32 to index
          %get3A_889 = arith.constant 48 : index
          %get3A_890 = tpu.vector_load %arg11[%get3A_888, %get3A_889] {strides = array<i32>} : memref<200x128xf32, #tpu.memory_space<vmem>>, vector<1x16xf32>,
          %get3A_891 = vector.shape_cast %get3A_890 : vector<1x16xf32> to vector<16xf32>
          %add3A_892 = arith.addf %add3A_883, %get3A_891 : vector<16xf32>
          %mul3A_893 = arith.constant 25 : i32
          %mul3A_894 = arith.muli %scan3A_117, %mul3A_893 : i32
          %add3A_895 = arith.constant 10 : i32
          %add3A_896 = arith.addi %mul3A_894, %add3A_895 : i32
          %get3A_897 = arith.index_cast %add3A_896 : i32 to index
          %get3A_898 = arith.constant 48 : index
          %get3A_899 = tpu.vector_load %arg11[%get3A_897, %get3A_898] {strides = array<i32>} : memref<200x128xf32, #tpu.memory_space<vmem>>, vector<1x16xf32>,
          %get3A_900 = vector.shape_cast %get3A_899 : vector<1x16xf32> to vector<16xf32>
          %add3A_901 = arith.addf %add3A_892, %get3A_900 : vector<16xf32>
          %mul3A_902 = arith.constant 25 : i32
          %mul3A_903 = arith.muli %scan3A_117, %mul3A_902 : i32
          %add3A_904 = arith.constant 11 : i32
          %add3A_905 = arith.addi %mul3A_903, %add3A_904 : i32
          %get3A_906 = arith.index_cast %add3A_905 : i32 to index
          %get3A_907 = arith.constant 48 : index
          %get3A_908 = tpu.vector_load %arg11[%get3A_906, %get3A_907] {strides = array<i32>} : memref<200x128xf32, #tpu.memory_space<vmem>>, vector<1x16xf32>,
          %get3A_909 = vector.shape_cast %get3A_908 : vector<1x16xf32> to vector<16xf32>
          %add3A_910 = arith.addf %add3A_901, %get3A_909 : vector<16xf32>
          %mul3A_911 = arith.constant 25 : i32
          %mul3A_912 = arith.muli %scan3A_117, %mul3A_911 : i32
          %add3A_913 = arith.constant 12 : i32
          %add3A_914 = arith.addi %mul3A_912, %add3A_913 : i32
          %get3A_915 = arith.index_cast %add3A_914 : i32 to index
          %get3A_916 = arith.constant 48 : index
          %get3A_917 = tpu.vector_load %arg11[%get3A_915, %get3A_916] {strides = array<i32>} : memref<200x128xf32, #tpu.memory_space<vmem>>, vector<1x16xf32>,
          %get3A_918 = vector.shape_cast %get3A_917 : vector<1x16xf32> to vector<16xf32>
          %add3A_919 = arith.addf %add3A_910, %get3A_918 : vector<16xf32>
          %mul3A_920 = arith.constant 25 : i32
          %mul3A_921 = arith.muli %scan3A_117, %mul3A_920 : i32
          %add3A_922 = arith.constant 13 : i32
          %add3A_923 = arith.addi %mul3A_921, %add3A_922 : i32
          %get3A_924 = arith.index_cast %add3A_923 : i32 to index
          %get3A_925 = arith.constant 48 : index
          %get3A_926 = tpu.vector_load %arg11[%get3A_924, %get3A_925] {strides = array<i32>} : memref<200x128xf32, #tpu.memory_space<vmem>>, vector<1x16xf32>,
          %get3A_927 = vector.shape_cast %get3A_926 : vector<1x16xf32> to vector<16xf32>
          %add3A_928 = arith.addf %add3A_919, %get3A_927 : vector<16xf32>
          %mul3A_929 = arith.constant 25 : i32
          %mul3A_930 = arith.muli %scan3A_117, %mul3A_929 : i32
          %add3A_931 = arith.constant 14 : i32
          %add3A_932 = arith.addi %mul3A_930, %add3A_931 : i32
          %get3A_933 = arith.index_cast %add3A_932 : i32 to index
          %get3A_934 = arith.constant 48 : index
          %get3A_935 = tpu.vector_load %arg11[%get3A_933, %get3A_934] {strides = array<i32>} : memref<200x128xf32, #tpu.memory_space<vmem>>, vector<1x16xf32>,
          %get3A_936 = vector.shape_cast %get3A_935 : vector<1x16xf32> to vector<16xf32>
          %add3A_937 = arith.addf %add3A_928, %get3A_936 : vector<16xf32>
          %mul3A_938 = arith.constant 25 : i32
          %mul3A_939 = arith.muli %scan3A_117, %mul3A_938 : i32
          %add3A_940 = arith.constant 15 : i32
          %add3A_941 = arith.addi %mul3A_939, %add3A_940 : i32
          %get3A_942 = arith.index_cast %add3A_941 : i32 to index
          %get3A_943 = arith.constant 48 : index
          %get3A_944 = tpu.vector_load %arg11[%get3A_942, %get3A_943] {strides = array<i32>} : memref<200x128xf32, #tpu.memory_space<vmem>>, vector<1x16xf32>,
          %get3A_945 = vector.shape_cast %get3A_944 : vector<1x16xf32> to vector<16xf32>
          %add3A_946 = arith.addf %add3A_937, %get3A_945 : vector<16xf32>
          %mul3A_947 = arith.constant 25 : i32
          %mul3A_948 = arith.muli %scan3A_117, %mul3A_947 : i32
          %add3A_949 = arith.constant 16 : i32
          %add3A_950 = arith.addi %mul3A_948, %add3A_949 : i32
          %get3A_951 = arith.index_cast %add3A_950 : i32 to index
          %get3A_952 = arith.constant 48 : index
          %get3A_953 = tpu.vector_load %arg11[%get3A_951, %get3A_952] {strides = array<i32>} : memref<200x128xf32, #tpu.memory_space<vmem>>, vector<1x16xf32>,
          %get3A_954 = vector.shape_cast %get3A_953 : vector<1x16xf32> to vector<16xf32>
          %add3A_955 = arith.addf %add3A_946, %get3A_954 : vector<16xf32>
          %mul3A_956 = arith.constant 25 : i32
          %mul3A_957 = arith.muli %scan3A_117, %mul3A_956 : i32
          %add3A_958 = arith.constant 17 : i32
          %add3A_959 = arith.addi %mul3A_957, %add3A_958 : i32
          %get3A_960 = arith.index_cast %add3A_959 : i32 to index
          %get3A_961 = arith.constant 48 : index
          %get3A_962 = tpu.vector_load %arg11[%get3A_960, %get3A_961] {strides = array<i32>} : memref<200x128xf32, #tpu.memory_space<vmem>>, vector<1x16xf32>,
          %get3A_963 = vector.shape_cast %get3A_962 : vector<1x16xf32> to vector<16xf32>
          %add3A_964 = arith.addf %add3A_955, %get3A_963 : vector<16xf32>
          %mul3A_965 = arith.constant 25 : i32
          %mul3A_966 = arith.muli %scan3A_117, %mul3A_965 : i32
          %add3A_967 = arith.constant 18 : i32
          %add3A_968 = arith.addi %mul3A_966, %add3A_967 : i32
          %get3A_969 = arith.index_cast %add3A_968 : i32 to index
          %get3A_970 = arith.constant 48 : index
          %get3A_971 = tpu.vector_load %arg11[%get3A_969, %get3A_970] {strides = array<i32>} : memref<200x128xf32, #tpu.memory_space<vmem>>, vector<1x16xf32>,
          %get3A_972 = vector.shape_cast %get3A_971 : vector<1x16xf32> to vector<16xf32>
          %add3A_973 = arith.addf %add3A_964, %get3A_972 : vector<16xf32>
          %mul3A_974 = arith.constant 25 : i32
          %mul3A_975 = arith.muli %scan3A_117, %mul3A_974 : i32
          %add3A_976 = arith.constant 19 : i32
          %add3A_977 = arith.addi %mul3A_975, %add3A_976 : i32
          %get3A_978 = arith.index_cast %add3A_977 : i32 to index
          %get3A_979 = arith.constant 48 : index
          %get3A_980 = tpu.vector_load %arg11[%get3A_978, %get3A_979] {strides = array<i32>} : memref<200x128xf32, #tpu.memory_space<vmem>>, vector<1x16xf32>,
          %get3A_981 = vector.shape_cast %get3A_980 : vector<1x16xf32> to vector<16xf32>
          %add3A_982 = arith.addf %add3A_973, %get3A_981 : vector<16xf32>
          %mul3A_983 = arith.constant 25 : i32
          %mul3A_984 = arith.muli %scan3A_117, %mul3A_983 : i32
          %add3A_985 = arith.constant 20 : i32
          %add3A_986 = arith.addi %mul3A_984, %add3A_985 : i32
          %get3A_987 = arith.index_cast %add3A_986 : i32 to index
          %get3A_988 = arith.constant 48 : index
          %get3A_989 = tpu.vector_load %arg11[%get3A_987, %get3A_988] {strides = array<i32>} : memref<200x128xf32, #tpu.memory_space<vmem>>, vector<1x16xf32>,
          %get3A_990 = vector.shape_cast %get3A_989 : vector<1x16xf32> to vector<16xf32>
          %add3A_991 = arith.addf %add3A_982, %get3A_990 : vector<16xf32>
          %mul3A_992 = arith.constant 25 : i32
          %mul3A_993 = arith.muli %scan3A_117, %mul3A_992 : i32
          %add3A_994 = arith.constant 21 : i32
          %add3A_995 = arith.addi %mul3A_993, %add3A_994 : i32
          %get3A_996 = arith.index_cast %add3A_995 : i32 to index
          %get3A_997 = arith.constant 48 : index
          %get3A_998 = tpu.vector_load %arg11[%get3A_996, %get3A_997] {strides = array<i32>} : memref<200x128xf32, #tpu.memory_space<vmem>>, vector<1x16xf32>,
          %get3A_999 = vector.shape_cast %get3A_998 : vector<1x16xf32> to vector<16xf32>
          %add3A_1000 = arith.addf %add3A_991, %get3A_999 : vector<16xf32>
          %mul3A_1001 = arith.constant 25 : i32
          %mul3A_1002 = arith.muli %scan3A_117, %mul3A_1001 : i32
          %add3A_1003 = arith.constant 22 : i32
          %add3A_1004 = arith.addi %mul3A_1002, %add3A_1003 : i32
          %get3A_1005 = arith.index_cast %add3A_1004 : i32 to index
          %get3A_1006 = arith.constant 48 : index
          %get3A_1007 = tpu.vector_load %arg11[%get3A_1005, %get3A_1006] {strides = array<i32>} : memref<200x128xf32, #tpu.memory_space<vmem>>, vector<1x16xf32>,
          %get3A_1008 = vector.shape_cast %get3A_1007 : vector<1x16xf32> to vector<16xf32>
          %add3A_1009 = arith.addf %add3A_1000, %get3A_1008 : vector<16xf32>
          %mul3A_1010 = arith.constant 25 : i32
          %mul3A_1011 = arith.muli %scan3A_117, %mul3A_1010 : i32
          %add3A_1012 = arith.constant 23 : i32
          %add3A_1013 = arith.addi %mul3A_1011, %add3A_1012 : i32
          %get3A_1014 = arith.index_cast %add3A_1013 : i32 to index
          %get3A_1015 = arith.constant 48 : index
          %get3A_1016 = tpu.vector_load %arg11[%get3A_1014, %get3A_1015] {strides = array<i32>} : memref<200x128xf32, #tpu.memory_space<vmem>>, vector<1x16xf32>,
          %get3A_1017 = vector.shape_cast %get3A_1016 : vector<1x16xf32> to vector<16xf32>
          %add3A_1018 = arith.addf %add3A_1009, %get3A_1017 : vector<16xf32>
          %mul3A_1019 = arith.constant 25 : i32
          %mul3A_1020 = arith.muli %scan3A_117, %mul3A_1019 : i32
          %add3A_1021 = arith.constant 24 : i32
          %add3A_1022 = arith.addi %mul3A_1020, %add3A_1021 : i32
          %get3A_1023 = arith.index_cast %add3A_1022 : i32 to index
          %get3A_1024 = arith.constant 48 : index
          %get3A_1025 = tpu.vector_load %arg11[%get3A_1023, %get3A_1024] {strides = array<i32>} : memref<200x128xf32, #tpu.memory_space<vmem>>, vector<1x16xf32>,
          %get3A_1026 = vector.shape_cast %get3A_1025 : vector<1x16xf32> to vector<16xf32>
          %add3A_1027 = arith.addf %add3A_1018, %get3A_1026 : vector<16xf32>
          %mul3A_1028 = arith.constant 4.000000e-02 : f32
          %mul3A_1029 = vector.broadcast %mul3A_1028 : f32 to vector<16xf32>
          %mul3A_1030 = arith.mulf %add3A_1027, %mul3A_1029 : vector<16xf32>
          %swap3A_1031 = arith.index_cast %scan3A_117 : i32 to index
          %swap3A_1032 = arith.constant 48 : index
          %swap3A_1033 = tpu.vector_load %arg15[%swap3A_1031, %swap3A_1032] {strides = array<i32>} : memref<8x128xf32, #tpu.memory_space<vmem>>, vector<1x16xf32>,
          %swap3A_1034 = vector.shape_cast %swap3A_1033 : vector<1x16xf32> to vector<16xf32>
          %swap3A_1035 = vector.shape_cast %mul3A_1030 : vector<16xf32> to vector<1x16xf32>
          tpu.vector_store %arg15[%swap3A_1031, %swap3A_1032], %swap3A_1035 {strides = array<i32>} : memref<8x128xf32, #tpu.memory_space<vmem>>, vector<1x16xf32>,
          %mul3A_1036 = arith.constant 25 : i32
          %mul3A_1037 = arith.muli %scan3A_117, %mul3A_1036 : i32
          %get3A_1038 = arith.index_cast %mul3A_1037 : i32 to index
          %get3A_1039 = arith.constant 64 : index
          %get3A_1040 = tpu.vector_load %arg11[%get3A_1038, %get3A_1039] {strides = array<i32>} : memref<200x128xf32, #tpu.memory_space<vmem>>, vector<1x16xf32>,
          %get3A_1041 = vector.shape_cast %get3A_1040 : vector<1x16xf32> to vector<16xf32>
          %mul3A_1042 = arith.constant 25 : i32
          %mul3A_1043 = arith.muli %scan3A_117, %mul3A_1042 : i32
          %add3A_1044 = arith.constant 1 : i32
          %add3A_1045 = arith.addi %mul3A_1043, %add3A_1044 : i32
          %get3A_1046 = arith.index_cast %add3A_1045 : i32 to index
          %get3A_1047 = arith.constant 64 : index
          %get3A_1048 = tpu.vector_load %arg11[%get3A_1046, %get3A_1047] {strides = array<i32>} : memref<200x128xf32, #tpu.memory_space<vmem>>, vector<1x16xf32>,
          %get3A_1049 = vector.shape_cast %get3A_1048 : vector<1x16xf32> to vector<16xf32>
          %add3A_1050 = arith.addf %get3A_1041, %get3A_1049 : vector<16xf32>
          %mul3A_1051 = arith.constant 25 : i32
          %mul3A_1052 = arith.muli %scan3A_117, %mul3A_1051 : i32
          %add3A_1053 = arith.constant 2 : i32
          %add3A_1054 = arith.addi %mul3A_1052, %add3A_1053 : i32
          %get3A_1055 = arith.index_cast %add3A_1054 : i32 to index
          %get3A_1056 = arith.constant 64 : index
          %get3A_1057 = tpu.vector_load %arg11[%get3A_1055, %get3A_1056] {strides = array<i32>} : memref<200x128xf32, #tpu.memory_space<vmem>>, vector<1x16xf32>,
          %get3A_1058 = vector.shape_cast %get3A_1057 : vector<1x16xf32> to vector<16xf32>
          %add3A_1059 = arith.addf %add3A_1050, %get3A_1058 : vector<16xf32>
          %mul3A_1060 = arith.constant 25 : i32
          %mul3A_1061 = arith.muli %scan3A_117, %mul3A_1060 : i32
          %add3A_1062 = arith.constant 3 : i32
          %add3A_1063 = arith.addi %mul3A_1061, %add3A_1062 : i32
          %get3A_1064 = arith.index_cast %add3A_1063 : i32 to index
          %get3A_1065 = arith.constant 64 : index
          %get3A_1066 = tpu.vector_load %arg11[%get3A_1064, %get3A_1065] {strides = array<i32>} : memref<200x128xf32, #tpu.memory_space<vmem>>, vector<1x16xf32>,
          %get3A_1067 = vector.shape_cast %get3A_1066 : vector<1x16xf32> to vector<16xf32>
          %add3A_1068 = arith.addf %add3A_1059, %get3A_1067 : vector<16xf32>
          %mul3A_1069 = arith.constant 25 : i32
          %mul3A_1070 = arith.muli %scan3A_117, %mul3A_1069 : i32
          %add3A_1071 = arith.constant 4 : i32
          %add3A_1072 = arith.addi %mul3A_1070, %add3A_1071 : i32
          %get3A_1073 = arith.index_cast %add3A_1072 : i32 to index
          %get3A_1074 = arith.constant 64 : index
          %get3A_1075 = tpu.vector_load %arg11[%get3A_1073, %get3A_1074] {strides = array<i32>} : memref<200x128xf32, #tpu.memory_space<vmem>>, vector<1x16xf32>,
          %get3A_1076 = vector.shape_cast %get3A_1075 : vector<1x16xf32> to vector<16xf32>
          %add3A_1077 = arith.addf %add3A_1068, %get3A_1076 : vector<16xf32>
          %mul3A_1078 = arith.constant 25 : i32
          %mul3A_1079 = arith.muli %scan3A_117, %mul3A_1078 : i32
          %add3A_1080 = arith.constant 5 : i32
          %add3A_1081 = arith.addi %mul3A_1079, %add3A_1080 : i32
          %get3A_1082 = arith.index_cast %add3A_1081 : i32 to index
          %get3A_1083 = arith.constant 64 : index
          %get3A_1084 = tpu.vector_load %arg11[%get3A_1082, %get3A_1083] {strides = array<i32>} : memref<200x128xf32, #tpu.memory_space<vmem>>, vector<1x16xf32>,
          %get3A_1085 = vector.shape_cast %get3A_1084 : vector<1x16xf32> to vector<16xf32>
          %add3A_1086 = arith.addf %add3A_1077, %get3A_1085 : vector<16xf32>
          %mul3A_1087 = arith.constant 25 : i32
          %mul3A_1088 = arith.muli %scan3A_117, %mul3A_1087 : i32
          %add3A_1089 = arith.constant 6 : i32
          %add3A_1090 = arith.addi %mul3A_1088, %add3A_1089 : i32
          %get3A_1091 = arith.index_cast %add3A_1090 : i32 to index
          %get3A_1092 = arith.constant 64 : index
          %get3A_1093 = tpu.vector_load %arg11[%get3A_1091, %get3A_1092] {strides = array<i32>} : memref<200x128xf32, #tpu.memory_space<vmem>>, vector<1x16xf32>,
          %get3A_1094 = vector.shape_cast %get3A_1093 : vector<1x16xf32> to vector<16xf32>
          %add3A_1095 = arith.addf %add3A_1086, %get3A_1094 : vector<16xf32>
          %mul3A_1096 = arith.constant 25 : i32
          %mul3A_1097 = arith.muli %scan3A_117, %mul3A_1096 : i32
          %add3A_1098 = arith.constant 7 : i32
          %add3A_1099 = arith.addi %mul3A_1097, %add3A_1098 : i32
          %get3A_1100 = arith.index_cast %add3A_1099 : i32 to index
          %get3A_1101 = arith.constant 64 : index
          %get3A_1102 = tpu.vector_load %arg11[%get3A_1100, %get3A_1101] {strides = array<i32>} : memref<200x128xf32, #tpu.memory_space<vmem>>, vector<1x16xf32>,
          %get3A_1103 = vector.shape_cast %get3A_1102 : vector<1x16xf32> to vector<16xf32>
          %add3A_1104 = arith.addf %add3A_1095, %get3A_1103 : vector<16xf32>
          %mul3A_1105 = arith.constant 25 : i32
          %mul3A_1106 = arith.muli %scan3A_117, %mul3A_1105 : i32
          %add3A_1107 = arith.constant 8 : i32
          %add3A_1108 = arith.addi %mul3A_1106, %add3A_1107 : i32
          %get3A_1109 = arith.index_cast %add3A_1108 : i32 to index
          %get3A_1110 = arith.constant 64 : index
          %get3A_1111 = tpu.vector_load %arg11[%get3A_1109, %get3A_1110] {strides = array<i32>} : memref<200x128xf32, #tpu.memory_space<vmem>>, vector<1x16xf32>,
          %get3A_1112 = vector.shape_cast %get3A_1111 : vector<1x16xf32> to vector<16xf32>
          %add3A_1113 = arith.addf %add3A_1104, %get3A_1112 : vector<16xf32>
          %mul3A_1114 = arith.constant 25 : i32
          %mul3A_1115 = arith.muli %scan3A_117, %mul3A_1114 : i32
          %add3A_1116 = arith.constant 9 : i32
          %add3A_1117 = arith.addi %mul3A_1115, %add3A_1116 : i32
          %get3A_1118 = arith.index_cast %add3A_1117 : i32 to index
          %get3A_1119 = arith.constant 64 : index
          %get3A_1120 = tpu.vector_load %arg11[%get3A_1118, %get3A_1119] {strides = array<i32>} : memref<200x128xf32, #tpu.memory_space<vmem>>, vector<1x16xf32>,
          %get3A_1121 = vector.shape_cast %get3A_1120 : vector<1x16xf32> to vector<16xf32>
          %add3A_1122 = arith.addf %add3A_1113, %get3A_1121 : vector<16xf32>
          %mul3A_1123 = arith.constant 25 : i32
          %mul3A_1124 = arith.muli %scan3A_117, %mul3A_1123 : i32
          %add3A_1125 = arith.constant 10 : i32
          %add3A_1126 = arith.addi %mul3A_1124, %add3A_1125 : i32
          %get3A_1127 = arith.index_cast %add3A_1126 : i32 to index
          %get3A_1128 = arith.constant 64 : index
          %get3A_1129 = tpu.vector_load %arg11[%get3A_1127, %get3A_1128] {strides = array<i32>} : memref<200x128xf32, #tpu.memory_space<vmem>>, vector<1x16xf32>,
          %get3A_1130 = vector.shape_cast %get3A_1129 : vector<1x16xf32> to vector<16xf32>
          %add3A_1131 = arith.addf %add3A_1122, %get3A_1130 : vector<16xf32>
          %mul3A_1132 = arith.constant 25 : i32
          %mul3A_1133 = arith.muli %scan3A_117, %mul3A_1132 : i32
          %add3A_1134 = arith.constant 11 : i32
          %add3A_1135 = arith.addi %mul3A_1133, %add3A_1134 : i32
          %get3A_1136 = arith.index_cast %add3A_1135 : i32 to index
          %get3A_1137 = arith.constant 64 : index
          %get3A_1138 = tpu.vector_load %arg11[%get3A_1136, %get3A_1137] {strides = array<i32>} : memref<200x128xf32, #tpu.memory_space<vmem>>, vector<1x16xf32>,
          %get3A_1139 = vector.shape_cast %get3A_1138 : vector<1x16xf32> to vector<16xf32>
          %add3A_1140 = arith.addf %add3A_1131, %get3A_1139 : vector<16xf32>
          %mul3A_1141 = arith.constant 25 : i32
          %mul3A_1142 = arith.muli %scan3A_117, %mul3A_1141 : i32
          %add3A_1143 = arith.constant 12 : i32
          %add3A_1144 = arith.addi %mul3A_1142, %add3A_1143 : i32
          %get3A_1145 = arith.index_cast %add3A_1144 : i32 to index
          %get3A_1146 = arith.constant 64 : index
          %get3A_1147 = tpu.vector_load %arg11[%get3A_1145, %get3A_1146] {strides = array<i32>} : memref<200x128xf32, #tpu.memory_space<vmem>>, vector<1x16xf32>,
          %get3A_1148 = vector.shape_cast %get3A_1147 : vector<1x16xf32> to vector<16xf32>
          %add3A_1149 = arith.addf %add3A_1140, %get3A_1148 : vector<16xf32>
          %mul3A_1150 = arith.constant 25 : i32
          %mul3A_1151 = arith.muli %scan3A_117, %mul3A_1150 : i32
          %add3A_1152 = arith.constant 13 : i32
          %add3A_1153 = arith.addi %mul3A_1151, %add3A_1152 : i32
          %get3A_1154 = arith.index_cast %add3A_1153 : i32 to index
          %get3A_1155 = arith.constant 64 : index
          %get3A_1156 = tpu.vector_load %arg11[%get3A_1154, %get3A_1155] {strides = array<i32>} : memref<200x128xf32, #tpu.memory_space<vmem>>, vector<1x16xf32>,
          %get3A_1157 = vector.shape_cast %get3A_1156 : vector<1x16xf32> to vector<16xf32>
          %add3A_1158 = arith.addf %add3A_1149, %get3A_1157 : vector<16xf32>
          %mul3A_1159 = arith.constant 25 : i32
          %mul3A_1160 = arith.muli %scan3A_117, %mul3A_1159 : i32
          %add3A_1161 = arith.constant 14 : i32
          %add3A_1162 = arith.addi %mul3A_1160, %add3A_1161 : i32
          %get3A_1163 = arith.index_cast %add3A_1162 : i32 to index
          %get3A_1164 = arith.constant 64 : index
          %get3A_1165 = tpu.vector_load %arg11[%get3A_1163, %get3A_1164] {strides = array<i32>} : memref<200x128xf32, #tpu.memory_space<vmem>>, vector<1x16xf32>,
          %get3A_1166 = vector.shape_cast %get3A_1165 : vector<1x16xf32> to vector<16xf32>
          %add3A_1167 = arith.addf %add3A_1158, %get3A_1166 : vector<16xf32>
          %mul3A_1168 = arith.constant 25 : i32
          %mul3A_1169 = arith.muli %scan3A_117, %mul3A_1168 : i32
          %add3A_1170 = arith.constant 15 : i32
          %add3A_1171 = arith.addi %mul3A_1169, %add3A_1170 : i32
          %get3A_1172 = arith.index_cast %add3A_1171 : i32 to index
          %get3A_1173 = arith.constant 64 : index
          %get3A_1174 = tpu.vector_load %arg11[%get3A_1172, %get3A_1173] {strides = array<i32>} : memref<200x128xf32, #tpu.memory_space<vmem>>, vector<1x16xf32>,
          %get3A_1175 = vector.shape_cast %get3A_1174 : vector<1x16xf32> to vector<16xf32>
          %add3A_1176 = arith.addf %add3A_1167, %get3A_1175 : vector<16xf32>
          %mul3A_1177 = arith.constant 25 : i32
          %mul3A_1178 = arith.muli %scan3A_117, %mul3A_1177 : i32
          %add3A_1179 = arith.constant 16 : i32
          %add3A_1180 = arith.addi %mul3A_1178, %add3A_1179 : i32
          %get3A_1181 = arith.index_cast %add3A_1180 : i32 to index
          %get3A_1182 = arith.constant 64 : index
          %get3A_1183 = tpu.vector_load %arg11[%get3A_1181, %get3A_1182] {strides = array<i32>} : memref<200x128xf32, #tpu.memory_space<vmem>>, vector<1x16xf32>,
          %get3A_1184 = vector.shape_cast %get3A_1183 : vector<1x16xf32> to vector<16xf32>
          %add3A_1185 = arith.addf %add3A_1176, %get3A_1184 : vector<16xf32>
          %mul3A_1186 = arith.constant 25 : i32
          %mul3A_1187 = arith.muli %scan3A_117, %mul3A_1186 : i32
          %add3A_1188 = arith.constant 17 : i32
          %add3A_1189 = arith.addi %mul3A_1187, %add3A_1188 : i32
          %get3A_1190 = arith.index_cast %add3A_1189 : i32 to index
          %get3A_1191 = arith.constant 64 : index
          %get3A_1192 = tpu.vector_load %arg11[%get3A_1190, %get3A_1191] {strides = array<i32>} : memref<200x128xf32, #tpu.memory_space<vmem>>, vector<1x16xf32>,
          %get3A_1193 = vector.shape_cast %get3A_1192 : vector<1x16xf32> to vector<16xf32>
          %add3A_1194 = arith.addf %add3A_1185, %get3A_1193 : vector<16xf32>
          %mul3A_1195 = arith.constant 25 : i32
          %mul3A_1196 = arith.muli %scan3A_117, %mul3A_1195 : i32
          %add3A_1197 = arith.constant 18 : i32
          %add3A_1198 = arith.addi %mul3A_1196, %add3A_1197 : i32
          %get3A_1199 = arith.index_cast %add3A_1198 : i32 to index
          %get3A_1200 = arith.constant 64 : index
          %get3A_1201 = tpu.vector_load %arg11[%get3A_1199, %get3A_1200] {strides = array<i32>} : memref<200x128xf32, #tpu.memory_space<vmem>>, vector<1x16xf32>,
          %get3A_1202 = vector.shape_cast %get3A_1201 : vector<1x16xf32> to vector<16xf32>
          %add3A_1203 = arith.addf %add3A_1194, %get3A_1202 : vector<16xf32>
          %mul3A_1204 = arith.constant 25 : i32
          %mul3A_1205 = arith.muli %scan3A_117, %mul3A_1204 : i32
          %add3A_1206 = arith.constant 19 : i32
          %add3A_1207 = arith.addi %mul3A_1205, %add3A_1206 : i32
          %get3A_1208 = arith.index_cast %add3A_1207 : i32 to index
          %get3A_1209 = arith.constant 64 : index
          %get3A_1210 = tpu.vector_load %arg11[%get3A_1208, %get3A_1209] {strides = array<i32>} : memref<200x128xf32, #tpu.memory_space<vmem>>, vector<1x16xf32>,
          %get3A_1211 = vector.shape_cast %get3A_1210 : vector<1x16xf32> to vector<16xf32>
          %add3A_1212 = arith.addf %add3A_1203, %get3A_1211 : vector<16xf32>
          %mul3A_1213 = arith.constant 25 : i32
          %mul3A_1214 = arith.muli %scan3A_117, %mul3A_1213 : i32
          %add3A_1215 = arith.constant 20 : i32
          %add3A_1216 = arith.addi %mul3A_1214, %add3A_1215 : i32
          %get3A_1217 = arith.index_cast %add3A_1216 : i32 to index
          %get3A_1218 = arith.constant 64 : index
          %get3A_1219 = tpu.vector_load %arg11[%get3A_1217, %get3A_1218] {strides = array<i32>} : memref<200x128xf32, #tpu.memory_space<vmem>>, vector<1x16xf32>,
          %get3A_1220 = vector.shape_cast %get3A_1219 : vector<1x16xf32> to vector<16xf32>
          %add3A_1221 = arith.addf %add3A_1212, %get3A_1220 : vector<16xf32>
          %mul3A_1222 = arith.constant 25 : i32
          %mul3A_1223 = arith.muli %scan3A_117, %mul3A_1222 : i32
          %add3A_1224 = arith.constant 21 : i32
          %add3A_1225 = arith.addi %mul3A_1223, %add3A_1224 : i32
          %get3A_1226 = arith.index_cast %add3A_1225 : i32 to index
          %get3A_1227 = arith.constant 64 : index
          %get3A_1228 = tpu.vector_load %arg11[%get3A_1226, %get3A_1227] {strides = array<i32>} : memref<200x128xf32, #tpu.memory_space<vmem>>, vector<1x16xf32>,
          %get3A_1229 = vector.shape_cast %get3A_1228 : vector<1x16xf32> to vector<16xf32>
          %add3A_1230 = arith.addf %add3A_1221, %get3A_1229 : vector<16xf32>
          %mul3A_1231 = arith.constant 25 : i32
          %mul3A_1232 = arith.muli %scan3A_117, %mul3A_1231 : i32
          %add3A_1233 = arith.constant 22 : i32
          %add3A_1234 = arith.addi %mul3A_1232, %add3A_1233 : i32
          %get3A_1235 = arith.index_cast %add3A_1234 : i32 to index
          %get3A_1236 = arith.constant 64 : index
          %get3A_1237 = tpu.vector_load %arg11[%get3A_1235, %get3A_1236] {strides = array<i32>} : memref<200x128xf32, #tpu.memory_space<vmem>>, vector<1x16xf32>,
          %get3A_1238 = vector.shape_cast %get3A_1237 : vector<1x16xf32> to vector<16xf32>
          %add3A_1239 = arith.addf %add3A_1230, %get3A_1238 : vector<16xf32>
          %mul3A_1240 = arith.constant 25 : i32
          %mul3A_1241 = arith.muli %scan3A_117, %mul3A_1240 : i32
          %add3A_1242 = arith.constant 23 : i32
          %add3A_1243 = arith.addi %mul3A_1241, %add3A_1242 : i32
          %get3A_1244 = arith.index_cast %add3A_1243 : i32 to index
          %get3A_1245 = arith.constant 64 : index
          %get3A_1246 = tpu.vector_load %arg11[%get3A_1244, %get3A_1245] {strides = array<i32>} : memref<200x128xf32, #tpu.memory_space<vmem>>, vector<1x16xf32>,
          %get3A_1247 = vector.shape_cast %get3A_1246 : vector<1x16xf32> to vector<16xf32>
          %add3A_1248 = arith.addf %add3A_1239, %get3A_1247 : vector<16xf32>
          %mul3A_1249 = arith.constant 25 : i32
          %mul3A_1250 = arith.muli %scan3A_117, %mul3A_1249 : i32
          %add3A_1251 = arith.constant 24 : i32
          %add3A_1252 = arith.addi %mul3A_1250, %add3A_1251 : i32
          %get3A_1253 = arith.index_cast %add3A_1252 : i32 to index
          %get3A_1254 = arith.constant 64 : index
          %get3A_1255 = tpu.vector_load %arg11[%get3A_1253, %get3A_1254] {strides = array<i32>} : memref<200x128xf32, #tpu.memory_space<vmem>>, vector<1x16xf32>,
          %get3A_1256 = vector.shape_cast %get3A_1255 : vector<1x16xf32> to vector<16xf32>
          %add3A_1257 = arith.addf %add3A_1248, %get3A_1256 : vector<16xf32>
          %mul3A_1258 = arith.constant 4.000000e-02 : f32
          %mul3A_1259 = vector.broadcast %mul3A_1258 : f32 to vector<16xf32>
          %mul3A_1260 = arith.mulf %add3A_1257, %mul3A_1259 : vector<16xf32>
          %swap3A_1261 = arith.index_cast %scan3A_117 : i32 to index
          %swap3A_1262 = arith.constant 64 : index
          %swap3A_1263 = tpu.vector_load %arg15[%swap3A_1261, %swap3A_1262] {strides = array<i32>} : memref<8x128xf32, #tpu.memory_space<vmem>>, vector<1x16xf32>,
          %swap3A_1264 = vector.shape_cast %swap3A_1263 : vector<1x16xf32> to vector<16xf32>
          %swap3A_1265 = vector.shape_cast %mul3A_1260 : vector<16xf32> to vector<1x16xf32>
          tpu.vector_store %arg15[%swap3A_1261, %swap3A_1262], %swap3A_1265 {strides = array<i32>} : memref<8x128xf32, #tpu.memory_space<vmem>>, vector<1x16xf32>,
          %mul3A_1266 = arith.constant 25 : i32
          %mul3A_1267 = arith.muli %scan3A_117, %mul3A_1266 : i32
          %get3A_1268 = arith.index_cast %mul3A_1267 : i32 to index
          %get3A_1269 = arith.constant 80 : index
          %get3A_1270 = tpu.vector_load %arg11[%get3A_1268, %get3A_1269] {strides = array<i32>} : memref<200x128xf32, #tpu.memory_space<vmem>>, vector<1x16xf32>,
          %get3A_1271 = vector.shape_cast %get3A_1270 : vector<1x16xf32> to vector<16xf32>
          %mul3A_1272 = arith.constant 25 : i32
          %mul3A_1273 = arith.muli %scan3A_117, %mul3A_1272 : i32
          %add3A_1274 = arith.constant 1 : i32
          %add3A_1275 = arith.addi %mul3A_1273, %add3A_1274 : i32
          %get3A_1276 = arith.index_cast %add3A_1275 : i32 to index
          %get3A_1277 = arith.constant 80 : index
          %get3A_1278 = tpu.vector_load %arg11[%get3A_1276, %get3A_1277] {strides = array<i32>} : memref<200x128xf32, #tpu.memory_space<vmem>>, vector<1x16xf32>,
          %get3A_1279 = vector.shape_cast %get3A_1278 : vector<1x16xf32> to vector<16xf32>
          %add3A_1280 = arith.addf %get3A_1271, %get3A_1279 : vector<16xf32>
          %mul3A_1281 = arith.constant 25 : i32
          %mul3A_1282 = arith.muli %scan3A_117, %mul3A_1281 : i32
          %add3A_1283 = arith.constant 2 : i32
          %add3A_1284 = arith.addi %mul3A_1282, %add3A_1283 : i32
          %get3A_1285 = arith.index_cast %add3A_1284 : i32 to index
          %get3A_1286 = arith.constant 80 : index
          %get3A_1287 = tpu.vector_load %arg11[%get3A_1285, %get3A_1286] {strides = array<i32>} : memref<200x128xf32, #tpu.memory_space<vmem>>, vector<1x16xf32>,
          %get3A_1288 = vector.shape_cast %get3A_1287 : vector<1x16xf32> to vector<16xf32>
          %add3A_1289 = arith.addf %add3A_1280, %get3A_1288 : vector<16xf32>
          %mul3A_1290 = arith.constant 25 : i32
          %mul3A_1291 = arith.muli %scan3A_117, %mul3A_1290 : i32
          %add3A_1292 = arith.constant 3 : i32
          %add3A_1293 = arith.addi %mul3A_1291, %add3A_1292 : i32
          %get3A_1294 = arith.index_cast %add3A_1293 : i32 to index
          %get3A_1295 = arith.constant 80 : index
          %get3A_1296 = tpu.vector_load %arg11[%get3A_1294, %get3A_1295] {strides = array<i32>} : memref<200x128xf32, #tpu.memory_space<vmem>>, vector<1x16xf32>,
          %get3A_1297 = vector.shape_cast %get3A_1296 : vector<1x16xf32> to vector<16xf32>
          %add3A_1298 = arith.addf %add3A_1289, %get3A_1297 : vector<16xf32>
          %mul3A_1299 = arith.constant 25 : i32
          %mul3A_1300 = arith.muli %scan3A_117, %mul3A_1299 : i32
          %add3A_1301 = arith.constant 4 : i32
          %add3A_1302 = arith.addi %mul3A_1300, %add3A_1301 : i32
          %get3A_1303 = arith.index_cast %add3A_1302 : i32 to index
          %get3A_1304 = arith.constant 80 : index
          %get3A_1305 = tpu.vector_load %arg11[%get3A_1303, %get3A_1304] {strides = array<i32>} : memref<200x128xf32, #tpu.memory_space<vmem>>, vector<1x16xf32>,
          %get3A_1306 = vector.shape_cast %get3A_1305 : vector<1x16xf32> to vector<16xf32>
          %add3A_1307 = arith.addf %add3A_1298, %get3A_1306 : vector<16xf32>
          %mul3A_1308 = arith.constant 25 : i32
          %mul3A_1309 = arith.muli %scan3A_117, %mul3A_1308 : i32
          %add3A_1310 = arith.constant 5 : i32
          %add3A_1311 = arith.addi %mul3A_1309, %add3A_1310 : i32
          %get3A_1312 = arith.index_cast %add3A_1311 : i32 to index
          %get3A_1313 = arith.constant 80 : index
          %get3A_1314 = tpu.vector_load %arg11[%get3A_1312, %get3A_1313] {strides = array<i32>} : memref<200x128xf32, #tpu.memory_space<vmem>>, vector<1x16xf32>,
          %get3A_1315 = vector.shape_cast %get3A_1314 : vector<1x16xf32> to vector<16xf32>
          %add3A_1316 = arith.addf %add3A_1307, %get3A_1315 : vector<16xf32>
          %mul3A_1317 = arith.constant 25 : i32
          %mul3A_1318 = arith.muli %scan3A_117, %mul3A_1317 : i32
          %add3A_1319 = arith.constant 6 : i32
          %add3A_1320 = arith.addi %mul3A_1318, %add3A_1319 : i32
          %get3A_1321 = arith.index_cast %add3A_1320 : i32 to index
          %get3A_1322 = arith.constant 80 : index
          %get3A_1323 = tpu.vector_load %arg11[%get3A_1321, %get3A_1322] {strides = array<i32>} : memref<200x128xf32, #tpu.memory_space<vmem>>, vector<1x16xf32>,
          %get3A_1324 = vector.shape_cast %get3A_1323 : vector<1x16xf32> to vector<16xf32>
          %add3A_1325 = arith.addf %add3A_1316, %get3A_1324 : vector<16xf32>
          %mul3A_1326 = arith.constant 25 : i32
          %mul3A_1327 = arith.muli %scan3A_117, %mul3A_1326 : i32
          %add3A_1328 = arith.constant 7 : i32
          %add3A_1329 = arith.addi %mul3A_1327, %add3A_1328 : i32
          %get3A_1330 = arith.index_cast %add3A_1329 : i32 to index
          %get3A_1331 = arith.constant 80 : index
          %get3A_1332 = tpu.vector_load %arg11[%get3A_1330, %get3A_1331] {strides = array<i32>} : memref<200x128xf32, #tpu.memory_space<vmem>>, vector<1x16xf32>,
          %get3A_1333 = vector.shape_cast %get3A_1332 : vector<1x16xf32> to vector<16xf32>
          %add3A_1334 = arith.addf %add3A_1325, %get3A_1333 : vector<16xf32>
          %mul3A_1335 = arith.constant 25 : i32
          %mul3A_1336 = arith.muli %scan3A_117, %mul3A_1335 : i32
          %add3A_1337 = arith.constant 8 : i32
          %add3A_1338 = arith.addi %mul3A_1336, %add3A_1337 : i32
          %get3A_1339 = arith.index_cast %add3A_1338 : i32 to index
          %get3A_1340 = arith.constant 80 : index
          %get3A_1341 = tpu.vector_load %arg11[%get3A_1339, %get3A_1340] {strides = array<i32>} : memref<200x128xf32, #tpu.memory_space<vmem>>, vector<1x16xf32>,
          %get3A_1342 = vector.shape_cast %get3A_1341 : vector<1x16xf32> to vector<16xf32>
          %add3A_1343 = arith.addf %add3A_1334, %get3A_1342 : vector<16xf32>
          %mul3A_1344 = arith.constant 25 : i32
          %mul3A_1345 = arith.muli %scan3A_117, %mul3A_1344 : i32
          %add3A_1346 = arith.constant 9 : i32
          %add3A_1347 = arith.addi %mul3A_1345, %add3A_1346 : i32
          %get3A_1348 = arith.index_cast %add3A_1347 : i32 to index
          %get3A_1349 = arith.constant 80 : index
          %get3A_1350 = tpu.vector_load %arg11[%get3A_1348, %get3A_1349] {strides = array<i32>} : memref<200x128xf32, #tpu.memory_space<vmem>>, vector<1x16xf32>,
          %get3A_1351 = vector.shape_cast %get3A_1350 : vector<1x16xf32> to vector<16xf32>
          %add3A_1352 = arith.addf %add3A_1343, %get3A_1351 : vector<16xf32>
          %mul3A_1353 = arith.constant 25 : i32
          %mul3A_1354 = arith.muli %scan3A_117, %mul3A_1353 : i32
          %add3A_1355 = arith.constant 10 : i32
          %add3A_1356 = arith.addi %mul3A_1354, %add3A_1355 : i32
          %get3A_1357 = arith.index_cast %add3A_1356 : i32 to index
          %get3A_1358 = arith.constant 80 : index
          %get3A_1359 = tpu.vector_load %arg11[%get3A_1357, %get3A_1358] {strides = array<i32>} : memref<200x128xf32, #tpu.memory_space<vmem>>, vector<1x16xf32>,
          %get3A_1360 = vector.shape_cast %get3A_1359 : vector<1x16xf32> to vector<16xf32>
          %add3A_1361 = arith.addf %add3A_1352, %get3A_1360 : vector<16xf32>
          %mul3A_1362 = arith.constant 25 : i32
          %mul3A_1363 = arith.muli %scan3A_117, %mul3A_1362 : i32
          %add3A_1364 = arith.constant 11 : i32
          %add3A_1365 = arith.addi %mul3A_1363, %add3A_1364 : i32
          %get3A_1366 = arith.index_cast %add3A_1365 : i32 to index
          %get3A_1367 = arith.constant 80 : index
          %get3A_1368 = tpu.vector_load %arg11[%get3A_1366, %get3A_1367] {strides = array<i32>} : memref<200x128xf32, #tpu.memory_space<vmem>>, vector<1x16xf32>,
          %get3A_1369 = vector.shape_cast %get3A_1368 : vector<1x16xf32> to vector<16xf32>
          %add3A_1370 = arith.addf %add3A_1361, %get3A_1369 : vector<16xf32>
          %mul3A_1371 = arith.constant 25 : i32
          %mul3A_1372 = arith.muli %scan3A_117, %mul3A_1371 : i32
          %add3A_1373 = arith.constant 12 : i32
          %add3A_1374 = arith.addi %mul3A_1372, %add3A_1373 : i32
          %get3A_1375 = arith.index_cast %add3A_1374 : i32 to index
          %get3A_1376 = arith.constant 80 : index
          %get3A_1377 = tpu.vector_load %arg11[%get3A_1375, %get3A_1376] {strides = array<i32>} : memref<200x128xf32, #tpu.memory_space<vmem>>, vector<1x16xf32>,
          %get3A_1378 = vector.shape_cast %get3A_1377 : vector<1x16xf32> to vector<16xf32>
          %add3A_1379 = arith.addf %add3A_1370, %get3A_1378 : vector<16xf32>
          %mul3A_1380 = arith.constant 25 : i32
          %mul3A_1381 = arith.muli %scan3A_117, %mul3A_1380 : i32
          %add3A_1382 = arith.constant 13 : i32
          %add3A_1383 = arith.addi %mul3A_1381, %add3A_1382 : i32
          %get3A_1384 = arith.index_cast %add3A_1383 : i32 to index
          %get3A_1385 = arith.constant 80 : index
          %get3A_1386 = tpu.vector_load %arg11[%get3A_1384, %get3A_1385] {strides = array<i32>} : memref<200x128xf32, #tpu.memory_space<vmem>>, vector<1x16xf32>,
          %get3A_1387 = vector.shape_cast %get3A_1386 : vector<1x16xf32> to vector<16xf32>
          %add3A_1388 = arith.addf %add3A_1379, %get3A_1387 : vector<16xf32>
          %mul3A_1389 = arith.constant 25 : i32
          %mul3A_1390 = arith.muli %scan3A_117, %mul3A_1389 : i32
          %add3A_1391 = arith.constant 14 : i32
          %add3A_1392 = arith.addi %mul3A_1390, %add3A_1391 : i32
          %get3A_1393 = arith.index_cast %add3A_1392 : i32 to index
          %get3A_1394 = arith.constant 80 : index
          %get3A_1395 = tpu.vector_load %arg11[%get3A_1393, %get3A_1394] {strides = array<i32>} : memref<200x128xf32, #tpu.memory_space<vmem>>, vector<1x16xf32>,
          %get3A_1396 = vector.shape_cast %get3A_1395 : vector<1x16xf32> to vector<16xf32>
          %add3A_1397 = arith.addf %add3A_1388, %get3A_1396 : vector<16xf32>
          %mul3A_1398 = arith.constant 25 : i32
          %mul3A_1399 = arith.muli %scan3A_117, %mul3A_1398 : i32
          %add3A_1400 = arith.constant 15 : i32
          %add3A_1401 = arith.addi %mul3A_1399, %add3A_1400 : i32
          %get3A_1402 = arith.index_cast %add3A_1401 : i32 to index
          %get3A_1403 = arith.constant 80 : index
          %get3A_1404 = tpu.vector_load %arg11[%get3A_1402, %get3A_1403] {strides = array<i32>} : memref<200x128xf32, #tpu.memory_space<vmem>>, vector<1x16xf32>,
          %get3A_1405 = vector.shape_cast %get3A_1404 : vector<1x16xf32> to vector<16xf32>
          %add3A_1406 = arith.addf %add3A_1397, %get3A_1405 : vector<16xf32>
          %mul3A_1407 = arith.constant 25 : i32
          %mul3A_1408 = arith.muli %scan3A_117, %mul3A_1407 : i32
          %add3A_1409 = arith.constant 16 : i32
          %add3A_1410 = arith.addi %mul3A_1408, %add3A_1409 : i32
          %get3A_1411 = arith.index_cast %add3A_1410 : i32 to index
          %get3A_1412 = arith.constant 80 : index
          %get3A_1413 = tpu.vector_load %arg11[%get3A_1411, %get3A_1412] {strides = array<i32>} : memref<200x128xf32, #tpu.memory_space<vmem>>, vector<1x16xf32>,
          %get3A_1414 = vector.shape_cast %get3A_1413 : vector<1x16xf32> to vector<16xf32>
          %add3A_1415 = arith.addf %add3A_1406, %get3A_1414 : vector<16xf32>
          %mul3A_1416 = arith.constant 25 : i32
          %mul3A_1417 = arith.muli %scan3A_117, %mul3A_1416 : i32
          %add3A_1418 = arith.constant 17 : i32
          %add3A_1419 = arith.addi %mul3A_1417, %add3A_1418 : i32
          %get3A_1420 = arith.index_cast %add3A_1419 : i32 to index
          %get3A_1421 = arith.constant 80 : index
          %get3A_1422 = tpu.vector_load %arg11[%get3A_1420, %get3A_1421] {strides = array<i32>} : memref<200x128xf32, #tpu.memory_space<vmem>>, vector<1x16xf32>,
          %get3A_1423 = vector.shape_cast %get3A_1422 : vector<1x16xf32> to vector<16xf32>
          %add3A_1424 = arith.addf %add3A_1415, %get3A_1423 : vector<16xf32>
          %mul3A_1425 = arith.constant 25 : i32
          %mul3A_1426 = arith.muli %scan3A_117, %mul3A_1425 : i32
          %add3A_1427 = arith.constant 18 : i32
          %add3A_1428 = arith.addi %mul3A_1426, %add3A_1427 : i32
          %get3A_1429 = arith.index_cast %add3A_1428 : i32 to index
          %get3A_1430 = arith.constant 80 : index
          %get3A_1431 = tpu.vector_load %arg11[%get3A_1429, %get3A_1430] {strides = array<i32>} : memref<200x128xf32, #tpu.memory_space<vmem>>, vector<1x16xf32>,
          %get3A_1432 = vector.shape_cast %get3A_1431 : vector<1x16xf32> to vector<16xf32>
          %add3A_1433 = arith.addf %add3A_1424, %get3A_1432 : vector<16xf32>
          %mul3A_1434 = arith.constant 25 : i32
          %mul3A_1435 = arith.muli %scan3A_117, %mul3A_1434 : i32
          %add3A_1436 = arith.constant 19 : i32
          %add3A_1437 = arith.addi %mul3A_1435, %add3A_1436 : i32
          %get3A_1438 = arith.index_cast %add3A_1437 : i32 to index
          %get3A_1439 = arith.constant 80 : index
          %get3A_1440 = tpu.vector_load %arg11[%get3A_1438, %get3A_1439] {strides = array<i32>} : memref<200x128xf32, #tpu.memory_space<vmem>>, vector<1x16xf32>,
          %get3A_1441 = vector.shape_cast %get3A_1440 : vector<1x16xf32> to vector<16xf32>
          %add3A_1442 = arith.addf %add3A_1433, %get3A_1441 : vector<16xf32>
          %mul3A_1443 = arith.constant 25 : i32
          %mul3A_1444 = arith.muli %scan3A_117, %mul3A_1443 : i32
          %add3A_1445 = arith.constant 20 : i32
          %add3A_1446 = arith.addi %mul3A_1444, %add3A_1445 : i32
          %get3A_1447 = arith.index_cast %add3A_1446 : i32 to index
          %get3A_1448 = arith.constant 80 : index
          %get3A_1449 = tpu.vector_load %arg11[%get3A_1447, %get3A_1448] {strides = array<i32>} : memref<200x128xf32, #tpu.memory_space<vmem>>, vector<1x16xf32>,
          %get3A_1450 = vector.shape_cast %get3A_1449 : vector<1x16xf32> to vector<16xf32>
          %add3A_1451 = arith.addf %add3A_1442, %get3A_1450 : vector<16xf32>
          %mul3A_1452 = arith.constant 25 : i32
          %mul3A_1453 = arith.muli %scan3A_117, %mul3A_1452 : i32
          %add3A_1454 = arith.constant 21 : i32
          %add3A_1455 = arith.addi %mul3A_1453, %add3A_1454 : i32
          %get3A_1456 = arith.index_cast %add3A_1455 : i32 to index
          %get3A_1457 = arith.constant 80 : index
          %get3A_1458 = tpu.vector_load %arg11[%get3A_1456, %get3A_1457] {strides = array<i32>} : memref<200x128xf32, #tpu.memory_space<vmem>>, vector<1x16xf32>,
          %get3A_1459 = vector.shape_cast %get3A_1458 : vector<1x16xf32> to vector<16xf32>
          %add3A_1460 = arith.addf %add3A_1451, %get3A_1459 : vector<16xf32>
          %mul3A_1461 = arith.constant 25 : i32
          %mul3A_1462 = arith.muli %scan3A_117, %mul3A_1461 : i32
          %add3A_1463 = arith.constant 22 : i32
          %add3A_1464 = arith.addi %mul3A_1462, %add3A_1463 : i32
          %get3A_1465 = arith.index_cast %add3A_1464 : i32 to index
          %get3A_1466 = arith.constant 80 : index
          %get3A_1467 = tpu.vector_load %arg11[%get3A_1465, %get3A_1466] {strides = array<i32>} : memref<200x128xf32, #tpu.memory_space<vmem>>, vector<1x16xf32>,
          %get3A_1468 = vector.shape_cast %get3A_1467 : vector<1x16xf32> to vector<16xf32>
          %add3A_1469 = arith.addf %add3A_1460, %get3A_1468 : vector<16xf32>
          %mul3A_1470 = arith.constant 25 : i32
          %mul3A_1471 = arith.muli %scan3A_117, %mul3A_1470 : i32
          %add3A_1472 = arith.constant 23 : i32
          %add3A_1473 = arith.addi %mul3A_1471, %add3A_1472 : i32
          %get3A_1474 = arith.index_cast %add3A_1473 : i32 to index
          %get3A_1475 = arith.constant 80 : index
          %get3A_1476 = tpu.vector_load %arg11[%get3A_1474, %get3A_1475] {strides = array<i32>} : memref<200x128xf32, #tpu.memory_space<vmem>>, vector<1x16xf32>,
          %get3A_1477 = vector.shape_cast %get3A_1476 : vector<1x16xf32> to vector<16xf32>
          %add3A_1478 = arith.addf %add3A_1469, %get3A_1477 : vector<16xf32>
          %mul3A_1479 = arith.constant 25 : i32
          %mul3A_1480 = arith.muli %scan3A_117, %mul3A_1479 : i32
          %add3A_1481 = arith.constant 24 : i32
          %add3A_1482 = arith.addi %mul3A_1480, %add3A_1481 : i32
          %get3A_1483 = arith.index_cast %add3A_1482 : i32 to index
          %get3A_1484 = arith.constant 80 : index
          %get3A_1485 = tpu.vector_load %arg11[%get3A_1483, %get3A_1484] {strides = array<i32>} : memref<200x128xf32, #tpu.memory_space<vmem>>, vector<1x16xf32>,
          %get3A_1486 = vector.shape_cast %get3A_1485 : vector<1x16xf32> to vector<16xf32>
          %add3A_1487 = arith.addf %add3A_1478, %get3A_1486 : vector<16xf32>
          %mul3A_1488 = arith.constant 4.000000e-02 : f32
          %mul3A_1489 = vector.broadcast %mul3A_1488 : f32 to vector<16xf32>
          %mul3A_1490 = arith.mulf %add3A_1487, %mul3A_1489 : vector<16xf32>
          %swap3A_1491 = arith.index_cast %scan3A_117 : i32 to index
          %swap3A_1492 = arith.constant 80 : index
          %swap3A_1493 = tpu.vector_load %arg15[%swap3A_1491, %swap3A_1492] {strides = array<i32>} : memref<8x128xf32, #tpu.memory_space<vmem>>, vector<1x16xf32>,
          %swap3A_1494 = vector.shape_cast %swap3A_1493 : vector<1x16xf32> to vector<16xf32>
          %swap3A_1495 = vector.shape_cast %mul3A_1490 : vector<16xf32> to vector<1x16xf32>
          tpu.vector_store %arg15[%swap3A_1491, %swap3A_1492], %swap3A_1495 {strides = array<i32>} : memref<8x128xf32, #tpu.memory_space<vmem>>, vector<1x16xf32>,
          %mul3A_1496 = arith.constant 25 : i32
          %mul3A_1497 = arith.muli %scan3A_117, %mul3A_1496 : i32
          %get3A_1498 = arith.index_cast %mul3A_1497 : i32 to index
          %get3A_1499 = arith.constant 96 : index
          %get3A_1500 = tpu.vector_load %arg11[%get3A_1498, %get3A_1499] {strides = array<i32>} : memref<200x128xf32, #tpu.memory_space<vmem>>, vector<1x16xf32>,
          %get3A_1501 = vector.shape_cast %get3A_1500 : vector<1x16xf32> to vector<16xf32>
          %mul3A_1502 = arith.constant 25 : i32
          %mul3A_1503 = arith.muli %scan3A_117, %mul3A_1502 : i32
          %add3A_1504 = arith.constant 1 : i32
          %add3A_1505 = arith.addi %mul3A_1503, %add3A_1504 : i32
          %get3A_1506 = arith.index_cast %add3A_1505 : i32 to index
          %get3A_1507 = arith.constant 96 : index
          %get3A_1508 = tpu.vector_load %arg11[%get3A_1506, %get3A_1507] {strides = array<i32>} : memref<200x128xf32, #tpu.memory_space<vmem>>, vector<1x16xf32>,
          %get3A_1509 = vector.shape_cast %get3A_1508 : vector<1x16xf32> to vector<16xf32>
          %add3A_1510 = arith.addf %get3A_1501, %get3A_1509 : vector<16xf32>
          %mul3A_1511 = arith.constant 25 : i32
          %mul3A_1512 = arith.muli %scan3A_117, %mul3A_1511 : i32
          %add3A_1513 = arith.constant 2 : i32
          %add3A_1514 = arith.addi %mul3A_1512, %add3A_1513 : i32
          %get3A_1515 = arith.index_cast %add3A_1514 : i32 to index
          %get3A_1516 = arith.constant 96 : index
          %get3A_1517 = tpu.vector_load %arg11[%get3A_1515, %get3A_1516] {strides = array<i32>} : memref<200x128xf32, #tpu.memory_space<vmem>>, vector<1x16xf32>,
          %get3A_1518 = vector.shape_cast %get3A_1517 : vector<1x16xf32> to vector<16xf32>
          %add3A_1519 = arith.addf %add3A_1510, %get3A_1518 : vector<16xf32>
          %mul3A_1520 = arith.constant 25 : i32
          %mul3A_1521 = arith.muli %scan3A_117, %mul3A_1520 : i32
          %add3A_1522 = arith.constant 3 : i32
          %add3A_1523 = arith.addi %mul3A_1521, %add3A_1522 : i32
          %get3A_1524 = arith.index_cast %add3A_1523 : i32 to index
          %get3A_1525 = arith.constant 96 : index
          %get3A_1526 = tpu.vector_load %arg11[%get3A_1524, %get3A_1525] {strides = array<i32>} : memref<200x128xf32, #tpu.memory_space<vmem>>, vector<1x16xf32>,
          %get3A_1527 = vector.shape_cast %get3A_1526 : vector<1x16xf32> to vector<16xf32>
          %add3A_1528 = arith.addf %add3A_1519, %get3A_1527 : vector<16xf32>
          %mul3A_1529 = arith.constant 25 : i32
          %mul3A_1530 = arith.muli %scan3A_117, %mul3A_1529 : i32
          %add3A_1531 = arith.constant 4 : i32
          %add3A_1532 = arith.addi %mul3A_1530, %add3A_1531 : i32
          %get3A_1533 = arith.index_cast %add3A_1532 : i32 to index
          %get3A_1534 = arith.constant 96 : index
          %get3A_1535 = tpu.vector_load %arg11[%get3A_1533, %get3A_1534] {strides = array<i32>} : memref<200x128xf32, #tpu.memory_space<vmem>>, vector<1x16xf32>,
          %get3A_1536 = vector.shape_cast %get3A_1535 : vector<1x16xf32> to vector<16xf32>
          %add3A_1537 = arith.addf %add3A_1528, %get3A_1536 : vector<16xf32>
          %mul3A_1538 = arith.constant 25 : i32
          %mul3A_1539 = arith.muli %scan3A_117, %mul3A_1538 : i32
          %add3A_1540 = arith.constant 5 : i32
          %add3A_1541 = arith.addi %mul3A_1539, %add3A_1540 : i32
          %get3A_1542 = arith.index_cast %add3A_1541 : i32 to index
          %get3A_1543 = arith.constant 96 : index
          %get3A_1544 = tpu.vector_load %arg11[%get3A_1542, %get3A_1543] {strides = array<i32>} : memref<200x128xf32, #tpu.memory_space<vmem>>, vector<1x16xf32>,
          %get3A_1545 = vector.shape_cast %get3A_1544 : vector<1x16xf32> to vector<16xf32>
          %add3A_1546 = arith.addf %add3A_1537, %get3A_1545 : vector<16xf32>
          %mul3A_1547 = arith.constant 25 : i32
          %mul3A_1548 = arith.muli %scan3A_117, %mul3A_1547 : i32
          %add3A_1549 = arith.constant 6 : i32
          %add3A_1550 = arith.addi %mul3A_1548, %add3A_1549 : i32
          %get3A_1551 = arith.index_cast %add3A_1550 : i32 to index
          %get3A_1552 = arith.constant 96 : index
          %get3A_1553 = tpu.vector_load %arg11[%get3A_1551, %get3A_1552] {strides = array<i32>} : memref<200x128xf32, #tpu.memory_space<vmem>>, vector<1x16xf32>,
          %get3A_1554 = vector.shape_cast %get3A_1553 : vector<1x16xf32> to vector<16xf32>
          %add3A_1555 = arith.addf %add3A_1546, %get3A_1554 : vector<16xf32>
          %mul3A_1556 = arith.constant 25 : i32
          %mul3A_1557 = arith.muli %scan3A_117, %mul3A_1556 : i32
          %add3A_1558 = arith.constant 7 : i32
          %add3A_1559 = arith.addi %mul3A_1557, %add3A_1558 : i32
          %get3A_1560 = arith.index_cast %add3A_1559 : i32 to index
          %get3A_1561 = arith.constant 96 : index
          %get3A_1562 = tpu.vector_load %arg11[%get3A_1560, %get3A_1561] {strides = array<i32>} : memref<200x128xf32, #tpu.memory_space<vmem>>, vector<1x16xf32>,
          %get3A_1563 = vector.shape_cast %get3A_1562 : vector<1x16xf32> to vector<16xf32>
          %add3A_1564 = arith.addf %add3A_1555, %get3A_1563 : vector<16xf32>
          %mul3A_1565 = arith.constant 25 : i32
          %mul3A_1566 = arith.muli %scan3A_117, %mul3A_1565 : i32
          %add3A_1567 = arith.constant 8 : i32
          %add3A_1568 = arith.addi %mul3A_1566, %add3A_1567 : i32
          %get3A_1569 = arith.index_cast %add3A_1568 : i32 to index
          %get3A_1570 = arith.constant 96 : index
          %get3A_1571 = tpu.vector_load %arg11[%get3A_1569, %get3A_1570] {strides = array<i32>} : memref<200x128xf32, #tpu.memory_space<vmem>>, vector<1x16xf32>,
          %get3A_1572 = vector.shape_cast %get3A_1571 : vector<1x16xf32> to vector<16xf32>
          %add3A_1573 = arith.addf %add3A_1564, %get3A_1572 : vector<16xf32>
          %mul3A_1574 = arith.constant 25 : i32
          %mul3A_1575 = arith.muli %scan3A_117, %mul3A_1574 : i32
          %add3A_1576 = arith.constant 9 : i32
          %add3A_1577 = arith.addi %mul3A_1575, %add3A_1576 : i32
          %get3A_1578 = arith.index_cast %add3A_1577 : i32 to index
          %get3A_1579 = arith.constant 96 : index
          %get3A_1580 = tpu.vector_load %arg11[%get3A_1578, %get3A_1579] {strides = array<i32>} : memref<200x128xf32, #tpu.memory_space<vmem>>, vector<1x16xf32>,
          %get3A_1581 = vector.shape_cast %get3A_1580 : vector<1x16xf32> to vector<16xf32>
          %add3A_1582 = arith.addf %add3A_1573, %get3A_1581 : vector<16xf32>
          %mul3A_1583 = arith.constant 25 : i32
          %mul3A_1584 = arith.muli %scan3A_117, %mul3A_1583 : i32
          %add3A_1585 = arith.constant 10 : i32
          %add3A_1586 = arith.addi %mul3A_1584, %add3A_1585 : i32
          %get3A_1587 = arith.index_cast %add3A_1586 : i32 to index
          %get3A_1588 = arith.constant 96 : index
          %get3A_1589 = tpu.vector_load %arg11[%get3A_1587, %get3A_1588] {strides = array<i32>} : memref<200x128xf32, #tpu.memory_space<vmem>>, vector<1x16xf32>,
          %get3A_1590 = vector.shape_cast %get3A_1589 : vector<1x16xf32> to vector<16xf32>
          %add3A_1591 = arith.addf %add3A_1582, %get3A_1590 : vector<16xf32>
          %mul3A_1592 = arith.constant 25 : i32
          %mul3A_1593 = arith.muli %scan3A_117, %mul3A_1592 : i32
          %add3A_1594 = arith.constant 11 : i32
          %add3A_1595 = arith.addi %mul3A_1593, %add3A_1594 : i32
          %get3A_1596 = arith.index_cast %add3A_1595 : i32 to index
          %get3A_1597 = arith.constant 96 : index
          %get3A_1598 = tpu.vector_load %arg11[%get3A_1596, %get3A_1597] {strides = array<i32>} : memref<200x128xf32, #tpu.memory_space<vmem>>, vector<1x16xf32>,
          %get3A_1599 = vector.shape_cast %get3A_1598 : vector<1x16xf32> to vector<16xf32>
          %add3A_1600 = arith.addf %add3A_1591, %get3A_1599 : vector<16xf32>
          %mul3A_1601 = arith.constant 25 : i32
          %mul3A_1602 = arith.muli %scan3A_117, %mul3A_1601 : i32
          %add3A_1603 = arith.constant 12 : i32
          %add3A_1604 = arith.addi %mul3A_1602, %add3A_1603 : i32
          %get3A_1605 = arith.index_cast %add3A_1604 : i32 to index
          %get3A_1606 = arith.constant 96 : index
          %get3A_1607 = tpu.vector_load %arg11[%get3A_1605, %get3A_1606] {strides = array<i32>} : memref<200x128xf32, #tpu.memory_space<vmem>>, vector<1x16xf32>,
          %get3A_1608 = vector.shape_cast %get3A_1607 : vector<1x16xf32> to vector<16xf32>
          %add3A_1609 = arith.addf %add3A_1600, %get3A_1608 : vector<16xf32>
          %mul3A_1610 = arith.constant 25 : i32
          %mul3A_1611 = arith.muli %scan3A_117, %mul3A_1610 : i32
          %add3A_1612 = arith.constant 13 : i32
          %add3A_1613 = arith.addi %mul3A_1611, %add3A_1612 : i32
          %get3A_1614 = arith.index_cast %add3A_1613 : i32 to index
          %get3A_1615 = arith.constant 96 : index
          %get3A_1616 = tpu.vector_load %arg11[%get3A_1614, %get3A_1615] {strides = array<i32>} : memref<200x128xf32, #tpu.memory_space<vmem>>, vector<1x16xf32>,
          %get3A_1617 = vector.shape_cast %get3A_1616 : vector<1x16xf32> to vector<16xf32>
          %add3A_1618 = arith.addf %add3A_1609, %get3A_1617 : vector<16xf32>
          %mul3A_1619 = arith.constant 25 : i32
          %mul3A_1620 = arith.muli %scan3A_117, %mul3A_1619 : i32
          %add3A_1621 = arith.constant 14 : i32
          %add3A_1622 = arith.addi %mul3A_1620, %add3A_1621 : i32
          %get3A_1623 = arith.index_cast %add3A_1622 : i32 to index
          %get3A_1624 = arith.constant 96 : index
          %get3A_1625 = tpu.vector_load %arg11[%get3A_1623, %get3A_1624] {strides = array<i32>} : memref<200x128xf32, #tpu.memory_space<vmem>>, vector<1x16xf32>,
          %get3A_1626 = vector.shape_cast %get3A_1625 : vector<1x16xf32> to vector<16xf32>
          %add3A_1627 = arith.addf %add3A_1618, %get3A_1626 : vector<16xf32>
          %mul3A_1628 = arith.constant 25 : i32
          %mul3A_1629 = arith.muli %scan3A_117, %mul3A_1628 : i32
          %add3A_1630 = arith.constant 15 : i32
          %add3A_1631 = arith.addi %mul3A_1629, %add3A_1630 : i32
          %get3A_1632 = arith.index_cast %add3A_1631 : i32 to index
          %get3A_1633 = arith.constant 96 : index
          %get3A_1634 = tpu.vector_load %arg11[%get3A_1632, %get3A_1633] {strides = array<i32>} : memref<200x128xf32, #tpu.memory_space<vmem>>, vector<1x16xf32>,
          %get3A_1635 = vector.shape_cast %get3A_1634 : vector<1x16xf32> to vector<16xf32>
          %add3A_1636 = arith.addf %add3A_1627, %get3A_1635 : vector<16xf32>
          %mul3A_1637 = arith.constant 25 : i32
          %mul3A_1638 = arith.muli %scan3A_117, %mul3A_1637 : i32
          %add3A_1639 = arith.constant 16 : i32
          %add3A_1640 = arith.addi %mul3A_1638, %add3A_1639 : i32
          %get3A_1641 = arith.index_cast %add3A_1640 : i32 to index
          %get3A_1642 = arith.constant 96 : index
          %get3A_1643 = tpu.vector_load %arg11[%get3A_1641, %get3A_1642] {strides = array<i32>} : memref<200x128xf32, #tpu.memory_space<vmem>>, vector<1x16xf32>,
          %get3A_1644 = vector.shape_cast %get3A_1643 : vector<1x16xf32> to vector<16xf32>
          %add3A_1645 = arith.addf %add3A_1636, %get3A_1644 : vector<16xf32>
          %mul3A_1646 = arith.constant 25 : i32
          %mul3A_1647 = arith.muli %scan3A_117, %mul3A_1646 : i32
          %add3A_1648 = arith.constant 17 : i32
          %add3A_1649 = arith.addi %mul3A_1647, %add3A_1648 : i32
          %get3A_1650 = arith.index_cast %add3A_1649 : i32 to index
          %get3A_1651 = arith.constant 96 : index
          %get3A_1652 = tpu.vector_load %arg11[%get3A_1650, %get3A_1651] {strides = array<i32>} : memref<200x128xf32, #tpu.memory_space<vmem>>, vector<1x16xf32>,
          %get3A_1653 = vector.shape_cast %get3A_1652 : vector<1x16xf32> to vector<16xf32>
          %add3A_1654 = arith.addf %add3A_1645, %get3A_1653 : vector<16xf32>
          %mul3A_1655 = arith.constant 25 : i32
          %mul3A_1656 = arith.muli %scan3A_117, %mul3A_1655 : i32
          %add3A_1657 = arith.constant 18 : i32
          %add3A_1658 = arith.addi %mul3A_1656, %add3A_1657 : i32
          %get3A_1659 = arith.index_cast %add3A_1658 : i32 to index
          %get3A_1660 = arith.constant 96 : index
          %get3A_1661 = tpu.vector_load %arg11[%get3A_1659, %get3A_1660] {strides = array<i32>} : memref<200x128xf32, #tpu.memory_space<vmem>>, vector<1x16xf32>,
          %get3A_1662 = vector.shape_cast %get3A_1661 : vector<1x16xf32> to vector<16xf32>
          %add3A_1663 = arith.addf %add3A_1654, %get3A_1662 : vector<16xf32>
          %mul3A_1664 = arith.constant 25 : i32
          %mul3A_1665 = arith.muli %scan3A_117, %mul3A_1664 : i32
          %add3A_1666 = arith.constant 19 : i32
          %add3A_1667 = arith.addi %mul3A_1665, %add3A_1666 : i32
          %get3A_1668 = arith.index_cast %add3A_1667 : i32 to index
          %get3A_1669 = arith.constant 96 : index
          %get3A_1670 = tpu.vector_load %arg11[%get3A_1668, %get3A_1669] {strides = array<i32>} : memref<200x128xf32, #tpu.memory_space<vmem>>, vector<1x16xf32>,
          %get3A_1671 = vector.shape_cast %get3A_1670 : vector<1x16xf32> to vector<16xf32>
          %add3A_1672 = arith.addf %add3A_1663, %get3A_1671 : vector<16xf32>
          %mul3A_1673 = arith.constant 25 : i32
          %mul3A_1674 = arith.muli %scan3A_117, %mul3A_1673 : i32
          %add3A_1675 = arith.constant 20 : i32
          %add3A_1676 = arith.addi %mul3A_1674, %add3A_1675 : i32
          %get3A_1677 = arith.index_cast %add3A_1676 : i32 to index
          %get3A_1678 = arith.constant 96 : index
          %get3A_1679 = tpu.vector_load %arg11[%get3A_1677, %get3A_1678] {strides = array<i32>} : memref<200x128xf32, #tpu.memory_space<vmem>>, vector<1x16xf32>,
          %get3A_1680 = vector.shape_cast %get3A_1679 : vector<1x16xf32> to vector<16xf32>
          %add3A_1681 = arith.addf %add3A_1672, %get3A_1680 : vector<16xf32>
          %mul3A_1682 = arith.constant 25 : i32
          %mul3A_1683 = arith.muli %scan3A_117, %mul3A_1682 : i32
          %add3A_1684 = arith.constant 21 : i32
          %add3A_1685 = arith.addi %mul3A_1683, %add3A_1684 : i32
          %get3A_1686 = arith.index_cast %add3A_1685 : i32 to index
          %get3A_1687 = arith.constant 96 : index
          %get3A_1688 = tpu.vector_load %arg11[%get3A_1686, %get3A_1687] {strides = array<i32>} : memref<200x128xf32, #tpu.memory_space<vmem>>, vector<1x16xf32>,
          %get3A_1689 = vector.shape_cast %get3A_1688 : vector<1x16xf32> to vector<16xf32>
          %add3A_1690 = arith.addf %add3A_1681, %get3A_1689 : vector<16xf32>
          %mul3A_1691 = arith.constant 25 : i32
          %mul3A_1692 = arith.muli %scan3A_117, %mul3A_1691 : i32
          %add3A_1693 = arith.constant 22 : i32
          %add3A_1694 = arith.addi %mul3A_1692, %add3A_1693 : i32
          %get3A_1695 = arith.index_cast %add3A_1694 : i32 to index
          %get3A_1696 = arith.constant 96 : index
          %get3A_1697 = tpu.vector_load %arg11[%get3A_1695, %get3A_1696] {strides = array<i32>} : memref<200x128xf32, #tpu.memory_space<vmem>>, vector<1x16xf32>,
          %get3A_1698 = vector.shape_cast %get3A_1697 : vector<1x16xf32> to vector<16xf32>
          %add3A_1699 = arith.addf %add3A_1690, %get3A_1698 : vector<16xf32>
          %mul3A_1700 = arith.constant 25 : i32
          %mul3A_1701 = arith.muli %scan3A_117, %mul3A_1700 : i32
          %add3A_1702 = arith.constant 23 : i32
          %add3A_1703 = arith.addi %mul3A_1701, %add3A_1702 : i32
          %get3A_1704 = arith.index_cast %add3A_1703 : i32 to index
          %get3A_1705 = arith.constant 96 : index
          %get3A_1706 = tpu.vector_load %arg11[%get3A_1704, %get3A_1705] {strides = array<i32>} : memref<200x128xf32, #tpu.memory_space<vmem>>, vector<1x16xf32>,
          %get3A_1707 = vector.shape_cast %get3A_1706 : vector<1x16xf32> to vector<16xf32>
          %add3A_1708 = arith.addf %add3A_1699, %get3A_1707 : vector<16xf32>
          %mul3A_1709 = arith.constant 25 : i32
          %mul3A_1710 = arith.muli %scan3A_117, %mul3A_1709 : i32
          %add3A_1711 = arith.constant 24 : i32
          %add3A_1712 = arith.addi %mul3A_1710, %add3A_1711 : i32
          %get3A_1713 = arith.index_cast %add3A_1712 : i32 to index
          %get3A_1714 = arith.constant 96 : index
          %get3A_1715 = tpu.vector_load %arg11[%get3A_1713, %get3A_1714] {strides = array<i32>} : memref<200x128xf32, #tpu.memory_space<vmem>>, vector<1x16xf32>,
          %get3A_1716 = vector.shape_cast %get3A_1715 : vector<1x16xf32> to vector<16xf32>
          %add3A_1717 = arith.addf %add3A_1708, %get3A_1716 : vector<16xf32>
          %mul3A_1718 = arith.constant 4.000000e-02 : f32
          %mul3A_1719 = vector.broadcast %mul3A_1718 : f32 to vector<16xf32>
          %mul3A_1720 = arith.mulf %add3A_1717, %mul3A_1719 : vector<16xf32>
          %swap3A_1721 = arith.index_cast %scan3A_117 : i32 to index
          %swap3A_1722 = arith.constant 96 : index
          %swap3A_1723 = tpu.vector_load %arg15[%swap3A_1721, %swap3A_1722] {strides = array<i32>} : memref<8x128xf32, #tpu.memory_space<vmem>>, vector<1x16xf32>,
          %swap3A_1724 = vector.shape_cast %swap3A_1723 : vector<1x16xf32> to vector<16xf32>
          %swap3A_1725 = vector.shape_cast %mul3A_1720 : vector<16xf32> to vector<1x16xf32>
          tpu.vector_store %arg15[%swap3A_1721, %swap3A_1722], %swap3A_1725 {strides = array<i32>} : memref<8x128xf32, #tpu.memory_space<vmem>>, vector<1x16xf32>,
          %mul3A_1726 = arith.constant 25 : i32
          %mul3A_1727 = arith.muli %scan3A_117, %mul3A_1726 : i32
          %get3A_1728 = arith.index_cast %mul3A_1727 : i32 to index
          %get3A_1729 = arith.constant 112 : index
          %get3A_1730 = tpu.vector_load %arg11[%get3A_1728, %get3A_1729] {strides = array<i32>} : memref<200x128xf32, #tpu.memory_space<vmem>>, vector<1x16xf32>,
          %get3A_1731 = vector.shape_cast %get3A_1730 : vector<1x16xf32> to vector<16xf32>
          %mul3A_1732 = arith.constant 25 : i32
          %mul3A_1733 = arith.muli %scan3A_117, %mul3A_1732 : i32
          %add3A_1734 = arith.constant 1 : i32
          %add3A_1735 = arith.addi %mul3A_1733, %add3A_1734 : i32
          %get3A_1736 = arith.index_cast %add3A_1735 : i32 to index
          %get3A_1737 = arith.constant 112 : index
          %get3A_1738 = tpu.vector_load %arg11[%get3A_1736, %get3A_1737] {strides = array<i32>} : memref<200x128xf32, #tpu.memory_space<vmem>>, vector<1x16xf32>,
          %get3A_1739 = vector.shape_cast %get3A_1738 : vector<1x16xf32> to vector<16xf32>
          %add3A_1740 = arith.addf %get3A_1731, %get3A_1739 : vector<16xf32>
          %mul3A_1741 = arith.constant 25 : i32
          %mul3A_1742 = arith.muli %scan3A_117, %mul3A_1741 : i32
          %add3A_1743 = arith.constant 2 : i32
          %add3A_1744 = arith.addi %mul3A_1742, %add3A_1743 : i32
          %get3A_1745 = arith.index_cast %add3A_1744 : i32 to index
          %get3A_1746 = arith.constant 112 : index
          %get3A_1747 = tpu.vector_load %arg11[%get3A_1745, %get3A_1746] {strides = array<i32>} : memref<200x128xf32, #tpu.memory_space<vmem>>, vector<1x16xf32>,
          %get3A_1748 = vector.shape_cast %get3A_1747 : vector<1x16xf32> to vector<16xf32>
          %add3A_1749 = arith.addf %add3A_1740, %get3A_1748 : vector<16xf32>
          %mul3A_1750 = arith.constant 25 : i32
          %mul3A_1751 = arith.muli %scan3A_117, %mul3A_1750 : i32
          %add3A_1752 = arith.constant 3 : i32
          %add3A_1753 = arith.addi %mul3A_1751, %add3A_1752 : i32
          %get3A_1754 = arith.index_cast %add3A_1753 : i32 to index
          %get3A_1755 = arith.constant 112 : index
          %get3A_1756 = tpu.vector_load %arg11[%get3A_1754, %get3A_1755] {strides = array<i32>} : memref<200x128xf32, #tpu.memory_space<vmem>>, vector<1x16xf32>,
          %get3A_1757 = vector.shape_cast %get3A_1756 : vector<1x16xf32> to vector<16xf32>
          %add3A_1758 = arith.addf %add3A_1749, %get3A_1757 : vector<16xf32>
          %mul3A_1759 = arith.constant 25 : i32
          %mul3A_1760 = arith.muli %scan3A_117, %mul3A_1759 : i32
          %add3A_1761 = arith.constant 4 : i32
          %add3A_1762 = arith.addi %mul3A_1760, %add3A_1761 : i32
          %get3A_1763 = arith.index_cast %add3A_1762 : i32 to index
          %get3A_1764 = arith.constant 112 : index
          %get3A_1765 = tpu.vector_load %arg11[%get3A_1763, %get3A_1764] {strides = array<i32>} : memref<200x128xf32, #tpu.memory_space<vmem>>, vector<1x16xf32>,
          %get3A_1766 = vector.shape_cast %get3A_1765 : vector<1x16xf32> to vector<16xf32>
          %add3A_1767 = arith.addf %add3A_1758, %get3A_1766 : vector<16xf32>
          %mul3A_1768 = arith.constant 25 : i32
          %mul3A_1769 = arith.muli %scan3A_117, %mul3A_1768 : i32
          %add3A_1770 = arith.constant 5 : i32
          %add3A_1771 = arith.addi %mul3A_1769, %add3A_1770 : i32
          %get3A_1772 = arith.index_cast %add3A_1771 : i32 to index
          %get3A_1773 = arith.constant 112 : index
          %get3A_1774 = tpu.vector_load %arg11[%get3A_1772, %get3A_1773] {strides = array<i32>} : memref<200x128xf32, #tpu.memory_space<vmem>>, vector<1x16xf32>,
          %get3A_1775 = vector.shape_cast %get3A_1774 : vector<1x16xf32> to vector<16xf32>
          %add3A_1776 = arith.addf %add3A_1767, %get3A_1775 : vector<16xf32>
          %mul3A_1777 = arith.constant 25 : i32
          %mul3A_1778 = arith.muli %scan3A_117, %mul3A_1777 : i32
          %add3A_1779 = arith.constant 6 : i32
          %add3A_1780 = arith.addi %mul3A_1778, %add3A_1779 : i32
          %get3A_1781 = arith.index_cast %add3A_1780 : i32 to index
          %get3A_1782 = arith.constant 112 : index
          %get3A_1783 = tpu.vector_load %arg11[%get3A_1781, %get3A_1782] {strides = array<i32>} : memref<200x128xf32, #tpu.memory_space<vmem>>, vector<1x16xf32>,
          %get3A_1784 = vector.shape_cast %get3A_1783 : vector<1x16xf32> to vector<16xf32>
          %add3A_1785 = arith.addf %add3A_1776, %get3A_1784 : vector<16xf32>
          %mul3A_1786 = arith.constant 25 : i32
          %mul3A_1787 = arith.muli %scan3A_117, %mul3A_1786 : i32
          %add3A_1788 = arith.constant 7 : i32
          %add3A_1789 = arith.addi %mul3A_1787, %add3A_1788 : i32
          %get3A_1790 = arith.index_cast %add3A_1789 : i32 to index
          %get3A_1791 = arith.constant 112 : index
          %get3A_1792 = tpu.vector_load %arg11[%get3A_1790, %get3A_1791] {strides = array<i32>} : memref<200x128xf32, #tpu.memory_space<vmem>>, vector<1x16xf32>,
          %get3A_1793 = vector.shape_cast %get3A_1792 : vector<1x16xf32> to vector<16xf32>
          %add3A_1794 = arith.addf %add3A_1785, %get3A_1793 : vector<16xf32>
          %mul3A_1795 = arith.constant 25 : i32
          %mul3A_1796 = arith.muli %scan3A_117, %mul3A_1795 : i32
          %add3A_1797 = arith.constant 8 : i32
          %add3A_1798 = arith.addi %mul3A_1796, %add3A_1797 : i32
          %get3A_1799 = arith.index_cast %add3A_1798 : i32 to index
          %get3A_1800 = arith.constant 112 : index
          %get3A_1801 = tpu.vector_load %arg11[%get3A_1799, %get3A_1800] {strides = array<i32>} : memref<200x128xf32, #tpu.memory_space<vmem>>, vector<1x16xf32>,
          %get3A_1802 = vector.shape_cast %get3A_1801 : vector<1x16xf32> to vector<16xf32>
          %add3A_1803 = arith.addf %add3A_1794, %get3A_1802 : vector<16xf32>
          %mul3A_1804 = arith.constant 25 : i32
          %mul3A_1805 = arith.muli %scan3A_117, %mul3A_1804 : i32
          %add3A_1806 = arith.constant 9 : i32
          %add3A_1807 = arith.addi %mul3A_1805, %add3A_1806 : i32
          %get3A_1808 = arith.index_cast %add3A_1807 : i32 to index
          %get3A_1809 = arith.constant 112 : index
          %get3A_1810 = tpu.vector_load %arg11[%get3A_1808, %get3A_1809] {strides = array<i32>} : memref<200x128xf32, #tpu.memory_space<vmem>>, vector<1x16xf32>,
          %get3A_1811 = vector.shape_cast %get3A_1810 : vector<1x16xf32> to vector<16xf32>
          %add3A_1812 = arith.addf %add3A_1803, %get3A_1811 : vector<16xf32>
          %mul3A_1813 = arith.constant 25 : i32
          %mul3A_1814 = arith.muli %scan3A_117, %mul3A_1813 : i32
          %add3A_1815 = arith.constant 10 : i32
          %add3A_1816 = arith.addi %mul3A_1814, %add3A_1815 : i32
          %get3A_1817 = arith.index_cast %add3A_1816 : i32 to index
          %get3A_1818 = arith.constant 112 : index
          %get3A_1819 = tpu.vector_load %arg11[%get3A_1817, %get3A_1818] {strides = array<i32>} : memref<200x128xf32, #tpu.memory_space<vmem>>, vector<1x16xf32>,
          %get3A_1820 = vector.shape_cast %get3A_1819 : vector<1x16xf32> to vector<16xf32>
          %add3A_1821 = arith.addf %add3A_1812, %get3A_1820 : vector<16xf32>
          %mul3A_1822 = arith.constant 25 : i32
          %mul3A_1823 = arith.muli %scan3A_117, %mul3A_1822 : i32
          %add3A_1824 = arith.constant 11 : i32
          %add3A_1825 = arith.addi %mul3A_1823, %add3A_1824 : i32
          %get3A_1826 = arith.index_cast %add3A_1825 : i32 to index
          %get3A_1827 = arith.constant 112 : index
          %get3A_1828 = tpu.vector_load %arg11[%get3A_1826, %get3A_1827] {strides = array<i32>} : memref<200x128xf32, #tpu.memory_space<vmem>>, vector<1x16xf32>,
          %get3A_1829 = vector.shape_cast %get3A_1828 : vector<1x16xf32> to vector<16xf32>
          %add3A_1830 = arith.addf %add3A_1821, %get3A_1829 : vector<16xf32>
          %mul3A_1831 = arith.constant 25 : i32
          %mul3A_1832 = arith.muli %scan3A_117, %mul3A_1831 : i32
          %add3A_1833 = arith.constant 12 : i32
          %add3A_1834 = arith.addi %mul3A_1832, %add3A_1833 : i32
          %get3A_1835 = arith.index_cast %add3A_1834 : i32 to index
          %get3A_1836 = arith.constant 112 : index
          %get3A_1837 = tpu.vector_load %arg11[%get3A_1835, %get3A_1836] {strides = array<i32>} : memref<200x128xf32, #tpu.memory_space<vmem>>, vector<1x16xf32>,
          %get3A_1838 = vector.shape_cast %get3A_1837 : vector<1x16xf32> to vector<16xf32>
          %add3A_1839 = arith.addf %add3A_1830, %get3A_1838 : vector<16xf32>
          %mul3A_1840 = arith.constant 25 : i32
          %mul3A_1841 = arith.muli %scan3A_117, %mul3A_1840 : i32
          %add3A_1842 = arith.constant 13 : i32
          %add3A_1843 = arith.addi %mul3A_1841, %add3A_1842 : i32
          %get3A_1844 = arith.index_cast %add3A_1843 : i32 to index
          %get3A_1845 = arith.constant 112 : index
          %get3A_1846 = tpu.vector_load %arg11[%get3A_1844, %get3A_1845] {strides = array<i32>} : memref<200x128xf32, #tpu.memory_space<vmem>>, vector<1x16xf32>,
          %get3A_1847 = vector.shape_cast %get3A_1846 : vector<1x16xf32> to vector<16xf32>
          %add3A_1848 = arith.addf %add3A_1839, %get3A_1847 : vector<16xf32>
          %mul3A_1849 = arith.constant 25 : i32
          %mul3A_1850 = arith.muli %scan3A_117, %mul3A_1849 : i32
          %add3A_1851 = arith.constant 14 : i32
          %add3A_1852 = arith.addi %mul3A_1850, %add3A_1851 : i32
          %get3A_1853 = arith.index_cast %add3A_1852 : i32 to index
          %get3A_1854 = arith.constant 112 : index
          %get3A_1855 = tpu.vector_load %arg11[%get3A_1853, %get3A_1854] {strides = array<i32>} : memref<200x128xf32, #tpu.memory_space<vmem>>, vector<1x16xf32>,
          %get3A_1856 = vector.shape_cast %get3A_1855 : vector<1x16xf32> to vector<16xf32>
          %add3A_1857 = arith.addf %add3A_1848, %get3A_1856 : vector<16xf32>
          %mul3A_1858 = arith.constant 25 : i32
          %mul3A_1859 = arith.muli %scan3A_117, %mul3A_1858 : i32
          %add3A_1860 = arith.constant 15 : i32
          %add3A_1861 = arith.addi %mul3A_1859, %add3A_1860 : i32
          %get3A_1862 = arith.index_cast %add3A_1861 : i32 to index
          %get3A_1863 = arith.constant 112 : index
          %get3A_1864 = tpu.vector_load %arg11[%get3A_1862, %get3A_1863] {strides = array<i32>} : memref<200x128xf32, #tpu.memory_space<vmem>>, vector<1x16xf32>,
          %get3A_1865 = vector.shape_cast %get3A_1864 : vector<1x16xf32> to vector<16xf32>
          %add3A_1866 = arith.addf %add3A_1857, %get3A_1865 : vector<16xf32>
          %mul3A_1867 = arith.constant 25 : i32
          %mul3A_1868 = arith.muli %scan3A_117, %mul3A_1867 : i32
          %add3A_1869 = arith.constant 16 : i32
          %add3A_1870 = arith.addi %mul3A_1868, %add3A_1869 : i32
          %get3A_1871 = arith.index_cast %add3A_1870 : i32 to index
          %get3A_1872 = arith.constant 112 : index
          %get3A_1873 = tpu.vector_load %arg11[%get3A_1871, %get3A_1872] {strides = array<i32>} : memref<200x128xf32, #tpu.memory_space<vmem>>, vector<1x16xf32>,
          %get3A_1874 = vector.shape_cast %get3A_1873 : vector<1x16xf32> to vector<16xf32>
          %add3A_1875 = arith.addf %add3A_1866, %get3A_1874 : vector<16xf32>
          %mul3A_1876 = arith.constant 25 : i32
          %mul3A_1877 = arith.muli %scan3A_117, %mul3A_1876 : i32
          %add3A_1878 = arith.constant 17 : i32
          %add3A_1879 = arith.addi %mul3A_1877, %add3A_1878 : i32
          %get3A_1880 = arith.index_cast %add3A_1879 : i32 to index
          %get3A_1881 = arith.constant 112 : index
          %get3A_1882 = tpu.vector_load %arg11[%get3A_1880, %get3A_1881] {strides = array<i32>} : memref<200x128xf32, #tpu.memory_space<vmem>>, vector<1x16xf32>,
          %get3A_1883 = vector.shape_cast %get3A_1882 : vector<1x16xf32> to vector<16xf32>
          %add3A_1884 = arith.addf %add3A_1875, %get3A_1883 : vector<16xf32>
          %mul3A_1885 = arith.constant 25 : i32
          %mul3A_1886 = arith.muli %scan3A_117, %mul3A_1885 : i32
          %add3A_1887 = arith.constant 18 : i32
          %add3A_1888 = arith.addi %mul3A_1886, %add3A_1887 : i32
          %get3A_1889 = arith.index_cast %add3A_1888 : i32 to index
          %get3A_1890 = arith.constant 112 : index
          %get3A_1891 = tpu.vector_load %arg11[%get3A_1889, %get3A_1890] {strides = array<i32>} : memref<200x128xf32, #tpu.memory_space<vmem>>, vector<1x16xf32>,
          %get3A_1892 = vector.shape_cast %get3A_1891 : vector<1x16xf32> to vector<16xf32>
          %add3A_1893 = arith.addf %add3A_1884, %get3A_1892 : vector<16xf32>
          %mul3A_1894 = arith.constant 25 : i32
          %mul3A_1895 = arith.muli %scan3A_117, %mul3A_1894 : i32
          %add3A_1896 = arith.constant 19 : i32
          %add3A_1897 = arith.addi %mul3A_1895, %add3A_1896 : i32
          %get3A_1898 = arith.index_cast %add3A_1897 : i32 to index
          %get3A_1899 = arith.constant 112 : index
          %get3A_1900 = tpu.vector_load %arg11[%get3A_1898, %get3A_1899] {strides = array<i32>} : memref<200x128xf32, #tpu.memory_space<vmem>>, vector<1x16xf32>,
          %get3A_1901 = vector.shape_cast %get3A_1900 : vector<1x16xf32> to vector<16xf32>
          %add3A_1902 = arith.addf %add3A_1893, %get3A_1901 : vector<16xf32>
          %mul3A_1903 = arith.constant 25 : i32
          %mul3A_1904 = arith.muli %scan3A_117, %mul3A_1903 : i32
          %add3A_1905 = arith.constant 20 : i32
          %add3A_1906 = arith.addi %mul3A_1904, %add3A_1905 : i32
          %get3A_1907 = arith.index_cast %add3A_1906 : i32 to index
          %get3A_1908 = arith.constant 112 : index
          %get3A_1909 = tpu.vector_load %arg11[%get3A_1907, %get3A_1908] {strides = array<i32>} : memref<200x128xf32, #tpu.memory_space<vmem>>, vector<1x16xf32>,
          %get3A_1910 = vector.shape_cast %get3A_1909 : vector<1x16xf32> to vector<16xf32>
          %add3A_1911 = arith.addf %add3A_1902, %get3A_1910 : vector<16xf32>
          %mul3A_1912 = arith.constant 25 : i32
          %mul3A_1913 = arith.muli %scan3A_117, %mul3A_1912 : i32
          %add3A_1914 = arith.constant 21 : i32
          %add3A_1915 = arith.addi %mul3A_1913, %add3A_1914 : i32
          %get3A_1916 = arith.index_cast %add3A_1915 : i32 to index
          %get3A_1917 = arith.constant 112 : index
          %get3A_1918 = tpu.vector_load %arg11[%get3A_1916, %get3A_1917] {strides = array<i32>} : memref<200x128xf32, #tpu.memory_space<vmem>>, vector<1x16xf32>,
          %get3A_1919 = vector.shape_cast %get3A_1918 : vector<1x16xf32> to vector<16xf32>
          %add3A_1920 = arith.addf %add3A_1911, %get3A_1919 : vector<16xf32>
          %mul3A_1921 = arith.constant 25 : i32
          %mul3A_1922 = arith.muli %scan3A_117, %mul3A_1921 : i32
          %add3A_1923 = arith.constant 22 : i32
          %add3A_1924 = arith.addi %mul3A_1922, %add3A_1923 : i32
          %get3A_1925 = arith.index_cast %add3A_1924 : i32 to index
          %get3A_1926 = arith.constant 112 : index
          %get3A_1927 = tpu.vector_load %arg11[%get3A_1925, %get3A_1926] {strides = array<i32>} : memref<200x128xf32, #tpu.memory_space<vmem>>, vector<1x16xf32>,
          %get3A_1928 = vector.shape_cast %get3A_1927 : vector<1x16xf32> to vector<16xf32>
          %add3A_1929 = arith.addf %add3A_1920, %get3A_1928 : vector<16xf32>
          %mul3A_1930 = arith.constant 25 : i32
          %mul3A_1931 = arith.muli %scan3A_117, %mul3A_1930 : i32
          %add3A_1932 = arith.constant 23 : i32
          %add3A_1933 = arith.addi %mul3A_1931, %add3A_1932 : i32
          %get3A_1934 = arith.index_cast %add3A_1933 : i32 to index
          %get3A_1935 = arith.constant 112 : index
          %get3A_1936 = tpu.vector_load %arg11[%get3A_1934, %get3A_1935] {strides = array<i32>} : memref<200x128xf32, #tpu.memory_space<vmem>>, vector<1x16xf32>,
          %get3A_1937 = vector.shape_cast %get3A_1936 : vector<1x16xf32> to vector<16xf32>
          %add3A_1938 = arith.addf %add3A_1929, %get3A_1937 : vector<16xf32>
          %mul3A_1939 = arith.constant 25 : i32
          %mul3A_1940 = arith.muli %scan3A_117, %mul3A_1939 : i32
          %add3A_1941 = arith.constant 24 : i32
          %add3A_1942 = arith.addi %mul3A_1940, %add3A_1941 : i32
          %get3A_1943 = arith.index_cast %add3A_1942 : i32 to index
          %get3A_1944 = arith.constant 112 : index
          %get3A_1945 = tpu.vector_load %arg11[%get3A_1943, %get3A_1944] {strides = array<i32>} : memref<200x128xf32, #tpu.memory_space<vmem>>, vector<1x16xf32>,
          %get3A_1946 = vector.shape_cast %get3A_1945 : vector<1x16xf32> to vector<16xf32>
          %add3A_1947 = arith.addf %add3A_1938, %get3A_1946 : vector<16xf32>
          %mul3A_1948 = arith.constant 4.000000e-02 : f32
          %mul3A_1949 = vector.broadcast %mul3A_1948 : f32 to vector<16xf32>
          %mul3A_1950 = arith.mulf %add3A_1947, %mul3A_1949 : vector<16xf32>
          %swap3A_1951 = arith.index_cast %scan3A_117 : i32 to index
          %swap3A_1952 = arith.constant 112 : index
          %swap3A_1953 = tpu.vector_load %arg15[%swap3A_1951, %swap3A_1952] {strides = array<i32>} : memref<8x128xf32, #tpu.memory_space<vmem>>, vector<1x16xf32>,
          %swap3A_1954 = vector.shape_cast %swap3A_1953 : vector<1x16xf32> to vector<16xf32>
          %swap3A_1955 = vector.shape_cast %mul3A_1950 : vector<16xf32> to vector<1x16xf32>
          tpu.vector_store %arg15[%swap3A_1951, %swap3A_1952], %swap3A_1955 {strides = array<i32>} : memref<8x128xf32, #tpu.memory_space<vmem>>, vector<1x16xf32>,
        }
        %scan3A_113 = arith.constant 8 : i32
        %mul3A_114 = arith.constant 8 : i32
        %mul3A_115 = arith.muli %scan3A_44, %mul3A_114 : i32
        %add3A_116 = arith.addi %mul3A_2, %mul3A_115 : i32
        "tpu.region"() ({
          %run_scoped3A = tpu.sem_alloc : memref<!tpu.dma_semaphore, #tpu.memory_space<semaphore_mem>>
          %dma_start3A_117 = arith.constant 0 : i32
          %dma_start3A_118 = tpu.memref_slice %arg6[%add3A_116, %dma_start3A_117] : memref<10752x128xf32, #tpu.memory_space<hbm>> -> memref<8x128xf32, #tpu.memory_space<hbm>>
          %dma_start3A_119 = arith.constant 0 : i32
          %dma_start3A_120 = tpu.memref_slice %arg6[%add3A_116, %dma_start3A_119] : memref<10752x128xf32, #tpu.memory_space<hbm>> -> memref<8x128xf32, #tpu.memory_space<hbm>>
          tpu.enqueue_dma source(%arg15 : memref<8x128xf32, #tpu.memory_space<vmem>>) target(%dma_start3A_120 : memref<8x128xf32, #tpu.memory_space<hbm>>) target_semaphore(%run_scoped3A : memref<!tpu.dma_semaphore, #tpu.memory_space<semaphore_mem>>)
          %dma_wait3A_121 = arith.constant 0 : i32
          %dma_wait3A_122 = tpu.memref_slice %arg6[%add3A_116, %dma_wait3A_121] : memref<10752x128xf32, #tpu.memory_space<hbm>> -> memref<8x128xf32, #tpu.memory_space<hbm>>
          %dma_wait3A_123 = arith.constant 0 : i32
          %dma_wait3A_124 = tpu.memref_slice %arg6[%add3A_116, %dma_wait3A_123] : memref<10752x128xf32, #tpu.memory_space<hbm>> -> memref<8x128xf32, #tpu.memory_space<hbm>>
          tpu.wait_dma2 semaphore(%run_scoped3A : memref<!tpu.dma_semaphore, #tpu.memory_space<semaphore_mem>>) src(%arg15 : memref<8x128xf32, #tpu.memory_space<vmem>>) dst(%dma_wait3A_124 : memref<8x128xf32, #tpu.memory_space<hbm>>)
          tpu.yield
        }) : () -> ()
      } else {
      }
      %jit3A_57 = arith.constant 2 : i32
      %eq3A_58 = arith.constant 0 : i32
      %eq3A_59 = arith.cmpi eq, %jit3A_57, %eq3A_58 : i32
      %jit3A_60 = arith.constant 1 : i32
      %select_n3A_61 = arith.select %eq3A_59, %jit3A_60, %jit3A_57 : i32
      %rem3A_62 = arith.remsi %scan3A_44, %select_n3A_61 : i32
      %ne3A_63 = arith.constant 0 : i32
      %ne3A_64 = arith.cmpi ne, %rem3A_62, %ne3A_63 : i32
      %lt3A_65 = arith.constant 0 : i32
      %lt3A_66 = arith.cmpi slt, %rem3A_62, %lt3A_65 : i32
      %lt3A_67 = arith.constant 0 : i32
      %lt3A_68 = arith.cmpi slt, %select_n3A_61, %lt3A_67 : i32
      %ne3A_69 = arith.xori %lt3A_66, %lt3A_68 : i1
      %and3A_70 = arith.andi %ne3A_69, %ne3A_64 : i1
      %add3A_71 = arith.addi %rem3A_62, %select_n3A_61 : i32
      %select_n3A_72 = arith.select %and3A_70, %add3A_71, %rem3A_62 : i32
      %eq3A_73 = arith.constant 1 : i32
      %eq3A_74 = arith.cmpi eq, %select_n3A_72, %eq3A_73 : i32
      %convert_element_type3A_75 = arith.extui %eq3A_74 : i1 to i32
      %cond3A_76 = arith.constant 0 : i32
      %cond3A_77 = arith.cmpi ne, %convert_element_type3A_75, %cond3A_76 : i32
      scf.if %cond3A_77 {
        %dma_wait3A = arith.constant 0 : i32
        %dma_wait3A_78 = arith.constant 0 : i32
        %dma_wait3A_79 = tpu.memref_slice %arg12[%dma_wait3A, %dma_wait3A_78] : memref<200x128xf32, #tpu.memory_space<vmem>> -> memref<96x128xf32, #tpu.memory_space<vmem>>
        %dma_wait3A_80 = arith.constant 0 : i32
        %dma_wait3A_81 = tpu.memref_slice %arg10[%dma_wait3A_80] : memref<8400xi32, #tpu.memory_space<vmem>> -> memref<96xi32, #tpu.memory_space<vmem>>
        %dma_wait3A_82 = arith.constant 0 : i32
        %dma_wait3A_83 = arith.constant 0 : i32
        %dma_wait3A_84 = tpu.memref_slice %arg5[%dma_wait3A_82, %dma_wait3A_83] : memref<100000x128xf32, #tpu.memory_space<hbm>> -> memref<100000x128xf32, #tpu.memory_space<hbm>>
        tpu.wait_indirect_dma semaphore(%arg18 : memref<!tpu.dma_semaphore, #tpu.memory_space<semaphore_mem>>) src(%dma_wait3A_84 : memref<100000x128xf32, #tpu.memory_space<hbm>>) dst(%dma_wait3A_79 : memref<96x128xf32, #tpu.memory_space<vmem>>)
        %dma_wait3A_85 = arith.constant 96 : i32
        %dma_wait3A_86 = arith.constant 0 : i32
        %dma_wait3A_87 = tpu.memref_slice %arg12[%dma_wait3A_85, %dma_wait3A_86] : memref<200x128xf32, #tpu.memory_space<vmem>> -> memref<104x128xf32, #tpu.memory_space<vmem>>
        %dma_wait3A_88 = arith.constant 0 : i32
        %dma_wait3A_89 = tpu.memref_slice %arg10[%dma_wait3A_88] : memref<8400xi32, #tpu.memory_space<vmem>> -> memref<104xi32, #tpu.memory_space<vmem>>
        %dma_wait3A_90 = arith.constant 0 : i32
        %dma_wait3A_91 = arith.constant 0 : i32
        %dma_wait3A_92 = tpu.memref_slice %arg5[%dma_wait3A_90, %dma_wait3A_91] : memref<100000x128xf32, #tpu.memory_space<hbm>> -> memref<100000x128xf32, #tpu.memory_space<hbm>>
        tpu.wait_indirect_dma semaphore(%arg18 : memref<!tpu.dma_semaphore, #tpu.memory_space<semaphore_mem>>) src(%dma_wait3A_92 : memref<100000x128xf32, #tpu.memory_space<hbm>>) dst(%dma_wait3A_87 : memref<104x128xf32, #tpu.memory_space<vmem>>)
        %dma_wait3A_93 = arith.constant 0 : i32
        %dma_wait3A_94 = tpu.memref_slice %arg8[%dma_wait3A_93] : memref<336xi32, #tpu.memory_space<vmem>> -> memref<8xi32, #tpu.memory_space<vmem>>
        %dma_wait3A_95 = arith.constant 0 : i32
        %dma_wait3A_96 = arith.constant 0 : i32
        %dma_wait3A_97 = tpu.memref_slice %arg5[%dma_wait3A_95, %dma_wait3A_96] : memref<100000x128xf32, #tpu.memory_space<hbm>> -> memref<100000x128xf32, #tpu.memory_space<hbm>>
        tpu.wait_indirect_dma semaphore(%arg20 : memref<!tpu.dma_semaphore, #tpu.memory_space<semaphore_mem>>) src(%dma_wait3A_97 : memref<100000x128xf32, #tpu.memory_space<hbm>>) dst(%arg14 : memref<8x128xf32, #tpu.memory_space<vmem>>)
        %add3A_98 = arith.constant 1 : i32
        %add3A_99 = arith.addi %scan3A_44, %add3A_98 : i32
        %lt3A_100 = arith.constant 42 : i32
        %lt3A_101 = arith.cmpi slt, %add3A_99, %lt3A_100 : i32
        %convert_element_type3A_102 = arith.extui %lt3A_101 : i1 to i32
        %cond3A_103 = arith.constant 0 : i32
        %cond3A_104 = arith.cmpi ne, %convert_element_type3A_102, %cond3A_103 : i32
        scf.if %cond3A_104 {
          %add3A_117 = arith.constant 1 : i32
          %add3A_118 = arith.addi %scan3A_44, %add3A_117 : i32
          %mul3A_119 = arith.constant 200 : i32
          %mul3A_120 = arith.muli %add3A_118, %mul3A_119 : i32
          %dma_start3A_121 = arith.constant 0 : i32
          %dma_start3A_122 = arith.constant 0 : i32
          %dma_start3A_123 = tpu.memref_slice %arg11[%dma_start3A_121, %dma_start3A_122] : memref<200x128xf32, #tpu.memory_space<vmem>> -> memref<96x128xf32, #tpu.memory_space<vmem>>
          %dma_start3A_124 = tpu.memref_slice %arg10[%mul3A_120] : memref<8400xi32, #tpu.memory_space<vmem>> -> memref<96xi32, #tpu.memory_space<vmem>>
          %dma_start3A_125 = arith.constant 0 : i32
          %dma_start3A_126 = arith.constant 0 : i32
          %dma_start3A_127 = tpu.memref_slice %arg5[%dma_start3A_125, %dma_start3A_126] : memref<100000x128xf32, #tpu.memory_space<hbm>> -> memref<100000x128xf32, #tpu.memory_space<hbm>>
          tpu.enqueue_indirect_dma source(%dma_start3A_127 : memref<100000x128xf32, #tpu.memory_space<hbm>>) target(%dma_start3A_123 : memref<96x128xf32, #tpu.memory_space<vmem>>) offsets(%dma_start3A_124 : memref<96xi32, #tpu.memory_space<vmem>>) semaphore(%arg17 : memref<!tpu.dma_semaphore, #tpu.memory_space<semaphore_mem>>)
          %mul3A_128 = arith.constant 200 : i32
          %mul3A_129 = arith.muli %add3A_118, %mul3A_128 : i32
          %add3A_130 = arith.constant 96 : i32
          %add3A_131 = arith.addi %mul3A_129, %add3A_130 : i32
          %dma_start3A_132 = arith.constant 96 : i32
          %dma_start3A_133 = arith.constant 0 : i32
          %dma_start3A_134 = tpu.memref_slice %arg11[%dma_start3A_132, %dma_start3A_133] : memref<200x128xf32, #tpu.memory_space<vmem>> -> memref<104x128xf32, #tpu.memory_space<vmem>>
          %dma_start3A_135 = tpu.memref_slice %arg10[%add3A_131] : memref<8400xi32, #tpu.memory_space<vmem>> -> memref<104xi32, #tpu.memory_space<vmem>>
          %dma_start3A_136 = arith.constant 0 : i32
          %dma_start3A_137 = arith.constant 0 : i32
          %dma_start3A_138 = tpu.memref_slice %arg5[%dma_start3A_136, %dma_start3A_137] : memref<100000x128xf32, #tpu.memory_space<hbm>> -> memref<100000x128xf32, #tpu.memory_space<hbm>>
          tpu.enqueue_indirect_dma source(%dma_start3A_138 : memref<100000x128xf32, #tpu.memory_space<hbm>>) target(%dma_start3A_134 : memref<104x128xf32, #tpu.memory_space<vmem>>) offsets(%dma_start3A_135 : memref<104xi32, #tpu.memory_space<vmem>>) semaphore(%arg17 : memref<!tpu.dma_semaphore, #tpu.memory_space<semaphore_mem>>)
          %mul3A_139 = arith.constant 8 : i32
          %mul3A_140 = arith.muli %add3A_118, %mul3A_139 : i32
          %dma_start3A_141 = tpu.memref_slice %arg8[%mul3A_140] : memref<336xi32, #tpu.memory_space<vmem>> -> memref<8xi32, #tpu.memory_space<vmem>>
          %dma_start3A_142 = arith.constant 0 : i32
          %dma_start3A_143 = arith.constant 0 : i32
          %dma_start3A_144 = tpu.memref_slice %arg5[%dma_start3A_142, %dma_start3A_143] : memref<100000x128xf32, #tpu.memory_space<hbm>> -> memref<100000x128xf32, #tpu.memory_space<hbm>>
          tpu.enqueue_indirect_dma source(%dma_start3A_144 : memref<100000x128xf32, #tpu.memory_space<hbm>>) target(%arg13 : memref<8x128xf32, #tpu.memory_space<vmem>>) offsets(%dma_start3A_141 : memref<8xi32, #tpu.memory_space<vmem>>) semaphore(%arg19 : memref<!tpu.dma_semaphore, #tpu.memory_space<semaphore_mem>>)
        } else {
        }
        %mul3A_105 = arith.constant 8 : i32
        %mul3A_106 = arith.muli %scan3A_44, %mul3A_105 : i32
        %add3A_107 = arith.addi %mul3A_2, %mul3A_106 : i32
        "tpu.region"() ({
          %run_scoped3A = tpu.sem_alloc : memref<!tpu.dma_semaphore, #tpu.memory_space<semaphore_mem>>
          %dma_start3A_117 = arith.constant 0 : i32
          %dma_start3A_118 = tpu.memref_slice %arg7[%add3A_107, %dma_start3A_117] : memref<10752x128xf32, #tpu.memory_space<hbm>> -> memref<8x128xf32, #tpu.memory_space<hbm>>
          %dma_start3A_119 = arith.constant 0 : i32
          %dma_start3A_120 = tpu.memref_slice %arg7[%add3A_107, %dma_start3A_119] : memref<10752x128xf32, #tpu.memory_space<hbm>> -> memref<8x128xf32, #tpu.memory_space<hbm>>
          tpu.enqueue_dma source(%arg14 : memref<8x128xf32, #tpu.memory_space<vmem>>) target(%dma_start3A_120 : memref<8x128xf32, #tpu.memory_space<hbm>>) target_semaphore(%run_scoped3A : memref<!tpu.dma_semaphore, #tpu.memory_space<semaphore_mem>>)
          %dma_wait3A_121 = arith.constant 0 : i32
          %dma_wait3A_122 = tpu.memref_slice %arg7[%add3A_107, %dma_wait3A_121] : memref<10752x128xf32, #tpu.memory_space<hbm>> -> memref<8x128xf32, #tpu.memory_space<hbm>>
          %dma_wait3A_123 = arith.constant 0 : i32
          %dma_wait3A_124 = tpu.memref_slice %arg7[%add3A_107, %dma_wait3A_123] : memref<10752x128xf32, #tpu.memory_space<hbm>> -> memref<8x128xf32, #tpu.memory_space<hbm>>
          tpu.wait_dma2 semaphore(%run_scoped3A : memref<!tpu.dma_semaphore, #tpu.memory_space<semaphore_mem>>) src(%arg14 : memref<8x128xf32, #tpu.memory_space<vmem>>) dst(%dma_wait3A_124 : memref<8x128xf32, #tpu.memory_space<hbm>>)
          tpu.yield
        }) : () -> ()
        %scan3A_108 = arith.constant 0 : i32
        %scan3A_109 = arith.constant 0 : i32
        %scan3A_110 = arith.constant 8 : i32
        %scan3A_111 = arith.addi %scan3A_109, %scan3A_110 : i32
        %scan3A_112 = arith.constant 1 : i32
        scf.for %scan3A_117 = %scan3A_109 to %scan3A_111 step %scan3A_112  : i32 {
          %mul3A_118 = arith.constant 25 : i32
          %mul3A_119 = arith.muli %scan3A_117, %mul3A_118 : i32
          %get3A = arith.index_cast %mul3A_119 : i32 to index
          %get3A_120 = arith.constant 0 : index
          %get3A_121 = tpu.vector_load %arg12[%get3A, %get3A_120] {strides = array<i32>} : memref<200x128xf32, #tpu.memory_space<vmem>>, vector<1x16xf32>,
          %get3A_122 = vector.shape_cast %get3A_121 : vector<1x16xf32> to vector<16xf32>
          %mul3A_123 = arith.constant 25 : i32
          %mul3A_124 = arith.muli %scan3A_117, %mul3A_123 : i32
          %add3A_125 = arith.constant 1 : i32
          %add3A_126 = arith.addi %mul3A_124, %add3A_125 : i32
          %get3A_127 = arith.index_cast %add3A_126 : i32 to index
          %get3A_128 = arith.constant 0 : index
          %get3A_129 = tpu.vector_load %arg12[%get3A_127, %get3A_128] {strides = array<i32>} : memref<200x128xf32, #tpu.memory_space<vmem>>, vector<1x16xf32>,
          %get3A_130 = vector.shape_cast %get3A_129 : vector<1x16xf32> to vector<16xf32>
          %add3A_131 = arith.addf %get3A_122, %get3A_130 : vector<16xf32>
          %mul3A_132 = arith.constant 25 : i32
          %mul3A_133 = arith.muli %scan3A_117, %mul3A_132 : i32
          %add3A_134 = arith.constant 2 : i32
          %add3A_135 = arith.addi %mul3A_133, %add3A_134 : i32
          %get3A_136 = arith.index_cast %add3A_135 : i32 to index
          %get3A_137 = arith.constant 0 : index
          %get3A_138 = tpu.vector_load %arg12[%get3A_136, %get3A_137] {strides = array<i32>} : memref<200x128xf32, #tpu.memory_space<vmem>>, vector<1x16xf32>,
          %get3A_139 = vector.shape_cast %get3A_138 : vector<1x16xf32> to vector<16xf32>
          %add3A_140 = arith.addf %add3A_131, %get3A_139 : vector<16xf32>
          %mul3A_141 = arith.constant 25 : i32
          %mul3A_142 = arith.muli %scan3A_117, %mul3A_141 : i32
          %add3A_143 = arith.constant 3 : i32
          %add3A_144 = arith.addi %mul3A_142, %add3A_143 : i32
          %get3A_145 = arith.index_cast %add3A_144 : i32 to index
          %get3A_146 = arith.constant 0 : index
          %get3A_147 = tpu.vector_load %arg12[%get3A_145, %get3A_146] {strides = array<i32>} : memref<200x128xf32, #tpu.memory_space<vmem>>, vector<1x16xf32>,
          %get3A_148 = vector.shape_cast %get3A_147 : vector<1x16xf32> to vector<16xf32>
          %add3A_149 = arith.addf %add3A_140, %get3A_148 : vector<16xf32>
          %mul3A_150 = arith.constant 25 : i32
          %mul3A_151 = arith.muli %scan3A_117, %mul3A_150 : i32
          %add3A_152 = arith.constant 4 : i32
          %add3A_153 = arith.addi %mul3A_151, %add3A_152 : i32
          %get3A_154 = arith.index_cast %add3A_153 : i32 to index
          %get3A_155 = arith.constant 0 : index
          %get3A_156 = tpu.vector_load %arg12[%get3A_154, %get3A_155] {strides = array<i32>} : memref<200x128xf32, #tpu.memory_space<vmem>>, vector<1x16xf32>,
          %get3A_157 = vector.shape_cast %get3A_156 : vector<1x16xf32> to vector<16xf32>
          %add3A_158 = arith.addf %add3A_149, %get3A_157 : vector<16xf32>
          %mul3A_159 = arith.constant 25 : i32
          %mul3A_160 = arith.muli %scan3A_117, %mul3A_159 : i32
          %add3A_161 = arith.constant 5 : i32
          %add3A_162 = arith.addi %mul3A_160, %add3A_161 : i32
          %get3A_163 = arith.index_cast %add3A_162 : i32 to index
          %get3A_164 = arith.constant 0 : index
          %get3A_165 = tpu.vector_load %arg12[%get3A_163, %get3A_164] {strides = array<i32>} : memref<200x128xf32, #tpu.memory_space<vmem>>, vector<1x16xf32>,
          %get3A_166 = vector.shape_cast %get3A_165 : vector<1x16xf32> to vector<16xf32>
          %add3A_167 = arith.addf %add3A_158, %get3A_166 : vector<16xf32>
          %mul3A_168 = arith.constant 25 : i32
          %mul3A_169 = arith.muli %scan3A_117, %mul3A_168 : i32
          %add3A_170 = arith.constant 6 : i32
          %add3A_171 = arith.addi %mul3A_169, %add3A_170 : i32
          %get3A_172 = arith.index_cast %add3A_171 : i32 to index
          %get3A_173 = arith.constant 0 : index
          %get3A_174 = tpu.vector_load %arg12[%get3A_172, %get3A_173] {strides = array<i32>} : memref<200x128xf32, #tpu.memory_space<vmem>>, vector<1x16xf32>,
          %get3A_175 = vector.shape_cast %get3A_174 : vector<1x16xf32> to vector<16xf32>
          %add3A_176 = arith.addf %add3A_167, %get3A_175 : vector<16xf32>
          %mul3A_177 = arith.constant 25 : i32
          %mul3A_178 = arith.muli %scan3A_117, %mul3A_177 : i32
          %add3A_179 = arith.constant 7 : i32
          %add3A_180 = arith.addi %mul3A_178, %add3A_179 : i32
          %get3A_181 = arith.index_cast %add3A_180 : i32 to index
          %get3A_182 = arith.constant 0 : index
          %get3A_183 = tpu.vector_load %arg12[%get3A_181, %get3A_182] {strides = array<i32>} : memref<200x128xf32, #tpu.memory_space<vmem>>, vector<1x16xf32>,
          %get3A_184 = vector.shape_cast %get3A_183 : vector<1x16xf32> to vector<16xf32>
          %add3A_185 = arith.addf %add3A_176, %get3A_184 : vector<16xf32>
          %mul3A_186 = arith.constant 25 : i32
          %mul3A_187 = arith.muli %scan3A_117, %mul3A_186 : i32
          %add3A_188 = arith.constant 8 : i32
          %add3A_189 = arith.addi %mul3A_187, %add3A_188 : i32
          %get3A_190 = arith.index_cast %add3A_189 : i32 to index
          %get3A_191 = arith.constant 0 : index
          %get3A_192 = tpu.vector_load %arg12[%get3A_190, %get3A_191] {strides = array<i32>} : memref<200x128xf32, #tpu.memory_space<vmem>>, vector<1x16xf32>,
          %get3A_193 = vector.shape_cast %get3A_192 : vector<1x16xf32> to vector<16xf32>
          %add3A_194 = arith.addf %add3A_185, %get3A_193 : vector<16xf32>
          %mul3A_195 = arith.constant 25 : i32
          %mul3A_196 = arith.muli %scan3A_117, %mul3A_195 : i32
          %add3A_197 = arith.constant 9 : i32
          %add3A_198 = arith.addi %mul3A_196, %add3A_197 : i32
          %get3A_199 = arith.index_cast %add3A_198 : i32 to index
          %get3A_200 = arith.constant 0 : index
          %get3A_201 = tpu.vector_load %arg12[%get3A_199, %get3A_200] {strides = array<i32>} : memref<200x128xf32, #tpu.memory_space<vmem>>, vector<1x16xf32>,
          %get3A_202 = vector.shape_cast %get3A_201 : vector<1x16xf32> to vector<16xf32>
          %add3A_203 = arith.addf %add3A_194, %get3A_202 : vector<16xf32>
          %mul3A_204 = arith.constant 25 : i32
          %mul3A_205 = arith.muli %scan3A_117, %mul3A_204 : i32
          %add3A_206 = arith.constant 10 : i32
          %add3A_207 = arith.addi %mul3A_205, %add3A_206 : i32
          %get3A_208 = arith.index_cast %add3A_207 : i32 to index
          %get3A_209 = arith.constant 0 : index
          %get3A_210 = tpu.vector_load %arg12[%get3A_208, %get3A_209] {strides = array<i32>} : memref<200x128xf32, #tpu.memory_space<vmem>>, vector<1x16xf32>,
          %get3A_211 = vector.shape_cast %get3A_210 : vector<1x16xf32> to vector<16xf32>
          %add3A_212 = arith.addf %add3A_203, %get3A_211 : vector<16xf32>
          %mul3A_213 = arith.constant 25 : i32
          %mul3A_214 = arith.muli %scan3A_117, %mul3A_213 : i32
          %add3A_215 = arith.constant 11 : i32
          %add3A_216 = arith.addi %mul3A_214, %add3A_215 : i32
          %get3A_217 = arith.index_cast %add3A_216 : i32 to index
          %get3A_218 = arith.constant 0 : index
          %get3A_219 = tpu.vector_load %arg12[%get3A_217, %get3A_218] {strides = array<i32>} : memref<200x128xf32, #tpu.memory_space<vmem>>, vector<1x16xf32>,
          %get3A_220 = vector.shape_cast %get3A_219 : vector<1x16xf32> to vector<16xf32>
          %add3A_221 = arith.addf %add3A_212, %get3A_220 : vector<16xf32>
          %mul3A_222 = arith.constant 25 : i32
          %mul3A_223 = arith.muli %scan3A_117, %mul3A_222 : i32
          %add3A_224 = arith.constant 12 : i32
          %add3A_225 = arith.addi %mul3A_223, %add3A_224 : i32
          %get3A_226 = arith.index_cast %add3A_225 : i32 to index
          %get3A_227 = arith.constant 0 : index
          %get3A_228 = tpu.vector_load %arg12[%get3A_226, %get3A_227] {strides = array<i32>} : memref<200x128xf32, #tpu.memory_space<vmem>>, vector<1x16xf32>,
          %get3A_229 = vector.shape_cast %get3A_228 : vector<1x16xf32> to vector<16xf32>
          %add3A_230 = arith.addf %add3A_221, %get3A_229 : vector<16xf32>
          %mul3A_231 = arith.constant 25 : i32
          %mul3A_232 = arith.muli %scan3A_117, %mul3A_231 : i32
          %add3A_233 = arith.constant 13 : i32
          %add3A_234 = arith.addi %mul3A_232, %add3A_233 : i32
          %get3A_235 = arith.index_cast %add3A_234 : i32 to index
          %get3A_236 = arith.constant 0 : index
          %get3A_237 = tpu.vector_load %arg12[%get3A_235, %get3A_236] {strides = array<i32>} : memref<200x128xf32, #tpu.memory_space<vmem>>, vector<1x16xf32>,
          %get3A_238 = vector.shape_cast %get3A_237 : vector<1x16xf32> to vector<16xf32>
          %add3A_239 = arith.addf %add3A_230, %get3A_238 : vector<16xf32>
          %mul3A_240 = arith.constant 25 : i32
          %mul3A_241 = arith.muli %scan3A_117, %mul3A_240 : i32
          %add3A_242 = arith.constant 14 : i32
          %add3A_243 = arith.addi %mul3A_241, %add3A_242 : i32
          %get3A_244 = arith.index_cast %add3A_243 : i32 to index
          %get3A_245 = arith.constant 0 : index
          %get3A_246 = tpu.vector_load %arg12[%get3A_244, %get3A_245] {strides = array<i32>} : memref<200x128xf32, #tpu.memory_space<vmem>>, vector<1x16xf32>,
          %get3A_247 = vector.shape_cast %get3A_246 : vector<1x16xf32> to vector<16xf32>
          %add3A_248 = arith.addf %add3A_239, %get3A_247 : vector<16xf32>
          %mul3A_249 = arith.constant 25 : i32
          %mul3A_250 = arith.muli %scan3A_117, %mul3A_249 : i32
          %add3A_251 = arith.constant 15 : i32
          %add3A_252 = arith.addi %mul3A_250, %add3A_251 : i32
          %get3A_253 = arith.index_cast %add3A_252 : i32 to index
          %get3A_254 = arith.constant 0 : index
          %get3A_255 = tpu.vector_load %arg12[%get3A_253, %get3A_254] {strides = array<i32>} : memref<200x128xf32, #tpu.memory_space<vmem>>, vector<1x16xf32>,
          %get3A_256 = vector.shape_cast %get3A_255 : vector<1x16xf32> to vector<16xf32>
          %add3A_257 = arith.addf %add3A_248, %get3A_256 : vector<16xf32>
          %mul3A_258 = arith.constant 25 : i32
          %mul3A_259 = arith.muli %scan3A_117, %mul3A_258 : i32
          %add3A_260 = arith.constant 16 : i32
          %add3A_261 = arith.addi %mul3A_259, %add3A_260 : i32
          %get3A_262 = arith.index_cast %add3A_261 : i32 to index
          %get3A_263 = arith.constant 0 : index
          %get3A_264 = tpu.vector_load %arg12[%get3A_262, %get3A_263] {strides = array<i32>} : memref<200x128xf32, #tpu.memory_space<vmem>>, vector<1x16xf32>,
          %get3A_265 = vector.shape_cast %get3A_264 : vector<1x16xf32> to vector<16xf32>
          %add3A_266 = arith.addf %add3A_257, %get3A_265 : vector<16xf32>
          %mul3A_267 = arith.constant 25 : i32
          %mul3A_268 = arith.muli %scan3A_117, %mul3A_267 : i32
          %add3A_269 = arith.constant 17 : i32
          %add3A_270 = arith.addi %mul3A_268, %add3A_269 : i32
          %get3A_271 = arith.index_cast %add3A_270 : i32 to index
          %get3A_272 = arith.constant 0 : index
          %get3A_273 = tpu.vector_load %arg12[%get3A_271, %get3A_272] {strides = array<i32>} : memref<200x128xf32, #tpu.memory_space<vmem>>, vector<1x16xf32>,
          %get3A_274 = vector.shape_cast %get3A_273 : vector<1x16xf32> to vector<16xf32>
          %add3A_275 = arith.addf %add3A_266, %get3A_274 : vector<16xf32>
          %mul3A_276 = arith.constant 25 : i32
          %mul3A_277 = arith.muli %scan3A_117, %mul3A_276 : i32
          %add3A_278 = arith.constant 18 : i32
          %add3A_279 = arith.addi %mul3A_277, %add3A_278 : i32
          %get3A_280 = arith.index_cast %add3A_279 : i32 to index
          %get3A_281 = arith.constant 0 : index
          %get3A_282 = tpu.vector_load %arg12[%get3A_280, %get3A_281] {strides = array<i32>} : memref<200x128xf32, #tpu.memory_space<vmem>>, vector<1x16xf32>,
          %get3A_283 = vector.shape_cast %get3A_282 : vector<1x16xf32> to vector<16xf32>
          %add3A_284 = arith.addf %add3A_275, %get3A_283 : vector<16xf32>
          %mul3A_285 = arith.constant 25 : i32
          %mul3A_286 = arith.muli %scan3A_117, %mul3A_285 : i32
          %add3A_287 = arith.constant 19 : i32
          %add3A_288 = arith.addi %mul3A_286, %add3A_287 : i32
          %get3A_289 = arith.index_cast %add3A_288 : i32 to index
          %get3A_290 = arith.constant 0 : index
          %get3A_291 = tpu.vector_load %arg12[%get3A_289, %get3A_290] {strides = array<i32>} : memref<200x128xf32, #tpu.memory_space<vmem>>, vector<1x16xf32>,
          %get3A_292 = vector.shape_cast %get3A_291 : vector<1x16xf32> to vector<16xf32>
          %add3A_293 = arith.addf %add3A_284, %get3A_292 : vector<16xf32>
          %mul3A_294 = arith.constant 25 : i32
          %mul3A_295 = arith.muli %scan3A_117, %mul3A_294 : i32
          %add3A_296 = arith.constant 20 : i32
          %add3A_297 = arith.addi %mul3A_295, %add3A_296 : i32
          %get3A_298 = arith.index_cast %add3A_297 : i32 to index
          %get3A_299 = arith.constant 0 : index
          %get3A_300 = tpu.vector_load %arg12[%get3A_298, %get3A_299] {strides = array<i32>} : memref<200x128xf32, #tpu.memory_space<vmem>>, vector<1x16xf32>,
          %get3A_301 = vector.shape_cast %get3A_300 : vector<1x16xf32> to vector<16xf32>
          %add3A_302 = arith.addf %add3A_293, %get3A_301 : vector<16xf32>
          %mul3A_303 = arith.constant 25 : i32
          %mul3A_304 = arith.muli %scan3A_117, %mul3A_303 : i32
          %add3A_305 = arith.constant 21 : i32
          %add3A_306 = arith.addi %mul3A_304, %add3A_305 : i32
          %get3A_307 = arith.index_cast %add3A_306 : i32 to index
          %get3A_308 = arith.constant 0 : index
          %get3A_309 = tpu.vector_load %arg12[%get3A_307, %get3A_308] {strides = array<i32>} : memref<200x128xf32, #tpu.memory_space<vmem>>, vector<1x16xf32>,
          %get3A_310 = vector.shape_cast %get3A_309 : vector<1x16xf32> to vector<16xf32>
          %add3A_311 = arith.addf %add3A_302, %get3A_310 : vector<16xf32>
          %mul3A_312 = arith.constant 25 : i32
          %mul3A_313 = arith.muli %scan3A_117, %mul3A_312 : i32
          %add3A_314 = arith.constant 22 : i32
          %add3A_315 = arith.addi %mul3A_313, %add3A_314 : i32
          %get3A_316 = arith.index_cast %add3A_315 : i32 to index
          %get3A_317 = arith.constant 0 : index
          %get3A_318 = tpu.vector_load %arg12[%get3A_316, %get3A_317] {strides = array<i32>} : memref<200x128xf32, #tpu.memory_space<vmem>>, vector<1x16xf32>,
          %get3A_319 = vector.shape_cast %get3A_318 : vector<1x16xf32> to vector<16xf32>
          %add3A_320 = arith.addf %add3A_311, %get3A_319 : vector<16xf32>
          %mul3A_321 = arith.constant 25 : i32
          %mul3A_322 = arith.muli %scan3A_117, %mul3A_321 : i32
          %add3A_323 = arith.constant 23 : i32
          %add3A_324 = arith.addi %mul3A_322, %add3A_323 : i32
          %get3A_325 = arith.index_cast %add3A_324 : i32 to index
          %get3A_326 = arith.constant 0 : index
          %get3A_327 = tpu.vector_load %arg12[%get3A_325, %get3A_326] {strides = array<i32>} : memref<200x128xf32, #tpu.memory_space<vmem>>, vector<1x16xf32>,
          %get3A_328 = vector.shape_cast %get3A_327 : vector<1x16xf32> to vector<16xf32>
          %add3A_329 = arith.addf %add3A_320, %get3A_328 : vector<16xf32>
          %mul3A_330 = arith.constant 25 : i32
          %mul3A_331 = arith.muli %scan3A_117, %mul3A_330 : i32
          %add3A_332 = arith.constant 24 : i32
          %add3A_333 = arith.addi %mul3A_331, %add3A_332 : i32
          %get3A_334 = arith.index_cast %add3A_333 : i32 to index
          %get3A_335 = arith.constant 0 : index
          %get3A_336 = tpu.vector_load %arg12[%get3A_334, %get3A_335] {strides = array<i32>} : memref<200x128xf32, #tpu.memory_space<vmem>>, vector<1x16xf32>,
          %get3A_337 = vector.shape_cast %get3A_336 : vector<1x16xf32> to vector<16xf32>
          %add3A_338 = arith.addf %add3A_329, %get3A_337 : vector<16xf32>
          %mul3A_339 = arith.constant 4.000000e-02 : f32
          %mul3A_340 = vector.broadcast %mul3A_339 : f32 to vector<16xf32>
          %mul3A_341 = arith.mulf %add3A_338, %mul3A_340 : vector<16xf32>
          %swap3A = arith.index_cast %scan3A_117 : i32 to index
          %swap3A_342 = arith.constant 0 : index
          %swap3A_343 = tpu.vector_load %arg15[%swap3A, %swap3A_342] {strides = array<i32>} : memref<8x128xf32, #tpu.memory_space<vmem>>, vector<1x16xf32>,
          %swap3A_344 = vector.shape_cast %swap3A_343 : vector<1x16xf32> to vector<16xf32>
          %swap3A_345 = vector.shape_cast %mul3A_341 : vector<16xf32> to vector<1x16xf32>
          tpu.vector_store %arg15[%swap3A, %swap3A_342], %swap3A_345 {strides = array<i32>} : memref<8x128xf32, #tpu.memory_space<vmem>>, vector<1x16xf32>,
          %mul3A_346 = arith.constant 25 : i32
          %mul3A_347 = arith.muli %scan3A_117, %mul3A_346 : i32
          %get3A_348 = arith.index_cast %mul3A_347 : i32 to index
          %get3A_349 = arith.constant 16 : index
          %get3A_350 = tpu.vector_load %arg12[%get3A_348, %get3A_349] {strides = array<i32>} : memref<200x128xf32, #tpu.memory_space<vmem>>, vector<1x16xf32>,
          %get3A_351 = vector.shape_cast %get3A_350 : vector<1x16xf32> to vector<16xf32>
          %mul3A_352 = arith.constant 25 : i32
          %mul3A_353 = arith.muli %scan3A_117, %mul3A_352 : i32
          %add3A_354 = arith.constant 1 : i32
          %add3A_355 = arith.addi %mul3A_353, %add3A_354 : i32
          %get3A_356 = arith.index_cast %add3A_355 : i32 to index
          %get3A_357 = arith.constant 16 : index
          %get3A_358 = tpu.vector_load %arg12[%get3A_356, %get3A_357] {strides = array<i32>} : memref<200x128xf32, #tpu.memory_space<vmem>>, vector<1x16xf32>,
          %get3A_359 = vector.shape_cast %get3A_358 : vector<1x16xf32> to vector<16xf32>
          %add3A_360 = arith.addf %get3A_351, %get3A_359 : vector<16xf32>
          %mul3A_361 = arith.constant 25 : i32
          %mul3A_362 = arith.muli %scan3A_117, %mul3A_361 : i32
          %add3A_363 = arith.constant 2 : i32
          %add3A_364 = arith.addi %mul3A_362, %add3A_363 : i32
          %get3A_365 = arith.index_cast %add3A_364 : i32 to index
          %get3A_366 = arith.constant 16 : index
          %get3A_367 = tpu.vector_load %arg12[%get3A_365, %get3A_366] {strides = array<i32>} : memref<200x128xf32, #tpu.memory_space<vmem>>, vector<1x16xf32>,
          %get3A_368 = vector.shape_cast %get3A_367 : vector<1x16xf32> to vector<16xf32>
          %add3A_369 = arith.addf %add3A_360, %get3A_368 : vector<16xf32>
          %mul3A_370 = arith.constant 25 : i32
          %mul3A_371 = arith.muli %scan3A_117, %mul3A_370 : i32
          %add3A_372 = arith.constant 3 : i32
          %add3A_373 = arith.addi %mul3A_371, %add3A_372 : i32
          %get3A_374 = arith.index_cast %add3A_373 : i32 to index
          %get3A_375 = arith.constant 16 : index
          %get3A_376 = tpu.vector_load %arg12[%get3A_374, %get3A_375] {strides = array<i32>} : memref<200x128xf32, #tpu.memory_space<vmem>>, vector<1x16xf32>,
          %get3A_377 = vector.shape_cast %get3A_376 : vector<1x16xf32> to vector<16xf32>
          %add3A_378 = arith.addf %add3A_369, %get3A_377 : vector<16xf32>
          %mul3A_379 = arith.constant 25 : i32
          %mul3A_380 = arith.muli %scan3A_117, %mul3A_379 : i32
          %add3A_381 = arith.constant 4 : i32
          %add3A_382 = arith.addi %mul3A_380, %add3A_381 : i32
          %get3A_383 = arith.index_cast %add3A_382 : i32 to index
          %get3A_384 = arith.constant 16 : index
          %get3A_385 = tpu.vector_load %arg12[%get3A_383, %get3A_384] {strides = array<i32>} : memref<200x128xf32, #tpu.memory_space<vmem>>, vector<1x16xf32>,
          %get3A_386 = vector.shape_cast %get3A_385 : vector<1x16xf32> to vector<16xf32>
          %add3A_387 = arith.addf %add3A_378, %get3A_386 : vector<16xf32>
          %mul3A_388 = arith.constant 25 : i32
          %mul3A_389 = arith.muli %scan3A_117, %mul3A_388 : i32
          %add3A_390 = arith.constant 5 : i32
          %add3A_391 = arith.addi %mul3A_389, %add3A_390 : i32
          %get3A_392 = arith.index_cast %add3A_391 : i32 to index
          %get3A_393 = arith.constant 16 : index
          %get3A_394 = tpu.vector_load %arg12[%get3A_392, %get3A_393] {strides = array<i32>} : memref<200x128xf32, #tpu.memory_space<vmem>>, vector<1x16xf32>,
          %get3A_395 = vector.shape_cast %get3A_394 : vector<1x16xf32> to vector<16xf32>
          %add3A_396 = arith.addf %add3A_387, %get3A_395 : vector<16xf32>
          %mul3A_397 = arith.constant 25 : i32
          %mul3A_398 = arith.muli %scan3A_117, %mul3A_397 : i32
          %add3A_399 = arith.constant 6 : i32
          %add3A_400 = arith.addi %mul3A_398, %add3A_399 : i32
          %get3A_401 = arith.index_cast %add3A_400 : i32 to index
          %get3A_402 = arith.constant 16 : index
          %get3A_403 = tpu.vector_load %arg12[%get3A_401, %get3A_402] {strides = array<i32>} : memref<200x128xf32, #tpu.memory_space<vmem>>, vector<1x16xf32>,
          %get3A_404 = vector.shape_cast %get3A_403 : vector<1x16xf32> to vector<16xf32>
          %add3A_405 = arith.addf %add3A_396, %get3A_404 : vector<16xf32>
          %mul3A_406 = arith.constant 25 : i32
          %mul3A_407 = arith.muli %scan3A_117, %mul3A_406 : i32
          %add3A_408 = arith.constant 7 : i32
          %add3A_409 = arith.addi %mul3A_407, %add3A_408 : i32
          %get3A_410 = arith.index_cast %add3A_409 : i32 to index
          %get3A_411 = arith.constant 16 : index
          %get3A_412 = tpu.vector_load %arg12[%get3A_410, %get3A_411] {strides = array<i32>} : memref<200x128xf32, #tpu.memory_space<vmem>>, vector<1x16xf32>,
          %get3A_413 = vector.shape_cast %get3A_412 : vector<1x16xf32> to vector<16xf32>
          %add3A_414 = arith.addf %add3A_405, %get3A_413 : vector<16xf32>
          %mul3A_415 = arith.constant 25 : i32
          %mul3A_416 = arith.muli %scan3A_117, %mul3A_415 : i32
          %add3A_417 = arith.constant 8 : i32
          %add3A_418 = arith.addi %mul3A_416, %add3A_417 : i32
          %get3A_419 = arith.index_cast %add3A_418 : i32 to index
          %get3A_420 = arith.constant 16 : index
          %get3A_421 = tpu.vector_load %arg12[%get3A_419, %get3A_420] {strides = array<i32>} : memref<200x128xf32, #tpu.memory_space<vmem>>, vector<1x16xf32>,
          %get3A_422 = vector.shape_cast %get3A_421 : vector<1x16xf32> to vector<16xf32>
          %add3A_423 = arith.addf %add3A_414, %get3A_422 : vector<16xf32>
          %mul3A_424 = arith.constant 25 : i32
          %mul3A_425 = arith.muli %scan3A_117, %mul3A_424 : i32
          %add3A_426 = arith.constant 9 : i32
          %add3A_427 = arith.addi %mul3A_425, %add3A_426 : i32
          %get3A_428 = arith.index_cast %add3A_427 : i32 to index
          %get3A_429 = arith.constant 16 : index
          %get3A_430 = tpu.vector_load %arg12[%get3A_428, %get3A_429] {strides = array<i32>} : memref<200x128xf32, #tpu.memory_space<vmem>>, vector<1x16xf32>,
          %get3A_431 = vector.shape_cast %get3A_430 : vector<1x16xf32> to vector<16xf32>
          %add3A_432 = arith.addf %add3A_423, %get3A_431 : vector<16xf32>
          %mul3A_433 = arith.constant 25 : i32
          %mul3A_434 = arith.muli %scan3A_117, %mul3A_433 : i32
          %add3A_435 = arith.constant 10 : i32
          %add3A_436 = arith.addi %mul3A_434, %add3A_435 : i32
          %get3A_437 = arith.index_cast %add3A_436 : i32 to index
          %get3A_438 = arith.constant 16 : index
          %get3A_439 = tpu.vector_load %arg12[%get3A_437, %get3A_438] {strides = array<i32>} : memref<200x128xf32, #tpu.memory_space<vmem>>, vector<1x16xf32>,
          %get3A_440 = vector.shape_cast %get3A_439 : vector<1x16xf32> to vector<16xf32>
          %add3A_441 = arith.addf %add3A_432, %get3A_440 : vector<16xf32>
          %mul3A_442 = arith.constant 25 : i32
          %mul3A_443 = arith.muli %scan3A_117, %mul3A_442 : i32
          %add3A_444 = arith.constant 11 : i32
          %add3A_445 = arith.addi %mul3A_443, %add3A_444 : i32
          %get3A_446 = arith.index_cast %add3A_445 : i32 to index
          %get3A_447 = arith.constant 16 : index
          %get3A_448 = tpu.vector_load %arg12[%get3A_446, %get3A_447] {strides = array<i32>} : memref<200x128xf32, #tpu.memory_space<vmem>>, vector<1x16xf32>,
          %get3A_449 = vector.shape_cast %get3A_448 : vector<1x16xf32> to vector<16xf32>
          %add3A_450 = arith.addf %add3A_441, %get3A_449 : vector<16xf32>
          %mul3A_451 = arith.constant 25 : i32
          %mul3A_452 = arith.muli %scan3A_117, %mul3A_451 : i32
          %add3A_453 = arith.constant 12 : i32
          %add3A_454 = arith.addi %mul3A_452, %add3A_453 : i32
          %get3A_455 = arith.index_cast %add3A_454 : i32 to index
          %get3A_456 = arith.constant 16 : index
          %get3A_457 = tpu.vector_load %arg12[%get3A_455, %get3A_456] {strides = array<i32>} : memref<200x128xf32, #tpu.memory_space<vmem>>, vector<1x16xf32>,
          %get3A_458 = vector.shape_cast %get3A_457 : vector<1x16xf32> to vector<16xf32>
          %add3A_459 = arith.addf %add3A_450, %get3A_458 : vector<16xf32>
          %mul3A_460 = arith.constant 25 : i32
          %mul3A_461 = arith.muli %scan3A_117, %mul3A_460 : i32
          %add3A_462 = arith.constant 13 : i32
          %add3A_463 = arith.addi %mul3A_461, %add3A_462 : i32
          %get3A_464 = arith.index_cast %add3A_463 : i32 to index
          %get3A_465 = arith.constant 16 : index
          %get3A_466 = tpu.vector_load %arg12[%get3A_464, %get3A_465] {strides = array<i32>} : memref<200x128xf32, #tpu.memory_space<vmem>>, vector<1x16xf32>,
          %get3A_467 = vector.shape_cast %get3A_466 : vector<1x16xf32> to vector<16xf32>
          %add3A_468 = arith.addf %add3A_459, %get3A_467 : vector<16xf32>
          %mul3A_469 = arith.constant 25 : i32
          %mul3A_470 = arith.muli %scan3A_117, %mul3A_469 : i32
          %add3A_471 = arith.constant 14 : i32
          %add3A_472 = arith.addi %mul3A_470, %add3A_471 : i32
          %get3A_473 = arith.index_cast %add3A_472 : i32 to index
          %get3A_474 = arith.constant 16 : index
          %get3A_475 = tpu.vector_load %arg12[%get3A_473, %get3A_474] {strides = array<i32>} : memref<200x128xf32, #tpu.memory_space<vmem>>, vector<1x16xf32>,
          %get3A_476 = vector.shape_cast %get3A_475 : vector<1x16xf32> to vector<16xf32>
          %add3A_477 = arith.addf %add3A_468, %get3A_476 : vector<16xf32>
          %mul3A_478 = arith.constant 25 : i32
          %mul3A_479 = arith.muli %scan3A_117, %mul3A_478 : i32
          %add3A_480 = arith.constant 15 : i32
          %add3A_481 = arith.addi %mul3A_479, %add3A_480 : i32
          %get3A_482 = arith.index_cast %add3A_481 : i32 to index
          %get3A_483 = arith.constant 16 : index
          %get3A_484 = tpu.vector_load %arg12[%get3A_482, %get3A_483] {strides = array<i32>} : memref<200x128xf32, #tpu.memory_space<vmem>>, vector<1x16xf32>,
          %get3A_485 = vector.shape_cast %get3A_484 : vector<1x16xf32> to vector<16xf32>
          %add3A_486 = arith.addf %add3A_477, %get3A_485 : vector<16xf32>
          %mul3A_487 = arith.constant 25 : i32
          %mul3A_488 = arith.muli %scan3A_117, %mul3A_487 : i32
          %add3A_489 = arith.constant 16 : i32
          %add3A_490 = arith.addi %mul3A_488, %add3A_489 : i32
          %get3A_491 = arith.index_cast %add3A_490 : i32 to index
          %get3A_492 = arith.constant 16 : index
          %get3A_493 = tpu.vector_load %arg12[%get3A_491, %get3A_492] {strides = array<i32>} : memref<200x128xf32, #tpu.memory_space<vmem>>, vector<1x16xf32>,
          %get3A_494 = vector.shape_cast %get3A_493 : vector<1x16xf32> to vector<16xf32>
          %add3A_495 = arith.addf %add3A_486, %get3A_494 : vector<16xf32>
          %mul3A_496 = arith.constant 25 : i32
          %mul3A_497 = arith.muli %scan3A_117, %mul3A_496 : i32
          %add3A_498 = arith.constant 17 : i32
          %add3A_499 = arith.addi %mul3A_497, %add3A_498 : i32
          %get3A_500 = arith.index_cast %add3A_499 : i32 to index
          %get3A_501 = arith.constant 16 : index
          %get3A_502 = tpu.vector_load %arg12[%get3A_500, %get3A_501] {strides = array<i32>} : memref<200x128xf32, #tpu.memory_space<vmem>>, vector<1x16xf32>,
          %get3A_503 = vector.shape_cast %get3A_502 : vector<1x16xf32> to vector<16xf32>
          %add3A_504 = arith.addf %add3A_495, %get3A_503 : vector<16xf32>
          %mul3A_505 = arith.constant 25 : i32
          %mul3A_506 = arith.muli %scan3A_117, %mul3A_505 : i32
          %add3A_507 = arith.constant 18 : i32
          %add3A_508 = arith.addi %mul3A_506, %add3A_507 : i32
          %get3A_509 = arith.index_cast %add3A_508 : i32 to index
          %get3A_510 = arith.constant 16 : index
          %get3A_511 = tpu.vector_load %arg12[%get3A_509, %get3A_510] {strides = array<i32>} : memref<200x128xf32, #tpu.memory_space<vmem>>, vector<1x16xf32>,
          %get3A_512 = vector.shape_cast %get3A_511 : vector<1x16xf32> to vector<16xf32>
          %add3A_513 = arith.addf %add3A_504, %get3A_512 : vector<16xf32>
          %mul3A_514 = arith.constant 25 : i32
          %mul3A_515 = arith.muli %scan3A_117, %mul3A_514 : i32
          %add3A_516 = arith.constant 19 : i32
          %add3A_517 = arith.addi %mul3A_515, %add3A_516 : i32
          %get3A_518 = arith.index_cast %add3A_517 : i32 to index
          %get3A_519 = arith.constant 16 : index
          %get3A_520 = tpu.vector_load %arg12[%get3A_518, %get3A_519] {strides = array<i32>} : memref<200x128xf32, #tpu.memory_space<vmem>>, vector<1x16xf32>,
          %get3A_521 = vector.shape_cast %get3A_520 : vector<1x16xf32> to vector<16xf32>
          %add3A_522 = arith.addf %add3A_513, %get3A_521 : vector<16xf32>
          %mul3A_523 = arith.constant 25 : i32
          %mul3A_524 = arith.muli %scan3A_117, %mul3A_523 : i32
          %add3A_525 = arith.constant 20 : i32
          %add3A_526 = arith.addi %mul3A_524, %add3A_525 : i32
          %get3A_527 = arith.index_cast %add3A_526 : i32 to index
          %get3A_528 = arith.constant 16 : index
          %get3A_529 = tpu.vector_load %arg12[%get3A_527, %get3A_528] {strides = array<i32>} : memref<200x128xf32, #tpu.memory_space<vmem>>, vector<1x16xf32>,
          %get3A_530 = vector.shape_cast %get3A_529 : vector<1x16xf32> to vector<16xf32>
          %add3A_531 = arith.addf %add3A_522, %get3A_530 : vector<16xf32>
          %mul3A_532 = arith.constant 25 : i32
          %mul3A_533 = arith.muli %scan3A_117, %mul3A_532 : i32
          %add3A_534 = arith.constant 21 : i32
          %add3A_535 = arith.addi %mul3A_533, %add3A_534 : i32
          %get3A_536 = arith.index_cast %add3A_535 : i32 to index
          %get3A_537 = arith.constant 16 : index
          %get3A_538 = tpu.vector_load %arg12[%get3A_536, %get3A_537] {strides = array<i32>} : memref<200x128xf32, #tpu.memory_space<vmem>>, vector<1x16xf32>,
          %get3A_539 = vector.shape_cast %get3A_538 : vector<1x16xf32> to vector<16xf32>
          %add3A_540 = arith.addf %add3A_531, %get3A_539 : vector<16xf32>
          %mul3A_541 = arith.constant 25 : i32
          %mul3A_542 = arith.muli %scan3A_117, %mul3A_541 : i32
          %add3A_543 = arith.constant 22 : i32
          %add3A_544 = arith.addi %mul3A_542, %add3A_543 : i32
          %get3A_545 = arith.index_cast %add3A_544 : i32 to index
          %get3A_546 = arith.constant 16 : index
          %get3A_547 = tpu.vector_load %arg12[%get3A_545, %get3A_546] {strides = array<i32>} : memref<200x128xf32, #tpu.memory_space<vmem>>, vector<1x16xf32>,
          %get3A_548 = vector.shape_cast %get3A_547 : vector<1x16xf32> to vector<16xf32>
          %add3A_549 = arith.addf %add3A_540, %get3A_548 : vector<16xf32>
          %mul3A_550 = arith.constant 25 : i32
          %mul3A_551 = arith.muli %scan3A_117, %mul3A_550 : i32
          %add3A_552 = arith.constant 23 : i32
          %add3A_553 = arith.addi %mul3A_551, %add3A_552 : i32
          %get3A_554 = arith.index_cast %add3A_553 : i32 to index
          %get3A_555 = arith.constant 16 : index
          %get3A_556 = tpu.vector_load %arg12[%get3A_554, %get3A_555] {strides = array<i32>} : memref<200x128xf32, #tpu.memory_space<vmem>>, vector<1x16xf32>,
          %get3A_557 = vector.shape_cast %get3A_556 : vector<1x16xf32> to vector<16xf32>
          %add3A_558 = arith.addf %add3A_549, %get3A_557 : vector<16xf32>
          %mul3A_559 = arith.constant 25 : i32
          %mul3A_560 = arith.muli %scan3A_117, %mul3A_559 : i32
          %add3A_561 = arith.constant 24 : i32
          %add3A_562 = arith.addi %mul3A_560, %add3A_561 : i32
          %get3A_563 = arith.index_cast %add3A_562 : i32 to index
          %get3A_564 = arith.constant 16 : index
          %get3A_565 = tpu.vector_load %arg12[%get3A_563, %get3A_564] {strides = array<i32>} : memref<200x128xf32, #tpu.memory_space<vmem>>, vector<1x16xf32>,
          %get3A_566 = vector.shape_cast %get3A_565 : vector<1x16xf32> to vector<16xf32>
          %add3A_567 = arith.addf %add3A_558, %get3A_566 : vector<16xf32>
          %mul3A_568 = arith.constant 4.000000e-02 : f32
          %mul3A_569 = vector.broadcast %mul3A_568 : f32 to vector<16xf32>
          %mul3A_570 = arith.mulf %add3A_567, %mul3A_569 : vector<16xf32>
          %swap3A_571 = arith.index_cast %scan3A_117 : i32 to index
          %swap3A_572 = arith.constant 16 : index
          %swap3A_573 = tpu.vector_load %arg15[%swap3A_571, %swap3A_572] {strides = array<i32>} : memref<8x128xf32, #tpu.memory_space<vmem>>, vector<1x16xf32>,
          %swap3A_574 = vector.shape_cast %swap3A_573 : vector<1x16xf32> to vector<16xf32>
          %swap3A_575 = vector.shape_cast %mul3A_570 : vector<16xf32> to vector<1x16xf32>
          tpu.vector_store %arg15[%swap3A_571, %swap3A_572], %swap3A_575 {strides = array<i32>} : memref<8x128xf32, #tpu.memory_space<vmem>>, vector<1x16xf32>,
          %mul3A_576 = arith.constant 25 : i32
          %mul3A_577 = arith.muli %scan3A_117, %mul3A_576 : i32
          %get3A_578 = arith.index_cast %mul3A_577 : i32 to index
          %get3A_579 = arith.constant 32 : index
          %get3A_580 = tpu.vector_load %arg12[%get3A_578, %get3A_579] {strides = array<i32>} : memref<200x128xf32, #tpu.memory_space<vmem>>, vector<1x16xf32>,
          %get3A_581 = vector.shape_cast %get3A_580 : vector<1x16xf32> to vector<16xf32>
          %mul3A_582 = arith.constant 25 : i32
          %mul3A_583 = arith.muli %scan3A_117, %mul3A_582 : i32
          %add3A_584 = arith.constant 1 : i32
          %add3A_585 = arith.addi %mul3A_583, %add3A_584 : i32
          %get3A_586 = arith.index_cast %add3A_585 : i32 to index
          %get3A_587 = arith.constant 32 : index
          %get3A_588 = tpu.vector_load %arg12[%get3A_586, %get3A_587] {strides = array<i32>} : memref<200x128xf32, #tpu.memory_space<vmem>>, vector<1x16xf32>,
          %get3A_589 = vector.shape_cast %get3A_588 : vector<1x16xf32> to vector<16xf32>
          %add3A_590 = arith.addf %get3A_581, %get3A_589 : vector<16xf32>
          %mul3A_591 = arith.constant 25 : i32
          %mul3A_592 = arith.muli %scan3A_117, %mul3A_591 : i32
          %add3A_593 = arith.constant 2 : i32
          %add3A_594 = arith.addi %mul3A_592, %add3A_593 : i32
          %get3A_595 = arith.index_cast %add3A_594 : i32 to index
          %get3A_596 = arith.constant 32 : index
          %get3A_597 = tpu.vector_load %arg12[%get3A_595, %get3A_596] {strides = array<i32>} : memref<200x128xf32, #tpu.memory_space<vmem>>, vector<1x16xf32>,
          %get3A_598 = vector.shape_cast %get3A_597 : vector<1x16xf32> to vector<16xf32>
          %add3A_599 = arith.addf %add3A_590, %get3A_598 : vector<16xf32>
          %mul3A_600 = arith.constant 25 : i32
          %mul3A_601 = arith.muli %scan3A_117, %mul3A_600 : i32
          %add3A_602 = arith.constant 3 : i32
          %add3A_603 = arith.addi %mul3A_601, %add3A_602 : i32
          %get3A_604 = arith.index_cast %add3A_603 : i32 to index
          %get3A_605 = arith.constant 32 : index
          %get3A_606 = tpu.vector_load %arg12[%get3A_604, %get3A_605] {strides = array<i32>} : memref<200x128xf32, #tpu.memory_space<vmem>>, vector<1x16xf32>,
          %get3A_607 = vector.shape_cast %get3A_606 : vector<1x16xf32> to vector<16xf32>
          %add3A_608 = arith.addf %add3A_599, %get3A_607 : vector<16xf32>
          %mul3A_609 = arith.constant 25 : i32
          %mul3A_610 = arith.muli %scan3A_117, %mul3A_609 : i32
          %add3A_611 = arith.constant 4 : i32
          %add3A_612 = arith.addi %mul3A_610, %add3A_611 : i32
          %get3A_613 = arith.index_cast %add3A_612 : i32 to index
          %get3A_614 = arith.constant 32 : index
          %get3A_615 = tpu.vector_load %arg12[%get3A_613, %get3A_614] {strides = array<i32>} : memref<200x128xf32, #tpu.memory_space<vmem>>, vector<1x16xf32>,
          %get3A_616 = vector.shape_cast %get3A_615 : vector<1x16xf32> to vector<16xf32>
          %add3A_617 = arith.addf %add3A_608, %get3A_616 : vector<16xf32>
          %mul3A_618 = arith.constant 25 : i32
          %mul3A_619 = arith.muli %scan3A_117, %mul3A_618 : i32
          %add3A_620 = arith.constant 5 : i32
          %add3A_621 = arith.addi %mul3A_619, %add3A_620 : i32
          %get3A_622 = arith.index_cast %add3A_621 : i32 to index
          %get3A_623 = arith.constant 32 : index
          %get3A_624 = tpu.vector_load %arg12[%get3A_622, %get3A_623] {strides = array<i32>} : memref<200x128xf32, #tpu.memory_space<vmem>>, vector<1x16xf32>,
          %get3A_625 = vector.shape_cast %get3A_624 : vector<1x16xf32> to vector<16xf32>
          %add3A_626 = arith.addf %add3A_617, %get3A_625 : vector<16xf32>
          %mul3A_627 = arith.constant 25 : i32
          %mul3A_628 = arith.muli %scan3A_117, %mul3A_627 : i32
          %add3A_629 = arith.constant 6 : i32
          %add3A_630 = arith.addi %mul3A_628, %add3A_629 : i32
          %get3A_631 = arith.index_cast %add3A_630 : i32 to index
          %get3A_632 = arith.constant 32 : index
          %get3A_633 = tpu.vector_load %arg12[%get3A_631, %get3A_632] {strides = array<i32>} : memref<200x128xf32, #tpu.memory_space<vmem>>, vector<1x16xf32>,
          %get3A_634 = vector.shape_cast %get3A_633 : vector<1x16xf32> to vector<16xf32>
          %add3A_635 = arith.addf %add3A_626, %get3A_634 : vector<16xf32>
          %mul3A_636 = arith.constant 25 : i32
          %mul3A_637 = arith.muli %scan3A_117, %mul3A_636 : i32
          %add3A_638 = arith.constant 7 : i32
          %add3A_639 = arith.addi %mul3A_637, %add3A_638 : i32
          %get3A_640 = arith.index_cast %add3A_639 : i32 to index
          %get3A_641 = arith.constant 32 : index
          %get3A_642 = tpu.vector_load %arg12[%get3A_640, %get3A_641] {strides = array<i32>} : memref<200x128xf32, #tpu.memory_space<vmem>>, vector<1x16xf32>,
          %get3A_643 = vector.shape_cast %get3A_642 : vector<1x16xf32> to vector<16xf32>
          %add3A_644 = arith.addf %add3A_635, %get3A_643 : vector<16xf32>
          %mul3A_645 = arith.constant 25 : i32
          %mul3A_646 = arith.muli %scan3A_117, %mul3A_645 : i32
          %add3A_647 = arith.constant 8 : i32
          %add3A_648 = arith.addi %mul3A_646, %add3A_647 : i32
          %get3A_649 = arith.index_cast %add3A_648 : i32 to index
          %get3A_650 = arith.constant 32 : index
          %get3A_651 = tpu.vector_load %arg12[%get3A_649, %get3A_650] {strides = array<i32>} : memref<200x128xf32, #tpu.memory_space<vmem>>, vector<1x16xf32>,
          %get3A_652 = vector.shape_cast %get3A_651 : vector<1x16xf32> to vector<16xf32>
          %add3A_653 = arith.addf %add3A_644, %get3A_652 : vector<16xf32>
          %mul3A_654 = arith.constant 25 : i32
          %mul3A_655 = arith.muli %scan3A_117, %mul3A_654 : i32
          %add3A_656 = arith.constant 9 : i32
          %add3A_657 = arith.addi %mul3A_655, %add3A_656 : i32
          %get3A_658 = arith.index_cast %add3A_657 : i32 to index
          %get3A_659 = arith.constant 32 : index
          %get3A_660 = tpu.vector_load %arg12[%get3A_658, %get3A_659] {strides = array<i32>} : memref<200x128xf32, #tpu.memory_space<vmem>>, vector<1x16xf32>,
          %get3A_661 = vector.shape_cast %get3A_660 : vector<1x16xf32> to vector<16xf32>
          %add3A_662 = arith.addf %add3A_653, %get3A_661 : vector<16xf32>
          %mul3A_663 = arith.constant 25 : i32
          %mul3A_664 = arith.muli %scan3A_117, %mul3A_663 : i32
          %add3A_665 = arith.constant 10 : i32
          %add3A_666 = arith.addi %mul3A_664, %add3A_665 : i32
          %get3A_667 = arith.index_cast %add3A_666 : i32 to index
          %get3A_668 = arith.constant 32 : index
          %get3A_669 = tpu.vector_load %arg12[%get3A_667, %get3A_668] {strides = array<i32>} : memref<200x128xf32, #tpu.memory_space<vmem>>, vector<1x16xf32>,
          %get3A_670 = vector.shape_cast %get3A_669 : vector<1x16xf32> to vector<16xf32>
          %add3A_671 = arith.addf %add3A_662, %get3A_670 : vector<16xf32>
          %mul3A_672 = arith.constant 25 : i32
          %mul3A_673 = arith.muli %scan3A_117, %mul3A_672 : i32
          %add3A_674 = arith.constant 11 : i32
          %add3A_675 = arith.addi %mul3A_673, %add3A_674 : i32
          %get3A_676 = arith.index_cast %add3A_675 : i32 to index
          %get3A_677 = arith.constant 32 : index
          %get3A_678 = tpu.vector_load %arg12[%get3A_676, %get3A_677] {strides = array<i32>} : memref<200x128xf32, #tpu.memory_space<vmem>>, vector<1x16xf32>,
          %get3A_679 = vector.shape_cast %get3A_678 : vector<1x16xf32> to vector<16xf32>
          %add3A_680 = arith.addf %add3A_671, %get3A_679 : vector<16xf32>
          %mul3A_681 = arith.constant 25 : i32
          %mul3A_682 = arith.muli %scan3A_117, %mul3A_681 : i32
          %add3A_683 = arith.constant 12 : i32
          %add3A_684 = arith.addi %mul3A_682, %add3A_683 : i32
          %get3A_685 = arith.index_cast %add3A_684 : i32 to index
          %get3A_686 = arith.constant 32 : index
          %get3A_687 = tpu.vector_load %arg12[%get3A_685, %get3A_686] {strides = array<i32>} : memref<200x128xf32, #tpu.memory_space<vmem>>, vector<1x16xf32>,
          %get3A_688 = vector.shape_cast %get3A_687 : vector<1x16xf32> to vector<16xf32>
          %add3A_689 = arith.addf %add3A_680, %get3A_688 : vector<16xf32>
          %mul3A_690 = arith.constant 25 : i32
          %mul3A_691 = arith.muli %scan3A_117, %mul3A_690 : i32
          %add3A_692 = arith.constant 13 : i32
          %add3A_693 = arith.addi %mul3A_691, %add3A_692 : i32
          %get3A_694 = arith.index_cast %add3A_693 : i32 to index
          %get3A_695 = arith.constant 32 : index
          %get3A_696 = tpu.vector_load %arg12[%get3A_694, %get3A_695] {strides = array<i32>} : memref<200x128xf32, #tpu.memory_space<vmem>>, vector<1x16xf32>,
          %get3A_697 = vector.shape_cast %get3A_696 : vector<1x16xf32> to vector<16xf32>
          %add3A_698 = arith.addf %add3A_689, %get3A_697 : vector<16xf32>
          %mul3A_699 = arith.constant 25 : i32
          %mul3A_700 = arith.muli %scan3A_117, %mul3A_699 : i32
          %add3A_701 = arith.constant 14 : i32
          %add3A_702 = arith.addi %mul3A_700, %add3A_701 : i32
          %get3A_703 = arith.index_cast %add3A_702 : i32 to index
          %get3A_704 = arith.constant 32 : index
          %get3A_705 = tpu.vector_load %arg12[%get3A_703, %get3A_704] {strides = array<i32>} : memref<200x128xf32, #tpu.memory_space<vmem>>, vector<1x16xf32>,
          %get3A_706 = vector.shape_cast %get3A_705 : vector<1x16xf32> to vector<16xf32>
          %add3A_707 = arith.addf %add3A_698, %get3A_706 : vector<16xf32>
          %mul3A_708 = arith.constant 25 : i32
          %mul3A_709 = arith.muli %scan3A_117, %mul3A_708 : i32
          %add3A_710 = arith.constant 15 : i32
          %add3A_711 = arith.addi %mul3A_709, %add3A_710 : i32
          %get3A_712 = arith.index_cast %add3A_711 : i32 to index
          %get3A_713 = arith.constant 32 : index
          %get3A_714 = tpu.vector_load %arg12[%get3A_712, %get3A_713] {strides = array<i32>} : memref<200x128xf32, #tpu.memory_space<vmem>>, vector<1x16xf32>,
          %get3A_715 = vector.shape_cast %get3A_714 : vector<1x16xf32> to vector<16xf32>
          %add3A_716 = arith.addf %add3A_707, %get3A_715 : vector<16xf32>
          %mul3A_717 = arith.constant 25 : i32
          %mul3A_718 = arith.muli %scan3A_117, %mul3A_717 : i32
          %add3A_719 = arith.constant 16 : i32
          %add3A_720 = arith.addi %mul3A_718, %add3A_719 : i32
          %get3A_721 = arith.index_cast %add3A_720 : i32 to index
          %get3A_722 = arith.constant 32 : index
          %get3A_723 = tpu.vector_load %arg12[%get3A_721, %get3A_722] {strides = array<i32>} : memref<200x128xf32, #tpu.memory_space<vmem>>, vector<1x16xf32>,
          %get3A_724 = vector.shape_cast %get3A_723 : vector<1x16xf32> to vector<16xf32>
          %add3A_725 = arith.addf %add3A_716, %get3A_724 : vector<16xf32>
          %mul3A_726 = arith.constant 25 : i32
          %mul3A_727 = arith.muli %scan3A_117, %mul3A_726 : i32
          %add3A_728 = arith.constant 17 : i32
          %add3A_729 = arith.addi %mul3A_727, %add3A_728 : i32
          %get3A_730 = arith.index_cast %add3A_729 : i32 to index
          %get3A_731 = arith.constant 32 : index
          %get3A_732 = tpu.vector_load %arg12[%get3A_730, %get3A_731] {strides = array<i32>} : memref<200x128xf32, #tpu.memory_space<vmem>>, vector<1x16xf32>,
          %get3A_733 = vector.shape_cast %get3A_732 : vector<1x16xf32> to vector<16xf32>
          %add3A_734 = arith.addf %add3A_725, %get3A_733 : vector<16xf32>
          %mul3A_735 = arith.constant 25 : i32
          %mul3A_736 = arith.muli %scan3A_117, %mul3A_735 : i32
          %add3A_737 = arith.constant 18 : i32
          %add3A_738 = arith.addi %mul3A_736, %add3A_737 : i32
          %get3A_739 = arith.index_cast %add3A_738 : i32 to index
          %get3A_740 = arith.constant 32 : index
          %get3A_741 = tpu.vector_load %arg12[%get3A_739, %get3A_740] {strides = array<i32>} : memref<200x128xf32, #tpu.memory_space<vmem>>, vector<1x16xf32>,
          %get3A_742 = vector.shape_cast %get3A_741 : vector<1x16xf32> to vector<16xf32>
          %add3A_743 = arith.addf %add3A_734, %get3A_742 : vector<16xf32>
          %mul3A_744 = arith.constant 25 : i32
          %mul3A_745 = arith.muli %scan3A_117, %mul3A_744 : i32
          %add3A_746 = arith.constant 19 : i32
          %add3A_747 = arith.addi %mul3A_745, %add3A_746 : i32
          %get3A_748 = arith.index_cast %add3A_747 : i32 to index
          %get3A_749 = arith.constant 32 : index
          %get3A_750 = tpu.vector_load %arg12[%get3A_748, %get3A_749] {strides = array<i32>} : memref<200x128xf32, #tpu.memory_space<vmem>>, vector<1x16xf32>,
          %get3A_751 = vector.shape_cast %get3A_750 : vector<1x16xf32> to vector<16xf32>
          %add3A_752 = arith.addf %add3A_743, %get3A_751 : vector<16xf32>
          %mul3A_753 = arith.constant 25 : i32
          %mul3A_754 = arith.muli %scan3A_117, %mul3A_753 : i32
          %add3A_755 = arith.constant 20 : i32
          %add3A_756 = arith.addi %mul3A_754, %add3A_755 : i32
          %get3A_757 = arith.index_cast %add3A_756 : i32 to index
          %get3A_758 = arith.constant 32 : index
          %get3A_759 = tpu.vector_load %arg12[%get3A_757, %get3A_758] {strides = array<i32>} : memref<200x128xf32, #tpu.memory_space<vmem>>, vector<1x16xf32>,
          %get3A_760 = vector.shape_cast %get3A_759 : vector<1x16xf32> to vector<16xf32>
          %add3A_761 = arith.addf %add3A_752, %get3A_760 : vector<16xf32>
          %mul3A_762 = arith.constant 25 : i32
          %mul3A_763 = arith.muli %scan3A_117, %mul3A_762 : i32
          %add3A_764 = arith.constant 21 : i32
          %add3A_765 = arith.addi %mul3A_763, %add3A_764 : i32
          %get3A_766 = arith.index_cast %add3A_765 : i32 to index
          %get3A_767 = arith.constant 32 : index
          %get3A_768 = tpu.vector_load %arg12[%get3A_766, %get3A_767] {strides = array<i32>} : memref<200x128xf32, #tpu.memory_space<vmem>>, vector<1x16xf32>,
          %get3A_769 = vector.shape_cast %get3A_768 : vector<1x16xf32> to vector<16xf32>
          %add3A_770 = arith.addf %add3A_761, %get3A_769 : vector<16xf32>
          %mul3A_771 = arith.constant 25 : i32
          %mul3A_772 = arith.muli %scan3A_117, %mul3A_771 : i32
          %add3A_773 = arith.constant 22 : i32
          %add3A_774 = arith.addi %mul3A_772, %add3A_773 : i32
          %get3A_775 = arith.index_cast %add3A_774 : i32 to index
          %get3A_776 = arith.constant 32 : index
          %get3A_777 = tpu.vector_load %arg12[%get3A_775, %get3A_776] {strides = array<i32>} : memref<200x128xf32, #tpu.memory_space<vmem>>, vector<1x16xf32>,
          %get3A_778 = vector.shape_cast %get3A_777 : vector<1x16xf32> to vector<16xf32>
          %add3A_779 = arith.addf %add3A_770, %get3A_778 : vector<16xf32>
          %mul3A_780 = arith.constant 25 : i32
          %mul3A_781 = arith.muli %scan3A_117, %mul3A_780 : i32
          %add3A_782 = arith.constant 23 : i32
          %add3A_783 = arith.addi %mul3A_781, %add3A_782 : i32
          %get3A_784 = arith.index_cast %add3A_783 : i32 to index
          %get3A_785 = arith.constant 32 : index
          %get3A_786 = tpu.vector_load %arg12[%get3A_784, %get3A_785] {strides = array<i32>} : memref<200x128xf32, #tpu.memory_space<vmem>>, vector<1x16xf32>,
          %get3A_787 = vector.shape_cast %get3A_786 : vector<1x16xf32> to vector<16xf32>
          %add3A_788 = arith.addf %add3A_779, %get3A_787 : vector<16xf32>
          %mul3A_789 = arith.constant 25 : i32
          %mul3A_790 = arith.muli %scan3A_117, %mul3A_789 : i32
          %add3A_791 = arith.constant 24 : i32
          %add3A_792 = arith.addi %mul3A_790, %add3A_791 : i32
          %get3A_793 = arith.index_cast %add3A_792 : i32 to index
          %get3A_794 = arith.constant 32 : index
          %get3A_795 = tpu.vector_load %arg12[%get3A_793, %get3A_794] {strides = array<i32>} : memref<200x128xf32, #tpu.memory_space<vmem>>, vector<1x16xf32>,
          %get3A_796 = vector.shape_cast %get3A_795 : vector<1x16xf32> to vector<16xf32>
          %add3A_797 = arith.addf %add3A_788, %get3A_796 : vector<16xf32>
          %mul3A_798 = arith.constant 4.000000e-02 : f32
          %mul3A_799 = vector.broadcast %mul3A_798 : f32 to vector<16xf32>
          %mul3A_800 = arith.mulf %add3A_797, %mul3A_799 : vector<16xf32>
          %swap3A_801 = arith.index_cast %scan3A_117 : i32 to index
          %swap3A_802 = arith.constant 32 : index
          %swap3A_803 = tpu.vector_load %arg15[%swap3A_801, %swap3A_802] {strides = array<i32>} : memref<8x128xf32, #tpu.memory_space<vmem>>, vector<1x16xf32>,
          %swap3A_804 = vector.shape_cast %swap3A_803 : vector<1x16xf32> to vector<16xf32>
          %swap3A_805 = vector.shape_cast %mul3A_800 : vector<16xf32> to vector<1x16xf32>
          tpu.vector_store %arg15[%swap3A_801, %swap3A_802], %swap3A_805 {strides = array<i32>} : memref<8x128xf32, #tpu.memory_space<vmem>>, vector<1x16xf32>,
          %mul3A_806 = arith.constant 25 : i32
          %mul3A_807 = arith.muli %scan3A_117, %mul3A_806 : i32
          %get3A_808 = arith.index_cast %mul3A_807 : i32 to index
          %get3A_809 = arith.constant 48 : index
          %get3A_810 = tpu.vector_load %arg12[%get3A_808, %get3A_809] {strides = array<i32>} : memref<200x128xf32, #tpu.memory_space<vmem>>, vector<1x16xf32>,
          %get3A_811 = vector.shape_cast %get3A_810 : vector<1x16xf32> to vector<16xf32>
          %mul3A_812 = arith.constant 25 : i32
          %mul3A_813 = arith.muli %scan3A_117, %mul3A_812 : i32
          %add3A_814 = arith.constant 1 : i32
          %add3A_815 = arith.addi %mul3A_813, %add3A_814 : i32
          %get3A_816 = arith.index_cast %add3A_815 : i32 to index
          %get3A_817 = arith.constant 48 : index
          %get3A_818 = tpu.vector_load %arg12[%get3A_816, %get3A_817] {strides = array<i32>} : memref<200x128xf32, #tpu.memory_space<vmem>>, vector<1x16xf32>,
          %get3A_819 = vector.shape_cast %get3A_818 : vector<1x16xf32> to vector<16xf32>
          %add3A_820 = arith.addf %get3A_811, %get3A_819 : vector<16xf32>
          %mul3A_821 = arith.constant 25 : i32
          %mul3A_822 = arith.muli %scan3A_117, %mul3A_821 : i32
          %add3A_823 = arith.constant 2 : i32
          %add3A_824 = arith.addi %mul3A_822, %add3A_823 : i32
          %get3A_825 = arith.index_cast %add3A_824 : i32 to index
          %get3A_826 = arith.constant 48 : index
          %get3A_827 = tpu.vector_load %arg12[%get3A_825, %get3A_826] {strides = array<i32>} : memref<200x128xf32, #tpu.memory_space<vmem>>, vector<1x16xf32>,
          %get3A_828 = vector.shape_cast %get3A_827 : vector<1x16xf32> to vector<16xf32>
          %add3A_829 = arith.addf %add3A_820, %get3A_828 : vector<16xf32>
          %mul3A_830 = arith.constant 25 : i32
          %mul3A_831 = arith.muli %scan3A_117, %mul3A_830 : i32
          %add3A_832 = arith.constant 3 : i32
          %add3A_833 = arith.addi %mul3A_831, %add3A_832 : i32
          %get3A_834 = arith.index_cast %add3A_833 : i32 to index
          %get3A_835 = arith.constant 48 : index
          %get3A_836 = tpu.vector_load %arg12[%get3A_834, %get3A_835] {strides = array<i32>} : memref<200x128xf32, #tpu.memory_space<vmem>>, vector<1x16xf32>,
          %get3A_837 = vector.shape_cast %get3A_836 : vector<1x16xf32> to vector<16xf32>
          %add3A_838 = arith.addf %add3A_829, %get3A_837 : vector<16xf32>
          %mul3A_839 = arith.constant 25 : i32
          %mul3A_840 = arith.muli %scan3A_117, %mul3A_839 : i32
          %add3A_841 = arith.constant 4 : i32
          %add3A_842 = arith.addi %mul3A_840, %add3A_841 : i32
          %get3A_843 = arith.index_cast %add3A_842 : i32 to index
          %get3A_844 = arith.constant 48 : index
          %get3A_845 = tpu.vector_load %arg12[%get3A_843, %get3A_844] {strides = array<i32>} : memref<200x128xf32, #tpu.memory_space<vmem>>, vector<1x16xf32>,
          %get3A_846 = vector.shape_cast %get3A_845 : vector<1x16xf32> to vector<16xf32>
          %add3A_847 = arith.addf %add3A_838, %get3A_846 : vector<16xf32>
          %mul3A_848 = arith.constant 25 : i32
          %mul3A_849 = arith.muli %scan3A_117, %mul3A_848 : i32
          %add3A_850 = arith.constant 5 : i32
          %add3A_851 = arith.addi %mul3A_849, %add3A_850 : i32
          %get3A_852 = arith.index_cast %add3A_851 : i32 to index
          %get3A_853 = arith.constant 48 : index
          %get3A_854 = tpu.vector_load %arg12[%get3A_852, %get3A_853] {strides = array<i32>} : memref<200x128xf32, #tpu.memory_space<vmem>>, vector<1x16xf32>,
          %get3A_855 = vector.shape_cast %get3A_854 : vector<1x16xf32> to vector<16xf32>
          %add3A_856 = arith.addf %add3A_847, %get3A_855 : vector<16xf32>
          %mul3A_857 = arith.constant 25 : i32
          %mul3A_858 = arith.muli %scan3A_117, %mul3A_857 : i32
          %add3A_859 = arith.constant 6 : i32
          %add3A_860 = arith.addi %mul3A_858, %add3A_859 : i32
          %get3A_861 = arith.index_cast %add3A_860 : i32 to index
          %get3A_862 = arith.constant 48 : index
          %get3A_863 = tpu.vector_load %arg12[%get3A_861, %get3A_862] {strides = array<i32>} : memref<200x128xf32, #tpu.memory_space<vmem>>, vector<1x16xf32>,
          %get3A_864 = vector.shape_cast %get3A_863 : vector<1x16xf32> to vector<16xf32>
          %add3A_865 = arith.addf %add3A_856, %get3A_864 : vector<16xf32>
          %mul3A_866 = arith.constant 25 : i32
          %mul3A_867 = arith.muli %scan3A_117, %mul3A_866 : i32
          %add3A_868 = arith.constant 7 : i32
          %add3A_869 = arith.addi %mul3A_867, %add3A_868 : i32
          %get3A_870 = arith.index_cast %add3A_869 : i32 to index
          %get3A_871 = arith.constant 48 : index
          %get3A_872 = tpu.vector_load %arg12[%get3A_870, %get3A_871] {strides = array<i32>} : memref<200x128xf32, #tpu.memory_space<vmem>>, vector<1x16xf32>,
          %get3A_873 = vector.shape_cast %get3A_872 : vector<1x16xf32> to vector<16xf32>
          %add3A_874 = arith.addf %add3A_865, %get3A_873 : vector<16xf32>
          %mul3A_875 = arith.constant 25 : i32
          %mul3A_876 = arith.muli %scan3A_117, %mul3A_875 : i32
          %add3A_877 = arith.constant 8 : i32
          %add3A_878 = arith.addi %mul3A_876, %add3A_877 : i32
          %get3A_879 = arith.index_cast %add3A_878 : i32 to index
          %get3A_880 = arith.constant 48 : index
          %get3A_881 = tpu.vector_load %arg12[%get3A_879, %get3A_880] {strides = array<i32>} : memref<200x128xf32, #tpu.memory_space<vmem>>, vector<1x16xf32>,
          %get3A_882 = vector.shape_cast %get3A_881 : vector<1x16xf32> to vector<16xf32>
          %add3A_883 = arith.addf %add3A_874, %get3A_882 : vector<16xf32>
          %mul3A_884 = arith.constant 25 : i32
          %mul3A_885 = arith.muli %scan3A_117, %mul3A_884 : i32
          %add3A_886 = arith.constant 9 : i32
          %add3A_887 = arith.addi %mul3A_885, %add3A_886 : i32
          %get3A_888 = arith.index_cast %add3A_887 : i32 to index
          %get3A_889 = arith.constant 48 : index
          %get3A_890 = tpu.vector_load %arg12[%get3A_888, %get3A_889] {strides = array<i32>} : memref<200x128xf32, #tpu.memory_space<vmem>>, vector<1x16xf32>,
          %get3A_891 = vector.shape_cast %get3A_890 : vector<1x16xf32> to vector<16xf32>
          %add3A_892 = arith.addf %add3A_883, %get3A_891 : vector<16xf32>
          %mul3A_893 = arith.constant 25 : i32
          %mul3A_894 = arith.muli %scan3A_117, %mul3A_893 : i32
          %add3A_895 = arith.constant 10 : i32
          %add3A_896 = arith.addi %mul3A_894, %add3A_895 : i32
          %get3A_897 = arith.index_cast %add3A_896 : i32 to index
          %get3A_898 = arith.constant 48 : index
          %get3A_899 = tpu.vector_load %arg12[%get3A_897, %get3A_898] {strides = array<i32>} : memref<200x128xf32, #tpu.memory_space<vmem>>, vector<1x16xf32>,
          %get3A_900 = vector.shape_cast %get3A_899 : vector<1x16xf32> to vector<16xf32>
          %add3A_901 = arith.addf %add3A_892, %get3A_900 : vector<16xf32>
          %mul3A_902 = arith.constant 25 : i32
          %mul3A_903 = arith.muli %scan3A_117, %mul3A_902 : i32
          %add3A_904 = arith.constant 11 : i32
          %add3A_905 = arith.addi %mul3A_903, %add3A_904 : i32
          %get3A_906 = arith.index_cast %add3A_905 : i32 to index
          %get3A_907 = arith.constant 48 : index
          %get3A_908 = tpu.vector_load %arg12[%get3A_906, %get3A_907] {strides = array<i32>} : memref<200x128xf32, #tpu.memory_space<vmem>>, vector<1x16xf32>,
          %get3A_909 = vector.shape_cast %get3A_908 : vector<1x16xf32> to vector<16xf32>
          %add3A_910 = arith.addf %add3A_901, %get3A_909 : vector<16xf32>
          %mul3A_911 = arith.constant 25 : i32
          %mul3A_912 = arith.muli %scan3A_117, %mul3A_911 : i32
          %add3A_913 = arith.constant 12 : i32
          %add3A_914 = arith.addi %mul3A_912, %add3A_913 : i32
          %get3A_915 = arith.index_cast %add3A_914 : i32 to index
          %get3A_916 = arith.constant 48 : index
          %get3A_917 = tpu.vector_load %arg12[%get3A_915, %get3A_916] {strides = array<i32>} : memref<200x128xf32, #tpu.memory_space<vmem>>, vector<1x16xf32>,
          %get3A_918 = vector.shape_cast %get3A_917 : vector<1x16xf32> to vector<16xf32>
          %add3A_919 = arith.addf %add3A_910, %get3A_918 : vector<16xf32>
          %mul3A_920 = arith.constant 25 : i32
          %mul3A_921 = arith.muli %scan3A_117, %mul3A_920 : i32
          %add3A_922 = arith.constant 13 : i32
          %add3A_923 = arith.addi %mul3A_921, %add3A_922 : i32
          %get3A_924 = arith.index_cast %add3A_923 : i32 to index
          %get3A_925 = arith.constant 48 : index
          %get3A_926 = tpu.vector_load %arg12[%get3A_924, %get3A_925] {strides = array<i32>} : memref<200x128xf32, #tpu.memory_space<vmem>>, vector<1x16xf32>,
          %get3A_927 = vector.shape_cast %get3A_926 : vector<1x16xf32> to vector<16xf32>
          %add3A_928 = arith.addf %add3A_919, %get3A_927 : vector<16xf32>
          %mul3A_929 = arith.constant 25 : i32
          %mul3A_930 = arith.muli %scan3A_117, %mul3A_929 : i32
          %add3A_931 = arith.constant 14 : i32
          %add3A_932 = arith.addi %mul3A_930, %add3A_931 : i32
          %get3A_933 = arith.index_cast %add3A_932 : i32 to index
          %get3A_934 = arith.constant 48 : index
          %get3A_935 = tpu.vector_load %arg12[%get3A_933, %get3A_934] {strides = array<i32>} : memref<200x128xf32, #tpu.memory_space<vmem>>, vector<1x16xf32>,
          %get3A_936 = vector.shape_cast %get3A_935 : vector<1x16xf32> to vector<16xf32>
          %add3A_937 = arith.addf %add3A_928, %get3A_936 : vector<16xf32>
          %mul3A_938 = arith.constant 25 : i32
          %mul3A_939 = arith.muli %scan3A_117, %mul3A_938 : i32
          %add3A_940 = arith.constant 15 : i32
          %add3A_941 = arith.addi %mul3A_939, %add3A_940 : i32
          %get3A_942 = arith.index_cast %add3A_941 : i32 to index
          %get3A_943 = arith.constant 48 : index
          %get3A_944 = tpu.vector_load %arg12[%get3A_942, %get3A_943] {strides = array<i32>} : memref<200x128xf32, #tpu.memory_space<vmem>>, vector<1x16xf32>,
          %get3A_945 = vector.shape_cast %get3A_944 : vector<1x16xf32> to vector<16xf32>
          %add3A_946 = arith.addf %add3A_937, %get3A_945 : vector<16xf32>
          %mul3A_947 = arith.constant 25 : i32
          %mul3A_948 = arith.muli %scan3A_117, %mul3A_947 : i32
          %add3A_949 = arith.constant 16 : i32
          %add3A_950 = arith.addi %mul3A_948, %add3A_949 : i32
          %get3A_951 = arith.index_cast %add3A_950 : i32 to index
          %get3A_952 = arith.constant 48 : index
          %get3A_953 = tpu.vector_load %arg12[%get3A_951, %get3A_952] {strides = array<i32>} : memref<200x128xf32, #tpu.memory_space<vmem>>, vector<1x16xf32>,
          %get3A_954 = vector.shape_cast %get3A_953 : vector<1x16xf32> to vector<16xf32>
          %add3A_955 = arith.addf %add3A_946, %get3A_954 : vector<16xf32>
          %mul3A_956 = arith.constant 25 : i32
          %mul3A_957 = arith.muli %scan3A_117, %mul3A_956 : i32
          %add3A_958 = arith.constant 17 : i32
          %add3A_959 = arith.addi %mul3A_957, %add3A_958 : i32
          %get3A_960 = arith.index_cast %add3A_959 : i32 to index
          %get3A_961 = arith.constant 48 : index
          %get3A_962 = tpu.vector_load %arg12[%get3A_960, %get3A_961] {strides = array<i32>} : memref<200x128xf32, #tpu.memory_space<vmem>>, vector<1x16xf32>,
          %get3A_963 = vector.shape_cast %get3A_962 : vector<1x16xf32> to vector<16xf32>
          %add3A_964 = arith.addf %add3A_955, %get3A_963 : vector<16xf32>
          %mul3A_965 = arith.constant 25 : i32
          %mul3A_966 = arith.muli %scan3A_117, %mul3A_965 : i32
          %add3A_967 = arith.constant 18 : i32
          %add3A_968 = arith.addi %mul3A_966, %add3A_967 : i32
          %get3A_969 = arith.index_cast %add3A_968 : i32 to index
          %get3A_970 = arith.constant 48 : index
          %get3A_971 = tpu.vector_load %arg12[%get3A_969, %get3A_970] {strides = array<i32>} : memref<200x128xf32, #tpu.memory_space<vmem>>, vector<1x16xf32>,
          %get3A_972 = vector.shape_cast %get3A_971 : vector<1x16xf32> to vector<16xf32>
          %add3A_973 = arith.addf %add3A_964, %get3A_972 : vector<16xf32>
          %mul3A_974 = arith.constant 25 : i32
          %mul3A_975 = arith.muli %scan3A_117, %mul3A_974 : i32
          %add3A_976 = arith.constant 19 : i32
          %add3A_977 = arith.addi %mul3A_975, %add3A_976 : i32
          %get3A_978 = arith.index_cast %add3A_977 : i32 to index
          %get3A_979 = arith.constant 48 : index
          %get3A_980 = tpu.vector_load %arg12[%get3A_978, %get3A_979] {strides = array<i32>} : memref<200x128xf32, #tpu.memory_space<vmem>>, vector<1x16xf32>,
          %get3A_981 = vector.shape_cast %get3A_980 : vector<1x16xf32> to vector<16xf32>
          %add3A_982 = arith.addf %add3A_973, %get3A_981 : vector<16xf32>
          %mul3A_983 = arith.constant 25 : i32
          %mul3A_984 = arith.muli %scan3A_117, %mul3A_983 : i32
          %add3A_985 = arith.constant 20 : i32
          %add3A_986 = arith.addi %mul3A_984, %add3A_985 : i32
          %get3A_987 = arith.index_cast %add3A_986 : i32 to index
          %get3A_988 = arith.constant 48 : index
          %get3A_989 = tpu.vector_load %arg12[%get3A_987, %get3A_988] {strides = array<i32>} : memref<200x128xf32, #tpu.memory_space<vmem>>, vector<1x16xf32>,
          %get3A_990 = vector.shape_cast %get3A_989 : vector<1x16xf32> to vector<16xf32>
          %add3A_991 = arith.addf %add3A_982, %get3A_990 : vector<16xf32>
          %mul3A_992 = arith.constant 25 : i32
          %mul3A_993 = arith.muli %scan3A_117, %mul3A_992 : i32
          %add3A_994 = arith.constant 21 : i32
          %add3A_995 = arith.addi %mul3A_993, %add3A_994 : i32
          %get3A_996 = arith.index_cast %add3A_995 : i32 to index
          %get3A_997 = arith.constant 48 : index
          %get3A_998 = tpu.vector_load %arg12[%get3A_996, %get3A_997] {strides = array<i32>} : memref<200x128xf32, #tpu.memory_space<vmem>>, vector<1x16xf32>,
          %get3A_999 = vector.shape_cast %get3A_998 : vector<1x16xf32> to vector<16xf32>
          %add3A_1000 = arith.addf %add3A_991, %get3A_999 : vector<16xf32>
          %mul3A_1001 = arith.constant 25 : i32
          %mul3A_1002 = arith.muli %scan3A_117, %mul3A_1001 : i32
          %add3A_1003 = arith.constant 22 : i32
          %add3A_1004 = arith.addi %mul3A_1002, %add3A_1003 : i32
          %get3A_1005 = arith.index_cast %add3A_1004 : i32 to index
          %get3A_1006 = arith.constant 48 : index
          %get3A_1007 = tpu.vector_load %arg12[%get3A_1005, %get3A_1006] {strides = array<i32>} : memref<200x128xf32, #tpu.memory_space<vmem>>, vector<1x16xf32>,
          %get3A_1008 = vector.shape_cast %get3A_1007 : vector<1x16xf32> to vector<16xf32>
          %add3A_1009 = arith.addf %add3A_1000, %get3A_1008 : vector<16xf32>
          %mul3A_1010 = arith.constant 25 : i32
          %mul3A_1011 = arith.muli %scan3A_117, %mul3A_1010 : i32
          %add3A_1012 = arith.constant 23 : i32
          %add3A_1013 = arith.addi %mul3A_1011, %add3A_1012 : i32
          %get3A_1014 = arith.index_cast %add3A_1013 : i32 to index
          %get3A_1015 = arith.constant 48 : index
          %get3A_1016 = tpu.vector_load %arg12[%get3A_1014, %get3A_1015] {strides = array<i32>} : memref<200x128xf32, #tpu.memory_space<vmem>>, vector<1x16xf32>,
          %get3A_1017 = vector.shape_cast %get3A_1016 : vector<1x16xf32> to vector<16xf32>
          %add3A_1018 = arith.addf %add3A_1009, %get3A_1017 : vector<16xf32>
          %mul3A_1019 = arith.constant 25 : i32
          %mul3A_1020 = arith.muli %scan3A_117, %mul3A_1019 : i32
          %add3A_1021 = arith.constant 24 : i32
          %add3A_1022 = arith.addi %mul3A_1020, %add3A_1021 : i32
          %get3A_1023 = arith.index_cast %add3A_1022 : i32 to index
          %get3A_1024 = arith.constant 48 : index
          %get3A_1025 = tpu.vector_load %arg12[%get3A_1023, %get3A_1024] {strides = array<i32>} : memref<200x128xf32, #tpu.memory_space<vmem>>, vector<1x16xf32>,
          %get3A_1026 = vector.shape_cast %get3A_1025 : vector<1x16xf32> to vector<16xf32>
          %add3A_1027 = arith.addf %add3A_1018, %get3A_1026 : vector<16xf32>
          %mul3A_1028 = arith.constant 4.000000e-02 : f32
          %mul3A_1029 = vector.broadcast %mul3A_1028 : f32 to vector<16xf32>
          %mul3A_1030 = arith.mulf %add3A_1027, %mul3A_1029 : vector<16xf32>
          %swap3A_1031 = arith.index_cast %scan3A_117 : i32 to index
          %swap3A_1032 = arith.constant 48 : index
          %swap3A_1033 = tpu.vector_load %arg15[%swap3A_1031, %swap3A_1032] {strides = array<i32>} : memref<8x128xf32, #tpu.memory_space<vmem>>, vector<1x16xf32>,
          %swap3A_1034 = vector.shape_cast %swap3A_1033 : vector<1x16xf32> to vector<16xf32>
          %swap3A_1035 = vector.shape_cast %mul3A_1030 : vector<16xf32> to vector<1x16xf32>
          tpu.vector_store %arg15[%swap3A_1031, %swap3A_1032], %swap3A_1035 {strides = array<i32>} : memref<8x128xf32, #tpu.memory_space<vmem>>, vector<1x16xf32>,
          %mul3A_1036 = arith.constant 25 : i32
          %mul3A_1037 = arith.muli %scan3A_117, %mul3A_1036 : i32
          %get3A_1038 = arith.index_cast %mul3A_1037 : i32 to index
          %get3A_1039 = arith.constant 64 : index
          %get3A_1040 = tpu.vector_load %arg12[%get3A_1038, %get3A_1039] {strides = array<i32>} : memref<200x128xf32, #tpu.memory_space<vmem>>, vector<1x16xf32>,
          %get3A_1041 = vector.shape_cast %get3A_1040 : vector<1x16xf32> to vector<16xf32>
          %mul3A_1042 = arith.constant 25 : i32
          %mul3A_1043 = arith.muli %scan3A_117, %mul3A_1042 : i32
          %add3A_1044 = arith.constant 1 : i32
          %add3A_1045 = arith.addi %mul3A_1043, %add3A_1044 : i32
          %get3A_1046 = arith.index_cast %add3A_1045 : i32 to index
          %get3A_1047 = arith.constant 64 : index
          %get3A_1048 = tpu.vector_load %arg12[%get3A_1046, %get3A_1047] {strides = array<i32>} : memref<200x128xf32, #tpu.memory_space<vmem>>, vector<1x16xf32>,
          %get3A_1049 = vector.shape_cast %get3A_1048 : vector<1x16xf32> to vector<16xf32>
          %add3A_1050 = arith.addf %get3A_1041, %get3A_1049 : vector<16xf32>
          %mul3A_1051 = arith.constant 25 : i32
          %mul3A_1052 = arith.muli %scan3A_117, %mul3A_1051 : i32
          %add3A_1053 = arith.constant 2 : i32
          %add3A_1054 = arith.addi %mul3A_1052, %add3A_1053 : i32
          %get3A_1055 = arith.index_cast %add3A_1054 : i32 to index
          %get3A_1056 = arith.constant 64 : index
          %get3A_1057 = tpu.vector_load %arg12[%get3A_1055, %get3A_1056] {strides = array<i32>} : memref<200x128xf32, #tpu.memory_space<vmem>>, vector<1x16xf32>,
          %get3A_1058 = vector.shape_cast %get3A_1057 : vector<1x16xf32> to vector<16xf32>
          %add3A_1059 = arith.addf %add3A_1050, %get3A_1058 : vector<16xf32>
          %mul3A_1060 = arith.constant 25 : i32
          %mul3A_1061 = arith.muli %scan3A_117, %mul3A_1060 : i32
          %add3A_1062 = arith.constant 3 : i32
          %add3A_1063 = arith.addi %mul3A_1061, %add3A_1062 : i32
          %get3A_1064 = arith.index_cast %add3A_1063 : i32 to index
          %get3A_1065 = arith.constant 64 : index
          %get3A_1066 = tpu.vector_load %arg12[%get3A_1064, %get3A_1065] {strides = array<i32>} : memref<200x128xf32, #tpu.memory_space<vmem>>, vector<1x16xf32>,
          %get3A_1067 = vector.shape_cast %get3A_1066 : vector<1x16xf32> to vector<16xf32>
          %add3A_1068 = arith.addf %add3A_1059, %get3A_1067 : vector<16xf32>
          %mul3A_1069 = arith.constant 25 : i32
          %mul3A_1070 = arith.muli %scan3A_117, %mul3A_1069 : i32
          %add3A_1071 = arith.constant 4 : i32
          %add3A_1072 = arith.addi %mul3A_1070, %add3A_1071 : i32
          %get3A_1073 = arith.index_cast %add3A_1072 : i32 to index
          %get3A_1074 = arith.constant 64 : index
          %get3A_1075 = tpu.vector_load %arg12[%get3A_1073, %get3A_1074] {strides = array<i32>} : memref<200x128xf32, #tpu.memory_space<vmem>>, vector<1x16xf32>,
          %get3A_1076 = vector.shape_cast %get3A_1075 : vector<1x16xf32> to vector<16xf32>
          %add3A_1077 = arith.addf %add3A_1068, %get3A_1076 : vector<16xf32>
          %mul3A_1078 = arith.constant 25 : i32
          %mul3A_1079 = arith.muli %scan3A_117, %mul3A_1078 : i32
          %add3A_1080 = arith.constant 5 : i32
          %add3A_1081 = arith.addi %mul3A_1079, %add3A_1080 : i32
          %get3A_1082 = arith.index_cast %add3A_1081 : i32 to index
          %get3A_1083 = arith.constant 64 : index
          %get3A_1084 = tpu.vector_load %arg12[%get3A_1082, %get3A_1083] {strides = array<i32>} : memref<200x128xf32, #tpu.memory_space<vmem>>, vector<1x16xf32>,
          %get3A_1085 = vector.shape_cast %get3A_1084 : vector<1x16xf32> to vector<16xf32>
          %add3A_1086 = arith.addf %add3A_1077, %get3A_1085 : vector<16xf32>
          %mul3A_1087 = arith.constant 25 : i32
          %mul3A_1088 = arith.muli %scan3A_117, %mul3A_1087 : i32
          %add3A_1089 = arith.constant 6 : i32
          %add3A_1090 = arith.addi %mul3A_1088, %add3A_1089 : i32
          %get3A_1091 = arith.index_cast %add3A_1090 : i32 to index
          %get3A_1092 = arith.constant 64 : index
          %get3A_1093 = tpu.vector_load %arg12[%get3A_1091, %get3A_1092] {strides = array<i32>} : memref<200x128xf32, #tpu.memory_space<vmem>>, vector<1x16xf32>,
          %get3A_1094 = vector.shape_cast %get3A_1093 : vector<1x16xf32> to vector<16xf32>
          %add3A_1095 = arith.addf %add3A_1086, %get3A_1094 : vector<16xf32>
          %mul3A_1096 = arith.constant 25 : i32
          %mul3A_1097 = arith.muli %scan3A_117, %mul3A_1096 : i32
          %add3A_1098 = arith.constant 7 : i32
          %add3A_1099 = arith.addi %mul3A_1097, %add3A_1098 : i32
          %get3A_1100 = arith.index_cast %add3A_1099 : i32 to index
          %get3A_1101 = arith.constant 64 : index
          %get3A_1102 = tpu.vector_load %arg12[%get3A_1100, %get3A_1101] {strides = array<i32>} : memref<200x128xf32, #tpu.memory_space<vmem>>, vector<1x16xf32>,
          %get3A_1103 = vector.shape_cast %get3A_1102 : vector<1x16xf32> to vector<16xf32>
          %add3A_1104 = arith.addf %add3A_1095, %get3A_1103 : vector<16xf32>
          %mul3A_1105 = arith.constant 25 : i32
          %mul3A_1106 = arith.muli %scan3A_117, %mul3A_1105 : i32
          %add3A_1107 = arith.constant 8 : i32
          %add3A_1108 = arith.addi %mul3A_1106, %add3A_1107 : i32
          %get3A_1109 = arith.index_cast %add3A_1108 : i32 to index
          %get3A_1110 = arith.constant 64 : index
          %get3A_1111 = tpu.vector_load %arg12[%get3A_1109, %get3A_1110] {strides = array<i32>} : memref<200x128xf32, #tpu.memory_space<vmem>>, vector<1x16xf32>,
          %get3A_1112 = vector.shape_cast %get3A_1111 : vector<1x16xf32> to vector<16xf32>
          %add3A_1113 = arith.addf %add3A_1104, %get3A_1112 : vector<16xf32>
          %mul3A_1114 = arith.constant 25 : i32
          %mul3A_1115 = arith.muli %scan3A_117, %mul3A_1114 : i32
          %add3A_1116 = arith.constant 9 : i32
          %add3A_1117 = arith.addi %mul3A_1115, %add3A_1116 : i32
          %get3A_1118 = arith.index_cast %add3A_1117 : i32 to index
          %get3A_1119 = arith.constant 64 : index
          %get3A_1120 = tpu.vector_load %arg12[%get3A_1118, %get3A_1119] {strides = array<i32>} : memref<200x128xf32, #tpu.memory_space<vmem>>, vector<1x16xf32>,
          %get3A_1121 = vector.shape_cast %get3A_1120 : vector<1x16xf32> to vector<16xf32>
          %add3A_1122 = arith.addf %add3A_1113, %get3A_1121 : vector<16xf32>
          %mul3A_1123 = arith.constant 25 : i32
          %mul3A_1124 = arith.muli %scan3A_117, %mul3A_1123 : i32
          %add3A_1125 = arith.constant 10 : i32
          %add3A_1126 = arith.addi %mul3A_1124, %add3A_1125 : i32
          %get3A_1127 = arith.index_cast %add3A_1126 : i32 to index
          %get3A_1128 = arith.constant 64 : index
          %get3A_1129 = tpu.vector_load %arg12[%get3A_1127, %get3A_1128] {strides = array<i32>} : memref<200x128xf32, #tpu.memory_space<vmem>>, vector<1x16xf32>,
          %get3A_1130 = vector.shape_cast %get3A_1129 : vector<1x16xf32> to vector<16xf32>
          %add3A_1131 = arith.addf %add3A_1122, %get3A_1130 : vector<16xf32>
          %mul3A_1132 = arith.constant 25 : i32
          %mul3A_1133 = arith.muli %scan3A_117, %mul3A_1132 : i32
          %add3A_1134 = arith.constant 11 : i32
          %add3A_1135 = arith.addi %mul3A_1133, %add3A_1134 : i32
          %get3A_1136 = arith.index_cast %add3A_1135 : i32 to index
          %get3A_1137 = arith.constant 64 : index
          %get3A_1138 = tpu.vector_load %arg12[%get3A_1136, %get3A_1137] {strides = array<i32>} : memref<200x128xf32, #tpu.memory_space<vmem>>, vector<1x16xf32>,
          %get3A_1139 = vector.shape_cast %get3A_1138 : vector<1x16xf32> to vector<16xf32>
          %add3A_1140 = arith.addf %add3A_1131, %get3A_1139 : vector<16xf32>
          %mul3A_1141 = arith.constant 25 : i32
          %mul3A_1142 = arith.muli %scan3A_117, %mul3A_1141 : i32
          %add3A_1143 = arith.constant 12 : i32
          %add3A_1144 = arith.addi %mul3A_1142, %add3A_1143 : i32
          %get3A_1145 = arith.index_cast %add3A_1144 : i32 to index
          %get3A_1146 = arith.constant 64 : index
          %get3A_1147 = tpu.vector_load %arg12[%get3A_1145, %get3A_1146] {strides = array<i32>} : memref<200x128xf32, #tpu.memory_space<vmem>>, vector<1x16xf32>,
          %get3A_1148 = vector.shape_cast %get3A_1147 : vector<1x16xf32> to vector<16xf32>
          %add3A_1149 = arith.addf %add3A_1140, %get3A_1148 : vector<16xf32>
          %mul3A_1150 = arith.constant 25 : i32
          %mul3A_1151 = arith.muli %scan3A_117, %mul3A_1150 : i32
          %add3A_1152 = arith.constant 13 : i32
          %add3A_1153 = arith.addi %mul3A_1151, %add3A_1152 : i32
          %get3A_1154 = arith.index_cast %add3A_1153 : i32 to index
          %get3A_1155 = arith.constant 64 : index
          %get3A_1156 = tpu.vector_load %arg12[%get3A_1154, %get3A_1155] {strides = array<i32>} : memref<200x128xf32, #tpu.memory_space<vmem>>, vector<1x16xf32>,
          %get3A_1157 = vector.shape_cast %get3A_1156 : vector<1x16xf32> to vector<16xf32>
          %add3A_1158 = arith.addf %add3A_1149, %get3A_1157 : vector<16xf32>
          %mul3A_1159 = arith.constant 25 : i32
          %mul3A_1160 = arith.muli %scan3A_117, %mul3A_1159 : i32
          %add3A_1161 = arith.constant 14 : i32
          %add3A_1162 = arith.addi %mul3A_1160, %add3A_1161 : i32
          %get3A_1163 = arith.index_cast %add3A_1162 : i32 to index
          %get3A_1164 = arith.constant 64 : index
          %get3A_1165 = tpu.vector_load %arg12[%get3A_1163, %get3A_1164] {strides = array<i32>} : memref<200x128xf32, #tpu.memory_space<vmem>>, vector<1x16xf32>,
          %get3A_1166 = vector.shape_cast %get3A_1165 : vector<1x16xf32> to vector<16xf32>
          %add3A_1167 = arith.addf %add3A_1158, %get3A_1166 : vector<16xf32>
          %mul3A_1168 = arith.constant 25 : i32
          %mul3A_1169 = arith.muli %scan3A_117, %mul3A_1168 : i32
          %add3A_1170 = arith.constant 15 : i32
          %add3A_1171 = arith.addi %mul3A_1169, %add3A_1170 : i32
          %get3A_1172 = arith.index_cast %add3A_1171 : i32 to index
          %get3A_1173 = arith.constant 64 : index
          %get3A_1174 = tpu.vector_load %arg12[%get3A_1172, %get3A_1173] {strides = array<i32>} : memref<200x128xf32, #tpu.memory_space<vmem>>, vector<1x16xf32>,
          %get3A_1175 = vector.shape_cast %get3A_1174 : vector<1x16xf32> to vector<16xf32>
          %add3A_1176 = arith.addf %add3A_1167, %get3A_1175 : vector<16xf32>
          %mul3A_1177 = arith.constant 25 : i32
          %mul3A_1178 = arith.muli %scan3A_117, %mul3A_1177 : i32
          %add3A_1179 = arith.constant 16 : i32
          %add3A_1180 = arith.addi %mul3A_1178, %add3A_1179 : i32
          %get3A_1181 = arith.index_cast %add3A_1180 : i32 to index
          %get3A_1182 = arith.constant 64 : index
          %get3A_1183 = tpu.vector_load %arg12[%get3A_1181, %get3A_1182] {strides = array<i32>} : memref<200x128xf32, #tpu.memory_space<vmem>>, vector<1x16xf32>,
          %get3A_1184 = vector.shape_cast %get3A_1183 : vector<1x16xf32> to vector<16xf32>
          %add3A_1185 = arith.addf %add3A_1176, %get3A_1184 : vector<16xf32>
          %mul3A_1186 = arith.constant 25 : i32
          %mul3A_1187 = arith.muli %scan3A_117, %mul3A_1186 : i32
          %add3A_1188 = arith.constant 17 : i32
          %add3A_1189 = arith.addi %mul3A_1187, %add3A_1188 : i32
          %get3A_1190 = arith.index_cast %add3A_1189 : i32 to index
          %get3A_1191 = arith.constant 64 : index
          %get3A_1192 = tpu.vector_load %arg12[%get3A_1190, %get3A_1191] {strides = array<i32>} : memref<200x128xf32, #tpu.memory_space<vmem>>, vector<1x16xf32>,
          %get3A_1193 = vector.shape_cast %get3A_1192 : vector<1x16xf32> to vector<16xf32>
          %add3A_1194 = arith.addf %add3A_1185, %get3A_1193 : vector<16xf32>
          %mul3A_1195 = arith.constant 25 : i32
          %mul3A_1196 = arith.muli %scan3A_117, %mul3A_1195 : i32
          %add3A_1197 = arith.constant 18 : i32
          %add3A_1198 = arith.addi %mul3A_1196, %add3A_1197 : i32
          %get3A_1199 = arith.index_cast %add3A_1198 : i32 to index
          %get3A_1200 = arith.constant 64 : index
          %get3A_1201 = tpu.vector_load %arg12[%get3A_1199, %get3A_1200] {strides = array<i32>} : memref<200x128xf32, #tpu.memory_space<vmem>>, vector<1x16xf32>,
          %get3A_1202 = vector.shape_cast %get3A_1201 : vector<1x16xf32> to vector<16xf32>
          %add3A_1203 = arith.addf %add3A_1194, %get3A_1202 : vector<16xf32>
          %mul3A_1204 = arith.constant 25 : i32
          %mul3A_1205 = arith.muli %scan3A_117, %mul3A_1204 : i32
          %add3A_1206 = arith.constant 19 : i32
          %add3A_1207 = arith.addi %mul3A_1205, %add3A_1206 : i32
          %get3A_1208 = arith.index_cast %add3A_1207 : i32 to index
          %get3A_1209 = arith.constant 64 : index
          %get3A_1210 = tpu.vector_load %arg12[%get3A_1208, %get3A_1209] {strides = array<i32>} : memref<200x128xf32, #tpu.memory_space<vmem>>, vector<1x16xf32>,
          %get3A_1211 = vector.shape_cast %get3A_1210 : vector<1x16xf32> to vector<16xf32>
          %add3A_1212 = arith.addf %add3A_1203, %get3A_1211 : vector<16xf32>
          %mul3A_1213 = arith.constant 25 : i32
          %mul3A_1214 = arith.muli %scan3A_117, %mul3A_1213 : i32
          %add3A_1215 = arith.constant 20 : i32
          %add3A_1216 = arith.addi %mul3A_1214, %add3A_1215 : i32
          %get3A_1217 = arith.index_cast %add3A_1216 : i32 to index
          %get3A_1218 = arith.constant 64 : index
          %get3A_1219 = tpu.vector_load %arg12[%get3A_1217, %get3A_1218] {strides = array<i32>} : memref<200x128xf32, #tpu.memory_space<vmem>>, vector<1x16xf32>,
          %get3A_1220 = vector.shape_cast %get3A_1219 : vector<1x16xf32> to vector<16xf32>
          %add3A_1221 = arith.addf %add3A_1212, %get3A_1220 : vector<16xf32>
          %mul3A_1222 = arith.constant 25 : i32
          %mul3A_1223 = arith.muli %scan3A_117, %mul3A_1222 : i32
          %add3A_1224 = arith.constant 21 : i32
          %add3A_1225 = arith.addi %mul3A_1223, %add3A_1224 : i32
          %get3A_1226 = arith.index_cast %add3A_1225 : i32 to index
          %get3A_1227 = arith.constant 64 : index
          %get3A_1228 = tpu.vector_load %arg12[%get3A_1226, %get3A_1227] {strides = array<i32>} : memref<200x128xf32, #tpu.memory_space<vmem>>, vector<1x16xf32>,
          %get3A_1229 = vector.shape_cast %get3A_1228 : vector<1x16xf32> to vector<16xf32>
          %add3A_1230 = arith.addf %add3A_1221, %get3A_1229 : vector<16xf32>
          %mul3A_1231 = arith.constant 25 : i32
          %mul3A_1232 = arith.muli %scan3A_117, %mul3A_1231 : i32
          %add3A_1233 = arith.constant 22 : i32
          %add3A_1234 = arith.addi %mul3A_1232, %add3A_1233 : i32
          %get3A_1235 = arith.index_cast %add3A_1234 : i32 to index
          %get3A_1236 = arith.constant 64 : index
          %get3A_1237 = tpu.vector_load %arg12[%get3A_1235, %get3A_1236] {strides = array<i32>} : memref<200x128xf32, #tpu.memory_space<vmem>>, vector<1x16xf32>,
          %get3A_1238 = vector.shape_cast %get3A_1237 : vector<1x16xf32> to vector<16xf32>
          %add3A_1239 = arith.addf %add3A_1230, %get3A_1238 : vector<16xf32>
          %mul3A_1240 = arith.constant 25 : i32
          %mul3A_1241 = arith.muli %scan3A_117, %mul3A_1240 : i32
          %add3A_1242 = arith.constant 23 : i32
          %add3A_1243 = arith.addi %mul3A_1241, %add3A_1242 : i32
          %get3A_1244 = arith.index_cast %add3A_1243 : i32 to index
          %get3A_1245 = arith.constant 64 : index
          %get3A_1246 = tpu.vector_load %arg12[%get3A_1244, %get3A_1245] {strides = array<i32>} : memref<200x128xf32, #tpu.memory_space<vmem>>, vector<1x16xf32>,
          %get3A_1247 = vector.shape_cast %get3A_1246 : vector<1x16xf32> to vector<16xf32>
          %add3A_1248 = arith.addf %add3A_1239, %get3A_1247 : vector<16xf32>
          %mul3A_1249 = arith.constant 25 : i32
          %mul3A_1250 = arith.muli %scan3A_117, %mul3A_1249 : i32
          %add3A_1251 = arith.constant 24 : i32
          %add3A_1252 = arith.addi %mul3A_1250, %add3A_1251 : i32
          %get3A_1253 = arith.index_cast %add3A_1252 : i32 to index
          %get3A_1254 = arith.constant 64 : index
          %get3A_1255 = tpu.vector_load %arg12[%get3A_1253, %get3A_1254] {strides = array<i32>} : memref<200x128xf32, #tpu.memory_space<vmem>>, vector<1x16xf32>,
          %get3A_1256 = vector.shape_cast %get3A_1255 : vector<1x16xf32> to vector<16xf32>
          %add3A_1257 = arith.addf %add3A_1248, %get3A_1256 : vector<16xf32>
          %mul3A_1258 = arith.constant 4.000000e-02 : f32
          %mul3A_1259 = vector.broadcast %mul3A_1258 : f32 to vector<16xf32>
          %mul3A_1260 = arith.mulf %add3A_1257, %mul3A_1259 : vector<16xf32>
          %swap3A_1261 = arith.index_cast %scan3A_117 : i32 to index
          %swap3A_1262 = arith.constant 64 : index
          %swap3A_1263 = tpu.vector_load %arg15[%swap3A_1261, %swap3A_1262] {strides = array<i32>} : memref<8x128xf32, #tpu.memory_space<vmem>>, vector<1x16xf32>,
          %swap3A_1264 = vector.shape_cast %swap3A_1263 : vector<1x16xf32> to vector<16xf32>
          %swap3A_1265 = vector.shape_cast %mul3A_1260 : vector<16xf32> to vector<1x16xf32>
          tpu.vector_store %arg15[%swap3A_1261, %swap3A_1262], %swap3A_1265 {strides = array<i32>} : memref<8x128xf32, #tpu.memory_space<vmem>>, vector<1x16xf32>,
          %mul3A_1266 = arith.constant 25 : i32
          %mul3A_1267 = arith.muli %scan3A_117, %mul3A_1266 : i32
          %get3A_1268 = arith.index_cast %mul3A_1267 : i32 to index
          %get3A_1269 = arith.constant 80 : index
          %get3A_1270 = tpu.vector_load %arg12[%get3A_1268, %get3A_1269] {strides = array<i32>} : memref<200x128xf32, #tpu.memory_space<vmem>>, vector<1x16xf32>,
          %get3A_1271 = vector.shape_cast %get3A_1270 : vector<1x16xf32> to vector<16xf32>
          %mul3A_1272 = arith.constant 25 : i32
          %mul3A_1273 = arith.muli %scan3A_117, %mul3A_1272 : i32
          %add3A_1274 = arith.constant 1 : i32
          %add3A_1275 = arith.addi %mul3A_1273, %add3A_1274 : i32
          %get3A_1276 = arith.index_cast %add3A_1275 : i32 to index
          %get3A_1277 = arith.constant 80 : index
          %get3A_1278 = tpu.vector_load %arg12[%get3A_1276, %get3A_1277] {strides = array<i32>} : memref<200x128xf32, #tpu.memory_space<vmem>>, vector<1x16xf32>,
          %get3A_1279 = vector.shape_cast %get3A_1278 : vector<1x16xf32> to vector<16xf32>
          %add3A_1280 = arith.addf %get3A_1271, %get3A_1279 : vector<16xf32>
          %mul3A_1281 = arith.constant 25 : i32
          %mul3A_1282 = arith.muli %scan3A_117, %mul3A_1281 : i32
          %add3A_1283 = arith.constant 2 : i32
          %add3A_1284 = arith.addi %mul3A_1282, %add3A_1283 : i32
          %get3A_1285 = arith.index_cast %add3A_1284 : i32 to index
          %get3A_1286 = arith.constant 80 : index
          %get3A_1287 = tpu.vector_load %arg12[%get3A_1285, %get3A_1286] {strides = array<i32>} : memref<200x128xf32, #tpu.memory_space<vmem>>, vector<1x16xf32>,
          %get3A_1288 = vector.shape_cast %get3A_1287 : vector<1x16xf32> to vector<16xf32>
          %add3A_1289 = arith.addf %add3A_1280, %get3A_1288 : vector<16xf32>
          %mul3A_1290 = arith.constant 25 : i32
          %mul3A_1291 = arith.muli %scan3A_117, %mul3A_1290 : i32
          %add3A_1292 = arith.constant 3 : i32
          %add3A_1293 = arith.addi %mul3A_1291, %add3A_1292 : i32
          %get3A_1294 = arith.index_cast %add3A_1293 : i32 to index
          %get3A_1295 = arith.constant 80 : index
          %get3A_1296 = tpu.vector_load %arg12[%get3A_1294, %get3A_1295] {strides = array<i32>} : memref<200x128xf32, #tpu.memory_space<vmem>>, vector<1x16xf32>,
          %get3A_1297 = vector.shape_cast %get3A_1296 : vector<1x16xf32> to vector<16xf32>
          %add3A_1298 = arith.addf %add3A_1289, %get3A_1297 : vector<16xf32>
          %mul3A_1299 = arith.constant 25 : i32
          %mul3A_1300 = arith.muli %scan3A_117, %mul3A_1299 : i32
          %add3A_1301 = arith.constant 4 : i32
          %add3A_1302 = arith.addi %mul3A_1300, %add3A_1301 : i32
          %get3A_1303 = arith.index_cast %add3A_1302 : i32 to index
          %get3A_1304 = arith.constant 80 : index
          %get3A_1305 = tpu.vector_load %arg12[%get3A_1303, %get3A_1304] {strides = array<i32>} : memref<200x128xf32, #tpu.memory_space<vmem>>, vector<1x16xf32>,
          %get3A_1306 = vector.shape_cast %get3A_1305 : vector<1x16xf32> to vector<16xf32>
          %add3A_1307 = arith.addf %add3A_1298, %get3A_1306 : vector<16xf32>
          %mul3A_1308 = arith.constant 25 : i32
          %mul3A_1309 = arith.muli %scan3A_117, %mul3A_1308 : i32
          %add3A_1310 = arith.constant 5 : i32
          %add3A_1311 = arith.addi %mul3A_1309, %add3A_1310 : i32
          %get3A_1312 = arith.index_cast %add3A_1311 : i32 to index
          %get3A_1313 = arith.constant 80 : index
          %get3A_1314 = tpu.vector_load %arg12[%get3A_1312, %get3A_1313] {strides = array<i32>} : memref<200x128xf32, #tpu.memory_space<vmem>>, vector<1x16xf32>,
          %get3A_1315 = vector.shape_cast %get3A_1314 : vector<1x16xf32> to vector<16xf32>
          %add3A_1316 = arith.addf %add3A_1307, %get3A_1315 : vector<16xf32>
          %mul3A_1317 = arith.constant 25 : i32
          %mul3A_1318 = arith.muli %scan3A_117, %mul3A_1317 : i32
          %add3A_1319 = arith.constant 6 : i32
          %add3A_1320 = arith.addi %mul3A_1318, %add3A_1319 : i32
          %get3A_1321 = arith.index_cast %add3A_1320 : i32 to index
          %get3A_1322 = arith.constant 80 : index
          %get3A_1323 = tpu.vector_load %arg12[%get3A_1321, %get3A_1322] {strides = array<i32>} : memref<200x128xf32, #tpu.memory_space<vmem>>, vector<1x16xf32>,
          %get3A_1324 = vector.shape_cast %get3A_1323 : vector<1x16xf32> to vector<16xf32>
          %add3A_1325 = arith.addf %add3A_1316, %get3A_1324 : vector<16xf32>
          %mul3A_1326 = arith.constant 25 : i32
          %mul3A_1327 = arith.muli %scan3A_117, %mul3A_1326 : i32
          %add3A_1328 = arith.constant 7 : i32
          %add3A_1329 = arith.addi %mul3A_1327, %add3A_1328 : i32
          %get3A_1330 = arith.index_cast %add3A_1329 : i32 to index
          %get3A_1331 = arith.constant 80 : index
          %get3A_1332 = tpu.vector_load %arg12[%get3A_1330, %get3A_1331] {strides = array<i32>} : memref<200x128xf32, #tpu.memory_space<vmem>>, vector<1x16xf32>,
          %get3A_1333 = vector.shape_cast %get3A_1332 : vector<1x16xf32> to vector<16xf32>
          %add3A_1334 = arith.addf %add3A_1325, %get3A_1333 : vector<16xf32>
          %mul3A_1335 = arith.constant 25 : i32
          %mul3A_1336 = arith.muli %scan3A_117, %mul3A_1335 : i32
          %add3A_1337 = arith.constant 8 : i32
          %add3A_1338 = arith.addi %mul3A_1336, %add3A_1337 : i32
          %get3A_1339 = arith.index_cast %add3A_1338 : i32 to index
          %get3A_1340 = arith.constant 80 : index
          %get3A_1341 = tpu.vector_load %arg12[%get3A_1339, %get3A_1340] {strides = array<i32>} : memref<200x128xf32, #tpu.memory_space<vmem>>, vector<1x16xf32>,
          %get3A_1342 = vector.shape_cast %get3A_1341 : vector<1x16xf32> to vector<16xf32>
          %add3A_1343 = arith.addf %add3A_1334, %get3A_1342 : vector<16xf32>
          %mul3A_1344 = arith.constant 25 : i32
          %mul3A_1345 = arith.muli %scan3A_117, %mul3A_1344 : i32
          %add3A_1346 = arith.constant 9 : i32
          %add3A_1347 = arith.addi %mul3A_1345, %add3A_1346 : i32
          %get3A_1348 = arith.index_cast %add3A_1347 : i32 to index
          %get3A_1349 = arith.constant 80 : index
          %get3A_1350 = tpu.vector_load %arg12[%get3A_1348, %get3A_1349] {strides = array<i32>} : memref<200x128xf32, #tpu.memory_space<vmem>>, vector<1x16xf32>,
          %get3A_1351 = vector.shape_cast %get3A_1350 : vector<1x16xf32> to vector<16xf32>
          %add3A_1352 = arith.addf %add3A_1343, %get3A_1351 : vector<16xf32>
          %mul3A_1353 = arith.constant 25 : i32
          %mul3A_1354 = arith.muli %scan3A_117, %mul3A_1353 : i32
          %add3A_1355 = arith.constant 10 : i32
          %add3A_1356 = arith.addi %mul3A_1354, %add3A_1355 : i32
          %get3A_1357 = arith.index_cast %add3A_1356 : i32 to index
          %get3A_1358 = arith.constant 80 : index
          %get3A_1359 = tpu.vector_load %arg12[%get3A_1357, %get3A_1358] {strides = array<i32>} : memref<200x128xf32, #tpu.memory_space<vmem>>, vector<1x16xf32>,
          %get3A_1360 = vector.shape_cast %get3A_1359 : vector<1x16xf32> to vector<16xf32>
          %add3A_1361 = arith.addf %add3A_1352, %get3A_1360 : vector<16xf32>
          %mul3A_1362 = arith.constant 25 : i32
          %mul3A_1363 = arith.muli %scan3A_117, %mul3A_1362 : i32
          %add3A_1364 = arith.constant 11 : i32
          %add3A_1365 = arith.addi %mul3A_1363, %add3A_1364 : i32
          %get3A_1366 = arith.index_cast %add3A_1365 : i32 to index
          %get3A_1367 = arith.constant 80 : index
          %get3A_1368 = tpu.vector_load %arg12[%get3A_1366, %get3A_1367] {strides = array<i32>} : memref<200x128xf32, #tpu.memory_space<vmem>>, vector<1x16xf32>,
          %get3A_1369 = vector.shape_cast %get3A_1368 : vector<1x16xf32> to vector<16xf32>
          %add3A_1370 = arith.addf %add3A_1361, %get3A_1369 : vector<16xf32>
          %mul3A_1371 = arith.constant 25 : i32
          %mul3A_1372 = arith.muli %scan3A_117, %mul3A_1371 : i32
          %add3A_1373 = arith.constant 12 : i32
          %add3A_1374 = arith.addi %mul3A_1372, %add3A_1373 : i32
          %get3A_1375 = arith.index_cast %add3A_1374 : i32 to index
          %get3A_1376 = arith.constant 80 : index
          %get3A_1377 = tpu.vector_load %arg12[%get3A_1375, %get3A_1376] {strides = array<i32>} : memref<200x128xf32, #tpu.memory_space<vmem>>, vector<1x16xf32>,
          %get3A_1378 = vector.shape_cast %get3A_1377 : vector<1x16xf32> to vector<16xf32>
          %add3A_1379 = arith.addf %add3A_1370, %get3A_1378 : vector<16xf32>
          %mul3A_1380 = arith.constant 25 : i32
          %mul3A_1381 = arith.muli %scan3A_117, %mul3A_1380 : i32
          %add3A_1382 = arith.constant 13 : i32
          %add3A_1383 = arith.addi %mul3A_1381, %add3A_1382 : i32
          %get3A_1384 = arith.index_cast %add3A_1383 : i32 to index
          %get3A_1385 = arith.constant 80 : index
          %get3A_1386 = tpu.vector_load %arg12[%get3A_1384, %get3A_1385] {strides = array<i32>} : memref<200x128xf32, #tpu.memory_space<vmem>>, vector<1x16xf32>,
          %get3A_1387 = vector.shape_cast %get3A_1386 : vector<1x16xf32> to vector<16xf32>
          %add3A_1388 = arith.addf %add3A_1379, %get3A_1387 : vector<16xf32>
          %mul3A_1389 = arith.constant 25 : i32
          %mul3A_1390 = arith.muli %scan3A_117, %mul3A_1389 : i32
          %add3A_1391 = arith.constant 14 : i32
          %add3A_1392 = arith.addi %mul3A_1390, %add3A_1391 : i32
          %get3A_1393 = arith.index_cast %add3A_1392 : i32 to index
          %get3A_1394 = arith.constant 80 : index
          %get3A_1395 = tpu.vector_load %arg12[%get3A_1393, %get3A_1394] {strides = array<i32>} : memref<200x128xf32, #tpu.memory_space<vmem>>, vector<1x16xf32>,
          %get3A_1396 = vector.shape_cast %get3A_1395 : vector<1x16xf32> to vector<16xf32>
          %add3A_1397 = arith.addf %add3A_1388, %get3A_1396 : vector<16xf32>
          %mul3A_1398 = arith.constant 25 : i32
          %mul3A_1399 = arith.muli %scan3A_117, %mul3A_1398 : i32
          %add3A_1400 = arith.constant 15 : i32
          %add3A_1401 = arith.addi %mul3A_1399, %add3A_1400 : i32
          %get3A_1402 = arith.index_cast %add3A_1401 : i32 to index
          %get3A_1403 = arith.constant 80 : index
          %get3A_1404 = tpu.vector_load %arg12[%get3A_1402, %get3A_1403] {strides = array<i32>} : memref<200x128xf32, #tpu.memory_space<vmem>>, vector<1x16xf32>,
          %get3A_1405 = vector.shape_cast %get3A_1404 : vector<1x16xf32> to vector<16xf32>
          %add3A_1406 = arith.addf %add3A_1397, %get3A_1405 : vector<16xf32>
          %mul3A_1407 = arith.constant 25 : i32
          %mul3A_1408 = arith.muli %scan3A_117, %mul3A_1407 : i32
          %add3A_1409 = arith.constant 16 : i32
          %add3A_1410 = arith.addi %mul3A_1408, %add3A_1409 : i32
          %get3A_1411 = arith.index_cast %add3A_1410 : i32 to index
          %get3A_1412 = arith.constant 80 : index
          %get3A_1413 = tpu.vector_load %arg12[%get3A_1411, %get3A_1412] {strides = array<i32>} : memref<200x128xf32, #tpu.memory_space<vmem>>, vector<1x16xf32>,
          %get3A_1414 = vector.shape_cast %get3A_1413 : vector<1x16xf32> to vector<16xf32>
          %add3A_1415 = arith.addf %add3A_1406, %get3A_1414 : vector<16xf32>
          %mul3A_1416 = arith.constant 25 : i32
          %mul3A_1417 = arith.muli %scan3A_117, %mul3A_1416 : i32
          %add3A_1418 = arith.constant 17 : i32
          %add3A_1419 = arith.addi %mul3A_1417, %add3A_1418 : i32
          %get3A_1420 = arith.index_cast %add3A_1419 : i32 to index
          %get3A_1421 = arith.constant 80 : index
          %get3A_1422 = tpu.vector_load %arg12[%get3A_1420, %get3A_1421] {strides = array<i32>} : memref<200x128xf32, #tpu.memory_space<vmem>>, vector<1x16xf32>,
          %get3A_1423 = vector.shape_cast %get3A_1422 : vector<1x16xf32> to vector<16xf32>
          %add3A_1424 = arith.addf %add3A_1415, %get3A_1423 : vector<16xf32>
          %mul3A_1425 = arith.constant 25 : i32
          %mul3A_1426 = arith.muli %scan3A_117, %mul3A_1425 : i32
          %add3A_1427 = arith.constant 18 : i32
          %add3A_1428 = arith.addi %mul3A_1426, %add3A_1427 : i32
          %get3A_1429 = arith.index_cast %add3A_1428 : i32 to index
          %get3A_1430 = arith.constant 80 : index
          %get3A_1431 = tpu.vector_load %arg12[%get3A_1429, %get3A_1430] {strides = array<i32>} : memref<200x128xf32, #tpu.memory_space<vmem>>, vector<1x16xf32>,
          %get3A_1432 = vector.shape_cast %get3A_1431 : vector<1x16xf32> to vector<16xf32>
          %add3A_1433 = arith.addf %add3A_1424, %get3A_1432 : vector<16xf32>
          %mul3A_1434 = arith.constant 25 : i32
          %mul3A_1435 = arith.muli %scan3A_117, %mul3A_1434 : i32
          %add3A_1436 = arith.constant 19 : i32
          %add3A_1437 = arith.addi %mul3A_1435, %add3A_1436 : i32
          %get3A_1438 = arith.index_cast %add3A_1437 : i32 to index
          %get3A_1439 = arith.constant 80 : index
          %get3A_1440 = tpu.vector_load %arg12[%get3A_1438, %get3A_1439] {strides = array<i32>} : memref<200x128xf32, #tpu.memory_space<vmem>>, vector<1x16xf32>,
          %get3A_1441 = vector.shape_cast %get3A_1440 : vector<1x16xf32> to vector<16xf32>
          %add3A_1442 = arith.addf %add3A_1433, %get3A_1441 : vector<16xf32>
          %mul3A_1443 = arith.constant 25 : i32
          %mul3A_1444 = arith.muli %scan3A_117, %mul3A_1443 : i32
          %add3A_1445 = arith.constant 20 : i32
          %add3A_1446 = arith.addi %mul3A_1444, %add3A_1445 : i32
          %get3A_1447 = arith.index_cast %add3A_1446 : i32 to index
          %get3A_1448 = arith.constant 80 : index
          %get3A_1449 = tpu.vector_load %arg12[%get3A_1447, %get3A_1448] {strides = array<i32>} : memref<200x128xf32, #tpu.memory_space<vmem>>, vector<1x16xf32>,
          %get3A_1450 = vector.shape_cast %get3A_1449 : vector<1x16xf32> to vector<16xf32>
          %add3A_1451 = arith.addf %add3A_1442, %get3A_1450 : vector<16xf32>
          %mul3A_1452 = arith.constant 25 : i32
          %mul3A_1453 = arith.muli %scan3A_117, %mul3A_1452 : i32
          %add3A_1454 = arith.constant 21 : i32
          %add3A_1455 = arith.addi %mul3A_1453, %add3A_1454 : i32
          %get3A_1456 = arith.index_cast %add3A_1455 : i32 to index
          %get3A_1457 = arith.constant 80 : index
          %get3A_1458 = tpu.vector_load %arg12[%get3A_1456, %get3A_1457] {strides = array<i32>} : memref<200x128xf32, #tpu.memory_space<vmem>>, vector<1x16xf32>,
          %get3A_1459 = vector.shape_cast %get3A_1458 : vector<1x16xf32> to vector<16xf32>
          %add3A_1460 = arith.addf %add3A_1451, %get3A_1459 : vector<16xf32>
          %mul3A_1461 = arith.constant 25 : i32
          %mul3A_1462 = arith.muli %scan3A_117, %mul3A_1461 : i32
          %add3A_1463 = arith.constant 22 : i32
          %add3A_1464 = arith.addi %mul3A_1462, %add3A_1463 : i32
          %get3A_1465 = arith.index_cast %add3A_1464 : i32 to index
          %get3A_1466 = arith.constant 80 : index
          %get3A_1467 = tpu.vector_load %arg12[%get3A_1465, %get3A_1466] {strides = array<i32>} : memref<200x128xf32, #tpu.memory_space<vmem>>, vector<1x16xf32>,
          %get3A_1468 = vector.shape_cast %get3A_1467 : vector<1x16xf32> to vector<16xf32>
          %add3A_1469 = arith.addf %add3A_1460, %get3A_1468 : vector<16xf32>
          %mul3A_1470 = arith.constant 25 : i32
          %mul3A_1471 = arith.muli %scan3A_117, %mul3A_1470 : i32
          %add3A_1472 = arith.constant 23 : i32
          %add3A_1473 = arith.addi %mul3A_1471, %add3A_1472 : i32
          %get3A_1474 = arith.index_cast %add3A_1473 : i32 to index
          %get3A_1475 = arith.constant 80 : index
          %get3A_1476 = tpu.vector_load %arg12[%get3A_1474, %get3A_1475] {strides = array<i32>} : memref<200x128xf32, #tpu.memory_space<vmem>>, vector<1x16xf32>,
          %get3A_1477 = vector.shape_cast %get3A_1476 : vector<1x16xf32> to vector<16xf32>
          %add3A_1478 = arith.addf %add3A_1469, %get3A_1477 : vector<16xf32>
          %mul3A_1479 = arith.constant 25 : i32
          %mul3A_1480 = arith.muli %scan3A_117, %mul3A_1479 : i32
          %add3A_1481 = arith.constant 24 : i32
          %add3A_1482 = arith.addi %mul3A_1480, %add3A_1481 : i32
          %get3A_1483 = arith.index_cast %add3A_1482 : i32 to index
          %get3A_1484 = arith.constant 80 : index
          %get3A_1485 = tpu.vector_load %arg12[%get3A_1483, %get3A_1484] {strides = array<i32>} : memref<200x128xf32, #tpu.memory_space<vmem>>, vector<1x16xf32>,
          %get3A_1486 = vector.shape_cast %get3A_1485 : vector<1x16xf32> to vector<16xf32>
          %add3A_1487 = arith.addf %add3A_1478, %get3A_1486 : vector<16xf32>
          %mul3A_1488 = arith.constant 4.000000e-02 : f32
          %mul3A_1489 = vector.broadcast %mul3A_1488 : f32 to vector<16xf32>
          %mul3A_1490 = arith.mulf %add3A_1487, %mul3A_1489 : vector<16xf32>
          %swap3A_1491 = arith.index_cast %scan3A_117 : i32 to index
          %swap3A_1492 = arith.constant 80 : index
          %swap3A_1493 = tpu.vector_load %arg15[%swap3A_1491, %swap3A_1492] {strides = array<i32>} : memref<8x128xf32, #tpu.memory_space<vmem>>, vector<1x16xf32>,
          %swap3A_1494 = vector.shape_cast %swap3A_1493 : vector<1x16xf32> to vector<16xf32>
          %swap3A_1495 = vector.shape_cast %mul3A_1490 : vector<16xf32> to vector<1x16xf32>
          tpu.vector_store %arg15[%swap3A_1491, %swap3A_1492], %swap3A_1495 {strides = array<i32>} : memref<8x128xf32, #tpu.memory_space<vmem>>, vector<1x16xf32>,
          %mul3A_1496 = arith.constant 25 : i32
          %mul3A_1497 = arith.muli %scan3A_117, %mul3A_1496 : i32
          %get3A_1498 = arith.index_cast %mul3A_1497 : i32 to index
          %get3A_1499 = arith.constant 96 : index
          %get3A_1500 = tpu.vector_load %arg12[%get3A_1498, %get3A_1499] {strides = array<i32>} : memref<200x128xf32, #tpu.memory_space<vmem>>, vector<1x16xf32>,
          %get3A_1501 = vector.shape_cast %get3A_1500 : vector<1x16xf32> to vector<16xf32>
          %mul3A_1502 = arith.constant 25 : i32
          %mul3A_1503 = arith.muli %scan3A_117, %mul3A_1502 : i32
          %add3A_1504 = arith.constant 1 : i32
          %add3A_1505 = arith.addi %mul3A_1503, %add3A_1504 : i32
          %get3A_1506 = arith.index_cast %add3A_1505 : i32 to index
          %get3A_1507 = arith.constant 96 : index
          %get3A_1508 = tpu.vector_load %arg12[%get3A_1506, %get3A_1507] {strides = array<i32>} : memref<200x128xf32, #tpu.memory_space<vmem>>, vector<1x16xf32>,
          %get3A_1509 = vector.shape_cast %get3A_1508 : vector<1x16xf32> to vector<16xf32>
          %add3A_1510 = arith.addf %get3A_1501, %get3A_1509 : vector<16xf32>
          %mul3A_1511 = arith.constant 25 : i32
          %mul3A_1512 = arith.muli %scan3A_117, %mul3A_1511 : i32
          %add3A_1513 = arith.constant 2 : i32
          %add3A_1514 = arith.addi %mul3A_1512, %add3A_1513 : i32
          %get3A_1515 = arith.index_cast %add3A_1514 : i32 to index
          %get3A_1516 = arith.constant 96 : index
          %get3A_1517 = tpu.vector_load %arg12[%get3A_1515, %get3A_1516] {strides = array<i32>} : memref<200x128xf32, #tpu.memory_space<vmem>>, vector<1x16xf32>,
          %get3A_1518 = vector.shape_cast %get3A_1517 : vector<1x16xf32> to vector<16xf32>
          %add3A_1519 = arith.addf %add3A_1510, %get3A_1518 : vector<16xf32>
          %mul3A_1520 = arith.constant 25 : i32
          %mul3A_1521 = arith.muli %scan3A_117, %mul3A_1520 : i32
          %add3A_1522 = arith.constant 3 : i32
          %add3A_1523 = arith.addi %mul3A_1521, %add3A_1522 : i32
          %get3A_1524 = arith.index_cast %add3A_1523 : i32 to index
          %get3A_1525 = arith.constant 96 : index
          %get3A_1526 = tpu.vector_load %arg12[%get3A_1524, %get3A_1525] {strides = array<i32>} : memref<200x128xf32, #tpu.memory_space<vmem>>, vector<1x16xf32>,
          %get3A_1527 = vector.shape_cast %get3A_1526 : vector<1x16xf32> to vector<16xf32>
          %add3A_1528 = arith.addf %add3A_1519, %get3A_1527 : vector<16xf32>
          %mul3A_1529 = arith.constant 25 : i32
          %mul3A_1530 = arith.muli %scan3A_117, %mul3A_1529 : i32
          %add3A_1531 = arith.constant 4 : i32
          %add3A_1532 = arith.addi %mul3A_1530, %add3A_1531 : i32
          %get3A_1533 = arith.index_cast %add3A_1532 : i32 to index
          %get3A_1534 = arith.constant 96 : index
          %get3A_1535 = tpu.vector_load %arg12[%get3A_1533, %get3A_1534] {strides = array<i32>} : memref<200x128xf32, #tpu.memory_space<vmem>>, vector<1x16xf32>,
          %get3A_1536 = vector.shape_cast %get3A_1535 : vector<1x16xf32> to vector<16xf32>
          %add3A_1537 = arith.addf %add3A_1528, %get3A_1536 : vector<16xf32>
          %mul3A_1538 = arith.constant 25 : i32
          %mul3A_1539 = arith.muli %scan3A_117, %mul3A_1538 : i32
          %add3A_1540 = arith.constant 5 : i32
          %add3A_1541 = arith.addi %mul3A_1539, %add3A_1540 : i32
          %get3A_1542 = arith.index_cast %add3A_1541 : i32 to index
          %get3A_1543 = arith.constant 96 : index
          %get3A_1544 = tpu.vector_load %arg12[%get3A_1542, %get3A_1543] {strides = array<i32>} : memref<200x128xf32, #tpu.memory_space<vmem>>, vector<1x16xf32>,
          %get3A_1545 = vector.shape_cast %get3A_1544 : vector<1x16xf32> to vector<16xf32>
          %add3A_1546 = arith.addf %add3A_1537, %get3A_1545 : vector<16xf32>
          %mul3A_1547 = arith.constant 25 : i32
          %mul3A_1548 = arith.muli %scan3A_117, %mul3A_1547 : i32
          %add3A_1549 = arith.constant 6 : i32
          %add3A_1550 = arith.addi %mul3A_1548, %add3A_1549 : i32
          %get3A_1551 = arith.index_cast %add3A_1550 : i32 to index
          %get3A_1552 = arith.constant 96 : index
          %get3A_1553 = tpu.vector_load %arg12[%get3A_1551, %get3A_1552] {strides = array<i32>} : memref<200x128xf32, #tpu.memory_space<vmem>>, vector<1x16xf32>,
          %get3A_1554 = vector.shape_cast %get3A_1553 : vector<1x16xf32> to vector<16xf32>
          %add3A_1555 = arith.addf %add3A_1546, %get3A_1554 : vector<16xf32>
          %mul3A_1556 = arith.constant 25 : i32
          %mul3A_1557 = arith.muli %scan3A_117, %mul3A_1556 : i32
          %add3A_1558 = arith.constant 7 : i32
          %add3A_1559 = arith.addi %mul3A_1557, %add3A_1558 : i32
          %get3A_1560 = arith.index_cast %add3A_1559 : i32 to index
          %get3A_1561 = arith.constant 96 : index
          %get3A_1562 = tpu.vector_load %arg12[%get3A_1560, %get3A_1561] {strides = array<i32>} : memref<200x128xf32, #tpu.memory_space<vmem>>, vector<1x16xf32>,
          %get3A_1563 = vector.shape_cast %get3A_1562 : vector<1x16xf32> to vector<16xf32>
          %add3A_1564 = arith.addf %add3A_1555, %get3A_1563 : vector<16xf32>
          %mul3A_1565 = arith.constant 25 : i32
          %mul3A_1566 = arith.muli %scan3A_117, %mul3A_1565 : i32
          %add3A_1567 = arith.constant 8 : i32
          %add3A_1568 = arith.addi %mul3A_1566, %add3A_1567 : i32
          %get3A_1569 = arith.index_cast %add3A_1568 : i32 to index
          %get3A_1570 = arith.constant 96 : index
          %get3A_1571 = tpu.vector_load %arg12[%get3A_1569, %get3A_1570] {strides = array<i32>} : memref<200x128xf32, #tpu.memory_space<vmem>>, vector<1x16xf32>,
          %get3A_1572 = vector.shape_cast %get3A_1571 : vector<1x16xf32> to vector<16xf32>
          %add3A_1573 = arith.addf %add3A_1564, %get3A_1572 : vector<16xf32>
          %mul3A_1574 = arith.constant 25 : i32
          %mul3A_1575 = arith.muli %scan3A_117, %mul3A_1574 : i32
          %add3A_1576 = arith.constant 9 : i32
          %add3A_1577 = arith.addi %mul3A_1575, %add3A_1576 : i32
          %get3A_1578 = arith.index_cast %add3A_1577 : i32 to index
          %get3A_1579 = arith.constant 96 : index
          %get3A_1580 = tpu.vector_load %arg12[%get3A_1578, %get3A_1579] {strides = array<i32>} : memref<200x128xf32, #tpu.memory_space<vmem>>, vector<1x16xf32>,
          %get3A_1581 = vector.shape_cast %get3A_1580 : vector<1x16xf32> to vector<16xf32>
          %add3A_1582 = arith.addf %add3A_1573, %get3A_1581 : vector<16xf32>
          %mul3A_1583 = arith.constant 25 : i32
          %mul3A_1584 = arith.muli %scan3A_117, %mul3A_1583 : i32
          %add3A_1585 = arith.constant 10 : i32
          %add3A_1586 = arith.addi %mul3A_1584, %add3A_1585 : i32
          %get3A_1587 = arith.index_cast %add3A_1586 : i32 to index
          %get3A_1588 = arith.constant 96 : index
          %get3A_1589 = tpu.vector_load %arg12[%get3A_1587, %get3A_1588] {strides = array<i32>} : memref<200x128xf32, #tpu.memory_space<vmem>>, vector<1x16xf32>,
          %get3A_1590 = vector.shape_cast %get3A_1589 : vector<1x16xf32> to vector<16xf32>
          %add3A_1591 = arith.addf %add3A_1582, %get3A_1590 : vector<16xf32>
          %mul3A_1592 = arith.constant 25 : i32
          %mul3A_1593 = arith.muli %scan3A_117, %mul3A_1592 : i32
          %add3A_1594 = arith.constant 11 : i32
          %add3A_1595 = arith.addi %mul3A_1593, %add3A_1594 : i32
          %get3A_1596 = arith.index_cast %add3A_1595 : i32 to index
          %get3A_1597 = arith.constant 96 : index
          %get3A_1598 = tpu.vector_load %arg12[%get3A_1596, %get3A_1597] {strides = array<i32>} : memref<200x128xf32, #tpu.memory_space<vmem>>, vector<1x16xf32>,
          %get3A_1599 = vector.shape_cast %get3A_1598 : vector<1x16xf32> to vector<16xf32>
          %add3A_1600 = arith.addf %add3A_1591, %get3A_1599 : vector<16xf32>
          %mul3A_1601 = arith.constant 25 : i32
          %mul3A_1602 = arith.muli %scan3A_117, %mul3A_1601 : i32
          %add3A_1603 = arith.constant 12 : i32
          %add3A_1604 = arith.addi %mul3A_1602, %add3A_1603 : i32
          %get3A_1605 = arith.index_cast %add3A_1604 : i32 to index
          %get3A_1606 = arith.constant 96 : index
          %get3A_1607 = tpu.vector_load %arg12[%get3A_1605, %get3A_1606] {strides = array<i32>} : memref<200x128xf32, #tpu.memory_space<vmem>>, vector<1x16xf32>,
          %get3A_1608 = vector.shape_cast %get3A_1607 : vector<1x16xf32> to vector<16xf32>
          %add3A_1609 = arith.addf %add3A_1600, %get3A_1608 : vector<16xf32>
          %mul3A_1610 = arith.constant 25 : i32
          %mul3A_1611 = arith.muli %scan3A_117, %mul3A_1610 : i32
          %add3A_1612 = arith.constant 13 : i32
          %add3A_1613 = arith.addi %mul3A_1611, %add3A_1612 : i32
          %get3A_1614 = arith.index_cast %add3A_1613 : i32 to index
          %get3A_1615 = arith.constant 96 : index
          %get3A_1616 = tpu.vector_load %arg12[%get3A_1614, %get3A_1615] {strides = array<i32>} : memref<200x128xf32, #tpu.memory_space<vmem>>, vector<1x16xf32>,
          %get3A_1617 = vector.shape_cast %get3A_1616 : vector<1x16xf32> to vector<16xf32>
          %add3A_1618 = arith.addf %add3A_1609, %get3A_1617 : vector<16xf32>
          %mul3A_1619 = arith.constant 25 : i32
          %mul3A_1620 = arith.muli %scan3A_117, %mul3A_1619 : i32
          %add3A_1621 = arith.constant 14 : i32
          %add3A_1622 = arith.addi %mul3A_1620, %add3A_1621 : i32
          %get3A_1623 = arith.index_cast %add3A_1622 : i32 to index
          %get3A_1624 = arith.constant 96 : index
          %get3A_1625 = tpu.vector_load %arg12[%get3A_1623, %get3A_1624] {strides = array<i32>} : memref<200x128xf32, #tpu.memory_space<vmem>>, vector<1x16xf32>,
          %get3A_1626 = vector.shape_cast %get3A_1625 : vector<1x16xf32> to vector<16xf32>
          %add3A_1627 = arith.addf %add3A_1618, %get3A_1626 : vector<16xf32>
          %mul3A_1628 = arith.constant 25 : i32
          %mul3A_1629 = arith.muli %scan3A_117, %mul3A_1628 : i32
          %add3A_1630 = arith.constant 15 : i32
          %add3A_1631 = arith.addi %mul3A_1629, %add3A_1630 : i32
          %get3A_1632 = arith.index_cast %add3A_1631 : i32 to index
          %get3A_1633 = arith.constant 96 : index
          %get3A_1634 = tpu.vector_load %arg12[%get3A_1632, %get3A_1633] {strides = array<i32>} : memref<200x128xf32, #tpu.memory_space<vmem>>, vector<1x16xf32>,
          %get3A_1635 = vector.shape_cast %get3A_1634 : vector<1x16xf32> to vector<16xf32>
          %add3A_1636 = arith.addf %add3A_1627, %get3A_1635 : vector<16xf32>
          %mul3A_1637 = arith.constant 25 : i32
          %mul3A_1638 = arith.muli %scan3A_117, %mul3A_1637 : i32
          %add3A_1639 = arith.constant 16 : i32
          %add3A_1640 = arith.addi %mul3A_1638, %add3A_1639 : i32
          %get3A_1641 = arith.index_cast %add3A_1640 : i32 to index
          %get3A_1642 = arith.constant 96 : index
          %get3A_1643 = tpu.vector_load %arg12[%get3A_1641, %get3A_1642] {strides = array<i32>} : memref<200x128xf32, #tpu.memory_space<vmem>>, vector<1x16xf32>,
          %get3A_1644 = vector.shape_cast %get3A_1643 : vector<1x16xf32> to vector<16xf32>
          %add3A_1645 = arith.addf %add3A_1636, %get3A_1644 : vector<16xf32>
          %mul3A_1646 = arith.constant 25 : i32
          %mul3A_1647 = arith.muli %scan3A_117, %mul3A_1646 : i32
          %add3A_1648 = arith.constant 17 : i32
          %add3A_1649 = arith.addi %mul3A_1647, %add3A_1648 : i32
          %get3A_1650 = arith.index_cast %add3A_1649 : i32 to index
          %get3A_1651 = arith.constant 96 : index
          %get3A_1652 = tpu.vector_load %arg12[%get3A_1650, %get3A_1651] {strides = array<i32>} : memref<200x128xf32, #tpu.memory_space<vmem>>, vector<1x16xf32>,
          %get3A_1653 = vector.shape_cast %get3A_1652 : vector<1x16xf32> to vector<16xf32>
          %add3A_1654 = arith.addf %add3A_1645, %get3A_1653 : vector<16xf32>
          %mul3A_1655 = arith.constant 25 : i32
          %mul3A_1656 = arith.muli %scan3A_117, %mul3A_1655 : i32
          %add3A_1657 = arith.constant 18 : i32
          %add3A_1658 = arith.addi %mul3A_1656, %add3A_1657 : i32
          %get3A_1659 = arith.index_cast %add3A_1658 : i32 to index
          %get3A_1660 = arith.constant 96 : index
          %get3A_1661 = tpu.vector_load %arg12[%get3A_1659, %get3A_1660] {strides = array<i32>} : memref<200x128xf32, #tpu.memory_space<vmem>>, vector<1x16xf32>,
          %get3A_1662 = vector.shape_cast %get3A_1661 : vector<1x16xf32> to vector<16xf32>
          %add3A_1663 = arith.addf %add3A_1654, %get3A_1662 : vector<16xf32>
          %mul3A_1664 = arith.constant 25 : i32
          %mul3A_1665 = arith.muli %scan3A_117, %mul3A_1664 : i32
          %add3A_1666 = arith.constant 19 : i32
          %add3A_1667 = arith.addi %mul3A_1665, %add3A_1666 : i32
          %get3A_1668 = arith.index_cast %add3A_1667 : i32 to index
          %get3A_1669 = arith.constant 96 : index
          %get3A_1670 = tpu.vector_load %arg12[%get3A_1668, %get3A_1669] {strides = array<i32>} : memref<200x128xf32, #tpu.memory_space<vmem>>, vector<1x16xf32>,
          %get3A_1671 = vector.shape_cast %get3A_1670 : vector<1x16xf32> to vector<16xf32>
          %add3A_1672 = arith.addf %add3A_1663, %get3A_1671 : vector<16xf32>
          %mul3A_1673 = arith.constant 25 : i32
          %mul3A_1674 = arith.muli %scan3A_117, %mul3A_1673 : i32
          %add3A_1675 = arith.constant 20 : i32
          %add3A_1676 = arith.addi %mul3A_1674, %add3A_1675 : i32
          %get3A_1677 = arith.index_cast %add3A_1676 : i32 to index
          %get3A_1678 = arith.constant 96 : index
          %get3A_1679 = tpu.vector_load %arg12[%get3A_1677, %get3A_1678] {strides = array<i32>} : memref<200x128xf32, #tpu.memory_space<vmem>>, vector<1x16xf32>,
          %get3A_1680 = vector.shape_cast %get3A_1679 : vector<1x16xf32> to vector<16xf32>
          %add3A_1681 = arith.addf %add3A_1672, %get3A_1680 : vector<16xf32>
          %mul3A_1682 = arith.constant 25 : i32
          %mul3A_1683 = arith.muli %scan3A_117, %mul3A_1682 : i32
          %add3A_1684 = arith.constant 21 : i32
          %add3A_1685 = arith.addi %mul3A_1683, %add3A_1684 : i32
          %get3A_1686 = arith.index_cast %add3A_1685 : i32 to index
          %get3A_1687 = arith.constant 96 : index
          %get3A_1688 = tpu.vector_load %arg12[%get3A_1686, %get3A_1687] {strides = array<i32>} : memref<200x128xf32, #tpu.memory_space<vmem>>, vector<1x16xf32>,
          %get3A_1689 = vector.shape_cast %get3A_1688 : vector<1x16xf32> to vector<16xf32>
          %add3A_1690 = arith.addf %add3A_1681, %get3A_1689 : vector<16xf32>
          %mul3A_1691 = arith.constant 25 : i32
          %mul3A_1692 = arith.muli %scan3A_117, %mul3A_1691 : i32
          %add3A_1693 = arith.constant 22 : i32
          %add3A_1694 = arith.addi %mul3A_1692, %add3A_1693 : i32
          %get3A_1695 = arith.index_cast %add3A_1694 : i32 to index
          %get3A_1696 = arith.constant 96 : index
          %get3A_1697 = tpu.vector_load %arg12[%get3A_1695, %get3A_1696] {strides = array<i32>} : memref<200x128xf32, #tpu.memory_space<vmem>>, vector<1x16xf32>,
          %get3A_1698 = vector.shape_cast %get3A_1697 : vector<1x16xf32> to vector<16xf32>
          %add3A_1699 = arith.addf %add3A_1690, %get3A_1698 : vector<16xf32>
          %mul3A_1700 = arith.constant 25 : i32
          %mul3A_1701 = arith.muli %scan3A_117, %mul3A_1700 : i32
          %add3A_1702 = arith.constant 23 : i32
          %add3A_1703 = arith.addi %mul3A_1701, %add3A_1702 : i32
          %get3A_1704 = arith.index_cast %add3A_1703 : i32 to index
          %get3A_1705 = arith.constant 96 : index
          %get3A_1706 = tpu.vector_load %arg12[%get3A_1704, %get3A_1705] {strides = array<i32>} : memref<200x128xf32, #tpu.memory_space<vmem>>, vector<1x16xf32>,
          %get3A_1707 = vector.shape_cast %get3A_1706 : vector<1x16xf32> to vector<16xf32>
          %add3A_1708 = arith.addf %add3A_1699, %get3A_1707 : vector<16xf32>
          %mul3A_1709 = arith.constant 25 : i32
          %mul3A_1710 = arith.muli %scan3A_117, %mul3A_1709 : i32
          %add3A_1711 = arith.constant 24 : i32
          %add3A_1712 = arith.addi %mul3A_1710, %add3A_1711 : i32
          %get3A_1713 = arith.index_cast %add3A_1712 : i32 to index
          %get3A_1714 = arith.constant 96 : index
          %get3A_1715 = tpu.vector_load %arg12[%get3A_1713, %get3A_1714] {strides = array<i32>} : memref<200x128xf32, #tpu.memory_space<vmem>>, vector<1x16xf32>,
          %get3A_1716 = vector.shape_cast %get3A_1715 : vector<1x16xf32> to vector<16xf32>
          %add3A_1717 = arith.addf %add3A_1708, %get3A_1716 : vector<16xf32>
          %mul3A_1718 = arith.constant 4.000000e-02 : f32
          %mul3A_1719 = vector.broadcast %mul3A_1718 : f32 to vector<16xf32>
          %mul3A_1720 = arith.mulf %add3A_1717, %mul3A_1719 : vector<16xf32>
          %swap3A_1721 = arith.index_cast %scan3A_117 : i32 to index
          %swap3A_1722 = arith.constant 96 : index
          %swap3A_1723 = tpu.vector_load %arg15[%swap3A_1721, %swap3A_1722] {strides = array<i32>} : memref<8x128xf32, #tpu.memory_space<vmem>>, vector<1x16xf32>,
          %swap3A_1724 = vector.shape_cast %swap3A_1723 : vector<1x16xf32> to vector<16xf32>
          %swap3A_1725 = vector.shape_cast %mul3A_1720 : vector<16xf32> to vector<1x16xf32>
          tpu.vector_store %arg15[%swap3A_1721, %swap3A_1722], %swap3A_1725 {strides = array<i32>} : memref<8x128xf32, #tpu.memory_space<vmem>>, vector<1x16xf32>,
          %mul3A_1726 = arith.constant 25 : i32
          %mul3A_1727 = arith.muli %scan3A_117, %mul3A_1726 : i32
          %get3A_1728 = arith.index_cast %mul3A_1727 : i32 to index
          %get3A_1729 = arith.constant 112 : index
          %get3A_1730 = tpu.vector_load %arg12[%get3A_1728, %get3A_1729] {strides = array<i32>} : memref<200x128xf32, #tpu.memory_space<vmem>>, vector<1x16xf32>,
          %get3A_1731 = vector.shape_cast %get3A_1730 : vector<1x16xf32> to vector<16xf32>
          %mul3A_1732 = arith.constant 25 : i32
          %mul3A_1733 = arith.muli %scan3A_117, %mul3A_1732 : i32
          %add3A_1734 = arith.constant 1 : i32
          %add3A_1735 = arith.addi %mul3A_1733, %add3A_1734 : i32
          %get3A_1736 = arith.index_cast %add3A_1735 : i32 to index
          %get3A_1737 = arith.constant 112 : index
          %get3A_1738 = tpu.vector_load %arg12[%get3A_1736, %get3A_1737] {strides = array<i32>} : memref<200x128xf32, #tpu.memory_space<vmem>>, vector<1x16xf32>,
          %get3A_1739 = vector.shape_cast %get3A_1738 : vector<1x16xf32> to vector<16xf32>
          %add3A_1740 = arith.addf %get3A_1731, %get3A_1739 : vector<16xf32>
          %mul3A_1741 = arith.constant 25 : i32
          %mul3A_1742 = arith.muli %scan3A_117, %mul3A_1741 : i32
          %add3A_1743 = arith.constant 2 : i32
          %add3A_1744 = arith.addi %mul3A_1742, %add3A_1743 : i32
          %get3A_1745 = arith.index_cast %add3A_1744 : i32 to index
          %get3A_1746 = arith.constant 112 : index
          %get3A_1747 = tpu.vector_load %arg12[%get3A_1745, %get3A_1746] {strides = array<i32>} : memref<200x128xf32, #tpu.memory_space<vmem>>, vector<1x16xf32>,
          %get3A_1748 = vector.shape_cast %get3A_1747 : vector<1x16xf32> to vector<16xf32>
          %add3A_1749 = arith.addf %add3A_1740, %get3A_1748 : vector<16xf32>
          %mul3A_1750 = arith.constant 25 : i32
          %mul3A_1751 = arith.muli %scan3A_117, %mul3A_1750 : i32
          %add3A_1752 = arith.constant 3 : i32
          %add3A_1753 = arith.addi %mul3A_1751, %add3A_1752 : i32
          %get3A_1754 = arith.index_cast %add3A_1753 : i32 to index
          %get3A_1755 = arith.constant 112 : index
          %get3A_1756 = tpu.vector_load %arg12[%get3A_1754, %get3A_1755] {strides = array<i32>} : memref<200x128xf32, #tpu.memory_space<vmem>>, vector<1x16xf32>,
          %get3A_1757 = vector.shape_cast %get3A_1756 : vector<1x16xf32> to vector<16xf32>
          %add3A_1758 = arith.addf %add3A_1749, %get3A_1757 : vector<16xf32>
          %mul3A_1759 = arith.constant 25 : i32
          %mul3A_1760 = arith.muli %scan3A_117, %mul3A_1759 : i32
          %add3A_1761 = arith.constant 4 : i32
          %add3A_1762 = arith.addi %mul3A_1760, %add3A_1761 : i32
          %get3A_1763 = arith.index_cast %add3A_1762 : i32 to index
          %get3A_1764 = arith.constant 112 : index
          %get3A_1765 = tpu.vector_load %arg12[%get3A_1763, %get3A_1764] {strides = array<i32>} : memref<200x128xf32, #tpu.memory_space<vmem>>, vector<1x16xf32>,
          %get3A_1766 = vector.shape_cast %get3A_1765 : vector<1x16xf32> to vector<16xf32>
          %add3A_1767 = arith.addf %add3A_1758, %get3A_1766 : vector<16xf32>
          %mul3A_1768 = arith.constant 25 : i32
          %mul3A_1769 = arith.muli %scan3A_117, %mul3A_1768 : i32
          %add3A_1770 = arith.constant 5 : i32
          %add3A_1771 = arith.addi %mul3A_1769, %add3A_1770 : i32
          %get3A_1772 = arith.index_cast %add3A_1771 : i32 to index
          %get3A_1773 = arith.constant 112 : index
          %get3A_1774 = tpu.vector_load %arg12[%get3A_1772, %get3A_1773] {strides = array<i32>} : memref<200x128xf32, #tpu.memory_space<vmem>>, vector<1x16xf32>,
          %get3A_1775 = vector.shape_cast %get3A_1774 : vector<1x16xf32> to vector<16xf32>
          %add3A_1776 = arith.addf %add3A_1767, %get3A_1775 : vector<16xf32>
          %mul3A_1777 = arith.constant 25 : i32
          %mul3A_1778 = arith.muli %scan3A_117, %mul3A_1777 : i32
          %add3A_1779 = arith.constant 6 : i32
          %add3A_1780 = arith.addi %mul3A_1778, %add3A_1779 : i32
          %get3A_1781 = arith.index_cast %add3A_1780 : i32 to index
          %get3A_1782 = arith.constant 112 : index
          %get3A_1783 = tpu.vector_load %arg12[%get3A_1781, %get3A_1782] {strides = array<i32>} : memref<200x128xf32, #tpu.memory_space<vmem>>, vector<1x16xf32>,
          %get3A_1784 = vector.shape_cast %get3A_1783 : vector<1x16xf32> to vector<16xf32>
          %add3A_1785 = arith.addf %add3A_1776, %get3A_1784 : vector<16xf32>
          %mul3A_1786 = arith.constant 25 : i32
          %mul3A_1787 = arith.muli %scan3A_117, %mul3A_1786 : i32
          %add3A_1788 = arith.constant 7 : i32
          %add3A_1789 = arith.addi %mul3A_1787, %add3A_1788 : i32
          %get3A_1790 = arith.index_cast %add3A_1789 : i32 to index
          %get3A_1791 = arith.constant 112 : index
          %get3A_1792 = tpu.vector_load %arg12[%get3A_1790, %get3A_1791] {strides = array<i32>} : memref<200x128xf32, #tpu.memory_space<vmem>>, vector<1x16xf32>,
          %get3A_1793 = vector.shape_cast %get3A_1792 : vector<1x16xf32> to vector<16xf32>
          %add3A_1794 = arith.addf %add3A_1785, %get3A_1793 : vector<16xf32>
          %mul3A_1795 = arith.constant 25 : i32
          %mul3A_1796 = arith.muli %scan3A_117, %mul3A_1795 : i32
          %add3A_1797 = arith.constant 8 : i32
          %add3A_1798 = arith.addi %mul3A_1796, %add3A_1797 : i32
          %get3A_1799 = arith.index_cast %add3A_1798 : i32 to index
          %get3A_1800 = arith.constant 112 : index
          %get3A_1801 = tpu.vector_load %arg12[%get3A_1799, %get3A_1800] {strides = array<i32>} : memref<200x128xf32, #tpu.memory_space<vmem>>, vector<1x16xf32>,
          %get3A_1802 = vector.shape_cast %get3A_1801 : vector<1x16xf32> to vector<16xf32>
          %add3A_1803 = arith.addf %add3A_1794, %get3A_1802 : vector<16xf32>
          %mul3A_1804 = arith.constant 25 : i32
          %mul3A_1805 = arith.muli %scan3A_117, %mul3A_1804 : i32
          %add3A_1806 = arith.constant 9 : i32
          %add3A_1807 = arith.addi %mul3A_1805, %add3A_1806 : i32
          %get3A_1808 = arith.index_cast %add3A_1807 : i32 to index
          %get3A_1809 = arith.constant 112 : index
          %get3A_1810 = tpu.vector_load %arg12[%get3A_1808, %get3A_1809] {strides = array<i32>} : memref<200x128xf32, #tpu.memory_space<vmem>>, vector<1x16xf32>,
          %get3A_1811 = vector.shape_cast %get3A_1810 : vector<1x16xf32> to vector<16xf32>
          %add3A_1812 = arith.addf %add3A_1803, %get3A_1811 : vector<16xf32>
          %mul3A_1813 = arith.constant 25 : i32
          %mul3A_1814 = arith.muli %scan3A_117, %mul3A_1813 : i32
          %add3A_1815 = arith.constant 10 : i32
          %add3A_1816 = arith.addi %mul3A_1814, %add3A_1815 : i32
          %get3A_1817 = arith.index_cast %add3A_1816 : i32 to index
          %get3A_1818 = arith.constant 112 : index
          %get3A_1819 = tpu.vector_load %arg12[%get3A_1817, %get3A_1818] {strides = array<i32>} : memref<200x128xf32, #tpu.memory_space<vmem>>, vector<1x16xf32>,
          %get3A_1820 = vector.shape_cast %get3A_1819 : vector<1x16xf32> to vector<16xf32>
          %add3A_1821 = arith.addf %add3A_1812, %get3A_1820 : vector<16xf32>
          %mul3A_1822 = arith.constant 25 : i32
          %mul3A_1823 = arith.muli %scan3A_117, %mul3A_1822 : i32
          %add3A_1824 = arith.constant 11 : i32
          %add3A_1825 = arith.addi %mul3A_1823, %add3A_1824 : i32
          %get3A_1826 = arith.index_cast %add3A_1825 : i32 to index
          %get3A_1827 = arith.constant 112 : index
          %get3A_1828 = tpu.vector_load %arg12[%get3A_1826, %get3A_1827] {strides = array<i32>} : memref<200x128xf32, #tpu.memory_space<vmem>>, vector<1x16xf32>,
          %get3A_1829 = vector.shape_cast %get3A_1828 : vector<1x16xf32> to vector<16xf32>
          %add3A_1830 = arith.addf %add3A_1821, %get3A_1829 : vector<16xf32>
          %mul3A_1831 = arith.constant 25 : i32
          %mul3A_1832 = arith.muli %scan3A_117, %mul3A_1831 : i32
          %add3A_1833 = arith.constant 12 : i32
          %add3A_1834 = arith.addi %mul3A_1832, %add3A_1833 : i32
          %get3A_1835 = arith.index_cast %add3A_1834 : i32 to index
          %get3A_1836 = arith.constant 112 : index
          %get3A_1837 = tpu.vector_load %arg12[%get3A_1835, %get3A_1836] {strides = array<i32>} : memref<200x128xf32, #tpu.memory_space<vmem>>, vector<1x16xf32>,
          %get3A_1838 = vector.shape_cast %get3A_1837 : vector<1x16xf32> to vector<16xf32>
          %add3A_1839 = arith.addf %add3A_1830, %get3A_1838 : vector<16xf32>
          %mul3A_1840 = arith.constant 25 : i32
          %mul3A_1841 = arith.muli %scan3A_117, %mul3A_1840 : i32
          %add3A_1842 = arith.constant 13 : i32
          %add3A_1843 = arith.addi %mul3A_1841, %add3A_1842 : i32
          %get3A_1844 = arith.index_cast %add3A_1843 : i32 to index
          %get3A_1845 = arith.constant 112 : index
          %get3A_1846 = tpu.vector_load %arg12[%get3A_1844, %get3A_1845] {strides = array<i32>} : memref<200x128xf32, #tpu.memory_space<vmem>>, vector<1x16xf32>,
          %get3A_1847 = vector.shape_cast %get3A_1846 : vector<1x16xf32> to vector<16xf32>
          %add3A_1848 = arith.addf %add3A_1839, %get3A_1847 : vector<16xf32>
          %mul3A_1849 = arith.constant 25 : i32
          %mul3A_1850 = arith.muli %scan3A_117, %mul3A_1849 : i32
          %add3A_1851 = arith.constant 14 : i32
          %add3A_1852 = arith.addi %mul3A_1850, %add3A_1851 : i32
          %get3A_1853 = arith.index_cast %add3A_1852 : i32 to index
          %get3A_1854 = arith.constant 112 : index
          %get3A_1855 = tpu.vector_load %arg12[%get3A_1853, %get3A_1854] {strides = array<i32>} : memref<200x128xf32, #tpu.memory_space<vmem>>, vector<1x16xf32>,
          %get3A_1856 = vector.shape_cast %get3A_1855 : vector<1x16xf32> to vector<16xf32>
          %add3A_1857 = arith.addf %add3A_1848, %get3A_1856 : vector<16xf32>
          %mul3A_1858 = arith.constant 25 : i32
          %mul3A_1859 = arith.muli %scan3A_117, %mul3A_1858 : i32
          %add3A_1860 = arith.constant 15 : i32
          %add3A_1861 = arith.addi %mul3A_1859, %add3A_1860 : i32
          %get3A_1862 = arith.index_cast %add3A_1861 : i32 to index
          %get3A_1863 = arith.constant 112 : index
          %get3A_1864 = tpu.vector_load %arg12[%get3A_1862, %get3A_1863] {strides = array<i32>} : memref<200x128xf32, #tpu.memory_space<vmem>>, vector<1x16xf32>,
          %get3A_1865 = vector.shape_cast %get3A_1864 : vector<1x16xf32> to vector<16xf32>
          %add3A_1866 = arith.addf %add3A_1857, %get3A_1865 : vector<16xf32>
          %mul3A_1867 = arith.constant 25 : i32
          %mul3A_1868 = arith.muli %scan3A_117, %mul3A_1867 : i32
          %add3A_1869 = arith.constant 16 : i32
          %add3A_1870 = arith.addi %mul3A_1868, %add3A_1869 : i32
          %get3A_1871 = arith.index_cast %add3A_1870 : i32 to index
          %get3A_1872 = arith.constant 112 : index
          %get3A_1873 = tpu.vector_load %arg12[%get3A_1871, %get3A_1872] {strides = array<i32>} : memref<200x128xf32, #tpu.memory_space<vmem>>, vector<1x16xf32>,
          %get3A_1874 = vector.shape_cast %get3A_1873 : vector<1x16xf32> to vector<16xf32>
          %add3A_1875 = arith.addf %add3A_1866, %get3A_1874 : vector<16xf32>
          %mul3A_1876 = arith.constant 25 : i32
          %mul3A_1877 = arith.muli %scan3A_117, %mul3A_1876 : i32
          %add3A_1878 = arith.constant 17 : i32
          %add3A_1879 = arith.addi %mul3A_1877, %add3A_1878 : i32
          %get3A_1880 = arith.index_cast %add3A_1879 : i32 to index
          %get3A_1881 = arith.constant 112 : index
          %get3A_1882 = tpu.vector_load %arg12[%get3A_1880, %get3A_1881] {strides = array<i32>} : memref<200x128xf32, #tpu.memory_space<vmem>>, vector<1x16xf32>,
          %get3A_1883 = vector.shape_cast %get3A_1882 : vector<1x16xf32> to vector<16xf32>
          %add3A_1884 = arith.addf %add3A_1875, %get3A_1883 : vector<16xf32>
          %mul3A_1885 = arith.constant 25 : i32
          %mul3A_1886 = arith.muli %scan3A_117, %mul3A_1885 : i32
          %add3A_1887 = arith.constant 18 : i32
          %add3A_1888 = arith.addi %mul3A_1886, %add3A_1887 : i32
          %get3A_1889 = arith.index_cast %add3A_1888 : i32 to index
          %get3A_1890 = arith.constant 112 : index
          %get3A_1891 = tpu.vector_load %arg12[%get3A_1889, %get3A_1890] {strides = array<i32>} : memref<200x128xf32, #tpu.memory_space<vmem>>, vector<1x16xf32>,
          %get3A_1892 = vector.shape_cast %get3A_1891 : vector<1x16xf32> to vector<16xf32>
          %add3A_1893 = arith.addf %add3A_1884, %get3A_1892 : vector<16xf32>
          %mul3A_1894 = arith.constant 25 : i32
          %mul3A_1895 = arith.muli %scan3A_117, %mul3A_1894 : i32
          %add3A_1896 = arith.constant 19 : i32
          %add3A_1897 = arith.addi %mul3A_1895, %add3A_1896 : i32
          %get3A_1898 = arith.index_cast %add3A_1897 : i32 to index
          %get3A_1899 = arith.constant 112 : index
          %get3A_1900 = tpu.vector_load %arg12[%get3A_1898, %get3A_1899] {strides = array<i32>} : memref<200x128xf32, #tpu.memory_space<vmem>>, vector<1x16xf32>,
          %get3A_1901 = vector.shape_cast %get3A_1900 : vector<1x16xf32> to vector<16xf32>
          %add3A_1902 = arith.addf %add3A_1893, %get3A_1901 : vector<16xf32>
          %mul3A_1903 = arith.constant 25 : i32
          %mul3A_1904 = arith.muli %scan3A_117, %mul3A_1903 : i32
          %add3A_1905 = arith.constant 20 : i32
          %add3A_1906 = arith.addi %mul3A_1904, %add3A_1905 : i32
          %get3A_1907 = arith.index_cast %add3A_1906 : i32 to index
          %get3A_1908 = arith.constant 112 : index
          %get3A_1909 = tpu.vector_load %arg12[%get3A_1907, %get3A_1908] {strides = array<i32>} : memref<200x128xf32, #tpu.memory_space<vmem>>, vector<1x16xf32>,
          %get3A_1910 = vector.shape_cast %get3A_1909 : vector<1x16xf32> to vector<16xf32>
          %add3A_1911 = arith.addf %add3A_1902, %get3A_1910 : vector<16xf32>
          %mul3A_1912 = arith.constant 25 : i32
          %mul3A_1913 = arith.muli %scan3A_117, %mul3A_1912 : i32
          %add3A_1914 = arith.constant 21 : i32
          %add3A_1915 = arith.addi %mul3A_1913, %add3A_1914 : i32
          %get3A_1916 = arith.index_cast %add3A_1915 : i32 to index
          %get3A_1917 = arith.constant 112 : index
          %get3A_1918 = tpu.vector_load %arg12[%get3A_1916, %get3A_1917] {strides = array<i32>} : memref<200x128xf32, #tpu.memory_space<vmem>>, vector<1x16xf32>,
          %get3A_1919 = vector.shape_cast %get3A_1918 : vector<1x16xf32> to vector<16xf32>
          %add3A_1920 = arith.addf %add3A_1911, %get3A_1919 : vector<16xf32>
          %mul3A_1921 = arith.constant 25 : i32
          %mul3A_1922 = arith.muli %scan3A_117, %mul3A_1921 : i32
          %add3A_1923 = arith.constant 22 : i32
          %add3A_1924 = arith.addi %mul3A_1922, %add3A_1923 : i32
          %get3A_1925 = arith.index_cast %add3A_1924 : i32 to index
          %get3A_1926 = arith.constant 112 : index
          %get3A_1927 = tpu.vector_load %arg12[%get3A_1925, %get3A_1926] {strides = array<i32>} : memref<200x128xf32, #tpu.memory_space<vmem>>, vector<1x16xf32>,
          %get3A_1928 = vector.shape_cast %get3A_1927 : vector<1x16xf32> to vector<16xf32>
          %add3A_1929 = arith.addf %add3A_1920, %get3A_1928 : vector<16xf32>
          %mul3A_1930 = arith.constant 25 : i32
          %mul3A_1931 = arith.muli %scan3A_117, %mul3A_1930 : i32
          %add3A_1932 = arith.constant 23 : i32
          %add3A_1933 = arith.addi %mul3A_1931, %add3A_1932 : i32
          %get3A_1934 = arith.index_cast %add3A_1933 : i32 to index
          %get3A_1935 = arith.constant 112 : index
          %get3A_1936 = tpu.vector_load %arg12[%get3A_1934, %get3A_1935] {strides = array<i32>} : memref<200x128xf32, #tpu.memory_space<vmem>>, vector<1x16xf32>,
          %get3A_1937 = vector.shape_cast %get3A_1936 : vector<1x16xf32> to vector<16xf32>
          %add3A_1938 = arith.addf %add3A_1929, %get3A_1937 : vector<16xf32>
          %mul3A_1939 = arith.constant 25 : i32
          %mul3A_1940 = arith.muli %scan3A_117, %mul3A_1939 : i32
          %add3A_1941 = arith.constant 24 : i32
          %add3A_1942 = arith.addi %mul3A_1940, %add3A_1941 : i32
          %get3A_1943 = arith.index_cast %add3A_1942 : i32 to index
          %get3A_1944 = arith.constant 112 : index
          %get3A_1945 = tpu.vector_load %arg12[%get3A_1943, %get3A_1944] {strides = array<i32>} : memref<200x128xf32, #tpu.memory_space<vmem>>, vector<1x16xf32>,
          %get3A_1946 = vector.shape_cast %get3A_1945 : vector<1x16xf32> to vector<16xf32>
          %add3A_1947 = arith.addf %add3A_1938, %get3A_1946 : vector<16xf32>
          %mul3A_1948 = arith.constant 4.000000e-02 : f32
          %mul3A_1949 = vector.broadcast %mul3A_1948 : f32 to vector<16xf32>
          %mul3A_1950 = arith.mulf %add3A_1947, %mul3A_1949 : vector<16xf32>
          %swap3A_1951 = arith.index_cast %scan3A_117 : i32 to index
          %swap3A_1952 = arith.constant 112 : index
          %swap3A_1953 = tpu.vector_load %arg15[%swap3A_1951, %swap3A_1952] {strides = array<i32>} : memref<8x128xf32, #tpu.memory_space<vmem>>, vector<1x16xf32>,
          %swap3A_1954 = vector.shape_cast %swap3A_1953 : vector<1x16xf32> to vector<16xf32>
          %swap3A_1955 = vector.shape_cast %mul3A_1950 : vector<16xf32> to vector<1x16xf32>
          tpu.vector_store %arg15[%swap3A_1951, %swap3A_1952], %swap3A_1955 {strides = array<i32>} : memref<8x128xf32, #tpu.memory_space<vmem>>, vector<1x16xf32>,
        }
        %scan3A_113 = arith.constant 8 : i32
        %mul3A_114 = arith.constant 8 : i32
        %mul3A_115 = arith.muli %scan3A_44, %mul3A_114 : i32
        %add3A_116 = arith.addi %mul3A_2, %mul3A_115 : i32
        "tpu.region"() ({
          %run_scoped3A = tpu.sem_alloc : memref<!tpu.dma_semaphore, #tpu.memory_space<semaphore_mem>>
          %dma_start3A_117 = arith.constant 0 : i32
          %dma_start3A_118 = tpu.memref_slice %arg6[%add3A_116, %dma_start3A_117] : memref<10752x128xf32, #tpu.memory_space<hbm>> -> memref<8x128xf32, #tpu.memory_space<hbm>>
          %dma_start3A_119 = arith.constant 0 : i32
          %dma_start3A_120 = tpu.memref_slice %arg6[%add3A_116, %dma_start3A_119] : memref<10752x128xf32, #tpu.memory_space<hbm>> -> memref<8x128xf32, #tpu.memory_space<hbm>>
          tpu.enqueue_dma source(%arg15 : memref<8x128xf32, #tpu.memory_space<vmem>>) target(%dma_start3A_120 : memref<8x128xf32, #tpu.memory_space<hbm>>) target_semaphore(%run_scoped3A : memref<!tpu.dma_semaphore, #tpu.memory_space<semaphore_mem>>)
          %dma_wait3A_121 = arith.constant 0 : i32
          %dma_wait3A_122 = tpu.memref_slice %arg6[%add3A_116, %dma_wait3A_121] : memref<10752x128xf32, #tpu.memory_space<hbm>> -> memref<8x128xf32, #tpu.memory_space<hbm>>
          %dma_wait3A_123 = arith.constant 0 : i32
          %dma_wait3A_124 = tpu.memref_slice %arg6[%add3A_116, %dma_wait3A_123] : memref<10752x128xf32, #tpu.memory_space<hbm>> -> memref<8x128xf32, #tpu.memory_space<hbm>>
          tpu.wait_dma2 semaphore(%run_scoped3A : memref<!tpu.dma_semaphore, #tpu.memory_space<semaphore_mem>>) src(%arg15 : memref<8x128xf32, #tpu.memory_space<vmem>>) dst(%dma_wait3A_124 : memref<8x128xf32, #tpu.memory_space<hbm>>)
          tpu.yield
        }) : () -> ()
      } else {
      }
    }
    %scan3A_43 = arith.constant 42 : i32
    return
  }
}

#map = affine_map<(d0, d1) -> (0)>
#map1 = affine_map<(d0, d1) -> (0, 0)>
module attributes {stable_mosaic.version = 14 : i64} {
  func.func @_hop1_kernel(%arg0: i32, %arg1: i32, %arg2: memref<10752xi32, #tpu.memory_space<hbm>>, %arg3: memref<1056xi32, #tpu.memory_space<hbm>>, %arg4: memref<3200000xi32, #tpu.memory_space<hbm>>, %arg5: memref<100000x128xf32, #tpu.memory_space<hbm>>, %arg6: memref<10752xi32, #tpu.memory_space<hbm>>, %arg7: memref<1056x128xf32, #tpu.memory_space<hbm>>, %arg8: memref<336xi32, #tpu.memory_space<vmem>>, %arg9: memref<336xi32, #tpu.memory_space<vmem>>, %arg10: memref<32xi32, #tpu.memory_space<vmem>>, %arg11: memref<32x128xf32, #tpu.memory_space<vmem>>, %arg12: memref<!tpu.dma_semaphore, #tpu.memory_space<semaphore_mem>>, %arg13: memref<!tpu.dma_semaphore, #tpu.memory_space<semaphore_mem>>) attributes {dimension_semantics = [#tpu.dimension_semantics<core_parallel>, #tpu.dimension_semantics<subcore_parallel>], iteration_bounds = array<i64: 2, 16>, scalar_prefetch = 0 : i64, scratch_operands = 6 : i64, tpu.core_type = #tpu.core_type<sc_vector_subcore>, window_params = [{transform_indices = #map}, {transform_indices = #map}, {transform_indices = #map}, {transform_indices = #map1}, {transform_indices = #map}, {transform_indices = #map1}]} {
    %mul3A = arith.constant 2 : i32
    %mul3A_0 = arith.muli %arg1, %mul3A : i32
    %add3A = arith.addi %mul3A_0, %arg0 : i32
    %mul3A_1 = arith.constant 336 : i32
    %mul3A_2 = arith.muli %add3A, %mul3A_1 : i32
    "tpu.region"() ({
      %run_scoped3A = tpu.sem_alloc : memref<!tpu.dma_semaphore, #tpu.memory_space<semaphore_mem>>
      %dma_start3A_47 = tpu.memref_slice %arg2[%mul3A_2] : memref<10752xi32, #tpu.memory_space<hbm>> -> memref<336xi32, #tpu.memory_space<hbm>>
      %dma_start3A_48 = tpu.memref_slice %arg2[%mul3A_2] : memref<10752xi32, #tpu.memory_space<hbm>> -> memref<336xi32, #tpu.memory_space<hbm>>
      tpu.enqueue_dma source(%dma_start3A_48 : memref<336xi32, #tpu.memory_space<hbm>>) target(%arg8 : memref<336xi32, #tpu.memory_space<vmem>>) target_semaphore(%run_scoped3A : memref<!tpu.dma_semaphore, #tpu.memory_space<semaphore_mem>>)
      %dma_wait3A_49 = tpu.memref_slice %arg2[%mul3A_2] : memref<10752xi32, #tpu.memory_space<hbm>> -> memref<336xi32, #tpu.memory_space<hbm>>
      %dma_wait3A_50 = tpu.memref_slice %arg2[%mul3A_2] : memref<10752xi32, #tpu.memory_space<hbm>> -> memref<336xi32, #tpu.memory_space<hbm>>
      tpu.wait_dma2 semaphore(%run_scoped3A : memref<!tpu.dma_semaphore, #tpu.memory_space<semaphore_mem>>) src(%dma_wait3A_50 : memref<336xi32, #tpu.memory_space<hbm>>) dst(%arg8 : memref<336xi32, #tpu.memory_space<vmem>>)
      tpu.yield
    }) : () -> ()
    %dma_start3A = arith.constant 0 : i32
    %dma_start3A_3 = tpu.memref_slice %arg9[%dma_start3A] : memref<336xi32, #tpu.memory_space<vmem>> -> memref<112xi32, #tpu.memory_space<vmem>>
    %dma_start3A_4 = arith.constant 0 : i32
    %dma_start3A_5 = tpu.memref_slice %arg8[%dma_start3A_4] : memref<336xi32, #tpu.memory_space<vmem>> -> memref<112xi32, #tpu.memory_space<vmem>>
    %dma_start3A_6 = arith.constant 0 : i32
    %dma_start3A_7 = tpu.memref_slice %arg4[%dma_start3A_6] : memref<3200000xi32, #tpu.memory_space<hbm>> -> memref<3200000xi32, #tpu.memory_space<hbm>>
    tpu.enqueue_indirect_dma source(%dma_start3A_7 : memref<3200000xi32, #tpu.memory_space<hbm>>) target(%dma_start3A_3 : memref<112xi32, #tpu.memory_space<vmem>>) offsets(%dma_start3A_5 : memref<112xi32, #tpu.memory_space<vmem>>) semaphore(%arg12 : memref<!tpu.dma_semaphore, #tpu.memory_space<semaphore_mem>>)
    %dma_start3A_8 = arith.constant 112 : i32
    %dma_start3A_9 = tpu.memref_slice %arg9[%dma_start3A_8] : memref<336xi32, #tpu.memory_space<vmem>> -> memref<112xi32, #tpu.memory_space<vmem>>
    %dma_start3A_10 = arith.constant 112 : i32
    %dma_start3A_11 = tpu.memref_slice %arg8[%dma_start3A_10] : memref<336xi32, #tpu.memory_space<vmem>> -> memref<112xi32, #tpu.memory_space<vmem>>
    %dma_start3A_12 = arith.constant 0 : i32
    %dma_start3A_13 = tpu.memref_slice %arg4[%dma_start3A_12] : memref<3200000xi32, #tpu.memory_space<hbm>> -> memref<3200000xi32, #tpu.memory_space<hbm>>
    tpu.enqueue_indirect_dma source(%dma_start3A_13 : memref<3200000xi32, #tpu.memory_space<hbm>>) target(%dma_start3A_9 : memref<112xi32, #tpu.memory_space<vmem>>) offsets(%dma_start3A_11 : memref<112xi32, #tpu.memory_space<vmem>>) semaphore(%arg12 : memref<!tpu.dma_semaphore, #tpu.memory_space<semaphore_mem>>)
    %dma_start3A_14 = arith.constant 224 : i32
    %dma_start3A_15 = tpu.memref_slice %arg9[%dma_start3A_14] : memref<336xi32, #tpu.memory_space<vmem>> -> memref<112xi32, #tpu.memory_space<vmem>>
    %dma_start3A_16 = arith.constant 224 : i32
    %dma_start3A_17 = tpu.memref_slice %arg8[%dma_start3A_16] : memref<336xi32, #tpu.memory_space<vmem>> -> memref<112xi32, #tpu.memory_space<vmem>>
    %dma_start3A_18 = arith.constant 0 : i32
    %dma_start3A_19 = tpu.memref_slice %arg4[%dma_start3A_18] : memref<3200000xi32, #tpu.memory_space<hbm>> -> memref<3200000xi32, #tpu.memory_space<hbm>>
    tpu.enqueue_indirect_dma source(%dma_start3A_19 : memref<3200000xi32, #tpu.memory_space<hbm>>) target(%dma_start3A_15 : memref<112xi32, #tpu.memory_space<vmem>>) offsets(%dma_start3A_17 : memref<112xi32, #tpu.memory_space<vmem>>) semaphore(%arg12 : memref<!tpu.dma_semaphore, #tpu.memory_space<semaphore_mem>>)
    %mul3A_20 = arith.constant 32 : i32
    %mul3A_21 = arith.muli %add3A, %mul3A_20 : i32
    "tpu.region"() ({
      %run_scoped3A = tpu.sem_alloc : memref<!tpu.dma_semaphore, #tpu.memory_space<semaphore_mem>>
      %dma_start3A_47 = tpu.memref_slice %arg3[%mul3A_21] : memref<1056xi32, #tpu.memory_space<hbm>> -> memref<32xi32, #tpu.memory_space<hbm>>
      %dma_start3A_48 = tpu.memref_slice %arg3[%mul3A_21] : memref<1056xi32, #tpu.memory_space<hbm>> -> memref<32xi32, #tpu.memory_space<hbm>>
      tpu.enqueue_dma source(%dma_start3A_48 : memref<32xi32, #tpu.memory_space<hbm>>) target(%arg10 : memref<32xi32, #tpu.memory_space<vmem>>) target_semaphore(%run_scoped3A : memref<!tpu.dma_semaphore, #tpu.memory_space<semaphore_mem>>)
      %dma_wait3A_49 = tpu.memref_slice %arg3[%mul3A_21] : memref<1056xi32, #tpu.memory_space<hbm>> -> memref<32xi32, #tpu.memory_space<hbm>>
      %dma_wait3A_50 = tpu.memref_slice %arg3[%mul3A_21] : memref<1056xi32, #tpu.memory_space<hbm>> -> memref<32xi32, #tpu.memory_space<hbm>>
      tpu.wait_dma2 semaphore(%run_scoped3A : memref<!tpu.dma_semaphore, #tpu.memory_space<semaphore_mem>>) src(%dma_wait3A_50 : memref<32xi32, #tpu.memory_space<hbm>>) dst(%arg10 : memref<32xi32, #tpu.memory_space<vmem>>)
      tpu.yield
    }) : () -> ()
    %dma_start3A_22 = arith.constant 0 : i32
    %dma_start3A_23 = arith.constant 0 : i32
    %dma_start3A_24 = tpu.memref_slice %arg5[%dma_start3A_22, %dma_start3A_23] : memref<100000x128xf32, #tpu.memory_space<hbm>> -> memref<100000x128xf32, #tpu.memory_space<hbm>>
    tpu.enqueue_indirect_dma source(%dma_start3A_24 : memref<100000x128xf32, #tpu.memory_space<hbm>>) target(%arg11 : memref<32x128xf32, #tpu.memory_space<vmem>>) offsets(%arg10 : memref<32xi32, #tpu.memory_space<vmem>>) semaphore(%arg13 : memref<!tpu.dma_semaphore, #tpu.memory_space<semaphore_mem>>)
    %dma_wait3A = arith.constant 0 : i32
    %dma_wait3A_25 = arith.constant 0 : i32
    %dma_wait3A_26 = tpu.memref_slice %arg5[%dma_wait3A, %dma_wait3A_25] : memref<100000x128xf32, #tpu.memory_space<hbm>> -> memref<100000x128xf32, #tpu.memory_space<hbm>>
    tpu.wait_indirect_dma semaphore(%arg13 : memref<!tpu.dma_semaphore, #tpu.memory_space<semaphore_mem>>) src(%dma_wait3A_26 : memref<100000x128xf32, #tpu.memory_space<hbm>>) dst(%arg11 : memref<32x128xf32, #tpu.memory_space<vmem>>)
    "tpu.region"() ({
      %run_scoped3A = tpu.sem_alloc : memref<!tpu.dma_semaphore, #tpu.memory_space<semaphore_mem>>
      %dma_start3A_47 = arith.constant 0 : i32
      %dma_start3A_48 = tpu.memref_slice %arg7[%mul3A_21, %dma_start3A_47] : memref<1056x128xf32, #tpu.memory_space<hbm>> -> memref<32x128xf32, #tpu.memory_space<hbm>>
      %dma_start3A_49 = arith.constant 0 : i32
      %dma_start3A_50 = tpu.memref_slice %arg7[%mul3A_21, %dma_start3A_49] : memref<1056x128xf32, #tpu.memory_space<hbm>> -> memref<32x128xf32, #tpu.memory_space<hbm>>
      tpu.enqueue_dma source(%arg11 : memref<32x128xf32, #tpu.memory_space<vmem>>) target(%dma_start3A_50 : memref<32x128xf32, #tpu.memory_space<hbm>>) target_semaphore(%run_scoped3A : memref<!tpu.dma_semaphore, #tpu.memory_space<semaphore_mem>>)
      %dma_wait3A_51 = arith.constant 0 : i32
      %dma_wait3A_52 = tpu.memref_slice %arg7[%mul3A_21, %dma_wait3A_51] : memref<1056x128xf32, #tpu.memory_space<hbm>> -> memref<32x128xf32, #tpu.memory_space<hbm>>
      %dma_wait3A_53 = arith.constant 0 : i32
      %dma_wait3A_54 = tpu.memref_slice %arg7[%mul3A_21, %dma_wait3A_53] : memref<1056x128xf32, #tpu.memory_space<hbm>> -> memref<32x128xf32, #tpu.memory_space<hbm>>
      tpu.wait_dma2 semaphore(%run_scoped3A : memref<!tpu.dma_semaphore, #tpu.memory_space<semaphore_mem>>) src(%arg11 : memref<32x128xf32, #tpu.memory_space<vmem>>) dst(%dma_wait3A_54 : memref<32x128xf32, #tpu.memory_space<hbm>>)
      tpu.yield
    }) : () -> ()
    %eq3A = arith.constant 0 : i32
    %eq3A_27 = arith.cmpi eq, %add3A, %eq3A : i32
    %convert_element_type3A = arith.extui %eq3A_27 : i1 to i32
    %cond3A = arith.constant 0 : i32
    %cond3A_28 = arith.cmpi ne, %convert_element_type3A, %cond3A : i32
    scf.if %cond3A_28 {
      "tpu.region"() ({
        %run_scoped3A = tpu.sem_alloc : memref<!tpu.dma_semaphore, #tpu.memory_space<semaphore_mem>>
        %dma_start3A_53 = arith.constant 1024 : i32
        %dma_start3A_54 = tpu.memref_slice %arg3[%dma_start3A_53] : memref<1056xi32, #tpu.memory_space<hbm>> -> memref<32xi32, #tpu.memory_space<hbm>>
        %dma_start3A_55 = arith.constant 1024 : i32
        %dma_start3A_56 = tpu.memref_slice %arg3[%dma_start3A_55] : memref<1056xi32, #tpu.memory_space<hbm>> -> memref<32xi32, #tpu.memory_space<hbm>>
        tpu.enqueue_dma source(%dma_start3A_56 : memref<32xi32, #tpu.memory_space<hbm>>) target(%arg10 : memref<32xi32, #tpu.memory_space<vmem>>) target_semaphore(%run_scoped3A : memref<!tpu.dma_semaphore, #tpu.memory_space<semaphore_mem>>)
        %dma_wait3A_57 = arith.constant 1024 : i32
        %dma_wait3A_58 = tpu.memref_slice %arg3[%dma_wait3A_57] : memref<1056xi32, #tpu.memory_space<hbm>> -> memref<32xi32, #tpu.memory_space<hbm>>
        %dma_wait3A_59 = arith.constant 1024 : i32
        %dma_wait3A_60 = tpu.memref_slice %arg3[%dma_wait3A_59] : memref<1056xi32, #tpu.memory_space<hbm>> -> memref<32xi32, #tpu.memory_space<hbm>>
        tpu.wait_dma2 semaphore(%run_scoped3A : memref<!tpu.dma_semaphore, #tpu.memory_space<semaphore_mem>>) src(%dma_wait3A_60 : memref<32xi32, #tpu.memory_space<hbm>>) dst(%arg10 : memref<32xi32, #tpu.memory_space<vmem>>)
        tpu.yield
      }) : () -> ()
      %dma_start3A_47 = arith.constant 0 : i32
      %dma_start3A_48 = arith.constant 0 : i32
      %dma_start3A_49 = tpu.memref_slice %arg5[%dma_start3A_47, %dma_start3A_48] : memref<100000x128xf32, #tpu.memory_space<hbm>> -> memref<100000x128xf32, #tpu.memory_space<hbm>>
      tpu.enqueue_indirect_dma source(%dma_start3A_49 : memref<100000x128xf32, #tpu.memory_space<hbm>>) target(%arg11 : memref<32x128xf32, #tpu.memory_space<vmem>>) offsets(%arg10 : memref<32xi32, #tpu.memory_space<vmem>>) semaphore(%arg13 : memref<!tpu.dma_semaphore, #tpu.memory_space<semaphore_mem>>)
      %dma_wait3A_50 = arith.constant 0 : i32
      %dma_wait3A_51 = arith.constant 0 : i32
      %dma_wait3A_52 = tpu.memref_slice %arg5[%dma_wait3A_50, %dma_wait3A_51] : memref<100000x128xf32, #tpu.memory_space<hbm>> -> memref<100000x128xf32, #tpu.memory_space<hbm>>
      tpu.wait_indirect_dma semaphore(%arg13 : memref<!tpu.dma_semaphore, #tpu.memory_space<semaphore_mem>>) src(%dma_wait3A_52 : memref<100000x128xf32, #tpu.memory_space<hbm>>) dst(%arg11 : memref<32x128xf32, #tpu.memory_space<vmem>>)
      "tpu.region"() ({
        %run_scoped3A = tpu.sem_alloc : memref<!tpu.dma_semaphore, #tpu.memory_space<semaphore_mem>>
        %dma_start3A_53 = arith.constant 1024 : i32
        %dma_start3A_54 = arith.constant 0 : i32
        %dma_start3A_55 = tpu.memref_slice %arg7[%dma_start3A_53, %dma_start3A_54] : memref<1056x128xf32, #tpu.memory_space<hbm>> -> memref<32x128xf32, #tpu.memory_space<hbm>>
        %dma_start3A_56 = arith.constant 1024 : i32
        %dma_start3A_57 = arith.constant 0 : i32
        %dma_start3A_58 = tpu.memref_slice %arg7[%dma_start3A_56, %dma_start3A_57] : memref<1056x128xf32, #tpu.memory_space<hbm>> -> memref<32x128xf32, #tpu.memory_space<hbm>>
        tpu.enqueue_dma source(%arg11 : memref<32x128xf32, #tpu.memory_space<vmem>>) target(%dma_start3A_58 : memref<32x128xf32, #tpu.memory_space<hbm>>) target_semaphore(%run_scoped3A : memref<!tpu.dma_semaphore, #tpu.memory_space<semaphore_mem>>)
        %dma_wait3A_59 = arith.constant 1024 : i32
        %dma_wait3A_60 = arith.constant 0 : i32
        %dma_wait3A_61 = tpu.memref_slice %arg7[%dma_wait3A_59, %dma_wait3A_60] : memref<1056x128xf32, #tpu.memory_space<hbm>> -> memref<32x128xf32, #tpu.memory_space<hbm>>
        %dma_wait3A_62 = arith.constant 1024 : i32
        %dma_wait3A_63 = arith.constant 0 : i32
        %dma_wait3A_64 = tpu.memref_slice %arg7[%dma_wait3A_62, %dma_wait3A_63] : memref<1056x128xf32, #tpu.memory_space<hbm>> -> memref<32x128xf32, #tpu.memory_space<hbm>>
        tpu.wait_dma2 semaphore(%run_scoped3A : memref<!tpu.dma_semaphore, #tpu.memory_space<semaphore_mem>>) src(%arg11 : memref<32x128xf32, #tpu.memory_space<vmem>>) dst(%dma_wait3A_64 : memref<32x128xf32, #tpu.memory_space<hbm>>)
        tpu.yield
      }) : () -> ()
    } else {
    }
    %dma_wait3A_29 = arith.constant 0 : i32
    %dma_wait3A_30 = tpu.memref_slice %arg9[%dma_wait3A_29] : memref<336xi32, #tpu.memory_space<vmem>> -> memref<112xi32, #tpu.memory_space<vmem>>
    %dma_wait3A_31 = arith.constant 0 : i32
    %dma_wait3A_32 = tpu.memref_slice %arg8[%dma_wait3A_31] : memref<336xi32, #tpu.memory_space<vmem>> -> memref<112xi32, #tpu.memory_space<vmem>>
    %dma_wait3A_33 = arith.constant 0 : i32
    %dma_wait3A_34 = tpu.memref_slice %arg4[%dma_wait3A_33] : memref<3200000xi32, #tpu.memory_space<hbm>> -> memref<3200000xi32, #tpu.memory_space<hbm>>
    tpu.wait_indirect_dma semaphore(%arg12 : memref<!tpu.dma_semaphore, #tpu.memory_space<semaphore_mem>>) src(%dma_wait3A_34 : memref<3200000xi32, #tpu.memory_space<hbm>>) dst(%dma_wait3A_30 : memref<112xi32, #tpu.memory_space<vmem>>)
    %dma_wait3A_35 = arith.constant 112 : i32
    %dma_wait3A_36 = tpu.memref_slice %arg9[%dma_wait3A_35] : memref<336xi32, #tpu.memory_space<vmem>> -> memref<112xi32, #tpu.memory_space<vmem>>
    %dma_wait3A_37 = arith.constant 112 : i32
    %dma_wait3A_38 = tpu.memref_slice %arg8[%dma_wait3A_37] : memref<336xi32, #tpu.memory_space<vmem>> -> memref<112xi32, #tpu.memory_space<vmem>>
    %dma_wait3A_39 = arith.constant 0 : i32
    %dma_wait3A_40 = tpu.memref_slice %arg4[%dma_wait3A_39] : memref<3200000xi32, #tpu.memory_space<hbm>> -> memref<3200000xi32, #tpu.memory_space<hbm>>
    tpu.wait_indirect_dma semaphore(%arg12 : memref<!tpu.dma_semaphore, #tpu.memory_space<semaphore_mem>>) src(%dma_wait3A_40 : memref<3200000xi32, #tpu.memory_space<hbm>>) dst(%dma_wait3A_36 : memref<112xi32, #tpu.memory_space<vmem>>)
    %dma_wait3A_41 = arith.constant 224 : i32
    %dma_wait3A_42 = tpu.memref_slice %arg9[%dma_wait3A_41] : memref<336xi32, #tpu.memory_space<vmem>> -> memref<112xi32, #tpu.memory_space<vmem>>
    %dma_wait3A_43 = arith.constant 224 : i32
    %dma_wait3A_44 = tpu.memref_slice %arg8[%dma_wait3A_43] : memref<336xi32, #tpu.memory_space<vmem>> -> memref<112xi32, #tpu.memory_space<vmem>>
    %dma_wait3A_45 = arith.constant 0 : i32
    %dma_wait3A_46 = tpu.memref_slice %arg4[%dma_wait3A_45] : memref<3200000xi32, #tpu.memory_space<hbm>> -> memref<3200000xi32, #tpu.memory_space<hbm>>
    tpu.wait_indirect_dma semaphore(%arg12 : memref<!tpu.dma_semaphore, #tpu.memory_space<semaphore_mem>>) src(%dma_wait3A_46 : memref<3200000xi32, #tpu.memory_space<hbm>>) dst(%dma_wait3A_42 : memref<112xi32, #tpu.memory_space<vmem>>)
    "tpu.region"() ({
      %run_scoped3A = tpu.sem_alloc : memref<!tpu.dma_semaphore, #tpu.memory_space<semaphore_mem>>
      %dma_start3A_47 = tpu.memref_slice %arg6[%mul3A_2] : memref<10752xi32, #tpu.memory_space<hbm>> -> memref<336xi32, #tpu.memory_space<hbm>>
      %dma_start3A_48 = tpu.memref_slice %arg6[%mul3A_2] : memref<10752xi32, #tpu.memory_space<hbm>> -> memref<336xi32, #tpu.memory_space<hbm>>
      tpu.enqueue_dma source(%arg9 : memref<336xi32, #tpu.memory_space<vmem>>) target(%dma_start3A_48 : memref<336xi32, #tpu.memory_space<hbm>>) target_semaphore(%run_scoped3A : memref<!tpu.dma_semaphore, #tpu.memory_space<semaphore_mem>>)
      %dma_wait3A_49 = tpu.memref_slice %arg6[%mul3A_2] : memref<10752xi32, #tpu.memory_space<hbm>> -> memref<336xi32, #tpu.memory_space<hbm>>
      %dma_wait3A_50 = tpu.memref_slice %arg6[%mul3A_2] : memref<10752xi32, #tpu.memory_space<hbm>> -> memref<336xi32, #tpu.memory_space<hbm>>
      tpu.wait_dma2 semaphore(%run_scoped3A : memref<!tpu.dma_semaphore, #tpu.memory_space<semaphore_mem>>) src(%arg9 : memref<336xi32, #tpu.memory_space<vmem>>) dst(%dma_wait3A_50 : memref<336xi32, #tpu.memory_space<hbm>>)
      tpu.yield
    }) : () -> ()
    return
  }
}

module attributes {stable_mosaic.version = 14 : i64} {
  func.func @_c1_body(%arg0: memref<1056x128xf32, #tpu.memory_space<vmem>>, %arg1: memref<1056x1280xf32, #tpu.memory_space<vmem>>, %arg2: memref<10752x128xf32, #tpu.memory_space<vmem>>, %arg3: memref<10752x128xf32, #tpu.memory_space<vmem>>, %arg4: memref<128x128xf32, #tpu.memory_space<vmem>>, %arg5: memref<128x128xf32, #tpu.memory_space<vmem>>, %arg6: memref<1056x256xf32, #tpu.memory_space<vmem>>, %arg7: memref<10752x256xf32, #tpu.memory_space<vmem>>) attributes {dimension_semantics = [], scalar_prefetch = 0 : i64, scratch_operands = 0 : i64, tpu.core_type = #tpu.core_type<tc>} {
    %get3A = arith.constant 0 : index
    %get3A_0 = arith.constant 0 : index
    %get3A_1 = vector.load %arg4[%get3A, %get3A_0] : memref<128x128xf32, #tpu.memory_space<vmem>>, vector<128x128xf32>
    %get3A_2 = arith.constant 0 : index
    %get3A_3 = arith.constant 0 : index
    %get3A_4 = vector.load %arg5[%get3A_2, %get3A_3] : memref<128x128xf32, #tpu.memory_space<vmem>>, vector<128x128xf32>
    %get3A_5 = arith.constant 0 : index
    %get3A_6 = arith.constant 0 : index
    %get3A_7 = vector.load %arg1[%get3A_5, %get3A_6] : memref<1056x1280xf32, #tpu.memory_space<vmem>>, vector<1056x128xf32>
    %get3A_8 = arith.constant 0 : index
    %get3A_9 = arith.constant 128 : index
    %get3A_10 = vector.load %arg1[%get3A_8, %get3A_9] : memref<1056x1280xf32, #tpu.memory_space<vmem>>, vector<1056x128xf32>
    %add3A = arith.addf %get3A_7, %get3A_10 : vector<1056x128xf32>
    %get3A_11 = arith.constant 0 : index
    %get3A_12 = arith.constant 256 : index
    %get3A_13 = vector.load %arg1[%get3A_11, %get3A_12] : memref<1056x1280xf32, #tpu.memory_space<vmem>>, vector<1056x128xf32>
    %add3A_14 = arith.addf %add3A, %get3A_13 : vector<1056x128xf32>
    %get3A_15 = arith.constant 0 : index
    %get3A_16 = arith.constant 384 : index
    %get3A_17 = vector.load %arg1[%get3A_15, %get3A_16] : memref<1056x1280xf32, #tpu.memory_space<vmem>>, vector<1056x128xf32>
    %add3A_18 = arith.addf %add3A_14, %get3A_17 : vector<1056x128xf32>
    %get3A_19 = arith.constant 0 : index
    %get3A_20 = arith.constant 512 : index
    %get3A_21 = vector.load %arg1[%get3A_19, %get3A_20] : memref<1056x1280xf32, #tpu.memory_space<vmem>>, vector<1056x128xf32>
    %add3A_22 = arith.addf %add3A_18, %get3A_21 : vector<1056x128xf32>
    %get3A_23 = arith.constant 0 : index
    %get3A_24 = arith.constant 640 : index
    %get3A_25 = vector.load %arg1[%get3A_23, %get3A_24] : memref<1056x1280xf32, #tpu.memory_space<vmem>>, vector<1056x128xf32>
    %add3A_26 = arith.addf %add3A_22, %get3A_25 : vector<1056x128xf32>
    %get3A_27 = arith.constant 0 : index
    %get3A_28 = arith.constant 768 : index
    %get3A_29 = vector.load %arg1[%get3A_27, %get3A_28] : memref<1056x1280xf32, #tpu.memory_space<vmem>>, vector<1056x128xf32>
    %add3A_30 = arith.addf %add3A_26, %get3A_29 : vector<1056x128xf32>
    %get3A_31 = arith.constant 0 : index
    %get3A_32 = arith.constant 896 : index
    %get3A_33 = vector.load %arg1[%get3A_31, %get3A_32] : memref<1056x1280xf32, #tpu.memory_space<vmem>>, vector<1056x128xf32>
    %add3A_34 = arith.addf %add3A_30, %get3A_33 : vector<1056x128xf32>
    %get3A_35 = arith.constant 0 : index
    %get3A_36 = arith.constant 1024 : index
    %get3A_37 = vector.load %arg1[%get3A_35, %get3A_36] : memref<1056x1280xf32, #tpu.memory_space<vmem>>, vector<1056x128xf32>
    %add3A_38 = arith.addf %add3A_34, %get3A_37 : vector<1056x128xf32>
    %get3A_39 = arith.constant 0 : index
    %get3A_40 = arith.constant 1152 : index
    %get3A_41 = vector.load %arg1[%get3A_39, %get3A_40] : memref<1056x1280xf32, #tpu.memory_space<vmem>>, vector<1056x128xf32>
    %add3A_42 = arith.addf %add3A_38, %get3A_41 : vector<1056x128xf32>
    %mul3A = arith.constant 1.000000e-01 : f32
    %mul3A_43 = vector.broadcast %mul3A : f32 to vector<1056x128xf32>
    %mul3A_44 = arith.mulf %add3A_42, %mul3A_43 : vector<1056x128xf32>
    %get3A_45 = arith.constant 0 : index
    %get3A_46 = arith.constant 0 : index
    %get3A_47 = vector.load %arg0[%get3A_45, %get3A_46] : memref<1056x128xf32, #tpu.memory_space<vmem>>, vector<1056x128xf32>
    %dot_general3A = arith.constant dense<0.000000e+00> : vector<1056x128xf32>
    %dot_general3A_48 = tpu.matmul %get3A_47, %get3A_1, %dot_general3A {dimension_numbers = #tpu.dot_dimension_numbers<[1], [0], [0], [1], [0, 0, 1, 1], [], []>, transpose_lhs_hint = false} : vector<1056x128xf32>, vector<128x128xf32>, vector<1056x128xf32> -> vector<1056x128xf32>
    %max3A = arith.constant 0.000000e+00 : f32
    %max3A_49 = vector.broadcast %max3A : f32 to vector<1056x128xf32>
    %max3A_50 = arith.maximumf %dot_general3A_48, %max3A_49 : vector<1056x128xf32>
    %swap3A = arith.constant 0 : index
    %swap3A_51 = arith.constant 0 : index
    %swap3A_52 = vector.load %arg6[%swap3A, %swap3A_51] : memref<1056x256xf32, #tpu.memory_space<vmem>>, vector<1056x128xf32>
    tpu.vector_store %arg6[%swap3A, %swap3A_51], %max3A_50 {strides = array<i32>} : memref<1056x256xf32, #tpu.memory_space<vmem>>, vector<1056x128xf32>,
    %dot_general3A_53 = arith.constant dense<0.000000e+00> : vector<1056x128xf32>
    %dot_general3A_54 = tpu.matmul %mul3A_44, %get3A_4, %dot_general3A_53 {dimension_numbers = #tpu.dot_dimension_numbers<[1], [0], [0], [1], [0, 0, 1, 1], [], []>, transpose_lhs_hint = false} : vector<1056x128xf32>, vector<128x128xf32>, vector<1056x128xf32> -> vector<1056x128xf32>
    %max3A_55 = arith.constant 0.000000e+00 : f32
    %max3A_56 = vector.broadcast %max3A_55 : f32 to vector<1056x128xf32>
    %max3A_57 = arith.maximumf %dot_general3A_54, %max3A_56 : vector<1056x128xf32>
    %swap3A_58 = arith.constant 0 : index
    %swap3A_59 = arith.constant 128 : index
    %swap3A_60 = vector.load %arg6[%swap3A_58, %swap3A_59] : memref<1056x256xf32, #tpu.memory_space<vmem>>, vector<1056x128xf32>
    tpu.vector_store %arg6[%swap3A_58, %swap3A_59], %max3A_57 {strides = array<i32>} : memref<1056x256xf32, #tpu.memory_space<vmem>>, vector<1056x128xf32>,
    %get3A_61 = arith.constant 0 : index
    %get3A_62 = arith.constant 0 : index
    %get3A_63 = vector.load %arg2[%get3A_61, %get3A_62] : memref<10752x128xf32, #tpu.memory_space<vmem>>, vector<10752x128xf32>
    %dot_general3A_64 = arith.constant dense<0.000000e+00> : vector<10752x128xf32>
    %dot_general3A_65 = tpu.matmul %get3A_63, %get3A_1, %dot_general3A_64 {dimension_numbers = #tpu.dot_dimension_numbers<[1], [0], [0], [1], [0, 0, 1, 1], [], []>, transpose_lhs_hint = false} : vector<10752x128xf32>, vector<128x128xf32>, vector<10752x128xf32> -> vector<10752x128xf32>
    %max3A_66 = arith.constant 0.000000e+00 : f32
    %max3A_67 = vector.broadcast %max3A_66 : f32 to vector<10752x128xf32>
    %max3A_68 = arith.maximumf %dot_general3A_65, %max3A_67 : vector<10752x128xf32>
    %swap3A_69 = arith.constant 0 : index
    %swap3A_70 = arith.constant 0 : index
    %swap3A_71 = vector.load %arg7[%swap3A_69, %swap3A_70] : memref<10752x256xf32, #tpu.memory_space<vmem>>, vector<10752x128xf32>
    tpu.vector_store %arg7[%swap3A_69, %swap3A_70], %max3A_68 {strides = array<i32>} : memref<10752x256xf32, #tpu.memory_space<vmem>>, vector<10752x128xf32>,
    %get3A_72 = arith.constant 0 : index
    %get3A_73 = arith.constant 0 : index
    %get3A_74 = vector.load %arg3[%get3A_72, %get3A_73] : memref<10752x128xf32, #tpu.memory_space<vmem>>, vector<10752x128xf32>
    %dot_general3A_75 = arith.constant dense<0.000000e+00> : vector<10752x128xf32>
    %dot_general3A_76 = tpu.matmul %get3A_74, %get3A_4, %dot_general3A_75 {dimension_numbers = #tpu.dot_dimension_numbers<[1], [0], [0], [1], [0, 0, 1, 1], [], []>, transpose_lhs_hint = false} : vector<10752x128xf32>, vector<128x128xf32>, vector<10752x128xf32> -> vector<10752x128xf32>
    %max3A_77 = arith.constant 0.000000e+00 : f32
    %max3A_78 = vector.broadcast %max3A_77 : f32 to vector<10752x128xf32>
    %max3A_79 = arith.maximumf %dot_general3A_76, %max3A_78 : vector<10752x128xf32>
    %swap3A_80 = arith.constant 0 : index
    %swap3A_81 = arith.constant 128 : index
    %swap3A_82 = vector.load %arg7[%swap3A_80, %swap3A_81] : memref<10752x256xf32, #tpu.memory_space<vmem>>, vector<10752x128xf32>
    tpu.vector_store %arg7[%swap3A_80, %swap3A_81], %max3A_79 {strides = array<i32>} : memref<10752x256xf32, #tpu.memory_space<vmem>>, vector<10752x128xf32>,
    return
  }
}

module attributes {stable_mosaic.version = 14 : i64} {
  func.func @_c2_body(%arg0: memref<1056x256xf32, #tpu.memory_space<vmem>>, %arg1: memref<1056x2560xf32, #tpu.memory_space<vmem>>, %arg2: memref<256x128xf32, #tpu.memory_space<vmem>>, %arg3: memref<256x128xf32, #tpu.memory_space<vmem>>, %arg4: memref<1x1xf32, #tpu.memory_space<vmem>>, %arg5: memref<512x1xf32, #tpu.memory_space<vmem>>) attributes {dimension_semantics = [], scalar_prefetch = 0 : i64, scratch_operands = 0 : i64, tpu.core_type = #tpu.core_type<tc>} {
    %get3A = arith.constant 0 : index
    %get3A_0 = arith.constant 0 : index
    %get3A_1 = vector.load %arg1[%get3A, %get3A_0] : memref<1056x2560xf32, #tpu.memory_space<vmem>>, vector<1056x256xf32>
    %get3A_2 = arith.constant 0 : index
    %get3A_3 = arith.constant 256 : index
    %get3A_4 = vector.load %arg1[%get3A_2, %get3A_3] : memref<1056x2560xf32, #tpu.memory_space<vmem>>, vector<1056x256xf32>
    %add3A = arith.addf %get3A_1, %get3A_4 : vector<1056x256xf32>
    %get3A_5 = arith.constant 0 : index
    %get3A_6 = arith.constant 512 : index
    %get3A_7 = vector.load %arg1[%get3A_5, %get3A_6] : memref<1056x2560xf32, #tpu.memory_space<vmem>>, vector<1056x256xf32>
    %add3A_8 = arith.addf %add3A, %get3A_7 : vector<1056x256xf32>
    %get3A_9 = arith.constant 0 : index
    %get3A_10 = arith.constant 768 : index
    %get3A_11 = vector.load %arg1[%get3A_9, %get3A_10] : memref<1056x2560xf32, #tpu.memory_space<vmem>>, vector<1056x256xf32>
    %add3A_12 = arith.addf %add3A_8, %get3A_11 : vector<1056x256xf32>
    %get3A_13 = arith.constant 0 : index
    %get3A_14 = arith.constant 1024 : index
    %get3A_15 = vector.load %arg1[%get3A_13, %get3A_14] : memref<1056x2560xf32, #tpu.memory_space<vmem>>, vector<1056x256xf32>
    %add3A_16 = arith.addf %add3A_12, %get3A_15 : vector<1056x256xf32>
    %get3A_17 = arith.constant 0 : index
    %get3A_18 = arith.constant 1280 : index
    %get3A_19 = vector.load %arg1[%get3A_17, %get3A_18] : memref<1056x2560xf32, #tpu.memory_space<vmem>>, vector<1056x256xf32>
    %add3A_20 = arith.addf %add3A_16, %get3A_19 : vector<1056x256xf32>
    %get3A_21 = arith.constant 0 : index
    %get3A_22 = arith.constant 1536 : index
    %get3A_23 = vector.load %arg1[%get3A_21, %get3A_22] : memref<1056x2560xf32, #tpu.memory_space<vmem>>, vector<1056x256xf32>
    %add3A_24 = arith.addf %add3A_20, %get3A_23 : vector<1056x256xf32>
    %get3A_25 = arith.constant 0 : index
    %get3A_26 = arith.constant 1792 : index
    %get3A_27 = vector.load %arg1[%get3A_25, %get3A_26] : memref<1056x2560xf32, #tpu.memory_space<vmem>>, vector<1056x256xf32>
    %add3A_28 = arith.addf %add3A_24, %get3A_27 : vector<1056x256xf32>
    %get3A_29 = arith.constant 0 : index
    %get3A_30 = arith.constant 2048 : index
    %get3A_31 = vector.load %arg1[%get3A_29, %get3A_30] : memref<1056x2560xf32, #tpu.memory_space<vmem>>, vector<1056x256xf32>
    %add3A_32 = arith.addf %add3A_28, %get3A_31 : vector<1056x256xf32>
    %get3A_33 = arith.constant 0 : index
    %get3A_34 = arith.constant 2304 : index
    %get3A_35 = vector.load %arg1[%get3A_33, %get3A_34] : memref<1056x2560xf32, #tpu.memory_space<vmem>>, vector<1056x256xf32>
    %add3A_36 = arith.addf %add3A_32, %get3A_35 : vector<1056x256xf32>
    %mul3A = arith.constant 1.000000e-01 : f32
    %mul3A_37 = vector.broadcast %mul3A : f32 to vector<1056x256xf32>
    %mul3A_38 = arith.mulf %add3A_36, %mul3A_37 : vector<1056x256xf32>
    %get3A_39 = arith.constant 0 : index
    %get3A_40 = arith.constant 0 : index
    %get3A_41 = vector.load %arg0[%get3A_39, %get3A_40] : memref<1056x256xf32, #tpu.memory_space<vmem>>, vector<1056x256xf32>
    %get3A_42 = arith.constant 0 : index
    %get3A_43 = arith.constant 0 : index
    %get3A_44 = vector.load %arg2[%get3A_42, %get3A_43] : memref<256x128xf32, #tpu.memory_space<vmem>>, vector<256x128xf32>
    %dot_general3A = arith.constant dense<0.000000e+00> : vector<1056x128xf32>
    %dot_general3A_45 = tpu.matmul %get3A_41, %get3A_44, %dot_general3A {dimension_numbers = #tpu.dot_dimension_numbers<[1], [0], [0], [1], [0, 0, 1, 1], [], []>, transpose_lhs_hint = false} : vector<1056x256xf32>, vector<256x128xf32>, vector<1056x128xf32> -> vector<1056x128xf32>
    %get3A_46 = arith.constant 0 : index
    %get3A_47 = arith.constant 0 : index
    %get3A_48 = vector.load %arg3[%get3A_46, %get3A_47] : memref<256x128xf32, #tpu.memory_space<vmem>>, vector<256x128xf32>
    %dot_general3A_49 = arith.constant dense<0.000000e+00> : vector<1056x128xf32>
    %dot_general3A_50 = tpu.matmul %mul3A_38, %get3A_48, %dot_general3A_49 {dimension_numbers = #tpu.dot_dimension_numbers<[1], [0], [0], [1], [0, 0, 1, 1], [], []>, transpose_lhs_hint = false} : vector<1056x256xf32>, vector<256x128xf32>, vector<1056x128xf32> -> vector<1056x128xf32>
    %mul3A_51 = arith.mulf %dot_general3A_45, %dot_general3A_45 : vector<1056x128xf32>
    %reduce_sum3A = arith.constant dense<0.000000e+00> : vector<1056xf32>
    %reduce_sum3A_52 = vector.multi_reduction <add>, %mul3A_51, %reduce_sum3A [1] : vector<1056x128xf32> to vector<1056xf32>
    %broadcast_in_dim3A = vector.shape_cast %reduce_sum3A_52 : vector<1056xf32> to vector<1056x1xf32>
    %mul3A_53 = arith.mulf %dot_general3A_50, %dot_general3A_50 : vector<1056x128xf32>
    %reduce_sum3A_54 = arith.constant dense<0.000000e+00> : vector<1056xf32>
    %reduce_sum3A_55 = vector.multi_reduction <add>, %mul3A_53, %reduce_sum3A_54 [1] : vector<1056x128xf32> to vector<1056xf32>
    %broadcast_in_dim3A_56 = vector.shape_cast %reduce_sum3A_55 : vector<1056xf32> to vector<1056x1xf32>
    %add3A_57 = arith.addf %broadcast_in_dim3A, %broadcast_in_dim3A_56 : vector<1056x1xf32>
    %sqrt3A = math.sqrt %add3A_57 : vector<1056x1xf32>
    %max3A = arith.constant 9.99999996E-13 : f32
    %max3A_58 = vector.broadcast %max3A : f32 to vector<1056x1xf32>
    %max3A_59 = arith.maximumf %sqrt3A, %max3A_58 : vector<1056x1xf32>
    %div3A = arith.constant 1.000000e+00 : f32
    %div3A_60 = vector.broadcast %div3A : f32 to vector<1056x1xf32>
    %div3A_61 = arith.divf %div3A_60, %max3A_59 : vector<1056x1xf32>
    %mul3A_62 = vector.broadcast %div3A_61 : vector<1056x1xf32> to vector<1056x128xf32>
    %mul3A_63 = arith.mulf %dot_general3A_45, %mul3A_62 : vector<1056x128xf32>
    %mul3A_64 = vector.broadcast %div3A_61 : vector<1056x1xf32> to vector<1056x128xf32>
    %mul3A_65 = arith.mulf %dot_general3A_50, %mul3A_64 : vector<1056x128xf32>
    %slice3A = vector.extract_strided_slice %mul3A_63 {offsets = [0, 0], sizes = [512, 128], strides = [1, 1]} : vector<1056x128xf32> to vector<512x128xf32>
    %slice3A_66 = vector.extract_strided_slice %mul3A_63 {offsets = [512, 0], sizes = [512, 128], strides = [1, 1]} : vector<1056x128xf32> to vector<512x128xf32>
    %slice3A_67 = vector.extract_strided_slice %mul3A_63 {offsets = [1024, 0], sizes = [32, 128], strides = [1, 1]} : vector<1056x128xf32> to vector<32x128xf32>
    %slice3A_68 = vector.extract_strided_slice %mul3A_65 {offsets = [0, 0], sizes = [512, 128], strides = [1, 1]} : vector<1056x128xf32> to vector<512x128xf32>
    %slice3A_69 = vector.extract_strided_slice %mul3A_65 {offsets = [512, 0], sizes = [512, 128], strides = [1, 1]} : vector<1056x128xf32> to vector<512x128xf32>
    %slice3A_70 = vector.extract_strided_slice %mul3A_65 {offsets = [1024, 0], sizes = [32, 128], strides = [1, 1]} : vector<1056x128xf32> to vector<32x128xf32>
    %mul3A_71 = arith.mulf %slice3A, %slice3A_66 : vector<512x128xf32>
    %mul3A_72 = arith.mulf %slice3A_68, %slice3A_69 : vector<512x128xf32>
    %add3A_73 = arith.addf %mul3A_71, %mul3A_72 : vector<512x128xf32>
    %reduce_sum3A_74 = arith.constant dense<0.000000e+00> : vector<512xf32>
    %reduce_sum3A_75 = vector.multi_reduction <add>, %add3A_73, %reduce_sum3A_74 [1] : vector<512x128xf32> to vector<512xf32>
    %broadcast_in_dim3A_76 = vector.shape_cast %reduce_sum3A_75 : vector<512xf32> to vector<512x1xf32>
    %dot_general3A_77 = arith.constant dense<0.000000e+00> : vector<512x32xf32>
    %dot_general3A_78 = tpu.matmul %slice3A, %slice3A_67, %dot_general3A_77 {dimension_numbers = #tpu.dot_dimension_numbers<[1], [1], [0], [0], [0, 0, 1, 0], [], []>, transpose_lhs_hint = false} : vector<512x128xf32>, vector<32x128xf32>, vector<512x32xf32> -> vector<512x32xf32>
    %dot_general3A_79 = arith.constant dense<0.000000e+00> : vector<512x32xf32>
    %dot_general3A_80 = tpu.matmul %slice3A_68, %slice3A_70, %dot_general3A_79 {dimension_numbers = #tpu.dot_dimension_numbers<[1], [1], [0], [0], [0, 0, 1, 0], [], []>, transpose_lhs_hint = false} : vector<512x128xf32>, vector<32x128xf32>, vector<512x32xf32> -> vector<512x32xf32>
    %add3A_81 = arith.addf %dot_general3A_78, %dot_general3A_80 : vector<512x32xf32>
    %iota3A = tpu.iota {dimensions = array<i32: 1>} : vector<512x32xi32>
    %lt3A = arith.constant 20 : i32
    %lt3A_82 = vector.broadcast %lt3A : i32 to vector<512x32xi32>
    %lt3A_83 = arith.cmpi slt, %iota3A, %lt3A_82 : vector<512x32xi32>
    %max3A_84 = arith.constant 0.000000e+00 : f32
    %max3A_85 = vector.broadcast %max3A_84 : f32 to vector<512x32xf32>
    %max3A_86 = arith.maximumf %add3A_81, %max3A_85 : vector<512x32xf32>
    %abs3A = math.absf %add3A_81 : vector<512x32xf32>
    %neg3A = arith.constant 0.000000e+00 : f32
    %neg3A_87 = vector.broadcast %neg3A : f32 to vector<512x32xf32>
    %neg3A_88 = arith.subf %neg3A_87, %abs3A : vector<512x32xf32>
    %exp3A = math.exp %neg3A_88 : vector<512x32xf32>
    %log1p3A = math.log1p %exp3A : vector<512x32xf32>
    %add3A_89 = arith.addf %max3A_86, %log1p3A : vector<512x32xf32>
    %jit3A = arith.constant 0.000000e+00 : f32
    %broadcast_in_dim3A_90 = vector.broadcast %jit3A : f32 to vector<512x32xf32>
    %select_n3A = arith.select %lt3A_83, %add3A_89, %broadcast_in_dim3A_90 : vector<512x32xi1>, vector<512x32xf32>
    %neg3A_91 = arith.constant 0.000000e+00 : f32
    %neg3A_92 = vector.broadcast %neg3A_91 : f32 to vector<512x1xf32>
    %neg3A_93 = arith.subf %neg3A_92, %broadcast_in_dim3A_76 : vector<512x1xf32>
    %max3A_94 = arith.constant 0.000000e+00 : f32
    %max3A_95 = vector.broadcast %max3A_94 : f32 to vector<512x1xf32>
    %max3A_96 = arith.maximumf %neg3A_93, %max3A_95 : vector<512x1xf32>
    %abs3A_97 = math.absf %neg3A_93 : vector<512x1xf32>
    %neg3A_98 = arith.constant 0.000000e+00 : f32
    %neg3A_99 = vector.broadcast %neg3A_98 : f32 to vector<512x1xf32>
    %neg3A_100 = arith.subf %neg3A_99, %abs3A_97 : vector<512x1xf32>
    %exp3A_101 = math.exp %neg3A_100 : vector<512x1xf32>
    %log1p3A_102 = math.log1p %exp3A_101 : vector<512x1xf32>
    %add3A_103 = arith.addf %max3A_96, %log1p3A_102 : vector<512x1xf32>
    %reduce_sum3A_104 = vector.shape_cast %add3A_103 : vector<512x1xf32> to vector<1x512x1xf32>
    %reduce_sum3A_105 = arith.constant dense<0.000000e+00> : vector<1xf32>
    %reduce_sum3A_106 = vector.multi_reduction <add>, %reduce_sum3A_104, %reduce_sum3A_105 [1, 2] : vector<1x512x1xf32> to vector<1xf32>
    %reduce_sum3A_107 = vector.shape_cast %reduce_sum3A_106 : vector<1xf32> to vector<1x1x1xf32>
    %reduce_sum3A_108 = vector.extract %reduce_sum3A_107[0, 0, 0] : f32 from vector<1x1x1xf32>
    %reduce_sum3A_109 = vector.shape_cast %select_n3A : vector<512x32xf32> to vector<1x512x32xf32>
    %reduce_sum3A_110 = arith.constant dense<0.000000e+00> : vector<1xf32>
    %reduce_sum3A_111 = vector.multi_reduction <add>, %reduce_sum3A_109, %reduce_sum3A_110 [1, 2] : vector<1x512x32xf32> to vector<1xf32>
    %reduce_sum3A_112 = vector.shape_cast %reduce_sum3A_111 : vector<1xf32> to vector<1x1x1xf32>
    %reduce_sum3A_113 = vector.extract %reduce_sum3A_112[0, 0, 0] : f32 from vector<1x1x1xf32>
    %add3A_114 = arith.addf %reduce_sum3A_108, %reduce_sum3A_113 : f32
    %mul3A_115 = arith.constant 0.001953125 : f32
    %mul3A_116 = arith.mulf %add3A_114, %mul3A_115 : f32
    %reshape3A = vector.broadcast %mul3A_116 : f32 to vector<1x1xf32>
    %swap3A = arith.constant 0 : index
    %swap3A_117 = arith.constant 0 : index
    %swap3A_118 = vector.load %arg4[%swap3A, %swap3A_117] : memref<1x1xf32, #tpu.memory_space<vmem>>, vector<1x1xf32>
    tpu.vector_store %arg4[%swap3A, %swap3A_117], %reshape3A {strides = array<i32>} : memref<1x1xf32, #tpu.memory_space<vmem>>, vector<1x1xf32>,
    %swap3A_119 = arith.constant 0 : index
    %swap3A_120 = arith.constant 0 : index
    %swap3A_121 = vector.load %arg5[%swap3A_119, %swap3A_120] : memref<512x1xf32, #tpu.memory_space<vmem>>, vector<512x1xf32>
    tpu.vector_store %arg5[%swap3A_119, %swap3A_120], %broadcast_in_dim3A_76 {strides = array<i32>} : memref<512x1xf32, #tpu.memory_space<vmem>>, vector<512x1xf32>,
    return
  }
}

</mosaic_0001>

<sc_bundles>
// kernel: kernel.11.cloned.1.call-start
scs
__scs_entry_jumppad:
0x0: {  	(pc) =	sbr.rel $0x88, $3  }
0x1: {  	(tag) =	ssettag $0x0;
	lr =	simm.s32 $0x1  }
0x2: {  	[smem:$0x3F99] =	sst lr;
	_ =	strace $0xD0000000  }
0x3: {  	_ = 	snop  }
0x4: {  	_ = 	snop  }
0x5: {  	_ = 	snop  }
0x6: {  	_ = 	snop  }
0x7: {  	_ = 	snop  }
__scs_overlays_trampoline_lowered:
0x8: {  	[smem:$0x3FA8] =	sst s0  }
0x9: {  	[smem:$0x3FA9] =	sst s1  }
0xa: {  	[smem:$0x3FAA] =	sst s2  }
0xb: {  	[smem:$0x3FAB] =	sst s3  }
0xc: {  	[smem:$0x3FAC] =	sst s4  }
0xd: {  	[smem:$0x3FAD] =	sst s5  }
0xe: {  	[smem:$0x3FAE] =	sst s6  }
0xf: {  	[smem:$0x3FAF] =	sst s7  }
0x10: {  	[smem:$0x3FB0] =	sst s8  }
0x11: {  	[smem:$0x3FB1] =	sst s9;
	s0 =	simm.s32 @!p0 $0x0  }
0x12: {  	s1 =	sld [smem:$0x3F97];
	s0 =	simm.s32 @p0 $0x1  }
0x13: {  	[smem:$0x3FB2] =	sst s0;
	s0 =	simm.s32 @!p1 $0x0  }
0x14: {  	s2 =	sld [smem:$0x3F96];
	s0 =	simm.s32 @p1 $0x1  }
0x15: {  	[smem:$0x3FB3] =	sst s0;
	s0 =	simm.s32 @!p2 $0x0  }
0x16: {  	s3 =	sld [smem:$0x3FDB];
	s0 =	simm.s32 @p2 $0x1  }
0x17: {  	s4 =	simm.s32 $0x1BF5;
	[smem:$0x3FB5] =	sst s0  }
0x18: {  	s0 =	sld [smem:$0x3F98];
	_ =	swait.ge [sflag:s4], $0x0  }
0x19: {  	s7 =	sld [smem:$0x3F99]  }
0x1a: {  	s8 =	sadd.s32 $0xFFFFE003, lr  }
0x1b: {  	s9 =	sadd.s32 $0xFFFFFEF7, lr;
	s5 =	simm.s32 $0xFFFFFFFF;
	p2 =	slt.u32 s8, $0xFFFFF086  }
0x1c: {  	p1 =	slt.u32 s9, $0xF7A;
	s5 =	simm.s32 @!p2 $0x0  }
0x1d: {  	s5 =	simm.s32 @p1 $0x1;
	p0 =	seq.s32 s7, s2  }
0x1e: {  	s7 =	smul.u32 @!p0 $0xF7A, s2;
	p2 =	seq.s32 @!p0 s5, $0x0  }
0x1f: {  	s9 =	smul.u32 $0xF7A, s1;
	s8 =	simm.s32 @!p0 $0x1BF5;
	p2 =	por !p2, p0  }
0x20: {  	[sflag:s8] =	ssyncset.s32 @!p0 $0xFFFFF086;
	s6 =	sadd.s32 @!p0 s3, s7;
	s7 =	simm.s32 @!p0 $0x108  }
0x21: {  	s3 =	sadd.s32 s3, s9;
	s6 =	sadd.s32 @!p0 $0x88, s6;
	s7 =	simm.s32 @p2 $0x1082  }
0x22: {  	[simem:s7], [sflag:s8] =	dma.local @!p0 [hbm:s6], $0xF7A  }
0x23: {  	s9 =	sor.u32 $0xD0000000, s2;
	s6 =	simm.s32 $0x108;
	_ =	swait.ge @!p0 [sflag:s8], $0x0  }
0x24: {  	s3 =	sadd.s32 $0x88, s3;
	s6 =	simm.s32 @!p1 $0x1082;
	[sflag:s4] =	ssyncset.s32 $0xFFFFF086  }
0x25: {  	[simem:s6], [sflag:s4] =	dma.local [hbm:s3], $0xF7A  }
0x26: {  	[smem:$0x3F99] =	sst s1;
	(tag) =	ssettag s2;
	_ =	strace s9  }
0x27: {  	s1 =	sld [smem:$0x3FA9]  }
0x28: {  	s2 =	sld [smem:$0x3FAA]  }
0x29: {  	s4 =	sld [smem:$0x3FAC]  }
0x2a: {  	p0 =	seq.s32 s5, $0x0;
	s5 =	sld [smem:$0x3FAD]  }
0x2b: {  	s6 =	sld [smem:$0x3FAE]  }
0x2c: {  	s7 =	sld [smem:$0x3FAF]  }
0x2d: {  	s3 =	simm.s32 $0x108;
	s8 =	sld [smem:$0x3FB0]  }
0x2e: {  	s3 =	simm.s32 @!p0 $0x1082;
	s9 =	sld [smem:$0x3FB1]  }
0x2f: {  	lr =	sadd.s32 s0, s3;
	s0 =	sld [smem:$0x3FA8]  }
0x30: {  	s3 =	sld [smem:$0x3FAB]  }
0x31: {  	[smem:$0x3FB4] =	sst s10  }
0x32: {  	s10 =	sld [smem:$0x3FB2];
	_ =	sdelay $0x3  }
0x33: {  	p0 =	seq.s32 s10, $0x1;
	s10 =	sld [smem:$0x3FB4];
	_ =	sdelay $0x3  }
0x34: {  	[smem:$0x3FB4] =	sst s10  }
0x35: {  	s10 =	sld [smem:$0x3FB3];
	_ =	sdelay $0x3  }
0x36: {  	p1 =	seq.s32 s10, $0x1;
	s10 =	sld [smem:$0x3FB4];
	_ =	sdelay $0x3  }
0x37: {  	[smem:$0x3FB4] =	sst s10  }
0x38: {  	s10 =	sld [smem:$0x3FB5]  }
0x39: {  	_ = 	snop;
	(pc) =	sbr.ind lr, $3  }
0x3a: {  	_ = 	snop  }
0x3b: {  	_ = 	snop  }
0x3c: {  	p2 =	seq.s32 s10, $0x1;
	s10 =	sld [smem:$0x3FB4]  }
0x3d: {  	_ =	shalt  }
0x3e: {  	_ =	shalt  }
0x3f: {  	_ =	shalt  }
0x40: {  	_ =	shalt  }
0x41: {  	_ =	shalt  }
0x42: {  	_ =	shalt  }
0x43: {  	_ =	shalt  }
0x44: {  	_ =	shalt  }
0x45: {  	_ =	shalt  }
0x46: {  	_ =	shalt  }
0x47: {  	_ =	shalt  }
0x48: {  	_ =	shalt  }
0x49: {  	_ =	shalt  }
0x4a: {  	_ =	shalt  }
0x4b: {  	_ =	shalt  }
0x4c: {  	_ =	shalt  }
0x4d: {  	_ =	shalt  }
0x4e: {  	_ =	shalt  }
0x4f: {  	_ =	shalt  }
0x50: {  	_ =	shalt  }
0x51: {  	_ =	shalt  }
0x52: {  	_ =	shalt  }
0x53: {  	_ =	shalt  }
0x54: {  	_ =	shalt  }
0x55: {  	_ =	shalt  }
0x56: {  	_ =	shalt  }
0x57: {  	_ =	shalt  }
0x58: {  	_ =	shalt  }
0x59: {  	_ =	shalt  }
0x5a: {  	_ =	shalt  }
0x5b: {  	_ =	shalt  }
0x5c: {  	_ =	shalt  }
0x5d: {  	_ =	shalt  }
0x5e: {  	_ =	shalt  }
0x5f: {  	_ =	shalt  }
0x60: {  	_ =	shalt  }
0x61: {  	_ =	shalt  }
0x62: {  	_ =	shalt  }
0x63: {  	_ =	shalt  }
0x64: {  	_ =	shalt  }
0x65: {  	_ =	shalt  }
0x66: {  	_ =	shalt  }
0x67: {  	_ =	shalt  }
0x68: {  	_ =	shalt  }
0x69: {  	_ =	shalt  }
0x6a: {  	_ =	shalt  }
0x6b: {  	_ =	shalt  }
0x6c: {  	_ =	shalt  }
0x6d: {  	_ =	shalt  }
0x6e: {  	_ =	shalt  }
0x6f: {  	_ =	shalt  }
0x70: {  	_ =	shalt  }
0x71: {  	_ =	shalt  }
0x72: {  	_ =	shalt  }
0x73: {  	_ =	shalt  }
0x74: {  	_ =	shalt  }
0x75: {  	_ =	shalt  }
0x76: {  	_ =	shalt  }
0x77: {  	_ =	shalt  }
0x78: {  	_ =	shalt  }
0x79: {  	_ =	shalt  }
0x7a: {  	_ =	shalt  }
0x7b: {  	_ =	shalt  }
0x7c: {  	_ =	shalt  }
0x7d: {  	_ =	shalt  }
0x7e: {  	_ =	shalt  }
0x7f: {  	_ =	shalt  }
0x80: {  	_ =	shalt  }
0x81: {  	_ =	shalt  }
0x82: {  	_ =	shalt  }
0x83: {  	_ =	shalt  }
0x84: {  	_ =	shalt  }
0x85: {  	_ =	shalt  }
0x86: {  	_ =	shalt  }
0x87: {  	_ =	shalt  }
.Lfunc_end0:
.L_simem_size_0:
called_computation.1_lowered:
.L_overlay_start_0:
0x88: {  	s2 =	sld [smem:$0x3FD9]  }
0x89: {  	s3 =	sld [smem:$0x3FFE];
	_ =	sdelay $0x1  }
0x8a: {  	s1 =	srdreg.scid  }
0x8b: {  	s0 =	sand.u32 $0x1, s1  }
0x8c: {  	s17 =	sshll.u32 s0, $0xA;
	s2 =	sadd.s32 s3, s2  }
0x8d: {  	s2 =	sadd.s32 s2, s17  }
0x8e: {  	[smem:$0x3FC0] =	sst s2  }
0x8f: {  	_ = 	snop  }
0x90: {  	s2 =	sld [smem:$0x3FC7];
	(tm) =	ssettm $0x1  }
0x91: {  	s18 =	sld [smem:$0x3FFB];
	_ =	sdelay $0x3  }
0x92: {  	_ =	strace s18  }
0x93: {  	s3 =	sld [smem:$0x3FFC];
	_ =	sdelay $0x3  }
0x94: {  	_ =	strace s3  }
0x95: {  	s3 =	sld [smem:$0x3FFD];
	_ =	sdelay $0x3  }
0x96: {  	_ =	strace s3  }
0x97: {  	_ =	strace $0x8FFFFFFF  }
0x98: {  	s19 =	sld [smem:$0x3FDB];
	_ =	sdelay $0x1  }
0x99: {  	s4 =	simm.s32 $_scs_section_size  }
0x9a: {  	s5 =	simm.s32 $_size__tile_overlayer_lowered;
	s6 =	simm.s32 $_tile_overlayer_lowered  }
0x9b: {  	s22 =	simm.s32 $0x1BFF;
	s21 =	sshll.u32 s6, $0x1;
	s3 =	sadd.s32 s4, s19  }
0x9c: {  	s7 =	simm.s32 $0x0;
	s20 =	sshll.u32 s5, $0x1;
	s5 =	sadd.s32 s21, s3  }
0x9d: {  	[timem:s7], [sflag:s22] =	dma.local [hbm:s5], s20  }
0x9e: {  	_ =	swait.ge [sflag:s22], s20  }
0x9f: {  	s4 =	ssub.s32 $0x0, s20;
	[sflag:s22] =	ssyncset.done $0x0  }
0xa0: {  	[sflag:s22] =	ssyncadd.s32 s4;
	_ =	sdelay $0x1  }
0xa1: {  	s23 =	simm.s32 $0x1B8B  }
0xa2: {  	_ =	swait.ge [sflag:s23], $0x1  }
0xa3: {  	[sflag:s23] =	ssyncset.done $0x0  }
0xa4: {  	s25 =	simm.s32 $0x1B8E;
	s24 =	sld [smem:$0x3FFE];
	[sflag:s23] =	ssyncadd.s32 $0xFFFFFFFF  }
0xa5: {  	s26 =	simm.s32 $execute0_lowered;
	[smem:$0x3FD2] =	sst s25  }
0xa6: {  	s5 =	sshll.u32 s26, $0x1;
	_ =	strace $0x80000049;
	[dreg:$0x1] =	wrdreg $0xFFFFFFFF  }
0xa7: {  	s28 =	simm.s32 $_size_execute0_lowered;
	s3 =	sadd.s32 s3, s5;
	[dreg:$0x0] =	wrdreg $0x0  }
0xa8: {  	s5 =	sshll.u32 s28, $0x1;
	[dreg:$0x2] =	wrdreg s3  }
0xa9: {  	[dreg:$0x3] =	wrdreg s5  }
0xaa: {  	[dreg:$0x4] =	wrdreg $0xC0  }
0xab: {  	_ =	task [dreg:s7], $0x5FFFF  }
0xac: {  	[dreg:$0x1] =	wrdreg $0xFFFFFFFF  }
0xad: {  	[dreg:$0x0] =	wrdreg $0x60  }
0xae: {  	[dreg:$0x2] =	wrdreg s24  }
0xaf: {  	[dreg:$0x3] =	wrdreg s2  }
0xb0: {  	[dreg:$0x4] =	wrdreg $0x9  }
0xb1: {  	_ =	task.clear_ibuf [dreg:s7], $0x5FFFF;
	_ =	strace $0x90000049  }
0xb2: {  	s29 =	simm.s32 $0x9;
	_ =	strace $0x8000004B  }
0xb3: {  	_ =	swait.ge [sflag:s29], $0x1  }
0xb4: {  	[sflag:s29] =	ssyncadd.s32 $0xFFFFFFFF  }
0xb5: {  	_ =	strace $0x9000004B  }
0xb6: {  	_ =	sfence  }
0xb7: {  	s30 =	sld [smem:$0x0];
	_ =	sdelay $0x2  }
0xb8: {  	s31 =	sshll.u32 s1, $0xD;
	s1 =	sshrl.u32 s1, $0x2  }
0xb9: {  	s3 =	sand.u32 $0x4000, s31;
	s1 =	sadd.s32 s1, s30  }
0xba: {  	s0 =	sor.u32 s3, s0;
	s1 =	sshll.u32 s1, $0x11  }
0xbb: {  	s0 =	sor.u32 s1, s0  }
0xbc: {  	s0 =	sadd.s32 $0x8F2B, s0  }
0xbd: {  	[sflag:s0] =	ssyncadd.remote.s32 $0x1  }
0xbe: {  	_ =	sfence.sel $0xFFFF  }
0xbf: {  	[dreg:$0x0] =	wrdreg $0xFFFFFFFF;
	(pc) =	sbr.abs _section_cstart, $3  }
0xc0: {  	[dreg:$0x1] =	wrdreg $0xFFFFFFFF  }
0xc1: {  	_ =	task.clear_ibuf [dreg:s7], $0x2FFFF;
	_ =	strace $0x9FFFFFFF  }
0xc2: {  	(tm) =	ssettm $0x7FFFFFFF  }
0xc3: {  	_ =	shalt  }
tec
execute0_lowered:
.L_overlay_start_1:
0x0: {  	(tag) =	ssettag $0x1  }
0x1: {  	s0 =	srdreg.scid  }
0x2: {  	s2 =	stileid.u32;
	s1 =	rddreg [dreg:$0x0]  }
0x3: {  	s11 =	simm.s32 $0x6;
	s13 =	simm.s32 $0x70;
	s14 =	simm.s32 $0x1  }
0x4: {  	s15 =	simm.s32 $0x60;
	s18 =	simm.s32 $0x68;
	s21 =	simm.s32 $0x8  }
0x5: {  	s22 =	simm.s32 $0x10B80;
	s23 =	simm.s32 $0x2;
	s24 =	simm.s32 $0x4  }
0x6: {  	s25 =	simm.s32 $0xA780;
	s28 =	simm.s32 $0x10F80;
	s29 =	simm.s32 $0x7  }
0x7: {  	s30 =	simm.s32 $0x11380;
	s0 =	sand.u32 $0x1, s0;
	s3 =	sshll.u32 s2, $0x1  }
0x8: {  	s31 =	simm.s32 $0x3;
	s2 =	rddreg [dreg:$0x1];
	s5 =	sor.u32 s0, s3  }
0x9: {  	s6 =	sadd.s32 $0x3D000, s1;
	s7 =	sadd.s32 $0x13000, s1;
	s4 =	smul.u32 $0x2A, s5  }
0xa: {  	s3 =	simm.s32 $0x0;
	s0 =	ssub.s32 $0x2, s0;
	s5 =	smul.u32 $0x41A, s5  }
.Ltmp0:
0xb: {  	[smem:$0x7FF] =	sst s3;
	s10 =	sshrl.u32 s0, $0x1;
	(pc) =	sbr.rel .LBB2_1-.Ltmp0, $4  }
0xc: {  	_ =	strace $0x8000004A;
	s0 =	ssub.s32 s0, s10;
	s8 =	sadd.s32 s4, s1  }
0xd: {  	s9 =	sadd.s32 s5, s1;
	s5 =	sadd.s32 $0x18CE00, s1;
	s10 =	smax.u32 s0, $0x1  }
0xe: {  	s1 =	simm.s32 $0x5;
	s0 =	simm.s32 $0x0;
	s26 =	sadd.s32 $0x6400, s8  }
0xf: {  	s9 =	sadd.s32 $0xAC00, s9;
	[dreg:$0x3] =	wrdreg s26;
	s26 =	simm.s32 $0xD780  }
.LBB2_14:
0x10: {  	s0 =	sadd.s32 $0x1, s0  }
0x11: {  	p0 =	sne.s32 s0, s10  }
.Ltmp1:
0x12: {  	_ = 	snop;
	(pc) =	sbr.rel @!p0 .LBB2_15-.Ltmp1, $1  }
0x13: {  	_ =	sdelay $0x3  }
.LBB2_1:
0x14: {  	s8 =	rddreg [dreg:$0x3]  }
0x15: {  	[tilespmem:s3], [sflag:$0x6] =	stream.linear.gather [hbm4b:s8+s3], $0x150, $0x38;
	[tilespmem:$0x11780] =	vst v63  }
0x16: {  	_ =	swait.ge [sflag:s11], $0x150  }
0x17: {  	[sflag:s11] =	ssyncset.done $0x0  }
0x18: {  	s20 =	simm.s32 $0x180;
	[sflag:s11] =	ssyncadd.s32 $0xFFFFFEB0  }
0x19: {  	[tilespmem:s20], [sflag:$0x6] =	stream.linear.gather [hbm4b:s9+s3], $0x20D0, $0x38;
	[tilespmem:$0x11780] =	vst v63  }
0x1a: {  	_ =	swait.ge [sflag:s11], $0x20D0  }
0x1b: {  	[sflag:s11] =	ssyncset.done $0x0  }
0x1c: {  	s12 =	simm.s32 $0x0;
	[sflag:s11] =	ssyncadd.s32 $0xFFFFDF30  }
.LBB2_2:
0x1d: {  	p0 =	sne.s32 s12, $0x8180  }
.Ltmp2:
0x1e: {  	_ = 	snop;
	(pc) =	sbr.rel @p0 .LBB2_2-.Ltmp2, $4  }
0x1f: {  	_ = 	snop  }
0x20: {  	s16 =	sshra.s32 s12, $0x2  }
0x21: {  	s12 =	sadd.s32 $0x1C0, s12;
	s17 =	sadd.s32 $0x2280, s16;
	s16 =	sadd.s32 $0x180, s16  }
0x22: {  	[tilespmem:s17], [sflag:$0x1] =	stream.indirect.gather [hbm4b:s5+s13], $0x1, s16, s13, $0xb8;
	[tilespmem:$0x11780] =	vst v63  }
0x23: {  	_ =	swait.ge [sflag:s14], $0x70  }
0x24: {  	s12 =	simm.s32 $0x4A;
	[sflag:s14] =	ssyncset.done $0x0  }
.LBB2_4:
0x25: {  	p0 =	sne.s32 s12, $0x1;
	s12 =	sadd.s32 $0xFFFFFFFF, s12;
	[sflag:s14] =	ssyncadd.s32 $0xFFFFFF90  }
.Ltmp3:
0x26: {  	(pc) =	sbr.rel @p0 .LBB2_4-.Ltmp3, $3  }
0x27: {  	_ =	sdelay $0x1  }
0x28: {  	_ =	swait.ge [sflag:s14], $0x70  }
0x29: {  	[sflag:s14] =	ssyncset.done $0x0  }
0x2a: {  	[sflag:s14] =	ssyncadd.s32 $0xFFFFFF90;
	s8 =	simm.s32 $0x2280;
	s12 =	simm.s32 $0x4380  }
0x2b: {  	[tilespmem:s12], [sflag:$0x2] =	stream.indirect.gather [hbm4b:s2+s15], $0x80, s8, s15, $0xb8;
	[tilespmem:$0x11780] =	vst v63  }
.Ltmp4:
0x2c: {  	_ = 	snop;
	(pc) =	sbr.rel .LBB2_6-.Ltmp4, $4  }
0x2d: {  	s19 =	simm.s32 $0x22E0;
	s20 =	simm.s32 $0x7380  }
0x2e: {  	[tilespmem:s20], [sflag:$0x2] =	stream.indirect.gather [hbm4b:s2+s18], $0x80, s19, s18, $0xb8;
	[tilespmem:$0x11780] =	vst v63  }
0x2f: {  	s12 =	simm.s32 $0x0  }
0x30: {  	[tilespmem:s22], [sflag:$0x4] =	stream.indirect.gather [hbm4b:s2+s21], $0x80, s12, s21, $0xb8;
	[tilespmem:$0x11780] =	vst v63  }
.LBB2_13:
0x31: {  	s12 =	sadd.s32 $0x1, s12  }
0x32: {  	p0 =	sne.s32 s12, $0x2A  }
.Ltmp5:
0x33: {  	s8 =	sadd.s32 s6, s16;
	(pc) =	sbr.rel @!p0 .LBB2_14-.Ltmp5, $4  }
0x34: {  	[hbm4b:s8+s3] =	stream.linear.scatter [tilespmem:s30], [sflag:s17], $0x400, $0x38;
	[tilespmem:$0x11780] =	vst v63  }
0x35: {  	_ =	swait.ge [sflag:s17], $0x400  }
0x36: {  	[sflag:s17] =	ssyncset.done $0x0  }
0x37: {  	[sflag:s17] =	ssyncadd.s32 $0xFFFFFC00  }
.LBB2_6:
0x38: {  	s16 =	sand.u32 $0x1, s12  }
0x39: {  	p0 =	seq.s32 s16, $0x1  }
.Ltmp6:
0x3a: {  	_ = 	snop;
	(pc) =	sbr.rel @p0 .LBB2_10-.Ltmp6, $1  }
0x3b: {  	_ =	sdelay $0x3  }
0x3c: {  	_ =	swait.ge [sflag:s23], $0x3000  }
0x3d: {  	[sflag:s23] =	ssyncset.done $0x0  }
0x3e: {  	[sflag:s23] =	ssyncadd.s32 $0xFFFFD000  }
0x3f: {  	_ =	swait.ge [sflag:s23], $0x3400  }
0x40: {  	s16 =	sor.u32 $0x1, s12;
	[sflag:s23] =	ssyncset.done $0x0  }
0x41: {  	s17 =	smul.u32 $0x320, s16;
	[sflag:s23] =	ssyncadd.s32 $0xFFFFCC00  }
0x42: {  	_ =	swait.ge [sflag:s24], $0x400  }
0x43: {  	s17 =	sshra.s32 s17, $0x2;
	[sflag:s24] =	ssyncset.done $0x0  }
0x44: {  	s19 =	sadd.s32 $0x2280, s17;
	[sflag:s24] =	ssyncadd.s32 $0xFFFFFC00  }
0x45: {  	[tilespmem:s25], [sflag:$0x3] =	stream.indirect.gather [hbm4b:s2+s15], $0x80, s19, s15, $0xb8;
	[tilespmem:$0x11780] =	vst v63  }
0x46: {  	s16 =	sshll.u32 s16, $0x3;
	s17 =	sadd.s32 $0x22E0, s17  }
0x47: {  	[tilespmem:s26], [sflag:$0x3] =	stream.indirect.gather [hbm4b:s2+s18], $0x80, s17, s18, $0xb8;
	[tilespmem:$0x11780] =	vst v63  }
0x48: {  	s16 =	sand.u32 $0x3FFFFFF8, s16;
	s19 =	sadd.s32 s4, s12  }
0x49: {  	[tilespmem:s28], [sflag:$0x5] =	stream.indirect.gather [hbm4b:s2+s21], $0x80, s16, s21, $0xb8;
	[tilespmem:$0x11780] =	vst v63  }
0x4a: {  	s16 =	sshll.u32 s19, $0x7  }
0x4b: {  	s16 =	sand.u32 $0x1FFFFF00, s16  }
0x4c: {  	s17 =	simm.s32 $0x0;
	s20 =	sadd.s32 s7, s16  }
0x4d: {  	[hbm4b:s20+s17] =	stream.linear.scatter [tilespmem:s22], [sflag:$0x7], $0x400, $0x38;
	[tilespmem:$0x11780] =	vst v63  }
0x4e: {  	_ =	swait.ge [sflag:s29], $0x400  }
0x4f: {  	[sflag:s29] =	ssyncset.done $0x0  }
0x50: {  	[sflag:s29] =	ssyncadd.s32 $0xFFFFFC00  }
.LBB2_8:
0x51: {  	s19 =	smul.u32 $0x3200, s17;
	_ =	sdelay $0x1  }
0x52: {  	s19 =	sshra.s32 s19, $0x2  }
0x53: {  	v0 =	vld [tilespmem:s19+$0x4380]  }
0x54: {  	v1 =	vld [tilespmem:s19+$0x4400];
	_ =	sdelay $0x1  }
0x55: {  	v2 =	vld [tilespmem:s19+$0x4480];
	_ =	sdelay $0x1  }
0x56: {  	v3 =	vld [tilespmem:s19+$0x4500]  }
0x57: {  	v0 =	vadd.f32 v1, v0  }
0x58: {  	v49 =	vld [tilespmem:s19+$0x4580]  }
0x59: {  	v0 =	vadd.f32 v2, v0  }
0x5a: {  	v50 =	vld [tilespmem:s19+$0x4600]  }
0x5b: {  	v0 =	vadd.f32 v3, v0  }
0x5c: {  	v51 =	vld [tilespmem:s19+$0x4680]  }
0x5d: {  	v0 =	vadd.f32 v49, v0  }
0x5e: {  	v52 =	vld [tilespmem:s19+$0x4700]  }
0x5f: {  	v0 =	vadd.f32 v50, v0  }
0x60: {  	v53 =	vld [tilespmem:s19+$0x4780]  }
0x61: {  	v0 =	vadd.f32 v51, v0  }
0x62: {  	v54 =	vld [tilespmem:s19+$0x4800]  }
0x63: {  	v0 =	vadd.f32 v52, v0  }
0x64: {  	v55 =	vld [tilespmem:s19+$0x4880]  }
0x65: {  	v0 =	vadd.f32 v53, v0  }
0x66: {  	v56 =	vld [tilespmem:s19+$0x4900]  }
0x67: {  	v0 =	vadd.f32 v54, v0  }
0x68: {  	v57 =	vld [tilespmem:s19+$0x4980]  }
0x69: {  	v0 =	vadd.f32 v55, v0  }
0x6a: {  	v58 =	vld [tilespmem:s19+$0x4A00]  }
0x6b: {  	v0 =	vadd.f32 v56, v0  }
0x6c: {  	v59 =	vld [tilespmem:s19+$0x4A80]  }
0x6d: {  	v0 =	vadd.f32 v57, v0  }
0x6e: {  	v60 =	vld [tilespmem:s19+$0x4B00]  }
0x6f: {  	v0 =	vadd.f32 v58, v0  }
0x70: {  	v61 =	vld [tilespmem:s19+$0x4B80]  }
0x71: {  	v0 =	vadd.f32 v59, v0  }
0x72: {  	v62 =	vld [tilespmem:s19+$0x4C00]  }
0x73: {  	v0 =	vadd.f32 v60, v0  }
0x74: {  	v63 =	vld [tilespmem:s19+$0x4C80]  }
0x75: {  	v0 =	vadd.f32 v61, v0  }
0x76: {  	v6 =	vld [tilespmem:s19+$0x4D00]  }
0x77: {  	v0 =	vadd.f32 v62, v0  }
0x78: {  	v7 =	vld [tilespmem:s19+$0x4D80]  }
0x79: {  	v0 =	vadd.f32 v63, v0  }
0x7a: {  	v8 =	vld [tilespmem:s19+$0x4E00]  }
0x7b: {  	v0 =	vadd.f32 v6, v0  }
0x7c: {  	v9 =	vld [tilespmem:s19+$0x4E80]  }
0x7d: {  	v0 =	vadd.f32 v7, v0  }
0x7e: {  	v10 =	vld [tilespmem:s19+$0x4F00]  }
0x7f: {  	v0 =	vadd.f32 v8, v0  }
0x80: {  	v11 =	vld [tilespmem:s19+$0x4F80]  }
0x81: {  	v0 =	vadd.f32 v9, v0;
	_ =	sdelay $0x1  }
0x82: {  	v0 =	vadd.f32 v10, v0;
	_ =	sdelay $0x1  }
0x83: {  	v0 =	vadd.f32 v11, v0;
	_ =	sdelay $0x1  }
0x84: {  	s20 =	sshll.u32 s17, $0x7;
	v0 =	vmul.f32 $3.999999910e-02, v0  }
0x85: {  	s20 =	sand.u32 $0x3FFFFF80, s20  }
0x86: {  	[tilespmem:s20+$0x11380] =	vst v0  }
0x87: {  	v0 =	vld [tilespmem:s19+$0x4390]  }
0x88: {  	v12 =	vld [tilespmem:s19+$0x4410];
	_ =	sdelay $0x1  }
0x89: {  	v13 =	vld [tilespmem:s19+$0x4490];
	_ =	sdelay $0x1  }
0x8a: {  	v14 =	vld [tilespmem:s19+$0x4510]  }
0x8b: {  	v0 =	vadd.f32 v12, v0  }
0x8c: {  	v15 =	vld [tilespmem:s19+$0x4590]  }
0x8d: {  	v0 =	vadd.f32 v13, v0  }
0x8e: {  	v16 =	vld [tilespmem:s19+$0x4610]  }
0x8f: {  	v0 =	vadd.f32 v14, v0  }
0x90: {  	v17 =	vld [tilespmem:s19+$0x4690]  }
0x91: {  	v0 =	vadd.f32 v15, v0  }
0x92: {  	v18 =	vld [tilespmem:s19+$0x4710]  }
0x93: {  	v0 =	vadd.f32 v16, v0  }
0x94: {  	v19 =	vld [tilespmem:s19+$0x4790]  }
0x95: {  	v0 =	vadd.f32 v17, v0  }
0x96: {  	v20 =	vld [tilespmem:s19+$0x4810]  }
0x97: {  	v0 =	vadd.f32 v18, v0  }
0x98: {  	v21 =	vld [tilespmem:s19+$0x4890]  }
0x99: {  	v0 =	vadd.f32 v19, v0  }
0x9a: {  	v22 =	vld [tilespmem:s19+$0x4910]  }
0x9b: {  	v0 =	vadd.f32 v20, v0  }
0x9c: {  	v23 =	vld [tilespmem:s19+$0x4990]  }
0x9d: {  	v0 =	vadd.f32 v21, v0  }
0x9e: {  	v24 =	vld [tilespmem:s19+$0x4A10]  }
0x9f: {  	v0 =	vadd.f32 v22, v0  }
0xa0: {  	v25 =	vld [tilespmem:s19+$0x4A90]  }
0xa1: {  	v0 =	vadd.f32 v23, v0  }
0xa2: {  	v26 =	vld [tilespmem:s19+$0x4B10]  }
0xa3: {  	v0 =	vadd.f32 v24, v0  }
0xa4: {  	v27 =	vld [tilespmem:s19+$0x4B90]  }
0xa5: {  	v0 =	vadd.f32 v25, v0  }
0xa6: {  	v28 =	vld [tilespmem:s19+$0x4C10]  }
0xa7: {  	v0 =	vadd.f32 v26, v0  }
0xa8: {  	v29 =	vld [tilespmem:s19+$0x4C90]  }
0xa9: {  	v0 =	vadd.f32 v27, v0  }
0xaa: {  	v30 =	vld [tilespmem:s19+$0x4D10]  }
0xab: {  	v0 =	vadd.f32 v28, v0  }
0xac: {  	v31 =	vld [tilespmem:s19+$0x4D90]  }
0xad: {  	v0 =	vadd.f32 v29, v0  }
0xae: {  	v32 =	vld [tilespmem:s19+$0x4E10]  }
0xaf: {  	v0 =	vadd.f32 v30, v0  }
0xb0: {  	v33 =	vld [tilespmem:s19+$0x4E90]  }
0xb1: {  	v0 =	vadd.f32 v31, v0  }
0xb2: {  	v34 =	vld [tilespmem:s19+$0x4F10]  }
0xb3: {  	v0 =	vadd.f32 v32, v0  }
0xb4: {  	v35 =	vld [tilespmem:s19+$0x4F90]  }
0xb5: {  	v0 =	vadd.f32 v33, v0;
	_ =	sdelay $0x1  }
0xb6: {  	v0 =	vadd.f32 v34, v0;
	_ =	sdelay $0x1  }
0xb7: {  	v0 =	vadd.f32 v35, v0;
	_ =	sdelay $0x1  }
0xb8: {  	v0 =	vmul.f32 $3.999999910e-02, v0;
	_ =	sdelay $0x1  }
0xb9: {  	[tilespmem:s20+$0x11390] =	vst v0  }
0xba: {  	v0 =	vld [tilespmem:s19+$0x43A0]  }
0xbb: {  	v36 =	vld [tilespmem:s19+$0x4420];
	_ =	sdelay $0x1  }
0xbc: {  	v37 =	vld [tilespmem:s19+$0x44A0];
	_ =	sdelay $0x1  }
0xbd: {  	v38 =	vld [tilespmem:s19+$0x4520]  }
0xbe: {  	v0 =	vadd.f32 v36, v0  }
0xbf: {  	v39 =	vld [tilespmem:s19+$0x45A0]  }
0xc0: {  	v0 =	vadd.f32 v37, v0  }
0xc1: {  	v40 =	vld [tilespmem:s19+$0x4620]  }
0xc2: {  	v0 =	vadd.f32 v38, v0  }
0xc3: {  	v41 =	vld [tilespmem:s19+$0x46A0]  }
0xc4: {  	v0 =	vadd.f32 v39, v0  }
0xc5: {  	v42 =	vld [tilespmem:s19+$0x4720]  }
0xc6: {  	v0 =	vadd.f32 v40, v0  }
0xc7: {  	v43 =	vld [tilespmem:s19+$0x47A0]  }
0xc8: {  	v0 =	vadd.f32 v41, v0  }
0xc9: {  	v44 =	vld [tilespmem:s19+$0x4820]  }
0xca: {  	v0 =	vadd.f32 v42, v0  }
0xcb: {  	v45 =	vld [tilespmem:s19+$0x48A0]  }
0xcc: {  	v0 =	vadd.f32 v43, v0  }
0xcd: {  	v46 =	vld [tilespmem:s19+$0x4920]  }
0xce: {  	v0 =	vadd.f32 v44, v0  }
0xcf: {  	v47 =	vld [tilespmem:s19+$0x49A0]  }
0xd0: {  	v0 =	vadd.f32 v45, v0  }
0xd1: {  	v48 =	vld [tilespmem:s19+$0x4A20]  }
0xd2: {  	v0 =	vadd.f32 v46, v0  }
0xd3: {  	v49 =	vld [tilespmem:s19+$0x4AA0]  }
0xd4: {  	v0 =	vadd.f32 v47, v0  }
0xd5: {  	v50 =	vld [tilespmem:s19+$0x4B20]  }
0xd6: {  	v0 =	vadd.f32 v48, v0  }
0xd7: {  	v51 =	vld [tilespmem:s19+$0x4BA0]  }
0xd8: {  	v0 =	vadd.f32 v49, v0  }
0xd9: {  	v52 =	vld [tilespmem:s19+$0x4C20]  }
0xda: {  	v0 =	vadd.f32 v50, v0  }
0xdb: {  	v53 =	vld [tilespmem:s19+$0x4CA0]  }
0xdc: {  	v0 =	vadd.f32 v51, v0  }
0xdd: {  	v54 =	vld [tilespmem:s19+$0x4D20]  }
0xde: {  	v0 =	vadd.f32 v52, v0  }
0xdf: {  	v55 =	vld [tilespmem:s19+$0x4DA0]  }
0xe0: {  	v0 =	vadd.f32 v53, v0  }
0xe1: {  	v56 =	vld [tilespmem:s19+$0x4E20]  }
0xe2: {  	v0 =	vadd.f32 v54, v0  }
0xe3: {  	v57 =	vld [tilespmem:s19+$0x4EA0]  }
0xe4: {  	v0 =	vadd.f32 v55, v0  }
0xe5: {  	v58 =	vld [tilespmem:s19+$0x4F20]  }
0xe6: {  	v0 =	vadd.f32 v56, v0  }
0xe7: {  	v59 =	vld [tilespmem:s19+$0x4FA0]  }
0xe8: {  	v0 =	vadd.f32 v57, v0;
	_ =	sdelay $0x1  }
0xe9: {  	v0 =	vadd.f32 v58, v0;
	_ =	sdelay $0x1  }
0xea: {  	v0 =	vadd.f32 v59, v0;
	_ =	sdelay $0x1  }
0xeb: {  	v0 =	vmul.f32 $3.999999910e-02, v0;
	_ =	sdelay $0x1  }
0xec: {  	[tilespmem:s20+$0x113A0] =	vst v0  }
0xed: {  	v0 =	vld [tilespmem:s19+$0x43B0]  }
0xee: {  	v60 =	vld [tilespmem:s19+$0x4430];
	_ =	sdelay $0x1  }
0xef: {  	v61 =	vld [tilespmem:s19+$0x44B0];
	_ =	sdelay $0x1  }
0xf0: {  	v62 =	vld [tilespmem:s19+$0x4530]  }
0xf1: {  	v0 =	vadd.f32 v60, v0  }
0xf2: {  	v63 =	vld [tilespmem:s19+$0x45B0]  }
0xf3: {  	v0 =	vadd.f32 v61, v0  }
0xf4: {  	v6 =	vld [tilespmem:s19+$0x4630]  }
0xf5: {  	v0 =	vadd.f32 v62, v0  }
0xf6: {  	v7 =	vld [tilespmem:s19+$0x46B0]  }
0xf7: {  	v0 =	vadd.f32 v63, v0  }
0xf8: {  	v8 =	vld [tilespmem:s19+$0x4730]  }
0xf9: {  	v0 =	vadd.f32 v6, v0  }
0xfa: {  	v9 =	vld [tilespmem:s19+$0x47B0]  }
0xfb: {  	v0 =	vadd.f32 v7, v0  }
0xfc: {  	v10 =	vld [tilespmem:s19+$0x4830]  }
0xfd: {  	v0 =	vadd.f32 v8, v0  }
0xfe: {  	v11 =	vld [tilespmem:s19+$0x48B0]  }
0xff: {  	v0 =	vadd.f32 v9, v0  }
0x100: {  	v12 =	vld [tilespmem:s19+$0x4930]  }
0x101: {  	v0 =	vadd.f32 v10, v0  }
0x102: {  	v13 =	vld [tilespmem:s19+$0x49B0]  }
0x103: {  	v0 =	vadd.f32 v11, v0  }
0x104: {  	v14 =	vld [tilespmem:s19+$0x4A30]  }
0x105: {  	v0 =	vadd.f32 v12, v0  }
0x106: {  	v15 =	vld [tilespmem:s19+$0x4AB0]  }
0x107: {  	v0 =	vadd.f32 v13, v0  }
0x108: {  	v16 =	vld [tilespmem:s19+$0x4B30]  }
0x109: {  	v0 =	vadd.f32 v14, v0  }
0x10a: {  	v17 =	vld [tilespmem:s19+$0x4BB0]  }
0x10b: {  	v0 =	vadd.f32 v15, v0  }
0x10c: {  	v18 =	vld [tilespmem:s19+$0x4C30]  }
0x10d: {  	v0 =	vadd.f32 v16, v0  }
0x10e: {  	v19 =	vld [tilespmem:s19+$0x4CB0]  }
0x10f: {  	v0 =	vadd.f32 v17, v0  }
0x110: {  	v20 =	vld [tilespmem:s19+$0x4D30]  }
0x111: {  	v0 =	vadd.f32 v18, v0  }
0x112: {  	v21 =	vld [tilespmem:s19+$0x4DB0]  }
0x113: {  	v0 =	vadd.f32 v19, v0  }
0x114: {  	v22 =	vld [tilespmem:s19+$0x4E30]  }
0x115: {  	v0 =	vadd.f32 v20, v0  }
0x116: {  	v23 =	vld [tilespmem:s19+$0x4EB0]  }
0x117: {  	v0 =	vadd.f32 v21, v0  }
0x118: {  	v24 =	vld [tilespmem:s19+$0x4F30]  }
0x119: {  	v0 =	vadd.f32 v22, v0  }
0x11a: {  	v25 =	vld [tilespmem:s19+$0x4FB0]  }
0x11b: {  	v0 =	vadd.f32 v23, v0;
	_ =	sdelay $0x1  }
0x11c: {  	v0 =	vadd.f32 v24, v0;
	_ =	sdelay $0x1  }
0x11d: {  	v0 =	vadd.f32 v25, v0;
	_ =	sdelay $0x1  }
0x11e: {  	v0 =	vmul.f32 $3.999999910e-02, v0;
	_ =	sdelay $0x1  }
0x11f: {  	[tilespmem:s20+$0x113B0] =	vst v0  }
0x120: {  	v0 =	vld [tilespmem:s19+$0x43C0]  }
0x121: {  	v26 =	vld [tilespmem:s19+$0x4440];
	_ =	sdelay $0x1  }
0x122: {  	v27 =	vld [tilespmem:s19+$0x44C0];
	_ =	sdelay $0x1  }
0x123: {  	v28 =	vld [tilespmem:s19+$0x4540]  }
0x124: {  	v0 =	vadd.f32 v26, v0  }
0x125: {  	v29 =	vld [tilespmem:s19+$0x45C0]  }
0x126: {  	v0 =	vadd.f32 v27, v0  }
0x127: {  	v30 =	vld [tilespmem:s19+$0x4640]  }
0x128: {  	v0 =	vadd.f32 v28, v0  }
0x129: {  	v31 =	vld [tilespmem:s19+$0x46C0]  }
0x12a: {  	v0 =	vadd.f32 v29, v0  }
0x12b: {  	v32 =	vld [tilespmem:s19+$0x4740]  }
0x12c: {  	v0 =	vadd.f32 v30, v0  }
0x12d: {  	v33 =	vld [tilespmem:s19+$0x47C0]  }
0x12e: {  	v0 =	vadd.f32 v31, v0  }
0x12f: {  	v34 =	vld [tilespmem:s19+$0x4840]  }
0x130: {  	v0 =	vadd.f32 v32, v0  }
0x131: {  	v35 =	vld [tilespmem:s19+$0x48C0]  }
0x132: {  	v0 =	vadd.f32 v33, v0  }
0x133: {  	v36 =	vld [tilespmem:s19+$0x4940]  }
0x134: {  	v0 =	vadd.f32 v34, v0  }
0x135: {  	v37 =	vld [tilespmem:s19+$0x49C0]  }
0x136: {  	v0 =	vadd.f32 v35, v0  }
0x137: {  	v38 =	vld [tilespmem:s19+$0x4A40]  }
0x138: {  	v0 =	vadd.f32 v36, v0  }
0x139: {  	v39 =	vld [tilespmem:s19+$0x4AC0]  }
0x13a: {  	v0 =	vadd.f32 v37, v0  }
0x13b: {  	v40 =	vld [tilespmem:s19+$0x4B40]  }
0x13c: {  	v0 =	vadd.f32 v38, v0  }
0x13d: {  	v41 =	vld [tilespmem:s19+$0x4BC0]  }
0x13e: {  	v0 =	vadd.f32 v39, v0  }
0x13f: {  	v42 =	vld [tilespmem:s19+$0x4C40]  }
0x140: {  	v0 =	vadd.f32 v40, v0  }
0x141: {  	v43 =	vld [tilespmem:s19+$0x4CC0]  }
0x142: {  	v0 =	vadd.f32 v41, v0  }
0x143: {  	v44 =	vld [tilespmem:s19+$0x4D40]  }
0x144: {  	v0 =	vadd.f32 v42, v0  }
0x145: {  	v45 =	vld [tilespmem:s19+$0x4DC0]  }
0x146: {  	v0 =	vadd.f32 v43, v0  }
0x147: {  	v46 =	vld [tilespmem:s19+$0x4E40]  }
0x148: {  	v0 =	vadd.f32 v44, v0  }
0x149: {  	v47 =	vld [tilespmem:s19+$0x4EC0]  }
0x14a: {  	v0 =	vadd.f32 v45, v0  }
0x14b: {  	v48 =	vld [tilespmem:s19+$0x4F40]  }
0x14c: {  	v0 =	vadd.f32 v46, v0  }
0x14d: {  	v49 =	vld [tilespmem:s19+$0x4FC0]  }
0x14e: {  	v0 =	vadd.f32 v47, v0;
	_ =	sdelay $0x1  }
0x14f: {  	v0 =	vadd.f32 v48, v0;
	_ =	sdelay $0x1  }
0x150: {  	v0 =	vadd.f32 v49, v0;
	_ =	sdelay $0x1  }
0x151: {  	v0 =	vmul.f32 $3.999999910e-02, v0;
	_ =	sdelay $0x1  }
0x152: {  	[tilespmem:s20+$0x113C0] =	vst v0  }
0x153: {  	v0 =	vld [tilespmem:s19+$0x43D0]  }
0x154: {  	v50 =	vld [tilespmem:s19+$0x4450];
	_ =	sdelay $0x1  }
0x155: {  	v51 =	vld [tilespmem:s19+$0x44D0];
	_ =	sdelay $0x1  }
0x156: {  	v52 =	vld [tilespmem:s19+$0x4550]  }
0x157: {  	v0 =	vadd.f32 v50, v0  }
0x158: {  	v53 =	vld [tilespmem:s19+$0x45D0]  }
0x159: {  	v0 =	vadd.f32 v51, v0  }
0x15a: {  	v54 =	vld [tilespmem:s19+$0x4650]  }
0x15b: {  	v0 =	vadd.f32 v52, v0  }
0x15c: {  	v55 =	vld [tilespmem:s19+$0x46D0]  }
0x15d: {  	v0 =	vadd.f32 v53, v0  }
0x15e: {  	v56 =	vld [tilespmem:s19+$0x4750]  }
0x15f: {  	v0 =	vadd.f32 v54, v0  }
0x160: {  	v57 =	vld [tilespmem:s19+$0x47D0]  }
0x161: {  	v0 =	vadd.f32 v55, v0  }
0x162: {  	v58 =	vld [tilespmem:s19+$0x4850]  }
0x163: {  	v0 =	vadd.f32 v56, v0  }
0x164: {  	v59 =	vld [tilespmem:s19+$0x48D0]  }
0x165: {  	v0 =	vadd.f32 v57, v0  }
0x166: {  	v60 =	vld [tilespmem:s19+$0x4950]  }
0x167: {  	v0 =	vadd.f32 v58, v0  }
0x168: {  	v61 =	vld [tilespmem:s19+$0x49D0]  }
0x169: {  	v0 =	vadd.f32 v59, v0  }
0x16a: {  	v62 =	vld [tilespmem:s19+$0x4A50]  }
0x16b: {  	v0 =	vadd.f32 v60, v0  }
0x16c: {  	v63 =	vld [tilespmem:s19+$0x4AD0]  }
0x16d: {  	v0 =	vadd.f32 v61, v0  }
0x16e: {  	v6 =	vld [tilespmem:s19+$0x4B50]  }
0x16f: {  	v0 =	vadd.f32 v62, v0  }
0x170: {  	v7 =	vld [tilespmem:s19+$0x4BD0]  }
0x171: {  	v0 =	vadd.f32 v63, v0  }
0x172: {  	v8 =	vld [tilespmem:s19+$0x4C50]  }
0x173: {  	v0 =	vadd.f32 v6, v0  }
0x174: {  	v9 =	vld [tilespmem:s19+$0x4CD0]  }
0x175: {  	v0 =	vadd.f32 v7, v0  }
0x176: {  	v10 =	vld [tilespmem:s19+$0x4D50]  }
0x177: {  	v0 =	vadd.f32 v8, v0  }
0x178: {  	v11 =	vld [tilespmem:s19+$0x4DD0]  }
0x179: {  	v0 =	vadd.f32 v9, v0  }
0x17a: {  	v12 =	vld [tilespmem:s19+$0x4E50]  }
0x17b: {  	v0 =	vadd.f32 v10, v0  }
0x17c: {  	v13 =	vld [tilespmem:s19+$0x4ED0]  }
0x17d: {  	v0 =	vadd.f32 v11, v0  }
0x17e: {  	v14 =	vld [tilespmem:s19+$0x4F50]  }
0x17f: {  	v0 =	vadd.f32 v12, v0  }
0x180: {  	v15 =	vld [tilespmem:s19+$0x4FD0]  }
0x181: {  	v0 =	vadd.f32 v13, v0;
	_ =	sdelay $0x1  }
0x182: {  	v0 =	vadd.f32 v14, v0;
	_ =	sdelay $0x1  }
0x183: {  	v0 =	vadd.f32 v15, v0;
	_ =	sdelay $0x1  }
0x184: {  	v0 =	vmul.f32 $3.999999910e-02, v0;
	_ =	sdelay $0x1  }
0x185: {  	[tilespmem:s20+$0x113D0] =	vst v0  }
0x186: {  	v0 =	vld [tilespmem:s19+$0x43E0]  }
0x187: {  	v16 =	vld [tilespmem:s19+$0x4460];
	_ =	sdelay $0x1  }
0x188: {  	v17 =	vld [tilespmem:s19+$0x44E0];
	_ =	sdelay $0x1  }
0x189: {  	v18 =	vld [tilespmem:s19+$0x4560]  }
0x18a: {  	v0 =	vadd.f32 v16, v0  }
0x18b: {  	v19 =	vld [tilespmem:s19+$0x45E0]  }
0x18c: {  	v0 =	vadd.f32 v17, v0  }
0x18d: {  	v20 =	vld [tilespmem:s19+$0x4660]  }
0x18e: {  	v0 =	vadd.f32 v18, v0  }
0x18f: {  	v21 =	vld [tilespmem:s19+$0x46E0]  }
0x190: {  	v0 =	vadd.f32 v19, v0  }
0x191: {  	v22 =	vld [tilespmem:s19+$0x4760]  }
0x192: {  	v0 =	vadd.f32 v20, v0  }
0x193: {  	v23 =	vld [tilespmem:s19+$0x47E0]  }
0x194: {  	v0 =	vadd.f32 v21, v0  }
0x195: {  	v24 =	vld [tilespmem:s19+$0x4860]  }
0x196: {  	v0 =	vadd.f32 v22, v0  }
0x197: {  	v25 =	vld [tilespmem:s19+$0x48E0]  }
0x198: {  	v0 =	vadd.f32 v23, v0  }
0x199: {  	v26 =	vld [tilespmem:s19+$0x4960]  }
0x19a: {  	v0 =	vadd.f32 v24, v0  }
0x19b: {  	v27 =	vld [tilespmem:s19+$0x49E0]  }
0x19c: {  	v0 =	vadd.f32 v25, v0  }
0x19d: {  	v28 =	vld [tilespmem:s19+$0x4A60]  }
0x19e: {  	v0 =	vadd.f32 v26, v0  }
0x19f: {  	v29 =	vld [tilespmem:s19+$0x4AE0]  }
0x1a0: {  	v0 =	vadd.f32 v27, v0  }
0x1a1: {  	v30 =	vld [tilespmem:s19+$0x4B60]  }
0x1a2: {  	v0 =	vadd.f32 v28, v0  }
0x1a3: {  	v31 =	vld [tilespmem:s19+$0x4BE0]  }
0x1a4: {  	v0 =	vadd.f32 v29, v0  }
0x1a5: {  	v32 =	vld [tilespmem:s19+$0x4C60]  }
0x1a6: {  	v0 =	vadd.f32 v30, v0  }
0x1a7: {  	v33 =	vld [tilespmem:s19+$0x4CE0]  }
0x1a8: {  	v0 =	vadd.f32 v31, v0  }
0x1a9: {  	v34 =	vld [tilespmem:s19+$0x4D60]  }
0x1aa: {  	v0 =	vadd.f32 v32, v0  }
0x1ab: {  	v35 =	vld [tilespmem:s19+$0x4DE0]  }
0x1ac: {  	v0 =	vadd.f32 v33, v0  }
0x1ad: {  	v36 =	vld [tilespmem:s19+$0x4E60]  }
0x1ae: {  	v0 =	vadd.f32 v34, v0  }
0x1af: {  	v37 =	vld [tilespmem:s19+$0x4EE0]  }
0x1b0: {  	v0 =	vadd.f32 v35, v0  }
0x1b1: {  	v38 =	vld [tilespmem:s19+$0x4F60]  }
0x1b2: {  	v0 =	vadd.f32 v36, v0  }
0x1b3: {  	v39 =	vld [tilespmem:s19+$0x4FE0]  }
0x1b4: {  	v0 =	vadd.f32 v37, v0;
	_ =	sdelay $0x1  }
0x1b5: {  	v0 =	vadd.f32 v38, v0;
	_ =	sdelay $0x1  }
0x1b6: {  	v0 =	vadd.f32 v39, v0;
	_ =	sdelay $0x1  }
0x1b7: {  	v0 =	vmul.f32 $3.999999910e-02, v0;
	_ =	sdelay $0x1  }
0x1b8: {  	[tilespmem:s20+$0x113E0] =	vst v0  }
0x1b9: {  	v0 =	vld [tilespmem:s19+$0x43F0]  }
0x1ba: {  	v40 =	vld [tilespmem:s19+$0x4470];
	_ =	sdelay $0x1  }
0x1bb: {  	v41 =	vld [tilespmem:s19+$0x44F0];
	_ =	sdelay $0x1  }
0x1bc: {  	v42 =	vld [tilespmem:s19+$0x4570]  }
0x1bd: {  	v0 =	vadd.f32 v40, v0  }
0x1be: {  	v43 =	vld [tilespmem:s19+$0x45F0]  }
0x1bf: {  	v0 =	vadd.f32 v41, v0  }
0x1c0: {  	v44 =	vld [tilespmem:s19+$0x4670]  }
0x1c1: {  	v0 =	vadd.f32 v42, v0  }
0x1c2: {  	v45 =	vld [tilespmem:s19+$0x46F0]  }
0x1c3: {  	v0 =	vadd.f32 v43, v0  }
0x1c4: {  	v46 =	vld [tilespmem:s19+$0x4770]  }
0x1c5: {  	v0 =	vadd.f32 v44, v0  }
0x1c6: {  	v47 =	vld [tilespmem:s19+$0x47F0]  }
0x1c7: {  	v0 =	vadd.f32 v45, v0  }
0x1c8: {  	v48 =	vld [tilespmem:s19+$0x4870]  }
0x1c9: {  	v0 =	vadd.f32 v46, v0  }
0x1ca: {  	v49 =	vld [tilespmem:s19+$0x48F0]  }
0x1cb: {  	v0 =	vadd.f32 v47, v0  }
0x1cc: {  	v50 =	vld [tilespmem:s19+$0x4970]  }
0x1cd: {  	v0 =	vadd.f32 v48, v0  }
0x1ce: {  	v51 =	vld [tilespmem:s19+$0x49F0]  }
0x1cf: {  	v0 =	vadd.f32 v49, v0  }
0x1d0: {  	v52 =	vld [tilespmem:s19+$0x4A70]  }
0x1d1: {  	v0 =	vadd.f32 v50, v0  }
0x1d2: {  	v53 =	vld [tilespmem:s19+$0x4AF0]  }
0x1d3: {  	v0 =	vadd.f32 v51, v0  }
0x1d4: {  	v54 =	vld [tilespmem:s19+$0x4B70]  }
0x1d5: {  	v0 =	vadd.f32 v52, v0  }
0x1d6: {  	v55 =	vld [tilespmem:s19+$0x4BF0]  }
0x1d7: {  	v0 =	vadd.f32 v53, v0  }
0x1d8: {  	v56 =	vld [tilespmem:s19+$0x4C70]  }
0x1d9: {  	v0 =	vadd.f32 v54, v0  }
0x1da: {  	v57 =	vld [tilespmem:s19+$0x4CF0]  }
0x1db: {  	v0 =	vadd.f32 v55, v0  }
0x1dc: {  	v58 =	vld [tilespmem:s19+$0x4D70]  }
0x1dd: {  	v0 =	vadd.f32 v56, v0  }
0x1de: {  	v59 =	vld [tilespmem:s19+$0x4DF0]  }
0x1df: {  	v0 =	vadd.f32 v57, v0  }
0x1e0: {  	v60 =	vld [tilespmem:s19+$0x4E70]  }
0x1e1: {  	v0 =	vadd.f32 v58, v0  }
0x1e2: {  	v61 =	vld [tilespmem:s19+$0x4EF0]  }
0x1e3: {  	v0 =	vadd.f32 v59, v0  }
0x1e4: {  	v62 =	vld [tilespmem:s19+$0x4F70]  }
0x1e5: {  	v0 =	vadd.f32 v60, v0  }
0x1e6: {  	v63 =	vld [tilespmem:s19+$0x4FF0]  }
0x1e7: {  	v0 =	vadd.f32 v61, v0;
	_ =	sdelay $0x1  }
0x1e8: {  	v0 =	vadd.f32 v62, v0  }
0x1e9: {  	p0 =	seq.s32 s17, $0x7  }
.Ltmp7:
0x1ea: {  	v0 =	vadd.f32 v63, v0;
	(pc) =	sbr.rel @!p0 .LBB2_8-.Ltmp7, $3  }
0x1eb: {  	_ = 	snop  }
0x1ec: {  	v0 =	vmul.f32 $3.999999910e-02, v0;
	_ =	sdelay $0x1  }
0x1ed: {  	s17 =	sadd.s32 $0x1, s17;
	[tilespmem:s20+$0x113F0] =	vst v0  }
.Ltmp8:
0x1ee: {  	(pc) =	sbr.rel .LBB2_13-.Ltmp8, $2  }
0x1ef: {  	_ =	sdelay $0x2  }
0x1f0: {  	s17 =	simm.s32 $0x7  }
.LBB2_10:
0x1f1: {  	_ =	swait.ge [sflag:s31], $0x3000  }
0x1f2: {  	[sflag:s31] =	ssyncset.done $0x0  }
0x1f3: {  	[sflag:s31] =	ssyncadd.s32 $0xFFFFD000  }
0x1f4: {  	p0 =	seq.s32 s12, $0x29;
	_ =	swait.ge [sflag:s31], $0x3400  }
0x1f5: {  	s16 =	sadd.s32 @!p0 $0x1, s12;
	[sflag:s31] =	ssyncset.done $0x0  }
0x1f6: {  	s17 =	smul.u32 @!p0 $0x320, s16;
	[sflag:s31] =	ssyncadd.s32 $0xFFFFCC00  }
0x1f7: {  	_ =	swait.ge [sflag:s1], $0x400  }
0x1f8: {  	s20 =	simm.s32 @!p0 $0x60;
	s17 =	sshra.s32 @!p0 s17, $0x2;
	[sflag:s1] =	ssyncset.done $0x0  }
0x1f9: {  	s8 =	simm.s32 @!p0 $0x4380;
	s19 =	sadd.s32 @!p0 $0x2280, s17;
	[sflag:s1] =	ssyncadd.s32 $0xFFFFFC00  }
0x1fa: {  	[tilespmem:s8], [sflag:$0x2] =	stream.indirect.gather @!p0 [hbm4b:s2+s20], $0x80, s19, s20, $0xb8;
	[tilespmem:$0x11780] =	vst v63  }
0x1fb: {  	s8 =	sadd.s32 @!p0 $0x22E0, s17;
	s17 =	simm.s32 @!p0 $0x68;
	s19 =	simm.s32 @!p0 $0x7380  }
0x1fc: {  	[tilespmem:s19], [sflag:$0x2] =	stream.indirect.gather @!p0 [hbm4b:s2+s17], $0x80, s8, s17, $0xb8;
	[tilespmem:$0x11780] =	vst v63  }
0x1fd: {  	s20 =	sadd.s32 s4, s12;
	s8 =	sshll.u32 @!p0 s16, $0x3  }
0x1fe: {  	s16 =	simm.s32 @!p0 $0x8;
	s17 =	simm.s32 @!p0 $0x10B80;
	s8 =	sand.u32 @!p0 $0x3FFFFFF8, s8  }
0x1ff: {  	[tilespmem:s17], [sflag:$0x4] =	stream.indirect.gather @!p0 [hbm4b:s2+s16], $0x80, s8, s16, $0xb8;
	[tilespmem:$0x11780] =	vst v63  }
0x200: {  	s16 =	sshll.u32 s20, $0x7  }
0x201: {  	s17 =	simm.s32 $0x0;
	s8 =	sadd.s32 s7, s16  }
0x202: {  	[hbm4b:s8+s17] =	stream.linear.scatter [tilespmem:s28], [sflag:$0x7], $0x400, $0x38;
	[tilespmem:$0x11780] =	vst v63  }
0x203: {  	_ =	swait.ge [sflag:s29], $0x400  }
0x204: {  	[sflag:s29] =	ssyncset.done $0x0  }
0x205: {  	[sflag:s29] =	ssyncadd.s32 $0xFFFFFC00  }
.LBB2_11:
0x206: {  	s8 =	smul.u32 $0x3200, s17;
	_ =	sdelay $0x1  }
0x207: {  	s19 =	sshra.s32 s8, $0x2  }
0x208: {  	v0 =	vld [tilespmem:s19+$0xA780]  }
0x209: {  	v1 =	vld [tilespmem:s19+$0xA800];
	_ =	sdelay $0x1  }
0x20a: {  	v2 =	vld [tilespmem:s19+$0xA880];
	_ =	sdelay $0x1  }
0x20b: {  	v3 =	vld [tilespmem:s19+$0xA900]  }
0x20c: {  	v0 =	vadd.f32 v1, v0  }
0x20d: {  	v49 =	vld [tilespmem:s19+$0xA980]  }
0x20e: {  	v0 =	vadd.f32 v2, v0  }
0x20f: {  	v50 =	vld [tilespmem:s19+$0xAA00]  }
0x210: {  	v0 =	vadd.f32 v3, v0  }
0x211: {  	v51 =	vld [tilespmem:s19+$0xAA80]  }
0x212: {  	v0 =	vadd.f32 v49, v0  }
0x213: {  	v52 =	vld [tilespmem:s19+$0xAB00]  }
0x214: {  	v0 =	vadd.f32 v50, v0  }
0x215: {  	v53 =	vld [tilespmem:s19+$0xAB80]  }
0x216: {  	v0 =	vadd.f32 v51, v0  }
0x217: {  	v54 =	vld [tilespmem:s19+$0xAC00]  }
0x218: {  	v0 =	vadd.f32 v52, v0  }
0x219: {  	v55 =	vld [tilespmem:s19+$0xAC80]  }
0x21a: {  	v0 =	vadd.f32 v53, v0  }
0x21b: {  	v56 =	vld [tilespmem:s19+$0xAD00]  }
0x21c: {  	v0 =	vadd.f32 v54, v0  }
0x21d: {  	v57 =	vld [tilespmem:s19+$0xAD80]  }
0x21e: {  	v0 =	vadd.f32 v55, v0  }
0x21f: {  	v58 =	vld [tilespmem:s19+$0xAE00]  }
0x220: {  	v0 =	vadd.f32 v56, v0  }
0x221: {  	v59 =	vld [tilespmem:s19+$0xAE80]  }
0x222: {  	v0 =	vadd.f32 v57, v0  }
0x223: {  	v60 =	vld [tilespmem:s19+$0xAF00]  }
0x224: {  	v0 =	vadd.f32 v58, v0  }
0x225: {  	v61 =	vld [tilespmem:s19+$0xAF80]  }
0x226: {  	v0 =	vadd.f32 v59, v0  }
0x227: {  	v62 =	vld [tilespmem:s19+$0xB000]  }
0x228: {  	v0 =	vadd.f32 v60, v0  }
0x229: {  	v63 =	vld [tilespmem:s19+$0xB080]  }
0x22a: {  	v0 =	vadd.f32 v61, v0  }
0x22b: {  	v6 =	vld [tilespmem:s19+$0xB100]  }
0x22c: {  	v0 =	vadd.f32 v62, v0  }
0x22d: {  	v7 =	vld [tilespmem:s19+$0xB180]  }
0x22e: {  	v0 =	vadd.f32 v63, v0  }
0x22f: {  	v8 =	vld [tilespmem:s19+$0xB200]  }
0x230: {  	v0 =	vadd.f32 v6, v0  }
0x231: {  	v9 =	vld [tilespmem:s19+$0xB280]  }
0x232: {  	v0 =	vadd.f32 v7, v0  }
0x233: {  	v10 =	vld [tilespmem:s19+$0xB300]  }
0x234: {  	v0 =	vadd.f32 v8, v0  }
0x235: {  	v11 =	vld [tilespmem:s19+$0xB380]  }
0x236: {  	v0 =	vadd.f32 v9, v0;
	_ =	sdelay $0x1  }
0x237: {  	v0 =	vadd.f32 v10, v0;
	_ =	sdelay $0x1  }
0x238: {  	v0 =	vadd.f32 v11, v0;
	_ =	sdelay $0x1  }
0x239: {  	s20 =	sshll.u32 s17, $0x7;
	v0 =	vmul.f32 $3.999999910e-02, v0  }
0x23a: {  	s20 =	sand.u32 $0x3FFFFF80, s20  }
0x23b: {  	[tilespmem:s20+$0x11380] =	vst v0  }
0x23c: {  	v0 =	vld [tilespmem:s19+$0xA790]  }
0x23d: {  	v12 =	vld [tilespmem:s19+$0xA810];
	_ =	sdelay $0x1  }
0x23e: {  	v13 =	vld [tilespmem:s19+$0xA890];
	_ =	sdelay $0x1  }
0x23f: {  	v14 =	vld [tilespmem:s19+$0xA910]  }
0x240: {  	v0 =	vadd.f32 v12, v0  }
0x241: {  	v15 =	vld [tilespmem:s19+$0xA990]  }
0x242: {  	v0 =	vadd.f32 v13, v0  }
0x243: {  	v16 =	vld [tilespmem:s19+$0xAA10]  }
0x244: {  	v0 =	vadd.f32 v14, v0  }
0x245: {  	v17 =	vld [tilespmem:s19+$0xAA90]  }
0x246: {  	v0 =	vadd.f32 v15, v0  }
0x247: {  	v18 =	vld [tilespmem:s19+$0xAB10]  }
0x248: {  	v0 =	vadd.f32 v16, v0  }
0x249: {  	v19 =	vld [tilespmem:s19+$0xAB90]  }
0x24a: {  	v0 =	vadd.f32 v17, v0  }
0x24b: {  	v20 =	vld [tilespmem:s19+$0xAC10]  }
0x24c: {  	v0 =	vadd.f32 v18, v0  }
0x24d: {  	v21 =	vld [tilespmem:s19+$0xAC90]  }
0x24e: {  	v0 =	vadd.f32 v19, v0  }
0x24f: {  	v22 =	vld [tilespmem:s19+$0xAD10]  }
0x250: {  	v0 =	vadd.f32 v20, v0  }
0x251: {  	v23 =	vld [tilespmem:s19+$0xAD90]  }
0x252: {  	v0 =	vadd.f32 v21, v0  }
0x253: {  	v24 =	vld [tilespmem:s19+$0xAE10]  }
0x254: {  	v0 =	vadd.f32 v22, v0  }
0x255: {  	v25 =	vld [tilespmem:s19+$0xAE90]  }
0x256: {  	v0 =	vadd.f32 v23, v0  }
0x257: {  	v26 =	vld [tilespmem:s19+$0xAF10]  }
0x258: {  	v0 =	vadd.f32 v24, v0  }
0x259: {  	v27 =	vld [tilespmem:s19+$0xAF90]  }
0x25a: {  	v0 =	vadd.f32 v25, v0  }
0x25b: {  	v28 =	vld [tilespmem:s19+$0xB010]  }
0x25c: {  	v0 =	vadd.f32 v26, v0  }
0x25d: {  	v29 =	vld [tilespmem:s19+$0xB090]  }
0x25e: {  	v0 =	vadd.f32 v27, v0  }
0x25f: {  	v30 =	vld [tilespmem:s19+$0xB110]  }
0x260: {  	v0 =	vadd.f32 v28, v0  }
0x261: {  	v31 =	vld [tilespmem:s19+$0xB190]  }
0x262: {  	v0 =	vadd.f32 v29, v0  }
0x263: {  	v32 =	vld [tilespmem:s19+$0xB210]  }
0x264: {  	v0 =	vadd.f32 v30, v0  }
0x265: {  	v33 =	vld [tilespmem:s19+$0xB290]  }
0x266: {  	v0 =	vadd.f32 v31, v0  }
0x267: {  	v34 =	vld [tilespmem:s19+$0xB310]  }
0x268: {  	v0 =	vadd.f32 v32, v0  }
0x269: {  	v35 =	vld [tilespmem:s19+$0xB390]  }
0x26a: {  	v0 =	vadd.f32 v33, v0;
	_ =	sdelay $0x1  }
0x26b: {  	v0 =	vadd.f32 v34, v0;
	_ =	sdelay $0x1  }
0x26c: {  	v0 =	vadd.f32 v35, v0;
	_ =	sdelay $0x1  }
0x26d: {  	v0 =	vmul.f32 $3.999999910e-02, v0;
	_ =	sdelay $0x1  }
0x26e: {  	[tilespmem:s20+$0x11390] =	vst v0  }
0x26f: {  	v0 =	vld [tilespmem:s19+$0xA7A0]  }
0x270: {  	v36 =	vld [tilespmem:s19+$0xA820];
	_ =	sdelay $0x1  }
0x271: {  	v37 =	vld [tilespmem:s19+$0xA8A0];
	_ =	sdelay $0x1  }
0x272: {  	v38 =	vld [tilespmem:s19+$0xA920]  }
0x273: {  	v0 =	vadd.f32 v36, v0  }
0x274: {  	v39 =	vld [tilespmem:s19+$0xA9A0]  }
0x275: {  	v0 =	vadd.f32 v37, v0  }
0x276: {  	v40 =	vld [tilespmem:s19+$0xAA20]  }
0x277: {  	v0 =	vadd.f32 v38, v0  }
0x278: {  	v41 =	vld [tilespmem:s19+$0xAAA0]  }
0x279: {  	v0 =	vadd.f32 v39, v0  }
0x27a: {  	v42 =	vld [tilespmem:s19+$0xAB20]  }
0x27b: {  	v0 =	vadd.f32 v40, v0  }
0x27c: {  	v43 =	vld [tilespmem:s19+$0xABA0]  }
0x27d: {  	v0 =	vadd.f32 v41, v0  }
0x27e: {  	v44 =	vld [tilespmem:s19+$0xAC20]  }
0x27f: {  	v0 =	vadd.f32 v42, v0  }
0x280: {  	v45 =	vld [tilespmem:s19+$0xACA0]  }
0x281: {  	v0 =	vadd.f32 v43, v0  }
0x282: {  	v46 =	vld [tilespmem:s19+$0xAD20]  }
0x283: {  	v0 =	vadd.f32 v44, v0  }
0x284: {  	v47 =	vld [tilespmem:s19+$0xADA0]  }
0x285: {  	v0 =	vadd.f32 v45, v0  }
0x286: {  	v48 =	vld [tilespmem:s19+$0xAE20]  }
0x287: {  	v0 =	vadd.f32 v46, v0  }
0x288: {  	v49 =	vld [tilespmem:s19+$0xAEA0]  }
0x289: {  	v0 =	vadd.f32 v47, v0  }
0x28a: {  	v50 =	vld [tilespmem:s19+$0xAF20]  }
0x28b: {  	v0 =	vadd.f32 v48, v0  }
0x28c: {  	v51 =	vld [tilespmem:s19+$0xAFA0]  }
0x28d: {  	v0 =	vadd.f32 v49, v0  }
0x28e: {  	v52 =	vld [tilespmem:s19+$0xB020]  }
0x28f: {  	v0 =	vadd.f32 v50, v0  }
0x290: {  	v53 =	vld [tilespmem:s19+$0xB0A0]  }
0x291: {  	v0 =	vadd.f32 v51, v0  }
0x292: {  	v54 =	vld [tilespmem:s19+$0xB120]  }
0x293: {  	v0 =	vadd.f32 v52, v0  }
0x294: {  	v55 =	vld [tilespmem:s19+$0xB1A0]  }
0x295: {  	v0 =	vadd.f32 v53, v0  }
0x296: {  	v56 =	vld [tilespmem:s19+$0xB220]  }
0x297: {  	v0 =	vadd.f32 v54, v0  }
0x298: {  	v57 =	vld [tilespmem:s19+$0xB2A0]  }
0x299: {  	v0 =	vadd.f32 v55, v0  }
0x29a: {  	v58 =	vld [tilespmem:s19+$0xB320]  }
0x29b: {  	v0 =	vadd.f32 v56, v0  }
0x29c: {  	v59 =	vld [tilespmem:s19+$0xB3A0]  }
0x29d: {  	v0 =	vadd.f32 v57, v0;
	_ =	sdelay $0x1  }
0x29e: {  	v0 =	vadd.f32 v58, v0;
	_ =	sdelay $0x1  }
0x29f: {  	v0 =	vadd.f32 v59, v0;
	_ =	sdelay $0x1  }
0x2a0: {  	v0 =	vmul.f32 $3.999999910e-02, v0;
	_ =	sdelay $0x1  }
0x2a1: {  	[tilespmem:s20+$0x113A0] =	vst v0  }
0x2a2: {  	v0 =	vld [tilespmem:s19+$0xA7B0]  }
0x2a3: {  	v60 =	vld [tilespmem:s19+$0xA830];
	_ =	sdelay $0x1  }
0x2a4: {  	v61 =	vld [tilespmem:s19+$0xA8B0];
	_ =	sdelay $0x1  }
0x2a5: {  	v62 =	vld [tilespmem:s19+$0xA930]  }
0x2a6: {  	v0 =	vadd.f32 v60, v0  }
0x2a7: {  	v63 =	vld [tilespmem:s19+$0xA9B0]  }
0x2a8: {  	v0 =	vadd.f32 v61, v0  }
0x2a9: {  	v6 =	vld [tilespmem:s19+$0xAA30]  }
0x2aa: {  	v0 =	vadd.f32 v62, v0  }
0x2ab: {  	v7 =	vld [tilespmem:s19+$0xAAB0]  }
0x2ac: {  	v0 =	vadd.f32 v63, v0  }
0x2ad: {  	v8 =	vld [tilespmem:s19+$0xAB30]  }
0x2ae: {  	v0 =	vadd.f32 v6, v0  }
0x2af: {  	v9 =	vld [tilespmem:s19+$0xABB0]  }
0x2b0: {  	v0 =	vadd.f32 v7, v0  }
0x2b1: {  	v10 =	vld [tilespmem:s19+$0xAC30]  }
0x2b2: {  	v0 =	vadd.f32 v8, v0  }
0x2b3: {  	v11 =	vld [tilespmem:s19+$0xACB0]  }
0x2b4: {  	v0 =	vadd.f32 v9, v0  }
0x2b5: {  	v12 =	vld [tilespmem:s19+$0xAD30]  }
0x2b6: {  	v0 =	vadd.f32 v10, v0  }
0x2b7: {  	v13 =	vld [tilespmem:s19+$0xADB0]  }
0x2b8: {  	v0 =	vadd.f32 v11, v0  }
0x2b9: {  	v14 =	vld [tilespmem:s19+$0xAE30]  }
0x2ba: {  	v0 =	vadd.f32 v12, v0  }
0x2bb: {  	v15 =	vld [tilespmem:s19+$0xAEB0]  }
0x2bc: {  	v0 =	vadd.f32 v13, v0  }
0x2bd: {  	v16 =	vld [tilespmem:s19+$0xAF30]  }
0x2be: {  	v0 =	vadd.f32 v14, v0  }
0x2bf: {  	v17 =	vld [tilespmem:s19+$0xAFB0]  }
0x2c0: {  	v0 =	vadd.f32 v15, v0  }
0x2c1: {  	v18 =	vld [tilespmem:s19+$0xB030]  }
0x2c2: {  	v0 =	vadd.f32 v16, v0  }
0x2c3: {  	v19 =	vld [tilespmem:s19+$0xB0B0]  }
0x2c4: {  	v0 =	vadd.f32 v17, v0  }
0x2c5: {  	v20 =	vld [tilespmem:s19+$0xB130]  }
0x2c6: {  	v0 =	vadd.f32 v18, v0  }
0x2c7: {  	v21 =	vld [tilespmem:s19+$0xB1B0]  }
0x2c8: {  	v0 =	vadd.f32 v19, v0  }
0x2c9: {  	v22 =	vld [tilespmem:s19+$0xB230]  }
0x2ca: {  	v0 =	vadd.f32 v20, v0  }
0x2cb: {  	v23 =	vld [tilespmem:s19+$0xB2B0]  }
0x2cc: {  	v0 =	vadd.f32 v21, v0  }
0x2cd: {  	v24 =	vld [tilespmem:s19+$0xB330]  }
0x2ce: {  	v0 =	vadd.f32 v22, v0  }
0x2cf: {  	v25 =	vld [tilespmem:s19+$0xB3B0]  }
0x2d0: {  	v0 =	vadd.f32 v23, v0;
	_ =	sdelay $0x1  }
0x2d1: {  	v0 =	vadd.f32 v24, v0;
	_ =	sdelay $0x1  }
0x2d2: {  	v0 =	vadd.f32 v25, v0;
	_ =	sdelay $0x1  }
0x2d3: {  	v0 =	vmul.f32 $3.999999910e-02, v0;
	_ =	sdelay $0x1  }
0x2d4: {  	[tilespmem:s20+$0x113B0] =	vst v0  }
0x2d5: {  	v0 =	vld [tilespmem:s19+$0xA7C0]  }
0x2d6: {  	v26 =	vld [tilespmem:s19+$0xA840];
	_ =	sdelay $0x1  }
0x2d7: {  	v27 =	vld [tilespmem:s19+$0xA8C0];
	_ =	sdelay $0x1  }
0x2d8: {  	v28 =	vld [tilespmem:s19+$0xA940]  }
0x2d9: {  	v0 =	vadd.f32 v26, v0  }
0x2da: {  	v29 =	vld [tilespmem:s19+$0xA9C0]  }
0x2db: {  	v0 =	vadd.f32 v27, v0  }
0x2dc: {  	v30 =	vld [tilespmem:s19+$0xAA40]  }
0x2dd: {  	v0 =	vadd.f32 v28, v0  }
0x2de: {  	v31 =	vld [tilespmem:s19+$0xAAC0]  }
0x2df: {  	v0 =	vadd.f32 v29, v0  }
0x2e0: {  	v32 =	vld [tilespmem:s19+$0xAB40]  }
0x2e1: {  	v0 =	vadd.f32 v30, v0  }
0x2e2: {  	v33 =	vld [tilespmem:s19+$0xABC0]  }
0x2e3: {  	v0 =	vadd.f32 v31, v0  }
0x2e4: {  	v34 =	vld [tilespmem:s19+$0xAC40]  }
0x2e5: {  	v0 =	vadd.f32 v32, v0  }
0x2e6: {  	v35 =	vld [tilespmem:s19+$0xACC0]  }
0x2e7: {  	v0 =	vadd.f32 v33, v0  }
0x2e8: {  	v36 =	vld [tilespmem:s19+$0xAD40]  }
0x2e9: {  	v0 =	vadd.f32 v34, v0  }
0x2ea: {  	v37 =	vld [tilespmem:s19+$0xADC0]  }
0x2eb: {  	v0 =	vadd.f32 v35, v0  }
0x2ec: {  	v38 =	vld [tilespmem:s19+$0xAE40]  }
0x2ed: {  	v0 =	vadd.f32 v36, v0  }
0x2ee: {  	v39 =	vld [tilespmem:s19+$0xAEC0]  }
0x2ef: {  	v0 =	vadd.f32 v37, v0  }
0x2f0: {  	v40 =	vld [tilespmem:s19+$0xAF40]  }
0x2f1: {  	v0 =	vadd.f32 v38, v0  }
0x2f2: {  	v41 =	vld [tilespmem:s19+$0xAFC0]  }
0x2f3: {  	v0 =	vadd.f32 v39, v0  }
0x2f4: {  	v42 =	vld [tilespmem:s19+$0xB040]  }
0x2f5: {  	v0 =	vadd.f32 v40, v0  }
0x2f6: {  	v43 =	vld [tilespmem:s19+$0xB0C0]  }
0x2f7: {  	v0 =	vadd.f32 v41, v0  }
0x2f8: {  	v44 =	vld [tilespmem:s19+$0xB140]  }
0x2f9: {  	v0 =	vadd.f32 v42, v0  }
0x2fa: {  	v45 =	vld [tilespmem:s19+$0xB1C0]  }
0x2fb: {  	v0 =	vadd.f32 v43, v0  }
0x2fc: {  	v46 =	vld [tilespmem:s19+$0xB240]  }
0x2fd: {  	v0 =	vadd.f32 v44, v0  }
0x2fe: {  	v47 =	vld [tilespmem:s19+$0xB2C0]  }
0x2ff: {  	v0 =	vadd.f32 v45, v0  }
0x300: {  	v48 =	vld [tilespmem:s19+$0xB340]  }
0x301: {  	v0 =	vadd.f32 v46, v0  }
0x302: {  	v49 =	vld [tilespmem:s19+$0xB3C0]  }
0x303: {  	v0 =	vadd.f32 v47, v0;
	_ =	sdelay $0x1  }
0x304: {  	v0 =	vadd.f32 v48, v0;
	_ =	sdelay $0x1  }
0x305: {  	v0 =	vadd.f32 v49, v0;
	_ =	sdelay $0x1  }
0x306: {  	v0 =	vmul.f32 $3.999999910e-02, v0;
	_ =	sdelay $0x1  }
0x307: {  	[tilespmem:s20+$0x113C0] =	vst v0  }
0x308: {  	v0 =	vld [tilespmem:s19+$0xA7D0]  }
0x309: {  	v50 =	vld [tilespmem:s19+$0xA850];
	_ =	sdelay $0x1  }
0x30a: {  	v51 =	vld [tilespmem:s19+$0xA8D0];
	_ =	sdelay $0x1  }
0x30b: {  	v52 =	vld [tilespmem:s19+$0xA950]  }
0x30c: {  	v0 =	vadd.f32 v50, v0  }
0x30d: {  	v53 =	vld [tilespmem:s19+$0xA9D0]  }
0x30e: {  	v0 =	vadd.f32 v51, v0  }
0x30f: {  	v54 =	vld [tilespmem:s19+$0xAA50]  }
0x310: {  	v0 =	vadd.f32 v52, v0  }
0x311: {  	v55 =	vld [tilespmem:s19+$0xAAD0]  }
0x312: {  	v0 =	vadd.f32 v53, v0  }
0x313: {  	v56 =	vld [tilespmem:s19+$0xAB50]  }
0x314: {  	v0 =	vadd.f32 v54, v0  }
0x315: {  	v57 =	vld [tilespmem:s19+$0xABD0]  }
0x316: {  	v0 =	vadd.f32 v55, v0  }
0x317: {  	v58 =	vld [tilespmem:s19+$0xAC50]  }
0x318: {  	v0 =	vadd.f32 v56, v0  }
0x319: {  	v59 =	vld [tilespmem:s19+$0xACD0]  }
0x31a: {  	v0 =	vadd.f32 v57, v0  }
0x31b: {  	v60 =	vld [tilespmem:s19+$0xAD50]  }
0x31c: {  	v0 =	vadd.f32 v58, v0  }
0x31d: {  	v61 =	vld [tilespmem:s19+$0xADD0]  }
0x31e: {  	v0 =	vadd.f32 v59, v0  }
0x31f: {  	v62 =	vld [tilespmem:s19+$0xAE50]  }
0x320: {  	v0 =	vadd.f32 v60, v0  }
0x321: {  	v63 =	vld [tilespmem:s19+$0xAED0]  }
0x322: {  	v0 =	vadd.f32 v61, v0  }
0x323: {  	v6 =	vld [tilespmem:s19+$0xAF50]  }
0x324: {  	v0 =	vadd.f32 v62, v0  }
0x325: {  	v7 =	vld [tilespmem:s19+$0xAFD0]  }
0x326: {  	v0 =	vadd.f32 v63, v0  }
0x327: {  	v8 =	vld [tilespmem:s19+$0xB050]  }
0x328: {  	v0 =	vadd.f32 v6, v0  }
0x329: {  	v9 =	vld [tilespmem:s19+$0xB0D0]  }
0x32a: {  	v0 =	vadd.f32 v7, v0  }
0x32b: {  	v10 =	vld [tilespmem:s19+$0xB150]  }
0x32c: {  	v0 =	vadd.f32 v8, v0  }
0x32d: {  	v11 =	vld [tilespmem:s19+$0xB1D0]  }
0x32e: {  	v0 =	vadd.f32 v9, v0  }
0x32f: {  	v12 =	vld [tilespmem:s19+$0xB250]  }
0x330: {  	v0 =	vadd.f32 v10, v0  }
0x331: {  	v13 =	vld [tilespmem:s19+$0xB2D0]  }
0x332: {  	v0 =	vadd.f32 v11, v0  }
0x333: {  	v14 =	vld [tilespmem:s19+$0xB350]  }
0x334: {  	v0 =	vadd.f32 v12, v0  }
0x335: {  	v15 =	vld [tilespmem:s19+$0xB3D0]  }
0x336: {  	v0 =	vadd.f32 v13, v0;
	_ =	sdelay $0x1  }
0x337: {  	v0 =	vadd.f32 v14, v0;
	_ =	sdelay $0x1  }
0x338: {  	v0 =	vadd.f32 v15, v0;
	_ =	sdelay $0x1  }
0x339: {  	v0 =	vmul.f32 $3.999999910e-02, v0;
	_ =	sdelay $0x1  }
0x33a: {  	[tilespmem:s20+$0x113D0] =	vst v0  }
0x33b: {  	v0 =	vld [tilespmem:s19+$0xA7E0]  }
0x33c: {  	v16 =	vld [tilespmem:s19+$0xA860];
	_ =	sdelay $0x1  }
0x33d: {  	v17 =	vld [tilespmem:s19+$0xA8E0];
	_ =	sdelay $0x1  }
0x33e: {  	v18 =	vld [tilespmem:s19+$0xA960]  }
0x33f: {  	v0 =	vadd.f32 v16, v0  }
0x340: {  	v19 =	vld [tilespmem:s19+$0xA9E0]  }
0x341: {  	v0 =	vadd.f32 v17, v0  }
0x342: {  	v20 =	vld [tilespmem:s19+$0xAA60]  }
0x343: {  	v0 =	vadd.f32 v18, v0  }
0x344: {  	v21 =	vld [tilespmem:s19+$0xAAE0]  }
0x345: {  	v0 =	vadd.f32 v19, v0  }
0x346: {  	v22 =	vld [tilespmem:s19+$0xAB60]  }
0x347: {  	v0 =	vadd.f32 v20, v0  }
0x348: {  	v23 =	vld [tilespmem:s19+$0xABE0]  }
0x349: {  	v0 =	vadd.f32 v21, v0  }
0x34a: {  	v24 =	vld [tilespmem:s19+$0xAC60]  }
0x34b: {  	v0 =	vadd.f32 v22, v0  }
0x34c: {  	v25 =	vld [tilespmem:s19+$0xACE0]  }
0x34d: {  	v0 =	vadd.f32 v23, v0  }
0x34e: {  	v26 =	vld [tilespmem:s19+$0xAD60]  }
0x34f: {  	v0 =	vadd.f32 v24, v0  }
0x350: {  	v27 =	vld [tilespmem:s19+$0xADE0]  }
0x351: {  	v0 =	vadd.f32 v25, v0  }
0x352: {  	v28 =	vld [tilespmem:s19+$0xAE60]  }
0x353: {  	v0 =	vadd.f32 v26, v0  }
0x354: {  	v29 =	vld [tilespmem:s19+$0xAEE0]  }
0x355: {  	v0 =	vadd.f32 v27, v0  }
0x356: {  	v30 =	vld [tilespmem:s19+$0xAF60]  }
0x357: {  	v0 =	vadd.f32 v28, v0  }
0x358: {  	v31 =	vld [tilespmem:s19+$0xAFE0]  }
0x359: {  	v0 =	vadd.f32 v29, v0  }
0x35a: {  	v32 =	vld [tilespmem:s19+$0xB060]  }
0x35b: {  	v0 =	vadd.f32 v30, v0  }
0x35c: {  	v33 =	vld [tilespmem:s19+$0xB0E0]  }
0x35d: {  	v0 =	vadd.f32 v31, v0  }
0x35e: {  	v34 =	vld [tilespmem:s19+$0xB160]  }
0x35f: {  	v0 =	vadd.f32 v32, v0  }
0x360: {  	v35 =	vld [tilespmem:s19+$0xB1E0]  }
0x361: {  	v0 =	vadd.f32 v33, v0  }
0x362: {  	v36 =	vld [tilespmem:s19+$0xB260]  }
0x363: {  	v0 =	vadd.f32 v34, v0  }
0x364: {  	v37 =	vld [tilespmem:s19+$0xB2E0]  }
0x365: {  	v0 =	vadd.f32 v35, v0  }
0x366: {  	v38 =	vld [tilespmem:s19+$0xB360]  }
0x367: {  	v0 =	vadd.f32 v36, v0  }
0x368: {  	v39 =	vld [tilespmem:s19+$0xB3E0]  }
0x369: {  	v0 =	vadd.f32 v37, v0;
	_ =	sdelay $0x1  }
0x36a: {  	v0 =	vadd.f32 v38, v0;
	_ =	sdelay $0x1  }
0x36b: {  	v0 =	vadd.f32 v39, v0;
	_ =	sdelay $0x1  }
0x36c: {  	v0 =	vmul.f32 $3.999999910e-02, v0;
	_ =	sdelay $0x1  }
0x36d: {  	[tilespmem:s20+$0x113E0] =	vst v0  }
0x36e: {  	v0 =	vld [tilespmem:s19+$0xA7F0]  }
0x36f: {  	v40 =	vld [tilespmem:s19+$0xA870];
	_ =	sdelay $0x1  }
0x370: {  	v41 =	vld [tilespmem:s19+$0xA8F0];
	_ =	sdelay $0x1  }
0x371: {  	v42 =	vld [tilespmem:s19+$0xA970]  }
0x372: {  	v0 =	vadd.f32 v40, v0  }
0x373: {  	v43 =	vld [tilespmem:s19+$0xA9F0]  }
0x374: {  	v0 =	vadd.f32 v41, v0  }
0x375: {  	v44 =	vld [tilespmem:s19+$0xAA70]  }
0x376: {  	v0 =	vadd.f32 v42, v0  }
0x377: {  	v45 =	vld [tilespmem:s19+$0xAAF0]  }
0x378: {  	v0 =	vadd.f32 v43, v0  }
0x379: {  	v46 =	vld [tilespmem:s19+$0xAB70]  }
0x37a: {  	v0 =	vadd.f32 v44, v0  }
0x37b: {  	v47 =	vld [tilespmem:s19+$0xABF0]  }
0x37c: {  	v0 =	vadd.f32 v45, v0  }
0x37d: {  	v48 =	vld [tilespmem:s19+$0xAC70]  }
0x37e: {  	v0 =	vadd.f32 v46, v0  }
0x37f: {  	v49 =	vld [tilespmem:s19+$0xACF0]  }
0x380: {  	v0 =	vadd.f32 v47, v0  }
0x381: {  	v50 =	vld [tilespmem:s19+$0xAD70]  }
0x382: {  	v0 =	vadd.f32 v48, v0  }
0x383: {  	v51 =	vld [tilespmem:s19+$0xADF0]  }
0x384: {  	v0 =	vadd.f32 v49, v0  }
0x385: {  	v52 =	vld [tilespmem:s19+$0xAE70]  }
0x386: {  	v0 =	vadd.f32 v50, v0  }
0x387: {  	v53 =	vld [tilespmem:s19+$0xAEF0]  }
0x388: {  	v0 =	vadd.f32 v51, v0  }
0x389: {  	v54 =	vld [tilespmem:s19+$0xAF70]  }
0x38a: {  	v0 =	vadd.f32 v52, v0  }
0x38b: {  	v55 =	vld [tilespmem:s19+$0xAFF0]  }
0x38c: {  	v0 =	vadd.f32 v53, v0  }
0x38d: {  	v56 =	vld [tilespmem:s19+$0xB070]  }
0x38e: {  	v0 =	vadd.f32 v54, v0  }
0x38f: {  	v57 =	vld [tilespmem:s19+$0xB0F0]  }
0x390: {  	v0 =	vadd.f32 v55, v0  }
0x391: {  	v58 =	vld [tilespmem:s19+$0xB170]  }
0x392: {  	v0 =	vadd.f32 v56, v0  }
0x393: {  	v59 =	vld [tilespmem:s19+$0xB1F0]  }
0x394: {  	v0 =	vadd.f32 v57, v0  }
0x395: {  	v60 =	vld [tilespmem:s19+$0xB270]  }
0x396: {  	v0 =	vadd.f32 v58, v0  }
0x397: {  	v61 =	vld [tilespmem:s19+$0xB2F0]  }
0x398: {  	v0 =	vadd.f32 v59, v0  }
0x399: {  	v62 =	vld [tilespmem:s19+$0xB370]  }
0x39a: {  	v0 =	vadd.f32 v60, v0  }
0x39b: {  	v63 =	vld [tilespmem:s19+$0xB3F0]  }
0x39c: {  	v0 =	vadd.f32 v61, v0;
	_ =	sdelay $0x1  }
0x39d: {  	v0 =	vadd.f32 v62, v0  }
0x39e: {  	p0 =	sne.s32 s17, $0x7  }
.Ltmp9:
0x39f: {  	v0 =	vadd.f32 v63, v0;
	(pc) =	sbr.rel @p0 .LBB2_11-.Ltmp9, $3  }
0x3a0: {  	_ = 	snop  }
0x3a1: {  	v0 =	vmul.f32 $3.999999910e-02, v0;
	_ =	sdelay $0x1  }
0x3a2: {  	s17 =	sadd.s32 $0x1, s17;
	[tilespmem:s20+$0x113F0] =	vst v0  }
.Ltmp10:
0x3a3: {  	(pc) =	sbr.rel .LBB2_13-.Ltmp10, $2  }
0x3a4: {  	_ =	sdelay $0x2  }
0x3a5: {  	s17 =	simm.s32 $0x6  }
.LBB2_15:
0x3a6: {  	_ =	sfence.sel $0x180000  }
0x3a7: {  	[bflag:$0x0] =	sbarrier.arrive $0xFFFF  }
0x3a8: {  	_ =	strace $0x9000004A  }
0x3a9: {  	s0 =	stileid.u32;
	[bflag:$0x2] =	sbarrier.arrive $0xFFFF  }
0x3aa: {  	p0 =	sne.s32 s0, $0x0;
	s0 =	rddreg [dreg:$0x2]  }
0x3ab: {  	s0 =	sadd.s32 @!p0 $0x100000, s0  }
0x3ac: {  	[sflag:s0] =	ssyncadd.tile.s32 @!p0 $0x1;
	_ =	shalt  }
.Lfunc_end2:
_tile_overlayer_lowered:
.L_overlay_start_2:
0x3ad: {  	(tag) =	ssettag $0x2  }
0x3ae: {  	s0 =	rddreg [dreg:$0x0];
	s2 =	stileid.u32  }
0x3af: {  	s1 =	rddreg [dreg:$0x1];
	p0 =	sne.s32 s2, $0x0  }
0x3b0: {  	s3 =	rddreg [dreg:$0x2];
	[bflag:$0x3] =	sbarrier.arrive $0xFFFF;
	s2 =	simm.s32 @!p0 $0x1C06  }
0x3b1: {  	[timem:s3], [sflag:s2] =	dma.local @!p0 [hbm:s0], s1  }
0x3b2: {  	s0 =	simm.s32 @!p0 $0x6  }
0x3b3: {  	_ =	swait.ge @!p0 [sflag:s0], s1  }
0x3b4: {  	s1 =	ssub.s32 @!p0 $0x0, s1;
	[sflag:s0] =	ssyncset.done @!p0 $0x0  }
0x3b5: {  	[sflag:s0] =	ssyncadd.s32 @!p0 s1  }
0x3b6: {  	[bflag:$0x3] =	sbarrier.arrive $0xFFFF  }
0x3b7: {  	_ =	shalt  }

// kernel: kernel.8.cloned.1.call-start
scs
__scs_entry_jumppad:
0x0: {  	(pc) =	sbr.rel $0x88, $3  }
0x1: {  	(tag) =	ssettag $0x0;
	lr =	simm.s32 $0x1  }
0x2: {  	[smem:$0x3F99] =	sst lr;
	_ =	strace $0xD0000000  }
0x3: {  	_ = 	snop  }
0x4: {  	_ = 	snop  }
0x5: {  	_ = 	snop  }
0x6: {  	_ = 	snop  }
0x7: {  	_ = 	snop  }
__scs_overlays_trampoline_lowered:
0x8: {  	[smem:$0x3FA8] =	sst s0  }
0x9: {  	[smem:$0x3FA9] =	sst s1  }
0xa: {  	[smem:$0x3FAA] =	sst s2  }
0xb: {  	[smem:$0x3FAB] =	sst s3  }
0xc: {  	[smem:$0x3FAC] =	sst s4  }
0xd: {  	[smem:$0x3FAD] =	sst s5  }
0xe: {  	[smem:$0x3FAE] =	sst s6  }
0xf: {  	[smem:$0x3FAF] =	sst s7  }
0x10: {  	[smem:$0x3FB0] =	sst s8  }
0x11: {  	[smem:$0x3FB1] =	sst s9;
	s0 =	simm.s32 @!p0 $0x0  }
0x12: {  	s1 =	sld [smem:$0x3F97];
	s0 =	simm.s32 @p0 $0x1  }
0x13: {  	[smem:$0x3FB2] =	sst s0;
	s0 =	simm.s32 @!p1 $0x0  }
0x14: {  	s2 =	sld [smem:$0x3F96];
	s0 =	simm.s32 @p1 $0x1  }
0x15: {  	[smem:$0x3FB3] =	sst s0;
	s0 =	simm.s32 @!p2 $0x0  }
0x16: {  	s3 =	sld [smem:$0x3FDB];
	s0 =	simm.s32 @p2 $0x1  }
0x17: {  	s4 =	simm.s32 $0x1BF5;
	[smem:$0x3FB5] =	sst s0  }
0x18: {  	s0 =	sld [smem:$0x3F98];
	_ =	swait.ge [sflag:s4], $0x0  }
0x19: {  	s7 =	sld [smem:$0x3F99]  }
0x1a: {  	s8 =	sadd.s32 $0xFFFFE003, lr  }
0x1b: {  	s9 =	sadd.s32 $0xFFFFFEF7, lr;
	s5 =	simm.s32 $0xFFFFFFFF;
	p2 =	slt.u32 s8, $0xFFFFF086  }
0x1c: {  	p1 =	slt.u32 s9, $0xF7A;
	s5 =	simm.s32 @!p2 $0x0  }
0x1d: {  	s5 =	simm.s32 @p1 $0x1;
	p0 =	seq.s32 s7, s2  }
0x1e: {  	s7 =	smul.u32 @!p0 $0xF7A, s2;
	p2 =	seq.s32 @!p0 s5, $0x0  }
0x1f: {  	s9 =	smul.u32 $0xF7A, s1;
	s8 =	simm.s32 @!p0 $0x1BF5;
	p2 =	por !p2, p0  }
0x20: {  	[sflag:s8] =	ssyncset.s32 @!p0 $0xFFFFF086;
	s6 =	sadd.s32 @!p0 s3, s7;
	s7 =	simm.s32 @!p0 $0x108  }
0x21: {  	s3 =	sadd.s32 s3, s9;
	s6 =	sadd.s32 @!p0 $0x88, s6;
	s7 =	simm.s32 @p2 $0x1082  }
0x22: {  	[simem:s7], [sflag:s8] =	dma.local @!p0 [hbm:s6], $0xF7A  }
0x23: {  	s9 =	sor.u32 $0xD0000000, s2;
	s6 =	simm.s32 $0x108;
	_ =	swait.ge @!p0 [sflag:s8], $0x0  }
0x24: {  	s3 =	sadd.s32 $0x88, s3;
	s6 =	simm.s32 @!p1 $0x1082;
	[sflag:s4] =	ssyncset.s32 $0xFFFFF086  }
0x25: {  	[simem:s6], [sflag:s4] =	dma.local [hbm:s3], $0xF7A  }
0x26: {  	[smem:$0x3F99] =	sst s1;
	(tag) =	ssettag s2;
	_ =	strace s9  }
0x27: {  	s1 =	sld [smem:$0x3FA9]  }
0x28: {  	s2 =	sld [smem:$0x3FAA]  }
0x29: {  	s4 =	sld [smem:$0x3FAC]  }
0x2a: {  	p0 =	seq.s32 s5, $0x0;
	s5 =	sld [smem:$0x3FAD]  }
0x2b: {  	s6 =	sld [smem:$0x3FAE]  }
0x2c: {  	s7 =	sld [smem:$0x3FAF]  }
0x2d: {  	s3 =	simm.s32 $0x108;
	s8 =	sld [smem:$0x3FB0]  }
0x2e: {  	s3 =	simm.s32 @!p0 $0x1082;
	s9 =	sld [smem:$0x3FB1]  }
0x2f: {  	lr =	sadd.s32 s0, s3;
	s0 =	sld [smem:$0x3FA8]  }
0x30: {  	s3 =	sld [smem:$0x3FAB]  }
0x31: {  	[smem:$0x3FB4] =	sst s10  }
0x32: {  	s10 =	sld [smem:$0x3FB2];
	_ =	sdelay $0x3  }
0x33: {  	p0 =	seq.s32 s10, $0x1;
	s10 =	sld [smem:$0x3FB4];
	_ =	sdelay $0x3  }
0x34: {  	[smem:$0x3FB4] =	sst s10  }
0x35: {  	s10 =	sld [smem:$0x3FB3];
	_ =	sdelay $0x3  }
0x36: {  	p1 =	seq.s32 s10, $0x1;
	s10 =	sld [smem:$0x3FB4];
	_ =	sdelay $0x3  }
0x37: {  	[smem:$0x3FB4] =	sst s10  }
0x38: {  	s10 =	sld [smem:$0x3FB5]  }
0x39: {  	_ = 	snop;
	(pc) =	sbr.ind lr, $3  }
0x3a: {  	_ = 	snop  }
0x3b: {  	_ = 	snop  }
0x3c: {  	p2 =	seq.s32 s10, $0x1;
	s10 =	sld [smem:$0x3FB4]  }
0x3d: {  	_ =	shalt  }
0x3e: {  	_ =	shalt  }
0x3f: {  	_ =	shalt  }
0x40: {  	_ =	shalt  }
0x41: {  	_ =	shalt  }
0x42: {  	_ =	shalt  }
0x43: {  	_ =	shalt  }
0x44: {  	_ =	shalt  }
0x45: {  	_ =	shalt  }
0x46: {  	_ =	shalt  }
0x47: {  	_ =	shalt  }
0x48: {  	_ =	shalt  }
0x49: {  	_ =	shalt  }
0x4a: {  	_ =	shalt  }
0x4b: {  	_ =	shalt  }
0x4c: {  	_ =	shalt  }
0x4d: {  	_ =	shalt  }
0x4e: {  	_ =	shalt  }
0x4f: {  	_ =	shalt  }
0x50: {  	_ =	shalt  }
0x51: {  	_ =	shalt  }
0x52: {  	_ =	shalt  }
0x53: {  	_ =	shalt  }
0x54: {  	_ =	shalt  }
0x55: {  	_ =	shalt  }
0x56: {  	_ =	shalt  }
0x57: {  	_ =	shalt  }
0x58: {  	_ =	shalt  }
0x59: {  	_ =	shalt  }
0x5a: {  	_ =	shalt  }
0x5b: {  	_ =	shalt  }
0x5c: {  	_ =	shalt  }
0x5d: {  	_ =	shalt  }
0x5e: {  	_ =	shalt  }
0x5f: {  	_ =	shalt  }
0x60: {  	_ =	shalt  }
0x61: {  	_ =	shalt  }
0x62: {  	_ =	shalt  }
0x63: {  	_ =	shalt  }
0x64: {  	_ =	shalt  }
0x65: {  	_ =	shalt  }
0x66: {  	_ =	shalt  }
0x67: {  	_ =	shalt  }
0x68: {  	_ =	shalt  }
0x69: {  	_ =	shalt  }
0x6a: {  	_ =	shalt  }
0x6b: {  	_ =	shalt  }
0x6c: {  	_ =	shalt  }
0x6d: {  	_ =	shalt  }
0x6e: {  	_ =	shalt  }
0x6f: {  	_ =	shalt  }
0x70: {  	_ =	shalt  }
0x71: {  	_ =	shalt  }
0x72: {  	_ =	shalt  }
0x73: {  	_ =	shalt  }
0x74: {  	_ =	shalt  }
0x75: {  	_ =	shalt  }
0x76: {  	_ =	shalt  }
0x77: {  	_ =	shalt  }
0x78: {  	_ =	shalt  }
0x79: {  	_ =	shalt  }
0x7a: {  	_ =	shalt  }
0x7b: {  	_ =	shalt  }
0x7c: {  	_ =	shalt  }
0x7d: {  	_ =	shalt  }
0x7e: {  	_ =	shalt  }
0x7f: {  	_ =	shalt  }
0x80: {  	_ =	shalt  }
0x81: {  	_ =	shalt  }
0x82: {  	_ =	shalt  }
0x83: {  	_ =	shalt  }
0x84: {  	_ =	shalt  }
0x85: {  	_ =	shalt  }
0x86: {  	_ =	shalt  }
0x87: {  	_ =	shalt  }
.Lfunc_end0:
.L_simem_size_0:
called_computation_lowered:
.L_overlay_start_0:
0x88: {  	s2 =	sld [smem:$0x3FD9]  }
0x89: {  	s3 =	sld [smem:$0x3FFE];
	_ =	sdelay $0x1  }
0x8a: {  	s1 =	srdreg.scid  }
0x8b: {  	s0 =	sand.u32 $0x1, s1  }
0x8c: {  	s17 =	sshll.u32 s0, $0xA;
	s2 =	sadd.s32 s3, s2  }
0x8d: {  	s2 =	sadd.s32 s2, s17  }
0x8e: {  	[smem:$0x3FC0] =	sst s2  }
0x8f: {  	_ = 	snop  }
0x90: {  	s2 =	sld [smem:$0x3FC7];
	(tm) =	ssettm $0x1  }
0x91: {  	s18 =	sld [smem:$0x3FFB];
	_ =	sdelay $0x3  }
0x92: {  	_ =	strace s18  }
0x93: {  	s3 =	sld [smem:$0x3FFC];
	_ =	sdelay $0x3  }
0x94: {  	_ =	strace s3  }
0x95: {  	s3 =	sld [smem:$0x3FFD];
	_ =	sdelay $0x3  }
0x96: {  	_ =	strace s3  }
0x97: {  	_ =	strace $0x8FFFFFFF  }
0x98: {  	s19 =	sld [smem:$0x3FDB];
	_ =	sdelay $0x1  }
0x99: {  	s4 =	simm.s32 $_scs_section_size  }
0x9a: {  	s5 =	simm.s32 $_size__tile_overlayer_lowered;
	s6 =	simm.s32 $_tile_overlayer_lowered  }
0x9b: {  	s22 =	simm.s32 $0x1BFF;
	s21 =	sshll.u32 s6, $0x1;
	s3 =	sadd.s32 s4, s19  }
0x9c: {  	s7 =	simm.s32 $0x0;
	s20 =	sshll.u32 s5, $0x1;
	s5 =	sadd.s32 s21, s3  }
0x9d: {  	[timem:s7], [sflag:s22] =	dma.local [hbm:s5], s20  }
0x9e: {  	_ =	swait.ge [sflag:s22], s20  }
0x9f: {  	s4 =	ssub.s32 $0x0, s20;
	[sflag:s22] =	ssyncset.done $0x0  }
0xa0: {  	[sflag:s22] =	ssyncadd.s32 s4;
	_ =	sdelay $0x1  }
0xa1: {  	s23 =	simm.s32 $0x1B8B  }
0xa2: {  	_ =	swait.ge [sflag:s23], $0x1  }
0xa3: {  	[sflag:s23] =	ssyncset.done $0x0  }
0xa4: {  	s25 =	simm.s32 $0x1B8E;
	s24 =	sld [smem:$0x3FFE];
	[sflag:s23] =	ssyncadd.s32 $0xFFFFFFFF  }
0xa5: {  	s26 =	simm.s32 $execute0_lowered;
	[smem:$0x3FD2] =	sst s25  }
0xa6: {  	s5 =	sshll.u32 s26, $0x1;
	_ =	strace $0x80000046;
	[dreg:$0x1] =	wrdreg $0xFFFFFFFF  }
0xa7: {  	s28 =	simm.s32 $_size_execute0_lowered;
	s3 =	sadd.s32 s3, s5;
	[dreg:$0x0] =	wrdreg $0x0  }
0xa8: {  	s5 =	sshll.u32 s28, $0x1;
	[dreg:$0x2] =	wrdreg s3  }
0xa9: {  	[dreg:$0x3] =	wrdreg s5  }
0xaa: {  	[dreg:$0x4] =	wrdreg $0xC0  }
0xab: {  	_ =	task [dreg:s7], $0x5FFFF  }
0xac: {  	[dreg:$0x1] =	wrdreg $0xFFFFFFFF  }
0xad: {  	[dreg:$0x0] =	wrdreg $0x60  }
0xae: {  	[dreg:$0x2] =	wrdreg s24  }
0xaf: {  	[dreg:$0x3] =	wrdreg s2  }
0xb0: {  	[dreg:$0x4] =	wrdreg $0x9  }
0xb1: {  	_ =	task.clear_ibuf [dreg:s7], $0x5FFFF;
	_ =	strace $0x90000046  }
0xb2: {  	s29 =	simm.s32 $0x9;
	_ =	strace $0x80000048  }
0xb3: {  	_ =	swait.ge [sflag:s29], $0x1  }
0xb4: {  	[sflag:s29] =	ssyncadd.s32 $0xFFFFFFFF  }
0xb5: {  	_ =	strace $0x90000048  }
0xb6: {  	_ =	sfence  }
0xb7: {  	s30 =	sld [smem:$0x0];
	_ =	sdelay $0x2  }
0xb8: {  	s31 =	sshll.u32 s1, $0xD;
	s1 =	sshrl.u32 s1, $0x2  }
0xb9: {  	s3 =	sand.u32 $0x4000, s31;
	s1 =	sadd.s32 s1, s30  }
0xba: {  	s0 =	sor.u32 s3, s0;
	s1 =	sshll.u32 s1, $0x11  }
0xbb: {  	s0 =	sor.u32 s1, s0  }
0xbc: {  	s0 =	sadd.s32 $0x8F2B, s0  }
0xbd: {  	[sflag:s0] =	ssyncadd.remote.s32 $0x1  }
0xbe: {  	_ =	sfence.sel $0xFFFF  }
0xbf: {  	[dreg:$0x0] =	wrdreg $0xFFFFFFFF;
	(pc) =	sbr.abs _section_cstart, $3  }
0xc0: {  	[dreg:$0x1] =	wrdreg $0xFFFFFFFF  }
0xc1: {  	_ =	task.clear_ibuf [dreg:s7], $0x2FFFF;
	_ =	strace $0x9FFFFFFF  }
0xc2: {  	(tm) =	ssettm $0x7FFFFFFF  }
0xc3: {  	_ =	shalt  }
tec
execute0_lowered:
.L_overlay_start_1:
0x0: {  	(tag) =	ssettag $0x1  }
0x1: {  	s1 =	srdreg.scid;
	s0 =	stileid.u32  }
0x2: {  	s28 =	sand.u32 $0x1, s1;
	s31 =	sshll.u32 s0, $0x1  }
0x3: {  	s25 =	rddreg [dreg:$0x0];
	s18 =	sor.u32 s28, s31  }
0x4: {  	s2 =	rddreg [dreg:$0x1];
	s4 =	smul.u32 $0x2A, s18  }
0x5: {  	s3 =	simm.s32 $0x0;
	s1 =	rddreg [dreg:$0x2]  }
0x6: {  	[smem:$0x7FF] =	sst s3;
	s29 =	sadd.s32 s4, s25  }
0x7: {  	_ =	strace $0x80000047;
	s4 =	simm.s32 $0x3;
	s5 =	sadd.s32 $0x5A00, s29  }
0x8: {  	[tilespmem:s3], [sflag:$0x3] =	stream.linear.gather [hbm4b:s5+s3], $0x150, $0x38;
	[tilespmem:$0x1380] =	vst v63  }
0x9: {  	_ =	swait.ge [sflag:s4], $0x150  }
0xa: {  	s7 =	simm.s32 $0x70;
	[sflag:s4] =	ssyncset.done $0x0  }
0xb: {  	s8 =	simm.s32 $0x180;
	s6 =	sadd.s32 $0x18CE00, s25;
	[sflag:s4] =	ssyncadd.s32 $0xFFFFFEB0  }
0xc: {  	[tilespmem:s8], [sflag:$0x1] =	stream.indirect.gather [hbm4b:s6+s7], $0x1, s3, s7, $0xb8;
	[tilespmem:$0x1380] =	vst v63  }
0xd: {  	s9 =	simm.s32 $0x1F0;
	s10 =	sshll.u32 s18, $0x2  }
0xe: {  	[tilespmem:s9], [sflag:$0x1] =	stream.indirect.gather [hbm4b:s6+s7], $0x1, s7, s7, $0xb8;
	[tilespmem:$0x1380] =	vst v63  }
0xf: {  	s11 =	simm.s32 $0x260;
	s12 =	sadd.s32 s10, s25;
	s10 =	simm.s32 $0xE0  }
0x10: {  	[tilespmem:s11], [sflag:$0x1] =	stream.indirect.gather [hbm4b:s6+s7], $0x1, s10, s7, $0xb8;
	[tilespmem:$0x1380] =	vst v63  }
0x11: {  	s13 =	simm.s32 $0x300;
	s12 =	sadd.s32 $0x6200, s12  }
0x12: {  	[tilespmem:s13], [sflag:$0x3] =	stream.linear.gather [hbm4b:s12+s3], $0x20, $0x38;
	[tilespmem:$0x1380] =	vst v63  }
0x13: {  	_ =	swait.ge [sflag:s4], $0x20  }
0x14: {  	s14 =	simm.s32 $0x20;
	[sflag:s4] =	ssyncset.done $0x0  }
0x15: {  	s15 =	simm.s32 $0x380;
	s16 =	simm.s32 $0x2;
	[sflag:s4] =	ssyncadd.s32 $0xFFFFFFE0  }
0x16: {  	[tilespmem:s15], [sflag:$0x2] =	stream.indirect.gather [hbm4b:s2+s14], $0x80, s13, s14, $0xb8;
	[tilespmem:$0x1380] =	vst v63  }
0x17: {  	s17 =	sshll.u32 s18, $0x9;
	_ =	swait.ge [sflag:s16], $0x1000  }
0x18: {  	s17 =	sadd.s32 s17, s25;
	[sflag:s16] =	ssyncset.done $0x0  }
0x19: {  	s17 =	sadd.s32 $0x6A00, s17;
	[sflag:s16] =	ssyncadd.s32 $0xFFFFF000  }
0x1a: {  	[hbm4b:s17+s3] =	stream.linear.scatter [tilespmem:s15], [sflag:$0x3], $0x1000, $0x38;
	[tilespmem:$0x1380] =	vst v63  }
0x1b: {  	p0 =	sne.s32 s18, $0x0;
	_ =	swait.ge [sflag:s4], $0x1000  }
0x1c: {  	s18 =	sadd.s32 $0x6280, s25;
	s19 =	simm.s32 @!p0 $0x3;
	[sflag:s4] =	ssyncset.done $0x0  }
0x1d: {  	s20 =	simm.s32 @!p0 $0x0;
	s21 =	simm.s32 @!p0 $0x300;
	[sflag:s4] =	ssyncadd.s32 $0xFFFFF000  }
0x1e: {  	[tilespmem:s21], [sflag:$0x3] =	stream.linear.gather @!p0 [hbm4b:s18+s20], $0x20, $0x38;
	[tilespmem:$0x1380] =	vst v63  }
0x1f: {  	_ =	swait.ge @!p0 [sflag:s19], $0x20  }
0x20: {  	s22 =	simm.s32 @!p0 $0x20;
	[sflag:s19] =	ssyncset.done @!p0 $0x0  }
0x21: {  	s23 =	simm.s32 @!p0 $0x380;
	s24 =	simm.s32 @!p0 $0x2;
	[sflag:s19] =	ssyncadd.s32 @!p0 $0xFFFFFFE0  }
0x22: {  	[tilespmem:s23], [sflag:$0x2] =	stream.indirect.gather @!p0 [hbm4b:s2+s22], $0x80, s21, s22, $0xb8;
	[tilespmem:$0x1380] =	vst v63  }
0x23: {  	_ =	swait.ge @!p0 [sflag:s24], $0x1000  }
0x24: {  	[sflag:s24] =	ssyncset.done @!p0 $0x0  }
0x25: {  	s25 =	sadd.s32 $0xAA00, s25;
	[sflag:s24] =	ssyncadd.s32 @!p0 $0xFFFFF000  }
0x26: {  	[hbm4b:s25+s20] =	stream.linear.scatter @!p0 [tilespmem:s23], [sflag:$0x3], $0x1000, $0x38;
	[tilespmem:$0x1380] =	vst v63  }
0x27: {  	_ =	swait.ge @!p0 [sflag:s19], $0x1000  }
0x28: {  	[sflag:s19] =	ssyncset.done @!p0 $0x0  }
0x29: {  	s26 =	simm.s32 $0x1;
	[sflag:s19] =	ssyncadd.s32 @!p0 $0xFFFFF000  }
0x2a: {  	_ =	swait.ge [sflag:s26], $0x70  }
0x2b: {  	s28 =	ssub.s32 $0x2, s28;
	[sflag:s26] =	ssyncset.done $0x0  }
0x2c: {  	s30 =	sshrl.u32 s28, $0x1;
	[sflag:s26] =	ssyncadd.s32 $0xFFFFFF90  }
0x2d: {  	s28 =	ssub.s32 s28, s30;
	_ =	swait.ge [sflag:s26], $0x70  }
0x2e: {  	s30 =	smax.u32 s28, $0x1;
	[sflag:s26] =	ssyncset.done $0x0  }
0x2f: {  	s28 =	sadd.s32 $0x6400, s29;
	s29 =	sadd.s32 $0xFFFFFFFF, s30;
	[sflag:s26] =	ssyncadd.s32 $0xFFFFFF90  }
0x30: {  	p1 =	sne.s32 s29, $0x0;
	_ =	swait.ge [sflag:s26], $0x70  }
.Ltmp0:
0x31: {  	[sflag:s26] =	ssyncset.done $0x0;
	(pc) =	sbr.rel @!p1 .LBB2_2-.Ltmp0, $4  }
0x32: {  	[sflag:s26] =	ssyncadd.s32 $0xFFFFFF90  }
0x33: {  	[hbm4b:s28+s3] =	stream.linear.scatter [tilespmem:s8], [sflag:$0x3], $0x150, $0x38;
	[tilespmem:$0x1380] =	vst v63  }
0x34: {  	_ =	swait.ge [sflag:s4], $0x150  }
0x35: {  	[sflag:s4] =	ssyncset.done $0x0  }
.LBB2_1:
0x36: {  	s29 =	sadd.s32 $0xFFFFFFFF, s29;
	[sflag:s4] =	ssyncadd.s32 $0xFFFFFEB0  }
0x37: {  	[tilespmem:s3], [sflag:$0x3] =	stream.linear.gather [hbm4b:s5+s3], $0x150, $0x38;
	[tilespmem:$0x1380] =	vst v63  }
0x38: {  	p1 =	sne.s32 s29, $0x0;
	_ =	swait.ge [sflag:s4], $0x150  }
0x39: {  	[sflag:s4] =	ssyncset.done $0x0  }
0x3a: {  	[sflag:s4] =	ssyncadd.s32 $0xFFFFFEB0  }
0x3b: {  	[tilespmem:s8], [sflag:$0x1] =	stream.indirect.gather [hbm4b:s6+s7], $0x1, s3, s7, $0xb8;
	[tilespmem:$0x1380] =	vst v63  }
0x3c: {  	_ = 	snop  }
0x3d: {  	[tilespmem:s9], [sflag:$0x1] =	stream.indirect.gather [hbm4b:s6+s7], $0x1, s7, s7, $0xb8;
	[tilespmem:$0x1380] =	vst v63  }
0x3e: {  	_ = 	snop  }
0x3f: {  	[tilespmem:s11], [sflag:$0x1] =	stream.indirect.gather [hbm4b:s6+s7], $0x1, s10, s7, $0xb8;
	[tilespmem:$0x1380] =	vst v63  }
0x40: {  	_ = 	snop  }
0x41: {  	[tilespmem:s13], [sflag:$0x3] =	stream.linear.gather [hbm4b:s12+s3], $0x20, $0x38;
	[tilespmem:$0x1380] =	vst v63  }
0x42: {  	_ =	swait.ge [sflag:s4], $0x20  }
0x43: {  	[sflag:s4] =	ssyncset.done $0x0  }
0x44: {  	[sflag:s4] =	ssyncadd.s32 $0xFFFFFFE0  }
0x45: {  	[tilespmem:s15], [sflag:$0x2] =	stream.indirect.gather [hbm4b:s2+s14], $0x80, s13, s14, $0xb8;
	[tilespmem:$0x1380] =	vst v63  }
0x46: {  	_ =	swait.ge [sflag:s16], $0x1000  }
0x47: {  	[sflag:s16] =	ssyncset.done $0x0  }
0x48: {  	[sflag:s16] =	ssyncadd.s32 $0xFFFFF000  }
0x49: {  	[hbm4b:s17+s3] =	stream.linear.scatter [tilespmem:s15], [sflag:$0x3], $0x1000, $0x38;
	[tilespmem:$0x1380] =	vst v63  }
0x4a: {  	_ =	swait.ge [sflag:s4], $0x1000  }
0x4b: {  	[sflag:s4] =	ssyncset.done $0x0  }
0x4c: {  	[sflag:s4] =	ssyncadd.s32 $0xFFFFF000  }
0x4d: {  	[tilespmem:s21], [sflag:$0x3] =	stream.linear.gather @!p0 [hbm4b:s18+s20], $0x20, $0x38;
	[tilespmem:$0x1380] =	vst v63  }
0x4e: {  	_ =	swait.ge @!p0 [sflag:s19], $0x20  }
0x4f: {  	[sflag:s19] =	ssyncset.done @!p0 $0x0  }
0x50: {  	[sflag:s19] =	ssyncadd.s32 @!p0 $0xFFFFFFE0  }
0x51: {  	[tilespmem:s23], [sflag:$0x2] =	stream.indirect.gather @!p0 [hbm4b:s2+s22], $0x80, s21, s22, $0xb8;
	[tilespmem:$0x1380] =	vst v63  }
0x52: {  	_ =	swait.ge @!p0 [sflag:s24], $0x1000  }
0x53: {  	[sflag:s24] =	ssyncset.done @!p0 $0x0  }
0x54: {  	[sflag:s24] =	ssyncadd.s32 @!p0 $0xFFFFF000  }
0x55: {  	[hbm4b:s25+s20] =	stream.linear.scatter @!p0 [tilespmem:s23], [sflag:$0x3], $0x1000, $0x38;
	[tilespmem:$0x1380] =	vst v63  }
0x56: {  	_ =	swait.ge @!p0 [sflag:s19], $0x1000  }
0x57: {  	[sflag:s19] =	ssyncset.done @!p0 $0x0  }
0x58: {  	[sflag:s19] =	ssyncadd.s32 @!p0 $0xFFFFF000  }
0x59: {  	_ =	swait.ge [sflag:s26], $0x70  }
0x5a: {  	[sflag:s26] =	ssyncset.done $0x0  }
0x5b: {  	[sflag:s26] =	ssyncadd.s32 $0xFFFFFF90  }
0x5c: {  	_ =	swait.ge [sflag:s26], $0x70  }
0x5d: {  	[sflag:s26] =	ssyncset.done $0x0  }
0x5e: {  	[sflag:s26] =	ssyncadd.s32 $0xFFFFFF90  }
0x5f: {  	_ =	swait.ge [sflag:s26], $0x70  }
.Ltmp1:
0x60: {  	[sflag:s26] =	ssyncset.done $0x0;
	(pc) =	sbr.rel @p1 .LBB2_1-.Ltmp1, $4  }
0x61: {  	[sflag:s26] =	ssyncadd.s32 $0xFFFFFF90  }
0x62: {  	[hbm4b:s28+s3] =	stream.linear.scatter [tilespmem:s8], [sflag:$0x3], $0x150, $0x38;
	[tilespmem:$0x1380] =	vst v63  }
0x63: {  	_ =	swait.ge [sflag:s4], $0x150  }
0x64: {  	[sflag:s4] =	ssyncset.done $0x0  }
.LBB2_2:
0x65: {  	[sflag:s4] =	ssyncadd.s32 $0xFFFFFEB0  }
0x66: {  	_ =	sfence.sel $0x180000  }
0x67: {  	[bflag:$0x0] =	sbarrier.arrive $0xFFFF  }
0x68: {  	p0 =	sne.s32 s0, $0x0;
	_ =	strace $0x90000047  }
0x69: {  	s0 =	sadd.s32 @!p0 $0x100000, s1;
	[bflag:$0x2] =	sbarrier.arrive $0xFFFF  }
0x6a: {  	[sflag:s0] =	ssyncadd.tile.s32 @!p0 $0x1;
	_ =	shalt  }
.Lfunc_end2:
_tile_overlayer_lowered:
.L_overlay_start_2:
0x6b: {  	(tag) =	ssettag $0x2  }
0x6c: {  	s0 =	rddreg [dreg:$0x0];
	s2 =	stileid.u32  }
0x6d: {  	s1 =	rddreg [dreg:$0x1];
	p0 =	sne.s32 s2, $0x0  }
0x6e: {  	s3 =	rddreg [dreg:$0x2];
	[bflag:$0x3] =	sbarrier.arrive $0xFFFF;
	s2 =	simm.s32 @!p0 $0x1C03  }
0x6f: {  	[timem:s3], [sflag:s2] =	dma.local @!p0 [hbm:s0], s1  }
0x70: {  	s0 =	simm.s32 @!p0 $0x3  }
0x71: {  	_ =	swait.ge @!p0 [sflag:s0], s1  }
0x72: {  	s1 =	ssub.s32 @!p0 $0x0, s1;
	[sflag:s0] =	ssyncset.done @!p0 $0x0  }
0x73: {  	[sflag:s0] =	ssyncadd.s32 @!p0 s1  }
0x74: {  	[bflag:$0x3] =	sbarrier.arrive $0xFFFF  }
0x75: {  	_ =	shalt  }

</sc_bundles>
